<compile_context>
chip_gen: v7x
topology: tpu7x:2x2x1
jax: 0.10.2.dev20260603
libtpu: 0.0.44.dev20260713+nightly
codegen_flags: <defaults>
</compile_context>

<pallas_src>
import functools

import jax
import jax.numpy as jnp
from jax import lax
from jax.experimental import pallas as pl
from jax.experimental.pallas import tpu as pltpu
from jax.experimental.pallas import tpu_sc as plsc

N = 10000
D = 128
E = 320000
HID = 128

NC = 2
NS = 16
NW = NC * NS
LANES = 16
CHUNK = 80
NCH = E // CHUNK
CH_PER_W = NCH // NW
NBUF = 3
NPAD = 10240
ROWS_PER_S = NPAD // NS
ZCHUNKS = ROWS_PER_S // CHUNK


def _sc_aggregate(x, eidx, z128):
    mesh = plsc.VectorSubcoreMesh(core_axis_name="c", subcore_axis_name="s")

    @functools.partial(
        pl.kernel,
        out_type=(
            jax.ShapeDtypeStruct((NC, NPAD, D), jnp.float32),
            jax.ShapeDtypeStruct((NC, NS, NPAD), jnp.float32),
        ),
        mesh=mesh,
        compiler_params=pltpu.CompilerParams(needs_layout_passes=False),
        scratch_types=[
            pltpu.VMEM_SHARED((NPAD, D), jnp.float32),
            pltpu.VMEM((4, 2, CHUNK), jnp.int32),
            pltpu.VMEM((3, CHUNK, D), jnp.float32),
            pltpu.VMEM((NPAD,), jnp.float32),
            pltpu.SemaphoreType.DMA,
            pltpu.SemaphoreType.DMA,
            pltpu.SemaphoreType.DMA,
            pltpu.SemaphoreType.DMA,
            pltpu.SemaphoreType.DMA,
            pltpu.SemaphoreType.DMA,
            pltpu.SemaphoreType.DMA,
            pltpu.SemaphoreType.DMA,
        ],
    )
    def k(x_hbm, eidx_hbm, z128_hbm,
          agg_out, deg_out,
          agg_sh, idx_v, rows_v, deg_v, gsem, ssem0, ssem1, ssem2,
          isem0, isem1, isem2, isem3):
        c = lax.axis_index("c")
        s = lax.axis_index("s")
        wid = s * NC + c

        pltpu.sync_copy(z128_hbm, rows_v.at[0])
        r0 = s * ROWS_PER_S
        for i in range(ZCHUNKS):
            pltpu.async_copy(rows_v.at[0],
                             agg_sh.at[pl.ds(r0 + i * CHUNK, CHUNK)], isem0)

        zeros16 = jnp.zeros((LANES,), jnp.float32)

        def zdeg(i, carry):
            deg_v[pl.ds(i * LANES, LANES)] = zeros16
            return carry

        lax.fori_loop(0, NPAD // LANES, zdeg, 0)
        for i in range(ZCHUNKS):
            pltpu.make_async_copy(rows_v.at[0],
                                  agg_sh.at[pl.ds(r0, CHUNK)], isem0).wait()

        cbase = wid * CH_PER_W
        ones16 = jnp.full((LANES,), 1.0, jnp.float32)

        ssems = (ssem0, ssem1, ssem2)
        isems = (isem0, isem1, isem2, isem3)

        def wait_idx(q):
            pltpu.make_async_copy(eidx_hbm.at[cbase], idx_v.at[q],
                                  isems[q]).wait()

        def wait_gather(r):
            pltpu.make_async_copy(x_hbm.at[idx_v.at[0, 1]], rows_v.at[r],
                                  gsem).wait()

        def drain_scatter(r):
            pltpu.make_async_copy(rows_v.at[r], agg_sh.at[idx_v.at[0, 0]],
                                  ssems[r]).wait()

        def start_gather(j, r, q):
            pltpu.async_copy(x_hbm.at[idx_v.at[q, 1]], rows_v.at[r], gsem)

        def start_scatter(r, q):
            pltpu.async_copy(rows_v.at[r], agg_sh.at[idx_v.at[q, 0]],
                             ssems[r], add=True)

        def prefetch_idx(j, q):
            pltpu.async_copy(eidx_hbm.at[cbase + j], idx_v.at[q], isems[q])

        def hist(q):
            for kk in range(CHUNK // LANES):
                idx = idx_v[q, 0, pl.ds(kk * LANES, LANES)]
                plsc.addupdate_scatter(deg_v, [idx], ones16)

        def step(j, js, drain, pref, gnext):
            r, q = js % 3, js % 4
            wait_gather(r)
            start_scatter(r, q)
            if gnext:
                wait_idx((js + 1) % 4)
            if drain:
                drain_scatter((js + 1) % 3)
            if gnext:
                start_gather(j + 1, (js + 1) % 3, (js + 1) % 4)
            if pref:
                prefetch_idx(j + 2, (js + 2) % 4)
            hist(q)

        prefetch_idx(0, 0)
        prefetch_idx(1, 1)
        wait_idx(0)
        start_gather(0, 0, 0)
        plsc.subcore_barrier()
        step(0, 0, drain=False, pref=True, gnext=True)
        step(1, 1, drain=False, pref=True, gnext=True)

        def body(t, carry):
            j0 = 2 + t * 12
            for u in range(12):
                step(j0 + u, 2 + u, drain=True, pref=True, gnext=True)
            return carry

        lax.fori_loop(0, (CH_PER_W - 5) // 12, body, 0)
        step(122, 122, drain=True, pref=True, gnext=True)
        step(123, 123, drain=True, pref=False, gnext=True)
        step(124, 124, drain=True, pref=False, gnext=False)
        drain_scatter(123 % 3)
        drain_scatter(124 % 3)
        plsc.subcore_barrier()

        pltpu.async_copy(deg_v, deg_out.at[c, s], isem1)
        for i in range(ZCHUNKS):
            b = i % 3
            rr = r0 + i * CHUNK
            if i >= 3:
                pltpu.make_async_copy(rows_v.at[b],
                                      agg_out.at[c, pl.ds(rr, CHUNK)],
                                      ssems[b]).wait()
            pltpu.sync_copy(agg_sh.at[pl.ds(rr, CHUNK)], rows_v.at[b])
            pltpu.async_copy(rows_v.at[b], agg_out.at[c, pl.ds(rr, CHUNK)],
                             ssems[b])
        for b in range(3):
            pltpu.make_async_copy(rows_v.at[b],
                                  agg_out.at[c, pl.ds(r0, CHUNK)],
                                  ssems[b]).wait()
        pltpu.make_async_copy(deg_v, deg_out.at[c, s], isem1).wait()

    return k(x, eidx, z128)


TC_ROWS = 1000


def _tc_mlp_body(x_ref, agg_ref, deg_ref, w1a_ref, w1b_ref, w2_ref, w3_ref,
                 w4_ref, b1_ref, b2_ref, b3_ref, b4_ref, out_ref):
    deg = jnp.sum(deg_ref[...], axis=1, keepdims=True)
    agg = (agg_ref[0] + agg_ref[1]) * (1.0 / jnp.maximum(deg, 1.0))
    f32 = jnp.float32
    h = jnp.maximum(
        jnp.dot(x_ref[...], w1a_ref[...], preferred_element_type=f32)
        + jnp.dot(agg, w1b_ref[...], preferred_element_type=f32)
        + b1_ref[...], 0.0)
    h = jnp.maximum(
        jnp.dot(h, w2_ref[...], preferred_element_type=f32) + b2_ref[...], 0.0)
    h = jnp.maximum(
        jnp.dot(h, w3_ref[...], preferred_element_type=f32) + b3_ref[...], 0.0)
    out_ref[...] = (
        jnp.dot(h, w4_ref[...], preferred_element_type=f32) + b4_ref[...])


def _tc_mlp(x, agg_p, deg_t, w1a, w1b, w2, w3, w4, b1, b2, b3, b4):
    grid = (N // TC_ROWS,)
    full = lambda shape: pl.BlockSpec(shape, lambda i: (0,) * len(shape))
    return pl.pallas_call(
        _tc_mlp_body,
        grid=grid,
        in_specs=[
            pl.BlockSpec((TC_ROWS, D), lambda i: (i, 0)),
            pl.BlockSpec((NC, TC_ROWS, D), lambda i: (0, i, 0)),
            pl.BlockSpec((TC_ROWS, NW), lambda i: (i, 0)),
            full((D, HID)), full((D, HID)), full((HID, HID)),
            full((HID, HID)), full((HID, D)),
            full((1, HID)), full((1, HID)), full((1, HID)), full((1, D)),
        ],
        out_specs=pl.BlockSpec((TC_ROWS, D), lambda i: (i, 0)),
        out_shape=jax.ShapeDtypeStruct((N, D), jnp.float32),
    )(x, agg_p, deg_t, w1a, w1b, w2, w3, w4, b1, b2, b3, b4)


def kernel(x, edge_index, W1, b1, W2, b2, W3, b3, W4, b4):
    eidx = jnp.transpose(
        edge_index.astype(jnp.int32).reshape(2, NCH, CHUNK), (1, 0, 2))
    z128 = jnp.zeros((CHUNK, D), jnp.float32)
    agg_p, deg_p = _sc_aggregate(x, eidx, z128)
    deg_t = jnp.transpose(deg_p.reshape(NC * NS, NPAD))
    w1a = W1[:, :D].T
    w1b = W1[:, D:].T
    return _tc_mlp(x, agg_p, deg_t, w1a, w1b, W2.T, W3.T, W4.T,
                   b1.reshape(1, HID), b2.reshape(1, HID),
                   b3.reshape(1, HID), b4.reshape(1, D))

# --- scband reference (transcript-rebuilt; emitter-appended) ---
"""Pipeline reference for scband-simple-corrector-7352984011301 (READ-ONLY COPY).

The authoritative reference and input builder live on the scoring server;
editing this copy changes nothing except your own understanding.
"""

import jax, jax.numpy as jnp
import numpy as np

N = 10000
D = 128
E = 320000
HID = 128

def setup_inputs(seed: int = 0) -> dict:
    key = jax.random.key(seed)
    ks = jax.random.split(key, 12)
    x = jax.random.normal(ks[0], (N, D), dtype=jnp.float32)
    edge_index = jax.random.randint(ks[1], (2, E), 0, N)
    # MLP params (torch nn.Linear layout: W[out, in], b[out])
    W1 = jax.random.normal(ks[2], (HID, 2 * D), dtype=jnp.float32) * 0.05
    b1 = jnp.zeros((HID,), dtype=jnp.float32)
    W2 = jax.random.normal(ks[3], (HID, HID), dtype=jnp.float32) * 0.05
    b2 = jnp.zeros((HID,), dtype=jnp.float32)
    W3 = jax.random.normal(ks[4], (HID, HID), dtype=jnp.float32) * 0.05
    b3 = jnp.zeros((HID,), dtype=jnp.float32)
    W4 = jax.random.normal(ks[5], (D, HID), dtype=jnp.float32) * 0.05
    b4 = jnp.zeros((D,), dtype=jnp.float32)
    return {"x": x, "edge_index": edge_index, "W1": W1, "b1": b1, "W2": W2, "b2": b2, "W3": W3, "b3": b3, "W4": W4, "b4": b4}

def reference(x, edge_index, W1, b1, W2, b2, W3, b3, W4, b4):
    row = edge_index[0]
    col = edge_index[1]
    n = x.shape[0]
    # scatter-add aggregation: agg.index_add_(0, row, x[col])
    agg = jnp.zeros_like(x).at[row].add(x[col])
    deg = jnp.bincount(row, length=n).astype(x.dtype)
    deg = jnp.maximum(deg, 1.0)[:, None]
    agg = agg / deg
    h = jnp.concatenate([x, agg], axis=1)
    h = jax.nn.relu(h @ W1.T + b1)
    h = jax.nn.relu(h @ W2.T + b2)
    h = jax.nn.relu(h @ W3.T + b3)
    out = h @ W4.T + b4
    return out

if __name__ == "__main__":
    import jax
    _d = setup_inputs()
    print(jax.jit(kernel)(*tuple(_d.values())))

</pallas_src>

<mosaic_0001>
#map = affine_map<(d0, d1) -> (0, 0)>
#map1 = affine_map<(d0, d1) -> (0, 0, 0)>
module attributes {stable_mosaic.version = 14 : i64} {
  func.func @k(%arg0: i32, %arg1: i32, %arg2: memref<10000x128xf32, #tpu.memory_space<hbm>>, %arg3: memref<4000x2x80xi32, #tpu.memory_space<hbm>>, %arg4: memref<80x128xf32, #tpu.memory_space<hbm>>, %arg5: memref<2x10240x128xf32, #tpu.memory_space<hbm>>, %arg6: memref<2x16x10240xf32, #tpu.memory_space<hbm>>, %arg7: memref<10240x128xf32, #tpu.memory_space<vmem_shared>>, %arg8: memref<4x2x80xi32, #tpu.memory_space<vmem>>, %arg9: memref<3x80x128xf32, #tpu.memory_space<vmem>>, %arg10: memref<10240xf32, #tpu.memory_space<vmem>>, %arg11: memref<!tpu.dma_semaphore, #tpu.memory_space<semaphore_mem>>, %arg12: memref<!tpu.dma_semaphore, #tpu.memory_space<semaphore_mem>>, %arg13: memref<!tpu.dma_semaphore, #tpu.memory_space<semaphore_mem>>, %arg14: memref<!tpu.dma_semaphore, #tpu.memory_space<semaphore_mem>>, %arg15: memref<!tpu.dma_semaphore, #tpu.memory_space<semaphore_mem>>, %arg16: memref<!tpu.dma_semaphore, #tpu.memory_space<semaphore_mem>>, %arg17: memref<!tpu.dma_semaphore, #tpu.memory_space<semaphore_mem>>, %arg18: memref<!tpu.dma_semaphore, #tpu.memory_space<semaphore_mem>>) attributes {dimension_semantics = [#tpu.dimension_semantics<core_parallel>, #tpu.dimension_semantics<subcore_parallel>], iteration_bounds = array<i64: 2, 16>, scalar_prefetch = 0 : i64, scratch_operands = 12 : i64, tpu.core_type = #tpu.core_type<sc_vector_subcore>, window_params = [{transform_indices = #map}, {transform_indices = #map1}, {transform_indices = #map}, {transform_indices = #map1}, {transform_indices = #map1}]} {
    %mul3A = arith.constant 2 : i32
    %mul3A_0 = arith.muli %arg1, %mul3A : i32
    %add3A = arith.addi %mul3A_0, %arg0 : i32
    %run_scoped3A = arith.constant 0 : i32
    "tpu.region"() ({
      %run_scoped3A_1107 = tpu.sem_alloc : memref<!tpu.dma_semaphore, #tpu.memory_space<semaphore_mem>>
      %dma_start3A_1108 = arith.constant 0 : i32
      %dma_start3A_1109 = arith.constant 0 : i32
      %dma_start3A_1110 = tpu.memref_slice %arg9[%run_scoped3A, %dma_start3A_1108, %dma_start3A_1109] : memref<3x80x128xf32, #tpu.memory_space<vmem>> -> memref<1x80x128xf32, #tpu.memory_space<vmem>>
      %dma_start3A_1111 = tpu.memref_squeeze %dma_start3A_1110 : memref<1x80x128xf32, #tpu.memory_space<vmem>> -> memref<80x128xf32, #tpu.memory_space<vmem>>
      %dma_start3A_1112 = arith.constant 0 : i32
      %dma_start3A_1113 = arith.constant 0 : i32
      %dma_start3A_1114 = tpu.memref_slice %arg9[%run_scoped3A, %dma_start3A_1112, %dma_start3A_1113] : memref<3x80x128xf32, #tpu.memory_space<vmem>> -> memref<1x80x128xf32, #tpu.memory_space<vmem>>
      %dma_start3A_1115 = tpu.memref_squeeze %dma_start3A_1114 : memref<1x80x128xf32, #tpu.memory_space<vmem>> -> memref<80x128xf32, #tpu.memory_space<vmem>>
      tpu.enqueue_dma source(%arg4 : memref<80x128xf32, #tpu.memory_space<hbm>>) target(%dma_start3A_1115 : memref<80x128xf32, #tpu.memory_space<vmem>>) target_semaphore(%run_scoped3A_1107 : memref<!tpu.dma_semaphore, #tpu.memory_space<semaphore_mem>>)
      %dma_wait3A_1116 = arith.constant 0 : i32
      %dma_wait3A_1117 = arith.constant 0 : i32
      %dma_wait3A_1118 = tpu.memref_slice %arg9[%run_scoped3A, %dma_wait3A_1116, %dma_wait3A_1117] : memref<3x80x128xf32, #tpu.memory_space<vmem>> -> memref<1x80x128xf32, #tpu.memory_space<vmem>>
      %dma_wait3A_1119 = tpu.memref_squeeze %dma_wait3A_1118 : memref<1x80x128xf32, #tpu.memory_space<vmem>> -> memref<80x128xf32, #tpu.memory_space<vmem>>
      %dma_wait3A_1120 = arith.constant 0 : i32
      %dma_wait3A_1121 = arith.constant 0 : i32
      %dma_wait3A_1122 = tpu.memref_slice %arg9[%run_scoped3A, %dma_wait3A_1120, %dma_wait3A_1121] : memref<3x80x128xf32, #tpu.memory_space<vmem>> -> memref<1x80x128xf32, #tpu.memory_space<vmem>>
      %dma_wait3A_1123 = tpu.memref_squeeze %dma_wait3A_1122 : memref<1x80x128xf32, #tpu.memory_space<vmem>> -> memref<80x128xf32, #tpu.memory_space<vmem>>
      tpu.wait_dma2 semaphore(%run_scoped3A_1107 : memref<!tpu.dma_semaphore, #tpu.memory_space<semaphore_mem>>) src(%arg4 : memref<80x128xf32, #tpu.memory_space<hbm>>) dst(%dma_wait3A_1123 : memref<80x128xf32, #tpu.memory_space<vmem>>)
      tpu.yield
    }) : () -> ()
    %mul3A_1 = arith.constant 640 : i32
    %mul3A_2 = arith.muli %arg1, %mul3A_1 : i32
    %add3A_3 = arith.constant 0 : i32
    %add3A_4 = arith.addi %mul3A_2, %add3A_3 : i32
    %dma_start3A = arith.constant 0 : i32
    %dma_start3A_5 = arith.constant 0 : i32
    %dma_start3A_6 = arith.constant 0 : i32
    %dma_start3A_7 = tpu.memref_slice %arg9[%dma_start3A, %dma_start3A_5, %dma_start3A_6] : memref<3x80x128xf32, #tpu.memory_space<vmem>> -> memref<1x80x128xf32, #tpu.memory_space<vmem>>
    %dma_start3A_8 = tpu.memref_squeeze %dma_start3A_7 : memref<1x80x128xf32, #tpu.memory_space<vmem>> -> memref<80x128xf32, #tpu.memory_space<vmem>>
    %dma_start3A_9 = arith.constant 0 : i32
    %dma_start3A_10 = tpu.memref_slice %arg7[%add3A_4, %dma_start3A_9] : memref<10240x128xf32, #tpu.memory_space<vmem_shared>> -> memref<80x128xf32, #tpu.memory_space<vmem_shared>>
    %dma_start3A_11 = arith.constant 0 : i32
    %dma_start3A_12 = tpu.memref_slice %arg7[%add3A_4, %dma_start3A_11] : memref<10240x128xf32, #tpu.memory_space<vmem_shared>> -> memref<80x128xf32, #tpu.memory_space<vmem_shared>>
    %dma_start3A_13 = arith.constant 0 : i32
    %dma_start3A_14 = arith.constant 0 : i32
    %dma_start3A_15 = tpu.memref_slice %arg9[%dma_start3A, %dma_start3A_13, %dma_start3A_14] : memref<3x80x128xf32, #tpu.memory_space<vmem>> -> memref<1x80x128xf32, #tpu.memory_space<vmem>>
    %dma_start3A_16 = tpu.memref_squeeze %dma_start3A_15 : memref<1x80x128xf32, #tpu.memory_space<vmem>> -> memref<80x128xf32, #tpu.memory_space<vmem>>
    tpu.enqueue_dma source(%dma_start3A_16 : memref<80x128xf32, #tpu.memory_space<vmem>>) target(%dma_start3A_12 : memref<80x128xf32, #tpu.memory_space<vmem_shared>>) target_semaphore(%arg15 : memref<!tpu.dma_semaphore, #tpu.memory_space<semaphore_mem>>)
    %add3A_17 = arith.constant 80 : i32
    %add3A_18 = arith.addi %mul3A_2, %add3A_17 : i32
    %dma_start3A_19 = arith.constant 0 : i32
    %dma_start3A_20 = arith.constant 0 : i32
    %dma_start3A_21 = arith.constant 0 : i32
    %dma_start3A_22 = tpu.memref_slice %arg9[%dma_start3A_19, %dma_start3A_20, %dma_start3A_21] : memref<3x80x128xf32, #tpu.memory_space<vmem>> -> memref<1x80x128xf32, #tpu.memory_space<vmem>>
    %dma_start3A_23 = tpu.memref_squeeze %dma_start3A_22 : memref<1x80x128xf32, #tpu.memory_space<vmem>> -> memref<80x128xf32, #tpu.memory_space<vmem>>
    %dma_start3A_24 = arith.constant 0 : i32
    %dma_start3A_25 = tpu.memref_slice %arg7[%add3A_18, %dma_start3A_24] : memref<10240x128xf32, #tpu.memory_space<vmem_shared>> -> memref<80x128xf32, #tpu.memory_space<vmem_shared>>
    %dma_start3A_26 = arith.constant 0 : i32
    %dma_start3A_27 = tpu.memref_slice %arg7[%add3A_18, %dma_start3A_26] : memref<10240x128xf32, #tpu.memory_space<vmem_shared>> -> memref<80x128xf32, #tpu.memory_space<vmem_shared>>
    %dma_start3A_28 = arith.constant 0 : i32
    %dma_start3A_29 = arith.constant 0 : i32
    %dma_start3A_30 = tpu.memref_slice %arg9[%dma_start3A_19, %dma_start3A_28, %dma_start3A_29] : memref<3x80x128xf32, #tpu.memory_space<vmem>> -> memref<1x80x128xf32, #tpu.memory_space<vmem>>
    %dma_start3A_31 = tpu.memref_squeeze %dma_start3A_30 : memref<1x80x128xf32, #tpu.memory_space<vmem>> -> memref<80x128xf32, #tpu.memory_space<vmem>>
    tpu.enqueue_dma source(%dma_start3A_31 : memref<80x128xf32, #tpu.memory_space<vmem>>) target(%dma_start3A_27 : memref<80x128xf32, #tpu.memory_space<vmem_shared>>) target_semaphore(%arg15 : memref<!tpu.dma_semaphore, #tpu.memory_space<semaphore_mem>>)
    %add3A_32 = arith.constant 160 : i32
    %add3A_33 = arith.addi %mul3A_2, %add3A_32 : i32
    %dma_start3A_34 = arith.constant 0 : i32
    %dma_start3A_35 = arith.constant 0 : i32
    %dma_start3A_36 = arith.constant 0 : i32
    %dma_start3A_37 = tpu.memref_slice %arg9[%dma_start3A_34, %dma_start3A_35, %dma_start3A_36] : memref<3x80x128xf32, #tpu.memory_space<vmem>> -> memref<1x80x128xf32, #tpu.memory_space<vmem>>
    %dma_start3A_38 = tpu.memref_squeeze %dma_start3A_37 : memref<1x80x128xf32, #tpu.memory_space<vmem>> -> memref<80x128xf32, #tpu.memory_space<vmem>>
    %dma_start3A_39 = arith.constant 0 : i32
    %dma_start3A_40 = tpu.memref_slice %arg7[%add3A_33, %dma_start3A_39] : memref<10240x128xf32, #tpu.memory_space<vmem_shared>> -> memref<80x128xf32, #tpu.memory_space<vmem_shared>>
    %dma_start3A_41 = arith.constant 0 : i32
    %dma_start3A_42 = tpu.memref_slice %arg7[%add3A_33, %dma_start3A_41] : memref<10240x128xf32, #tpu.memory_space<vmem_shared>> -> memref<80x128xf32, #tpu.memory_space<vmem_shared>>
    %dma_start3A_43 = arith.constant 0 : i32
    %dma_start3A_44 = arith.constant 0 : i32
    %dma_start3A_45 = tpu.memref_slice %arg9[%dma_start3A_34, %dma_start3A_43, %dma_start3A_44] : memref<3x80x128xf32, #tpu.memory_space<vmem>> -> memref<1x80x128xf32, #tpu.memory_space<vmem>>
    %dma_start3A_46 = tpu.memref_squeeze %dma_start3A_45 : memref<1x80x128xf32, #tpu.memory_space<vmem>> -> memref<80x128xf32, #tpu.memory_space<vmem>>
    tpu.enqueue_dma source(%dma_start3A_46 : memref<80x128xf32, #tpu.memory_space<vmem>>) target(%dma_start3A_42 : memref<80x128xf32, #tpu.memory_space<vmem_shared>>) target_semaphore(%arg15 : memref<!tpu.dma_semaphore, #tpu.memory_space<semaphore_mem>>)
    %add3A_47 = arith.constant 240 : i32
    %add3A_48 = arith.addi %mul3A_2, %add3A_47 : i32
    %dma_start3A_49 = arith.constant 0 : i32
    %dma_start3A_50 = arith.constant 0 : i32
    %dma_start3A_51 = arith.constant 0 : i32
    %dma_start3A_52 = tpu.memref_slice %arg9[%dma_start3A_49, %dma_start3A_50, %dma_start3A_51] : memref<3x80x128xf32, #tpu.memory_space<vmem>> -> memref<1x80x128xf32, #tpu.memory_space<vmem>>
    %dma_start3A_53 = tpu.memref_squeeze %dma_start3A_52 : memref<1x80x128xf32, #tpu.memory_space<vmem>> -> memref<80x128xf32, #tpu.memory_space<vmem>>
    %dma_start3A_54 = arith.constant 0 : i32
    %dma_start3A_55 = tpu.memref_slice %arg7[%add3A_48, %dma_start3A_54] : memref<10240x128xf32, #tpu.memory_space<vmem_shared>> -> memref<80x128xf32, #tpu.memory_space<vmem_shared>>
    %dma_start3A_56 = arith.constant 0 : i32
    %dma_start3A_57 = tpu.memref_slice %arg7[%add3A_48, %dma_start3A_56] : memref<10240x128xf32, #tpu.memory_space<vmem_shared>> -> memref<80x128xf32, #tpu.memory_space<vmem_shared>>
    %dma_start3A_58 = arith.constant 0 : i32
    %dma_start3A_59 = arith.constant 0 : i32
    %dma_start3A_60 = tpu.memref_slice %arg9[%dma_start3A_49, %dma_start3A_58, %dma_start3A_59] : memref<3x80x128xf32, #tpu.memory_space<vmem>> -> memref<1x80x128xf32, #tpu.memory_space<vmem>>
    %dma_start3A_61 = tpu.memref_squeeze %dma_start3A_60 : memref<1x80x128xf32, #tpu.memory_space<vmem>> -> memref<80x128xf32, #tpu.memory_space<vmem>>
    tpu.enqueue_dma source(%dma_start3A_61 : memref<80x128xf32, #tpu.memory_space<vmem>>) target(%dma_start3A_57 : memref<80x128xf32, #tpu.memory_space<vmem_shared>>) target_semaphore(%arg15 : memref<!tpu.dma_semaphore, #tpu.memory_space<semaphore_mem>>)
    %add3A_62 = arith.constant 320 : i32
    %add3A_63 = arith.addi %mul3A_2, %add3A_62 : i32
    %dma_start3A_64 = arith.constant 0 : i32
    %dma_start3A_65 = arith.constant 0 : i32
    %dma_start3A_66 = arith.constant 0 : i32
    %dma_start3A_67 = tpu.memref_slice %arg9[%dma_start3A_64, %dma_start3A_65, %dma_start3A_66] : memref<3x80x128xf32, #tpu.memory_space<vmem>> -> memref<1x80x128xf32, #tpu.memory_space<vmem>>
    %dma_start3A_68 = tpu.memref_squeeze %dma_start3A_67 : memref<1x80x128xf32, #tpu.memory_space<vmem>> -> memref<80x128xf32, #tpu.memory_space<vmem>>
    %dma_start3A_69 = arith.constant 0 : i32
    %dma_start3A_70 = tpu.memref_slice %arg7[%add3A_63, %dma_start3A_69] : memref<10240x128xf32, #tpu.memory_space<vmem_shared>> -> memref<80x128xf32, #tpu.memory_space<vmem_shared>>
    %dma_start3A_71 = arith.constant 0 : i32
    %dma_start3A_72 = tpu.memref_slice %arg7[%add3A_63, %dma_start3A_71] : memref<10240x128xf32, #tpu.memory_space<vmem_shared>> -> memref<80x128xf32, #tpu.memory_space<vmem_shared>>
    %dma_start3A_73 = arith.constant 0 : i32
    %dma_start3A_74 = arith.constant 0 : i32
    %dma_start3A_75 = tpu.memref_slice %arg9[%dma_start3A_64, %dma_start3A_73, %dma_start3A_74] : memref<3x80x128xf32, #tpu.memory_space<vmem>> -> memref<1x80x128xf32, #tpu.memory_space<vmem>>
    %dma_start3A_76 = tpu.memref_squeeze %dma_start3A_75 : memref<1x80x128xf32, #tpu.memory_space<vmem>> -> memref<80x128xf32, #tpu.memory_space<vmem>>
    tpu.enqueue_dma source(%dma_start3A_76 : memref<80x128xf32, #tpu.memory_space<vmem>>) target(%dma_start3A_72 : memref<80x128xf32, #tpu.memory_space<vmem_shared>>) target_semaphore(%arg15 : memref<!tpu.dma_semaphore, #tpu.memory_space<semaphore_mem>>)
    %add3A_77 = arith.constant 400 : i32
    %add3A_78 = arith.addi %mul3A_2, %add3A_77 : i32
    %dma_start3A_79 = arith.constant 0 : i32
    %dma_start3A_80 = arith.constant 0 : i32
    %dma_start3A_81 = arith.constant 0 : i32
    %dma_start3A_82 = tpu.memref_slice %arg9[%dma_start3A_79, %dma_start3A_80, %dma_start3A_81] : memref<3x80x128xf32, #tpu.memory_space<vmem>> -> memref<1x80x128xf32, #tpu.memory_space<vmem>>
    %dma_start3A_83 = tpu.memref_squeeze %dma_start3A_82 : memref<1x80x128xf32, #tpu.memory_space<vmem>> -> memref<80x128xf32, #tpu.memory_space<vmem>>
    %dma_start3A_84 = arith.constant 0 : i32
    %dma_start3A_85 = tpu.memref_slice %arg7[%add3A_78, %dma_start3A_84] : memref<10240x128xf32, #tpu.memory_space<vmem_shared>> -> memref<80x128xf32, #tpu.memory_space<vmem_shared>>
    %dma_start3A_86 = arith.constant 0 : i32
    %dma_start3A_87 = tpu.memref_slice %arg7[%add3A_78, %dma_start3A_86] : memref<10240x128xf32, #tpu.memory_space<vmem_shared>> -> memref<80x128xf32, #tpu.memory_space<vmem_shared>>
    %dma_start3A_88 = arith.constant 0 : i32
    %dma_start3A_89 = arith.constant 0 : i32
    %dma_start3A_90 = tpu.memref_slice %arg9[%dma_start3A_79, %dma_start3A_88, %dma_start3A_89] : memref<3x80x128xf32, #tpu.memory_space<vmem>> -> memref<1x80x128xf32, #tpu.memory_space<vmem>>
    %dma_start3A_91 = tpu.memref_squeeze %dma_start3A_90 : memref<1x80x128xf32, #tpu.memory_space<vmem>> -> memref<80x128xf32, #tpu.memory_space<vmem>>
    tpu.enqueue_dma source(%dma_start3A_91 : memref<80x128xf32, #tpu.memory_space<vmem>>) target(%dma_start3A_87 : memref<80x128xf32, #tpu.memory_space<vmem_shared>>) target_semaphore(%arg15 : memref<!tpu.dma_semaphore, #tpu.memory_space<semaphore_mem>>)
    %add3A_92 = arith.constant 480 : i32
    %add3A_93 = arith.addi %mul3A_2, %add3A_92 : i32
    %dma_start3A_94 = arith.constant 0 : i32
    %dma_start3A_95 = arith.constant 0 : i32
    %dma_start3A_96 = arith.constant 0 : i32
    %dma_start3A_97 = tpu.memref_slice %arg9[%dma_start3A_94, %dma_start3A_95, %dma_start3A_96] : memref<3x80x128xf32, #tpu.memory_space<vmem>> -> memref<1x80x128xf32, #tpu.memory_space<vmem>>
    %dma_start3A_98 = tpu.memref_squeeze %dma_start3A_97 : memref<1x80x128xf32, #tpu.memory_space<vmem>> -> memref<80x128xf32, #tpu.memory_space<vmem>>
    %dma_start3A_99 = arith.constant 0 : i32
    %dma_start3A_100 = tpu.memref_slice %arg7[%add3A_93, %dma_start3A_99] : memref<10240x128xf32, #tpu.memory_space<vmem_shared>> -> memref<80x128xf32, #tpu.memory_space<vmem_shared>>
    %dma_start3A_101 = arith.constant 0 : i32
    %dma_start3A_102 = tpu.memref_slice %arg7[%add3A_93, %dma_start3A_101] : memref<10240x128xf32, #tpu.memory_space<vmem_shared>> -> memref<80x128xf32, #tpu.memory_space<vmem_shared>>
    %dma_start3A_103 = arith.constant 0 : i32
    %dma_start3A_104 = arith.constant 0 : i32
    %dma_start3A_105 = tpu.memref_slice %arg9[%dma_start3A_94, %dma_start3A_103, %dma_start3A_104] : memref<3x80x128xf32, #tpu.memory_space<vmem>> -> memref<1x80x128xf32, #tpu.memory_space<vmem>>
    %dma_start3A_106 = tpu.memref_squeeze %dma_start3A_105 : memref<1x80x128xf32, #tpu.memory_space<vmem>> -> memref<80x128xf32, #tpu.memory_space<vmem>>
    tpu.enqueue_dma source(%dma_start3A_106 : memref<80x128xf32, #tpu.memory_space<vmem>>) target(%dma_start3A_102 : memref<80x128xf32, #tpu.memory_space<vmem_shared>>) target_semaphore(%arg15 : memref<!tpu.dma_semaphore, #tpu.memory_space<semaphore_mem>>)
    %add3A_107 = arith.constant 560 : i32
    %add3A_108 = arith.addi %mul3A_2, %add3A_107 : i32
    %dma_start3A_109 = arith.constant 0 : i32
    %dma_start3A_110 = arith.constant 0 : i32
    %dma_start3A_111 = arith.constant 0 : i32
    %dma_start3A_112 = tpu.memref_slice %arg9[%dma_start3A_109, %dma_start3A_110, %dma_start3A_111] : memref<3x80x128xf32, #tpu.memory_space<vmem>> -> memref<1x80x128xf32, #tpu.memory_space<vmem>>
    %dma_start3A_113 = tpu.memref_squeeze %dma_start3A_112 : memref<1x80x128xf32, #tpu.memory_space<vmem>> -> memref<80x128xf32, #tpu.memory_space<vmem>>
    %dma_start3A_114 = arith.constant 0 : i32
    %dma_start3A_115 = tpu.memref_slice %arg7[%add3A_108, %dma_start3A_114] : memref<10240x128xf32, #tpu.memory_space<vmem_shared>> -> memref<80x128xf32, #tpu.memory_space<vmem_shared>>
    %dma_start3A_116 = arith.constant 0 : i32
    %dma_start3A_117 = tpu.memref_slice %arg7[%add3A_108, %dma_start3A_116] : memref<10240x128xf32, #tpu.memory_space<vmem_shared>> -> memref<80x128xf32, #tpu.memory_space<vmem_shared>>
    %dma_start3A_118 = arith.constant 0 : i32
    %dma_start3A_119 = arith.constant 0 : i32
    %dma_start3A_120 = tpu.memref_slice %arg9[%dma_start3A_109, %dma_start3A_118, %dma_start3A_119] : memref<3x80x128xf32, #tpu.memory_space<vmem>> -> memref<1x80x128xf32, #tpu.memory_space<vmem>>
    %dma_start3A_121 = tpu.memref_squeeze %dma_start3A_120 : memref<1x80x128xf32, #tpu.memory_space<vmem>> -> memref<80x128xf32, #tpu.memory_space<vmem>>
    tpu.enqueue_dma source(%dma_start3A_121 : memref<80x128xf32, #tpu.memory_space<vmem>>) target(%dma_start3A_117 : memref<80x128xf32, #tpu.memory_space<vmem_shared>>) target_semaphore(%arg15 : memref<!tpu.dma_semaphore, #tpu.memory_space<semaphore_mem>>)
    %broadcast_in_dim3A = arith.constant 0.000000e+00 : f32
    %broadcast_in_dim3A_122 = vector.broadcast %broadcast_in_dim3A : f32 to vector<16xf32>
    %scan3A = arith.constant 0 : i32
    %scan3A_123 = arith.constant 0 : i32
    %scan3A_124 = arith.constant 640 : i32
    %scan3A_125 = arith.addi %scan3A_123, %scan3A_124 : i32
    %scan3A_126 = arith.constant 1 : i32
    scf.for %scan3A_1107 = %scan3A_123 to %scan3A_125 step %scan3A_126  : i32 {
      %mul3A_1108 = arith.constant 16 : i32
      %mul3A_1109 = arith.muli %scan3A_1107, %mul3A_1108 : i32
      %swap3A = arith.index_cast %mul3A_1109 : i32 to index
      %swap3A_1110 = tpu.vector_load %arg10[%swap3A] {strides = array<i32>} : memref<10240xf32, #tpu.memory_space<vmem>>, vector<16xf32>,
      tpu.vector_store %arg10[%swap3A], %broadcast_in_dim3A_122 {strides = array<i32>} : memref<10240xf32, #tpu.memory_space<vmem>>, vector<16xf32>,
    }
    %scan3A_127 = arith.constant 640 : i32
    %dma_wait3A = arith.constant 0 : i32
    %dma_wait3A_128 = arith.constant 0 : i32
    %dma_wait3A_129 = arith.constant 0 : i32
    %dma_wait3A_130 = tpu.memref_slice %arg9[%dma_wait3A, %dma_wait3A_128, %dma_wait3A_129] : memref<3x80x128xf32, #tpu.memory_space<vmem>> -> memref<1x80x128xf32, #tpu.memory_space<vmem>>
    %dma_wait3A_131 = tpu.memref_squeeze %dma_wait3A_130 : memref<1x80x128xf32, #tpu.memory_space<vmem>> -> memref<80x128xf32, #tpu.memory_space<vmem>>
    %dma_wait3A_132 = arith.constant 0 : i32
    %dma_wait3A_133 = tpu.memref_slice %arg7[%mul3A_2, %dma_wait3A_132] : memref<10240x128xf32, #tpu.memory_space<vmem_shared>> -> memref<80x128xf32, #tpu.memory_space<vmem_shared>>
    %dma_wait3A_134 = arith.constant 0 : i32
    %dma_wait3A_135 = tpu.memref_slice %arg7[%mul3A_2, %dma_wait3A_134] : memref<10240x128xf32, #tpu.memory_space<vmem_shared>> -> memref<80x128xf32, #tpu.memory_space<vmem_shared>>
    %dma_wait3A_136 = arith.constant 0 : i32
    %dma_wait3A_137 = arith.constant 0 : i32
    %dma_wait3A_138 = tpu.memref_slice %arg9[%dma_wait3A, %dma_wait3A_136, %dma_wait3A_137] : memref<3x80x128xf32, #tpu.memory_space<vmem>> -> memref<1x80x128xf32, #tpu.memory_space<vmem>>
    %dma_wait3A_139 = tpu.memref_squeeze %dma_wait3A_138 : memref<1x80x128xf32, #tpu.memory_space<vmem>> -> memref<80x128xf32, #tpu.memory_space<vmem>>
    tpu.wait_dma2 semaphore(%arg15 : memref<!tpu.dma_semaphore, #tpu.memory_space<semaphore_mem>>) src(%dma_wait3A_139 : memref<80x128xf32, #tpu.memory_space<vmem>>) dst(%dma_wait3A_135 : memref<80x128xf32, #tpu.memory_space<vmem_shared>>)
    %dma_wait3A_140 = arith.constant 0 : i32
    %dma_wait3A_141 = arith.constant 0 : i32
    %dma_wait3A_142 = arith.constant 0 : i32
    %dma_wait3A_143 = tpu.memref_slice %arg9[%dma_wait3A_140, %dma_wait3A_141, %dma_wait3A_142] : memref<3x80x128xf32, #tpu.memory_space<vmem>> -> memref<1x80x128xf32, #tpu.memory_space<vmem>>
    %dma_wait3A_144 = tpu.memref_squeeze %dma_wait3A_143 : memref<1x80x128xf32, #tpu.memory_space<vmem>> -> memref<80x128xf32, #tpu.memory_space<vmem>>
    %dma_wait3A_145 = arith.constant 0 : i32
    %dma_wait3A_146 = tpu.memref_slice %arg7[%mul3A_2, %dma_wait3A_145] : memref<10240x128xf32, #tpu.memory_space<vmem_shared>> -> memref<80x128xf32, #tpu.memory_space<vmem_shared>>
    %dma_wait3A_147 = arith.constant 0 : i32
    %dma_wait3A_148 = tpu.memref_slice %arg7[%mul3A_2, %dma_wait3A_147] : memref<10240x128xf32, #tpu.memory_space<vmem_shared>> -> memref<80x128xf32, #tpu.memory_space<vmem_shared>>
    %dma_wait3A_149 = arith.constant 0 : i32
    %dma_wait3A_150 = arith.constant 0 : i32
    %dma_wait3A_151 = tpu.memref_slice %arg9[%dma_wait3A_140, %dma_wait3A_149, %dma_wait3A_150] : memref<3x80x128xf32, #tpu.memory_space<vmem>> -> memref<1x80x128xf32, #tpu.memory_space<vmem>>
    %dma_wait3A_152 = tpu.memref_squeeze %dma_wait3A_151 : memref<1x80x128xf32, #tpu.memory_space<vmem>> -> memref<80x128xf32, #tpu.memory_space<vmem>>
    tpu.wait_dma2 semaphore(%arg15 : memref<!tpu.dma_semaphore, #tpu.memory_space<semaphore_mem>>) src(%dma_wait3A_152 : memref<80x128xf32, #tpu.memory_space<vmem>>) dst(%dma_wait3A_148 : memref<80x128xf32, #tpu.memory_space<vmem_shared>>)
    %dma_wait3A_153 = arith.constant 0 : i32
    %dma_wait3A_154 = arith.constant 0 : i32
    %dma_wait3A_155 = arith.constant 0 : i32
    %dma_wait3A_156 = tpu.memref_slice %arg9[%dma_wait3A_153, %dma_wait3A_154, %dma_wait3A_155] : memref<3x80x128xf32, #tpu.memory_space<vmem>> -> memref<1x80x128xf32, #tpu.memory_space<vmem>>
    %dma_wait3A_157 = tpu.memref_squeeze %dma_wait3A_156 : memref<1x80x128xf32, #tpu.memory_space<vmem>> -> memref<80x128xf32, #tpu.memory_space<vmem>>
    %dma_wait3A_158 = arith.constant 0 : i32
    %dma_wait3A_159 = tpu.memref_slice %arg7[%mul3A_2, %dma_wait3A_158] : memref<10240x128xf32, #tpu.memory_space<vmem_shared>> -> memref<80x128xf32, #tpu.memory_space<vmem_shared>>
    %dma_wait3A_160 = arith.constant 0 : i32
    %dma_wait3A_161 = tpu.memref_slice %arg7[%mul3A_2, %dma_wait3A_160] : memref<10240x128xf32, #tpu.memory_space<vmem_shared>> -> memref<80x128xf32, #tpu.memory_space<vmem_shared>>
    %dma_wait3A_162 = arith.constant 0 : i32
    %dma_wait3A_163 = arith.constant 0 : i32
    %dma_wait3A_164 = tpu.memref_slice %arg9[%dma_wait3A_153, %dma_wait3A_162, %dma_wait3A_163] : memref<3x80x128xf32, #tpu.memory_space<vmem>> -> memref<1x80x128xf32, #tpu.memory_space<vmem>>
    %dma_wait3A_165 = tpu.memref_squeeze %dma_wait3A_164 : memref<1x80x128xf32, #tpu.memory_space<vmem>> -> memref<80x128xf32, #tpu.memory_space<vmem>>
    tpu.wait_dma2 semaphore(%arg15 : memref<!tpu.dma_semaphore, #tpu.memory_space<semaphore_mem>>) src(%dma_wait3A_165 : memref<80x128xf32, #tpu.memory_space<vmem>>) dst(%dma_wait3A_161 : memref<80x128xf32, #tpu.memory_space<vmem_shared>>)
    %dma_wait3A_166 = arith.constant 0 : i32
    %dma_wait3A_167 = arith.constant 0 : i32
    %dma_wait3A_168 = arith.constant 0 : i32
    %dma_wait3A_169 = tpu.memref_slice %arg9[%dma_wait3A_166, %dma_wait3A_167, %dma_wait3A_168] : memref<3x80x128xf32, #tpu.memory_space<vmem>> -> memref<1x80x128xf32, #tpu.memory_space<vmem>>
    %dma_wait3A_170 = tpu.memref_squeeze %dma_wait3A_169 : memref<1x80x128xf32, #tpu.memory_space<vmem>> -> memref<80x128xf32, #tpu.memory_space<vmem>>
    %dma_wait3A_171 = arith.constant 0 : i32
    %dma_wait3A_172 = tpu.memref_slice %arg7[%mul3A_2, %dma_wait3A_171] : memref<10240x128xf32, #tpu.memory_space<vmem_shared>> -> memref<80x128xf32, #tpu.memory_space<vmem_shared>>
    %dma_wait3A_173 = arith.constant 0 : i32
    %dma_wait3A_174 = tpu.memref_slice %arg7[%mul3A_2, %dma_wait3A_173] : memref<10240x128xf32, #tpu.memory_space<vmem_shared>> -> memref<80x128xf32, #tpu.memory_space<vmem_shared>>
    %dma_wait3A_175 = arith.constant 0 : i32
    %dma_wait3A_176 = arith.constant 0 : i32
    %dma_wait3A_177 = tpu.memref_slice %arg9[%dma_wait3A_166, %dma_wait3A_175, %dma_wait3A_176] : memref<3x80x128xf32, #tpu.memory_space<vmem>> -> memref<1x80x128xf32, #tpu.memory_space<vmem>>
    %dma_wait3A_178 = tpu.memref_squeeze %dma_wait3A_177 : memref<1x80x128xf32, #tpu.memory_space<vmem>> -> memref<80x128xf32, #tpu.memory_space<vmem>>
    tpu.wait_dma2 semaphore(%arg15 : memref<!tpu.dma_semaphore, #tpu.memory_space<semaphore_mem>>) src(%dma_wait3A_178 : memref<80x128xf32, #tpu.memory_space<vmem>>) dst(%dma_wait3A_174 : memref<80x128xf32, #tpu.memory_space<vmem_shared>>)
    %dma_wait3A_179 = arith.constant 0 : i32
    %dma_wait3A_180 = arith.constant 0 : i32
    %dma_wait3A_181 = arith.constant 0 : i32
    %dma_wait3A_182 = tpu.memref_slice %arg9[%dma_wait3A_179, %dma_wait3A_180, %dma_wait3A_181] : memref<3x80x128xf32, #tpu.memory_space<vmem>> -> memref<1x80x128xf32, #tpu.memory_space<vmem>>
    %dma_wait3A_183 = tpu.memref_squeeze %dma_wait3A_182 : memref<1x80x128xf32, #tpu.memory_space<vmem>> -> memref<80x128xf32, #tpu.memory_space<vmem>>
    %dma_wait3A_184 = arith.constant 0 : i32
    %dma_wait3A_185 = tpu.memref_slice %arg7[%mul3A_2, %dma_wait3A_184] : memref<10240x128xf32, #tpu.memory_space<vmem_shared>> -> memref<80x128xf32, #tpu.memory_space<vmem_shared>>
    %dma_wait3A_186 = arith.constant 0 : i32
    %dma_wait3A_187 = tpu.memref_slice %arg7[%mul3A_2, %dma_wait3A_186] : memref<10240x128xf32, #tpu.memory_space<vmem_shared>> -> memref<80x128xf32, #tpu.memory_space<vmem_shared>>
    %dma_wait3A_188 = arith.constant 0 : i32
    %dma_wait3A_189 = arith.constant 0 : i32
    %dma_wait3A_190 = tpu.memref_slice %arg9[%dma_wait3A_179, %dma_wait3A_188, %dma_wait3A_189] : memref<3x80x128xf32, #tpu.memory_space<vmem>> -> memref<1x80x128xf32, #tpu.memory_space<vmem>>
    %dma_wait3A_191 = tpu.memref_squeeze %dma_wait3A_190 : memref<1x80x128xf32, #tpu.memory_space<vmem>> -> memref<80x128xf32, #tpu.memory_space<vmem>>
    tpu.wait_dma2 semaphore(%arg15 : memref<!tpu.dma_semaphore, #tpu.memory_space<semaphore_mem>>) src(%dma_wait3A_191 : memref<80x128xf32, #tpu.memory_space<vmem>>) dst(%dma_wait3A_187 : memref<80x128xf32, #tpu.memory_space<vmem_shared>>)
    %dma_wait3A_192 = arith.constant 0 : i32
    %dma_wait3A_193 = arith.constant 0 : i32
    %dma_wait3A_194 = arith.constant 0 : i32
    %dma_wait3A_195 = tpu.memref_slice %arg9[%dma_wait3A_192, %dma_wait3A_193, %dma_wait3A_194] : memref<3x80x128xf32, #tpu.memory_space<vmem>> -> memref<1x80x128xf32, #tpu.memory_space<vmem>>
    %dma_wait3A_196 = tpu.memref_squeeze %dma_wait3A_195 : memref<1x80x128xf32, #tpu.memory_space<vmem>> -> memref<80x128xf32, #tpu.memory_space<vmem>>
    %dma_wait3A_197 = arith.constant 0 : i32
    %dma_wait3A_198 = tpu.memref_slice %arg7[%mul3A_2, %dma_wait3A_197] : memref<10240x128xf32, #tpu.memory_space<vmem_shared>> -> memref<80x128xf32, #tpu.memory_space<vmem_shared>>
    %dma_wait3A_199 = arith.constant 0 : i32
    %dma_wait3A_200 = tpu.memref_slice %arg7[%mul3A_2, %dma_wait3A_199] : memref<10240x128xf32, #tpu.memory_space<vmem_shared>> -> memref<80x128xf32, #tpu.memory_space<vmem_shared>>
    %dma_wait3A_201 = arith.constant 0 : i32
    %dma_wait3A_202 = arith.constant 0 : i32
    %dma_wait3A_203 = tpu.memref_slice %arg9[%dma_wait3A_192, %dma_wait3A_201, %dma_wait3A_202] : memref<3x80x128xf32, #tpu.memory_space<vmem>> -> memref<1x80x128xf32, #tpu.memory_space<vmem>>
    %dma_wait3A_204 = tpu.memref_squeeze %dma_wait3A_203 : memref<1x80x128xf32, #tpu.memory_space<vmem>> -> memref<80x128xf32, #tpu.memory_space<vmem>>
    tpu.wait_dma2 semaphore(%arg15 : memref<!tpu.dma_semaphore, #tpu.memory_space<semaphore_mem>>) src(%dma_wait3A_204 : memref<80x128xf32, #tpu.memory_space<vmem>>) dst(%dma_wait3A_200 : memref<80x128xf32, #tpu.memory_space<vmem_shared>>)
    %dma_wait3A_205 = arith.constant 0 : i32
    %dma_wait3A_206 = arith.constant 0 : i32
    %dma_wait3A_207 = arith.constant 0 : i32
    %dma_wait3A_208 = tpu.memref_slice %arg9[%dma_wait3A_205, %dma_wait3A_206, %dma_wait3A_207] : memref<3x80x128xf32, #tpu.memory_space<vmem>> -> memref<1x80x128xf32, #tpu.memory_space<vmem>>
    %dma_wait3A_209 = tpu.memref_squeeze %dma_wait3A_208 : memref<1x80x128xf32, #tpu.memory_space<vmem>> -> memref<80x128xf32, #tpu.memory_space<vmem>>
    %dma_wait3A_210 = arith.constant 0 : i32
    %dma_wait3A_211 = tpu.memref_slice %arg7[%mul3A_2, %dma_wait3A_210] : memref<10240x128xf32, #tpu.memory_space<vmem_shared>> -> memref<80x128xf32, #tpu.memory_space<vmem_shared>>
    %dma_wait3A_212 = arith.constant 0 : i32
    %dma_wait3A_213 = tpu.memref_slice %arg7[%mul3A_2, %dma_wait3A_212] : memref<10240x128xf32, #tpu.memory_space<vmem_shared>> -> memref<80x128xf32, #tpu.memory_space<vmem_shared>>
    %dma_wait3A_214 = arith.constant 0 : i32
    %dma_wait3A_215 = arith.constant 0 : i32
    %dma_wait3A_216 = tpu.memref_slice %arg9[%dma_wait3A_205, %dma_wait3A_214, %dma_wait3A_215] : memref<3x80x128xf32, #tpu.memory_space<vmem>> -> memref<1x80x128xf32, #tpu.memory_space<vmem>>
    %dma_wait3A_217 = tpu.memref_squeeze %dma_wait3A_216 : memref<1x80x128xf32, #tpu.memory_space<vmem>> -> memref<80x128xf32, #tpu.memory_space<vmem>>
    tpu.wait_dma2 semaphore(%arg15 : memref<!tpu.dma_semaphore, #tpu.memory_space<semaphore_mem>>) src(%dma_wait3A_217 : memref<80x128xf32, #tpu.memory_space<vmem>>) dst(%dma_wait3A_213 : memref<80x128xf32, #tpu.memory_space<vmem_shared>>)
    %dma_wait3A_218 = arith.constant 0 : i32
    %dma_wait3A_219 = arith.constant 0 : i32
    %dma_wait3A_220 = arith.constant 0 : i32
    %dma_wait3A_221 = tpu.memref_slice %arg9[%dma_wait3A_218, %dma_wait3A_219, %dma_wait3A_220] : memref<3x80x128xf32, #tpu.memory_space<vmem>> -> memref<1x80x128xf32, #tpu.memory_space<vmem>>
    %dma_wait3A_222 = tpu.memref_squeeze %dma_wait3A_221 : memref<1x80x128xf32, #tpu.memory_space<vmem>> -> memref<80x128xf32, #tpu.memory_space<vmem>>
    %dma_wait3A_223 = arith.constant 0 : i32
    %dma_wait3A_224 = tpu.memref_slice %arg7[%mul3A_2, %dma_wait3A_223] : memref<10240x128xf32, #tpu.memory_space<vmem_shared>> -> memref<80x128xf32, #tpu.memory_space<vmem_shared>>
    %dma_wait3A_225 = arith.constant 0 : i32
    %dma_wait3A_226 = tpu.memref_slice %arg7[%mul3A_2, %dma_wait3A_225] : memref<10240x128xf32, #tpu.memory_space<vmem_shared>> -> memref<80x128xf32, #tpu.memory_space<vmem_shared>>
    %dma_wait3A_227 = arith.constant 0 : i32
    %dma_wait3A_228 = arith.constant 0 : i32
    %dma_wait3A_229 = tpu.memref_slice %arg9[%dma_wait3A_218, %dma_wait3A_227, %dma_wait3A_228] : memref<3x80x128xf32, #tpu.memory_space<vmem>> -> memref<1x80x128xf32, #tpu.memory_space<vmem>>
    %dma_wait3A_230 = tpu.memref_squeeze %dma_wait3A_229 : memref<1x80x128xf32, #tpu.memory_space<vmem>> -> memref<80x128xf32, #tpu.memory_space<vmem>>
    tpu.wait_dma2 semaphore(%arg15 : memref<!tpu.dma_semaphore, #tpu.memory_space<semaphore_mem>>) src(%dma_wait3A_230 : memref<80x128xf32, #tpu.memory_space<vmem>>) dst(%dma_wait3A_226 : memref<80x128xf32, #tpu.memory_space<vmem_shared>>)
    %mul3A_231 = arith.constant 125 : i32
    %mul3A_232 = arith.muli %add3A, %mul3A_231 : i32
    %broadcast_in_dim3A_233 = arith.constant 1.000000e+00 : f32
    %broadcast_in_dim3A_234 = vector.broadcast %broadcast_in_dim3A_233 : f32 to vector<16xf32>
    %add3A_235 = arith.constant 0 : i32
    %add3A_236 = arith.addi %mul3A_232, %add3A_235 : i32
    %dma_start3A_237 = arith.constant 0 : i32
    %dma_start3A_238 = arith.constant 0 : i32
    %dma_start3A_239 = arith.constant 0 : i32
    %dma_start3A_240 = tpu.memref_slice %arg8[%dma_start3A_237, %dma_start3A_238, %dma_start3A_239] : memref<4x2x80xi32, #tpu.memory_space<vmem>> -> memref<1x2x80xi32, #tpu.memory_space<vmem>>
    %dma_start3A_241 = tpu.memref_squeeze %dma_start3A_240 : memref<1x2x80xi32, #tpu.memory_space<vmem>> -> memref<2x80xi32, #tpu.memory_space<vmem>>
    %dma_start3A_242 = arith.constant 0 : i32
    %dma_start3A_243 = arith.constant 0 : i32
    %dma_start3A_244 = tpu.memref_slice %arg3[%add3A_236, %dma_start3A_242, %dma_start3A_243] : memref<4000x2x80xi32, #tpu.memory_space<hbm>> -> memref<1x2x80xi32, #tpu.memory_space<hbm>>
    %dma_start3A_245 = tpu.memref_squeeze %dma_start3A_244 : memref<1x2x80xi32, #tpu.memory_space<hbm>> -> memref<2x80xi32, #tpu.memory_space<hbm>>
    %dma_start3A_246 = arith.constant 0 : i32
    %dma_start3A_247 = arith.constant 0 : i32
    %dma_start3A_248 = tpu.memref_slice %arg8[%dma_start3A_237, %dma_start3A_246, %dma_start3A_247] : memref<4x2x80xi32, #tpu.memory_space<vmem>> -> memref<1x2x80xi32, #tpu.memory_space<vmem>>
    %dma_start3A_249 = tpu.memref_squeeze %dma_start3A_248 : memref<1x2x80xi32, #tpu.memory_space<vmem>> -> memref<2x80xi32, #tpu.memory_space<vmem>>
    %dma_start3A_250 = arith.constant 0 : i32
    %dma_start3A_251 = arith.constant 0 : i32
    %dma_start3A_252 = tpu.memref_slice %arg3[%add3A_236, %dma_start3A_250, %dma_start3A_251] : memref<4000x2x80xi32, #tpu.memory_space<hbm>> -> memref<1x2x80xi32, #tpu.memory_space<hbm>>
    %dma_start3A_253 = tpu.memref_squeeze %dma_start3A_252 : memref<1x2x80xi32, #tpu.memory_space<hbm>> -> memref<2x80xi32, #tpu.memory_space<hbm>>
    tpu.enqueue_dma source(%dma_start3A_253 : memref<2x80xi32, #tpu.memory_space<hbm>>) target(%dma_start3A_249 : memref<2x80xi32, #tpu.memory_space<vmem>>) target_semaphore(%arg15 : memref<!tpu.dma_semaphore, #tpu.memory_space<semaphore_mem>>)
    %add3A_254 = arith.constant 1 : i32
    %add3A_255 = arith.addi %mul3A_232, %add3A_254 : i32
    %dma_start3A_256 = arith.constant 1 : i32
    %dma_start3A_257 = arith.constant 0 : i32
    %dma_start3A_258 = arith.constant 0 : i32
    %dma_start3A_259 = tpu.memref_slice %arg8[%dma_start3A_256, %dma_start3A_257, %dma_start3A_258] : memref<4x2x80xi32, #tpu.memory_space<vmem>> -> memref<1x2x80xi32, #tpu.memory_space<vmem>>
    %dma_start3A_260 = tpu.memref_squeeze %dma_start3A_259 : memref<1x2x80xi32, #tpu.memory_space<vmem>> -> memref<2x80xi32, #tpu.memory_space<vmem>>
    %dma_start3A_261 = arith.constant 0 : i32
    %dma_start3A_262 = arith.constant 0 : i32
    %dma_start3A_263 = tpu.memref_slice %arg3[%add3A_255, %dma_start3A_261, %dma_start3A_262] : memref<4000x2x80xi32, #tpu.memory_space<hbm>> -> memref<1x2x80xi32, #tpu.memory_space<hbm>>
    %dma_start3A_264 = tpu.memref_squeeze %dma_start3A_263 : memref<1x2x80xi32, #tpu.memory_space<hbm>> -> memref<2x80xi32, #tpu.memory_space<hbm>>
    %dma_start3A_265 = arith.constant 0 : i32
    %dma_start3A_266 = arith.constant 0 : i32
    %dma_start3A_267 = tpu.memref_slice %arg8[%dma_start3A_256, %dma_start3A_265, %dma_start3A_266] : memref<4x2x80xi32, #tpu.memory_space<vmem>> -> memref<1x2x80xi32, #tpu.memory_space<vmem>>
    %dma_start3A_268 = tpu.memref_squeeze %dma_start3A_267 : memref<1x2x80xi32, #tpu.memory_space<vmem>> -> memref<2x80xi32, #tpu.memory_space<vmem>>
    %dma_start3A_269 = arith.constant 0 : i32
    %dma_start3A_270 = arith.constant 0 : i32
    %dma_start3A_271 = tpu.memref_slice %arg3[%add3A_255, %dma_start3A_269, %dma_start3A_270] : memref<4000x2x80xi32, #tpu.memory_space<hbm>> -> memref<1x2x80xi32, #tpu.memory_space<hbm>>
    %dma_start3A_272 = tpu.memref_squeeze %dma_start3A_271 : memref<1x2x80xi32, #tpu.memory_space<hbm>> -> memref<2x80xi32, #tpu.memory_space<hbm>>
    tpu.enqueue_dma source(%dma_start3A_272 : memref<2x80xi32, #tpu.memory_space<hbm>>) target(%dma_start3A_268 : memref<2x80xi32, #tpu.memory_space<vmem>>) target_semaphore(%arg16 : memref<!tpu.dma_semaphore, #tpu.memory_space<semaphore_mem>>)
    %dma_wait3A_273 = arith.constant 0 : i32
    %dma_wait3A_274 = arith.constant 0 : i32
    %dma_wait3A_275 = arith.constant 0 : i32
    %dma_wait3A_276 = tpu.memref_slice %arg8[%dma_wait3A_273, %dma_wait3A_274, %dma_wait3A_275] : memref<4x2x80xi32, #tpu.memory_space<vmem>> -> memref<1x2x80xi32, #tpu.memory_space<vmem>>
    %dma_wait3A_277 = tpu.memref_squeeze %dma_wait3A_276 : memref<1x2x80xi32, #tpu.memory_space<vmem>> -> memref<2x80xi32, #tpu.memory_space<vmem>>
    %dma_wait3A_278 = arith.constant 0 : i32
    %dma_wait3A_279 = arith.constant 0 : i32
    %dma_wait3A_280 = tpu.memref_slice %arg3[%mul3A_232, %dma_wait3A_278, %dma_wait3A_279] : memref<4000x2x80xi32, #tpu.memory_space<hbm>> -> memref<1x2x80xi32, #tpu.memory_space<hbm>>
    %dma_wait3A_281 = tpu.memref_squeeze %dma_wait3A_280 : memref<1x2x80xi32, #tpu.memory_space<hbm>> -> memref<2x80xi32, #tpu.memory_space<hbm>>
    %dma_wait3A_282 = arith.constant 0 : i32
    %dma_wait3A_283 = arith.constant 0 : i32
    %dma_wait3A_284 = tpu.memref_slice %arg8[%dma_wait3A_273, %dma_wait3A_282, %dma_wait3A_283] : memref<4x2x80xi32, #tpu.memory_space<vmem>> -> memref<1x2x80xi32, #tpu.memory_space<vmem>>
    %dma_wait3A_285 = tpu.memref_squeeze %dma_wait3A_284 : memref<1x2x80xi32, #tpu.memory_space<vmem>> -> memref<2x80xi32, #tpu.memory_space<vmem>>
    %dma_wait3A_286 = arith.constant 0 : i32
    %dma_wait3A_287 = arith.constant 0 : i32
    %dma_wait3A_288 = tpu.memref_slice %arg3[%mul3A_232, %dma_wait3A_286, %dma_wait3A_287] : memref<4000x2x80xi32, #tpu.memory_space<hbm>> -> memref<1x2x80xi32, #tpu.memory_space<hbm>>
    %dma_wait3A_289 = tpu.memref_squeeze %dma_wait3A_288 : memref<1x2x80xi32, #tpu.memory_space<hbm>> -> memref<2x80xi32, #tpu.memory_space<hbm>>
    tpu.wait_dma2 semaphore(%arg15 : memref<!tpu.dma_semaphore, #tpu.memory_space<semaphore_mem>>) src(%dma_wait3A_289 : memref<2x80xi32, #tpu.memory_space<hbm>>) dst(%dma_wait3A_285 : memref<2x80xi32, #tpu.memory_space<vmem>>)
    %dma_start3A_290 = arith.constant 0 : i32
    %dma_start3A_291 = arith.constant 1 : i32
    %dma_start3A_292 = arith.constant 0 : i32
    %dma_start3A_293 = arith.constant 0 : i32
    %dma_start3A_294 = arith.constant 0 : i32
    %dma_start3A_295 = tpu.memref_slice %arg9[%dma_start3A_292, %dma_start3A_293, %dma_start3A_294] : memref<3x80x128xf32, #tpu.memory_space<vmem>> -> memref<1x80x128xf32, #tpu.memory_space<vmem>>
    %dma_start3A_296 = tpu.memref_squeeze %dma_start3A_295 : memref<1x80x128xf32, #tpu.memory_space<vmem>> -> memref<80x128xf32, #tpu.memory_space<vmem>>
    %dma_start3A_297 = arith.constant 0 : i32
    %dma_start3A_298 = tpu.memref_slice %arg8[%dma_start3A_290, %dma_start3A_291, %dma_start3A_297] : memref<4x2x80xi32, #tpu.memory_space<vmem>> -> memref<1x1x80xi32, #tpu.memory_space<vmem>>
    %dma_start3A_299 = tpu.memref_squeeze %dma_start3A_298 : memref<1x1x80xi32, #tpu.memory_space<vmem>> -> memref<80xi32, #tpu.memory_space<vmem>>
    %dma_start3A_300 = arith.constant 0 : i32
    %dma_start3A_301 = arith.constant 0 : i32
    %dma_start3A_302 = tpu.memref_slice %arg2[%dma_start3A_300, %dma_start3A_301] : memref<10000x128xf32, #tpu.memory_space<hbm>> -> memref<10000x128xf32, #tpu.memory_space<hbm>>
    tpu.enqueue_indirect_dma source(%dma_start3A_302 : memref<10000x128xf32, #tpu.memory_space<hbm>>) target(%dma_start3A_296 : memref<80x128xf32, #tpu.memory_space<vmem>>) offsets(%dma_start3A_299 : memref<80xi32, #tpu.memory_space<vmem>>) semaphore(%arg11 : memref<!tpu.dma_semaphore, #tpu.memory_space<semaphore_mem>>)
    %barrier3A = arith.constant 0 : index
    tpu.barrier barrier_id(%barrier3A)
    %dma_wait3A_303 = arith.constant 0 : i32
    %dma_wait3A_304 = arith.constant 1 : i32
    %dma_wait3A_305 = arith.constant 0 : i32
    %dma_wait3A_306 = arith.constant 0 : i32
    %dma_wait3A_307 = arith.constant 0 : i32
    %dma_wait3A_308 = tpu.memref_slice %arg9[%dma_wait3A_305, %dma_wait3A_306, %dma_wait3A_307] : memref<3x80x128xf32, #tpu.memory_space<vmem>> -> memref<1x80x128xf32, #tpu.memory_space<vmem>>
    %dma_wait3A_309 = tpu.memref_squeeze %dma_wait3A_308 : memref<1x80x128xf32, #tpu.memory_space<vmem>> -> memref<80x128xf32, #tpu.memory_space<vmem>>
    %dma_wait3A_310 = arith.constant 0 : i32
    %dma_wait3A_311 = tpu.memref_slice %arg8[%dma_wait3A_303, %dma_wait3A_304, %dma_wait3A_310] : memref<4x2x80xi32, #tpu.memory_space<vmem>> -> memref<1x1x80xi32, #tpu.memory_space<vmem>>
    %dma_wait3A_312 = tpu.memref_squeeze %dma_wait3A_311 : memref<1x1x80xi32, #tpu.memory_space<vmem>> -> memref<80xi32, #tpu.memory_space<vmem>>
    %dma_wait3A_313 = arith.constant 0 : i32
    %dma_wait3A_314 = arith.constant 0 : i32
    %dma_wait3A_315 = tpu.memref_slice %arg2[%dma_wait3A_313, %dma_wait3A_314] : memref<10000x128xf32, #tpu.memory_space<hbm>> -> memref<10000x128xf32, #tpu.memory_space<hbm>>
    tpu.wait_indirect_dma semaphore(%arg11 : memref<!tpu.dma_semaphore, #tpu.memory_space<semaphore_mem>>) src(%dma_wait3A_315 : memref<10000x128xf32, #tpu.memory_space<hbm>>) dst(%dma_wait3A_309 : memref<80x128xf32, #tpu.memory_space<vmem>>)
    %dma_start3A_316 = arith.constant 0 : i32
    %dma_start3A_317 = arith.constant 0 : i32
    %dma_start3A_318 = arith.constant 0 : i32
    %dma_start3A_319 = arith.constant 0 : i32
    %dma_start3A_320 = arith.constant 0 : i32
    %dma_start3A_321 = tpu.memref_slice %arg9[%dma_start3A_316, %dma_start3A_319, %dma_start3A_320] : memref<3x80x128xf32, #tpu.memory_space<vmem>> -> memref<1x80x128xf32, #tpu.memory_space<vmem>>
    %dma_start3A_322 = tpu.memref_squeeze %dma_start3A_321 : memref<1x80x128xf32, #tpu.memory_space<vmem>> -> memref<80x128xf32, #tpu.memory_space<vmem>>
    %dma_start3A_323 = arith.constant 0 : i32
    %dma_start3A_324 = tpu.memref_slice %arg8[%dma_start3A_317, %dma_start3A_318, %dma_start3A_323] : memref<4x2x80xi32, #tpu.memory_space<vmem>> -> memref<1x1x80xi32, #tpu.memory_space<vmem>>
    %dma_start3A_325 = tpu.memref_squeeze %dma_start3A_324 : memref<1x1x80xi32, #tpu.memory_space<vmem>> -> memref<80xi32, #tpu.memory_space<vmem>>
    %dma_start3A_326 = arith.constant 0 : i32
    %dma_start3A_327 = arith.constant 0 : i32
    %dma_start3A_328 = tpu.memref_slice %arg7[%dma_start3A_326, %dma_start3A_327] : memref<10240x128xf32, #tpu.memory_space<vmem_shared>> -> memref<10240x128xf32, #tpu.memory_space<vmem_shared>>
    tpu.enqueue_indirect_dma source(%dma_start3A_322 : memref<80x128xf32, #tpu.memory_space<vmem>>) target(%dma_start3A_328 : memref<10240x128xf32, #tpu.memory_space<vmem_shared>>) offsets(%dma_start3A_325 : memref<80xi32, #tpu.memory_space<vmem>>) semaphore(%arg12 : memref<!tpu.dma_semaphore, #tpu.memory_space<semaphore_mem>>) {add = true}
    %dma_wait3A_329 = arith.constant 1 : i32
    %dma_wait3A_330 = arith.constant 0 : i32
    %dma_wait3A_331 = arith.constant 0 : i32
    %dma_wait3A_332 = tpu.memref_slice %arg8[%dma_wait3A_329, %dma_wait3A_330, %dma_wait3A_331] : memref<4x2x80xi32, #tpu.memory_space<vmem>> -> memref<1x2x80xi32, #tpu.memory_space<vmem>>
    %dma_wait3A_333 = tpu.memref_squeeze %dma_wait3A_332 : memref<1x2x80xi32, #tpu.memory_space<vmem>> -> memref<2x80xi32, #tpu.memory_space<vmem>>
    %dma_wait3A_334 = arith.constant 0 : i32
    %dma_wait3A_335 = arith.constant 0 : i32
    %dma_wait3A_336 = tpu.memref_slice %arg3[%mul3A_232, %dma_wait3A_334, %dma_wait3A_335] : memref<4000x2x80xi32, #tpu.memory_space<hbm>> -> memref<1x2x80xi32, #tpu.memory_space<hbm>>
    %dma_wait3A_337 = tpu.memref_squeeze %dma_wait3A_336 : memref<1x2x80xi32, #tpu.memory_space<hbm>> -> memref<2x80xi32, #tpu.memory_space<hbm>>
    %dma_wait3A_338 = arith.constant 0 : i32
    %dma_wait3A_339 = arith.constant 0 : i32
    %dma_wait3A_340 = tpu.memref_slice %arg8[%dma_wait3A_329, %dma_wait3A_338, %dma_wait3A_339] : memref<4x2x80xi32, #tpu.memory_space<vmem>> -> memref<1x2x80xi32, #tpu.memory_space<vmem>>
    %dma_wait3A_341 = tpu.memref_squeeze %dma_wait3A_340 : memref<1x2x80xi32, #tpu.memory_space<vmem>> -> memref<2x80xi32, #tpu.memory_space<vmem>>
    %dma_wait3A_342 = arith.constant 0 : i32
    %dma_wait3A_343 = arith.constant 0 : i32
    %dma_wait3A_344 = tpu.memref_slice %arg3[%mul3A_232, %dma_wait3A_342, %dma_wait3A_343] : memref<4000x2x80xi32, #tpu.memory_space<hbm>> -> memref<1x2x80xi32, #tpu.memory_space<hbm>>
    %dma_wait3A_345 = tpu.memref_squeeze %dma_wait3A_344 : memref<1x2x80xi32, #tpu.memory_space<hbm>> -> memref<2x80xi32, #tpu.memory_space<hbm>>
    tpu.wait_dma2 semaphore(%arg16 : memref<!tpu.dma_semaphore, #tpu.memory_space<semaphore_mem>>) src(%dma_wait3A_345 : memref<2x80xi32, #tpu.memory_space<hbm>>) dst(%dma_wait3A_341 : memref<2x80xi32, #tpu.memory_space<vmem>>)
    %dma_start3A_346 = arith.constant 1 : i32
    %dma_start3A_347 = arith.constant 1 : i32
    %dma_start3A_348 = arith.constant 1 : i32
    %dma_start3A_349 = arith.constant 0 : i32
    %dma_start3A_350 = arith.constant 0 : i32
    %dma_start3A_351 = tpu.memref_slice %arg9[%dma_start3A_348, %dma_start3A_349, %dma_start3A_350] : memref<3x80x128xf32, #tpu.memory_space<vmem>> -> memref<1x80x128xf32, #tpu.memory_space<vmem>>
    %dma_start3A_352 = tpu.memref_squeeze %dma_start3A_351 : memref<1x80x128xf32, #tpu.memory_space<vmem>> -> memref<80x128xf32, #tpu.memory_space<vmem>>
    %dma_start3A_353 = arith.constant 0 : i32
    %dma_start3A_354 = tpu.memref_slice %arg8[%dma_start3A_346, %dma_start3A_347, %dma_start3A_353] : memref<4x2x80xi32, #tpu.memory_space<vmem>> -> memref<1x1x80xi32, #tpu.memory_space<vmem>>
    %dma_start3A_355 = tpu.memref_squeeze %dma_start3A_354 : memref<1x1x80xi32, #tpu.memory_space<vmem>> -> memref<80xi32, #tpu.memory_space<vmem>>
    %dma_start3A_356 = arith.constant 0 : i32
    %dma_start3A_357 = arith.constant 0 : i32
    %dma_start3A_358 = tpu.memref_slice %arg2[%dma_start3A_356, %dma_start3A_357] : memref<10000x128xf32, #tpu.memory_space<hbm>> -> memref<10000x128xf32, #tpu.memory_space<hbm>>
    tpu.enqueue_indirect_dma source(%dma_start3A_358 : memref<10000x128xf32, #tpu.memory_space<hbm>>) target(%dma_start3A_352 : memref<80x128xf32, #tpu.memory_space<vmem>>) offsets(%dma_start3A_355 : memref<80xi32, #tpu.memory_space<vmem>>) semaphore(%arg11 : memref<!tpu.dma_semaphore, #tpu.memory_space<semaphore_mem>>)
    %add3A_359 = arith.constant 2 : i32
    %add3A_360 = arith.addi %mul3A_232, %add3A_359 : i32
    %dma_start3A_361 = arith.constant 2 : i32
    %dma_start3A_362 = arith.constant 0 : i32
    %dma_start3A_363 = arith.constant 0 : i32
    %dma_start3A_364 = tpu.memref_slice %arg8[%dma_start3A_361, %dma_start3A_362, %dma_start3A_363] : memref<4x2x80xi32, #tpu.memory_space<vmem>> -> memref<1x2x80xi32, #tpu.memory_space<vmem>>
    %dma_start3A_365 = tpu.memref_squeeze %dma_start3A_364 : memref<1x2x80xi32, #tpu.memory_space<vmem>> -> memref<2x80xi32, #tpu.memory_space<vmem>>
    %dma_start3A_366 = arith.constant 0 : i32
    %dma_start3A_367 = arith.constant 0 : i32
    %dma_start3A_368 = tpu.memref_slice %arg3[%add3A_360, %dma_start3A_366, %dma_start3A_367] : memref<4000x2x80xi32, #tpu.memory_space<hbm>> -> memref<1x2x80xi32, #tpu.memory_space<hbm>>
    %dma_start3A_369 = tpu.memref_squeeze %dma_start3A_368 : memref<1x2x80xi32, #tpu.memory_space<hbm>> -> memref<2x80xi32, #tpu.memory_space<hbm>>
    %dma_start3A_370 = arith.constant 0 : i32
    %dma_start3A_371 = arith.constant 0 : i32
    %dma_start3A_372 = tpu.memref_slice %arg8[%dma_start3A_361, %dma_start3A_370, %dma_start3A_371] : memref<4x2x80xi32, #tpu.memory_space<vmem>> -> memref<1x2x80xi32, #tpu.memory_space<vmem>>
    %dma_start3A_373 = tpu.memref_squeeze %dma_start3A_372 : memref<1x2x80xi32, #tpu.memory_space<vmem>> -> memref<2x80xi32, #tpu.memory_space<vmem>>
    %dma_start3A_374 = arith.constant 0 : i32
    %dma_start3A_375 = arith.constant 0 : i32
    %dma_start3A_376 = tpu.memref_slice %arg3[%add3A_360, %dma_start3A_374, %dma_start3A_375] : memref<4000x2x80xi32, #tpu.memory_space<hbm>> -> memref<1x2x80xi32, #tpu.memory_space<hbm>>
    %dma_start3A_377 = tpu.memref_squeeze %dma_start3A_376 : memref<1x2x80xi32, #tpu.memory_space<hbm>> -> memref<2x80xi32, #tpu.memory_space<hbm>>
    tpu.enqueue_dma source(%dma_start3A_377 : memref<2x80xi32, #tpu.memory_space<hbm>>) target(%dma_start3A_373 : memref<2x80xi32, #tpu.memory_space<vmem>>) target_semaphore(%arg17 : memref<!tpu.dma_semaphore, #tpu.memory_space<semaphore_mem>>)
    %get3A = arith.constant 0 : i32
    %get3A_378 = arith.constant 0 : i32
    %get3A_379 = arith.index_cast %get3A : i32 to index
    %get3A_380 = arith.index_cast %get3A_378 : i32 to index
    %get3A_381 = arith.constant 0 : index
    %get3A_382 = tpu.vector_load %arg8[%get3A_379, %get3A_380, %get3A_381] {strides = array<i32>} : memref<4x2x80xi32, #tpu.memory_space<vmem>>, vector<16xi32>,
    tpu.vector_store_idx %arg10[%get3A_382], %broadcast_in_dim3A_234 {add = true} : memref<10240xf32, #tpu.memory_space<vmem>>[vector<16xi32>], vector<16xf32>,
    %get3A_383 = arith.constant 0 : i32
    %get3A_384 = arith.constant 0 : i32
    %get3A_385 = arith.index_cast %get3A_383 : i32 to index
    %get3A_386 = arith.index_cast %get3A_384 : i32 to index
    %get3A_387 = arith.constant 16 : index
    %get3A_388 = tpu.vector_load %arg8[%get3A_385, %get3A_386, %get3A_387] {strides = array<i32>} : memref<4x2x80xi32, #tpu.memory_space<vmem>>, vector<16xi32>,
    tpu.vector_store_idx %arg10[%get3A_388], %broadcast_in_dim3A_234 {add = true} : memref<10240xf32, #tpu.memory_space<vmem>>[vector<16xi32>], vector<16xf32>,
    %get3A_389 = arith.constant 0 : i32
    %get3A_390 = arith.constant 0 : i32
    %get3A_391 = arith.index_cast %get3A_389 : i32 to index
    %get3A_392 = arith.index_cast %get3A_390 : i32 to index
    %get3A_393 = arith.constant 32 : index
    %get3A_394 = tpu.vector_load %arg8[%get3A_391, %get3A_392, %get3A_393] {strides = array<i32>} : memref<4x2x80xi32, #tpu.memory_space<vmem>>, vector<16xi32>,
    tpu.vector_store_idx %arg10[%get3A_394], %broadcast_in_dim3A_234 {add = true} : memref<10240xf32, #tpu.memory_space<vmem>>[vector<16xi32>], vector<16xf32>,
    %get3A_395 = arith.constant 0 : i32
    %get3A_396 = arith.constant 0 : i32
    %get3A_397 = arith.index_cast %get3A_395 : i32 to index
    %get3A_398 = arith.index_cast %get3A_396 : i32 to index
    %get3A_399 = arith.constant 48 : index
    %get3A_400 = tpu.vector_load %arg8[%get3A_397, %get3A_398, %get3A_399] {strides = array<i32>} : memref<4x2x80xi32, #tpu.memory_space<vmem>>, vector<16xi32>,
    tpu.vector_store_idx %arg10[%get3A_400], %broadcast_in_dim3A_234 {add = true} : memref<10240xf32, #tpu.memory_space<vmem>>[vector<16xi32>], vector<16xf32>,
    %get3A_401 = arith.constant 0 : i32
    %get3A_402 = arith.constant 0 : i32
    %get3A_403 = arith.index_cast %get3A_401 : i32 to index
    %get3A_404 = arith.index_cast %get3A_402 : i32 to index
    %get3A_405 = arith.constant 64 : index
    %get3A_406 = tpu.vector_load %arg8[%get3A_403, %get3A_404, %get3A_405] {strides = array<i32>} : memref<4x2x80xi32, #tpu.memory_space<vmem>>, vector<16xi32>,
    tpu.vector_store_idx %arg10[%get3A_406], %broadcast_in_dim3A_234 {add = true} : memref<10240xf32, #tpu.memory_space<vmem>>[vector<16xi32>], vector<16xf32>,
    %dma_wait3A_407 = arith.constant 0 : i32
    %dma_wait3A_408 = arith.constant 1 : i32
    %dma_wait3A_409 = arith.constant 1 : i32
    %dma_wait3A_410 = arith.constant 0 : i32
    %dma_wait3A_411 = arith.constant 0 : i32
    %dma_wait3A_412 = tpu.memref_slice %arg9[%dma_wait3A_409, %dma_wait3A_410, %dma_wait3A_411] : memref<3x80x128xf32, #tpu.memory_space<vmem>> -> memref<1x80x128xf32, #tpu.memory_space<vmem>>
    %dma_wait3A_413 = tpu.memref_squeeze %dma_wait3A_412 : memref<1x80x128xf32, #tpu.memory_space<vmem>> -> memref<80x128xf32, #tpu.memory_space<vmem>>
    %dma_wait3A_414 = arith.constant 0 : i32
    %dma_wait3A_415 = tpu.memref_slice %arg8[%dma_wait3A_407, %dma_wait3A_408, %dma_wait3A_414] : memref<4x2x80xi32, #tpu.memory_space<vmem>> -> memref<1x1x80xi32, #tpu.memory_space<vmem>>
    %dma_wait3A_416 = tpu.memref_squeeze %dma_wait3A_415 : memref<1x1x80xi32, #tpu.memory_space<vmem>> -> memref<80xi32, #tpu.memory_space<vmem>>
    %dma_wait3A_417 = arith.constant 0 : i32
    %dma_wait3A_418 = arith.constant 0 : i32
    %dma_wait3A_419 = tpu.memref_slice %arg2[%dma_wait3A_417, %dma_wait3A_418] : memref<10000x128xf32, #tpu.memory_space<hbm>> -> memref<10000x128xf32, #tpu.memory_space<hbm>>
    tpu.wait_indirect_dma semaphore(%arg11 : memref<!tpu.dma_semaphore, #tpu.memory_space<semaphore_mem>>) src(%dma_wait3A_419 : memref<10000x128xf32, #tpu.memory_space<hbm>>) dst(%dma_wait3A_413 : memref<80x128xf32, #tpu.memory_space<vmem>>)
    %dma_start3A_420 = arith.constant 1 : i32
    %dma_start3A_421 = arith.constant 1 : i32
    %dma_start3A_422 = arith.constant 0 : i32
    %dma_start3A_423 = arith.constant 0 : i32
    %dma_start3A_424 = arith.constant 0 : i32
    %dma_start3A_425 = tpu.memref_slice %arg9[%dma_start3A_420, %dma_start3A_423, %dma_start3A_424] : memref<3x80x128xf32, #tpu.memory_space<vmem>> -> memref<1x80x128xf32, #tpu.memory_space<vmem>>
    %dma_start3A_426 = tpu.memref_squeeze %dma_start3A_425 : memref<1x80x128xf32, #tpu.memory_space<vmem>> -> memref<80x128xf32, #tpu.memory_space<vmem>>
    %dma_start3A_427 = arith.constant 0 : i32
    %dma_start3A_428 = tpu.memref_slice %arg8[%dma_start3A_421, %dma_start3A_422, %dma_start3A_427] : memref<4x2x80xi32, #tpu.memory_space<vmem>> -> memref<1x1x80xi32, #tpu.memory_space<vmem>>
    %dma_start3A_429 = tpu.memref_squeeze %dma_start3A_428 : memref<1x1x80xi32, #tpu.memory_space<vmem>> -> memref<80xi32, #tpu.memory_space<vmem>>
    %dma_start3A_430 = arith.constant 0 : i32
    %dma_start3A_431 = arith.constant 0 : i32
    %dma_start3A_432 = tpu.memref_slice %arg7[%dma_start3A_430, %dma_start3A_431] : memref<10240x128xf32, #tpu.memory_space<vmem_shared>> -> memref<10240x128xf32, #tpu.memory_space<vmem_shared>>
    tpu.enqueue_indirect_dma source(%dma_start3A_426 : memref<80x128xf32, #tpu.memory_space<vmem>>) target(%dma_start3A_432 : memref<10240x128xf32, #tpu.memory_space<vmem_shared>>) offsets(%dma_start3A_429 : memref<80xi32, #tpu.memory_space<vmem>>) semaphore(%arg13 : memref<!tpu.dma_semaphore, #tpu.memory_space<semaphore_mem>>) {add = true}
    %dma_wait3A_433 = arith.constant 2 : i32
    %dma_wait3A_434 = arith.constant 0 : i32
    %dma_wait3A_435 = arith.constant 0 : i32
    %dma_wait3A_436 = tpu.memref_slice %arg8[%dma_wait3A_433, %dma_wait3A_434, %dma_wait3A_435] : memref<4x2x80xi32, #tpu.memory_space<vmem>> -> memref<1x2x80xi32, #tpu.memory_space<vmem>>
    %dma_wait3A_437 = tpu.memref_squeeze %dma_wait3A_436 : memref<1x2x80xi32, #tpu.memory_space<vmem>> -> memref<2x80xi32, #tpu.memory_space<vmem>>
    %dma_wait3A_438 = arith.constant 0 : i32
    %dma_wait3A_439 = arith.constant 0 : i32
    %dma_wait3A_440 = tpu.memref_slice %arg3[%mul3A_232, %dma_wait3A_438, %dma_wait3A_439] : memref<4000x2x80xi32, #tpu.memory_space<hbm>> -> memref<1x2x80xi32, #tpu.memory_space<hbm>>
    %dma_wait3A_441 = tpu.memref_squeeze %dma_wait3A_440 : memref<1x2x80xi32, #tpu.memory_space<hbm>> -> memref<2x80xi32, #tpu.memory_space<hbm>>
    %dma_wait3A_442 = arith.constant 0 : i32
    %dma_wait3A_443 = arith.constant 0 : i32
    %dma_wait3A_444 = tpu.memref_slice %arg8[%dma_wait3A_433, %dma_wait3A_442, %dma_wait3A_443] : memref<4x2x80xi32, #tpu.memory_space<vmem>> -> memref<1x2x80xi32, #tpu.memory_space<vmem>>
    %dma_wait3A_445 = tpu.memref_squeeze %dma_wait3A_444 : memref<1x2x80xi32, #tpu.memory_space<vmem>> -> memref<2x80xi32, #tpu.memory_space<vmem>>
    %dma_wait3A_446 = arith.constant 0 : i32
    %dma_wait3A_447 = arith.constant 0 : i32
    %dma_wait3A_448 = tpu.memref_slice %arg3[%mul3A_232, %dma_wait3A_446, %dma_wait3A_447] : memref<4000x2x80xi32, #tpu.memory_space<hbm>> -> memref<1x2x80xi32, #tpu.memory_space<hbm>>
    %dma_wait3A_449 = tpu.memref_squeeze %dma_wait3A_448 : memref<1x2x80xi32, #tpu.memory_space<hbm>> -> memref<2x80xi32, #tpu.memory_space<hbm>>
    tpu.wait_dma2 semaphore(%arg17 : memref<!tpu.dma_semaphore, #tpu.memory_space<semaphore_mem>>) src(%dma_wait3A_449 : memref<2x80xi32, #tpu.memory_space<hbm>>) dst(%dma_wait3A_445 : memref<2x80xi32, #tpu.memory_space<vmem>>)
    %dma_start3A_450 = arith.constant 2 : i32
    %dma_start3A_451 = arith.constant 1 : i32
    %dma_start3A_452 = arith.constant 2 : i32
    %dma_start3A_453 = arith.constant 0 : i32
    %dma_start3A_454 = arith.constant 0 : i32
    %dma_start3A_455 = tpu.memref_slice %arg9[%dma_start3A_452, %dma_start3A_453, %dma_start3A_454] : memref<3x80x128xf32, #tpu.memory_space<vmem>> -> memref<1x80x128xf32, #tpu.memory_space<vmem>>
    %dma_start3A_456 = tpu.memref_squeeze %dma_start3A_455 : memref<1x80x128xf32, #tpu.memory_space<vmem>> -> memref<80x128xf32, #tpu.memory_space<vmem>>
    %dma_start3A_457 = arith.constant 0 : i32
    %dma_start3A_458 = tpu.memref_slice %arg8[%dma_start3A_450, %dma_start3A_451, %dma_start3A_457] : memref<4x2x80xi32, #tpu.memory_space<vmem>> -> memref<1x1x80xi32, #tpu.memory_space<vmem>>
    %dma_start3A_459 = tpu.memref_squeeze %dma_start3A_458 : memref<1x1x80xi32, #tpu.memory_space<vmem>> -> memref<80xi32, #tpu.memory_space<vmem>>
    %dma_start3A_460 = arith.constant 0 : i32
    %dma_start3A_461 = arith.constant 0 : i32
    %dma_start3A_462 = tpu.memref_slice %arg2[%dma_start3A_460, %dma_start3A_461] : memref<10000x128xf32, #tpu.memory_space<hbm>> -> memref<10000x128xf32, #tpu.memory_space<hbm>>
    tpu.enqueue_indirect_dma source(%dma_start3A_462 : memref<10000x128xf32, #tpu.memory_space<hbm>>) target(%dma_start3A_456 : memref<80x128xf32, #tpu.memory_space<vmem>>) offsets(%dma_start3A_459 : memref<80xi32, #tpu.memory_space<vmem>>) semaphore(%arg11 : memref<!tpu.dma_semaphore, #tpu.memory_space<semaphore_mem>>)
    %add3A_463 = arith.constant 3 : i32
    %add3A_464 = arith.addi %mul3A_232, %add3A_463 : i32
    %dma_start3A_465 = arith.constant 3 : i32
    %dma_start3A_466 = arith.constant 0 : i32
    %dma_start3A_467 = arith.constant 0 : i32
    %dma_start3A_468 = tpu.memref_slice %arg8[%dma_start3A_465, %dma_start3A_466, %dma_start3A_467] : memref<4x2x80xi32, #tpu.memory_space<vmem>> -> memref<1x2x80xi32, #tpu.memory_space<vmem>>
    %dma_start3A_469 = tpu.memref_squeeze %dma_start3A_468 : memref<1x2x80xi32, #tpu.memory_space<vmem>> -> memref<2x80xi32, #tpu.memory_space<vmem>>
    %dma_start3A_470 = arith.constant 0 : i32
    %dma_start3A_471 = arith.constant 0 : i32
    %dma_start3A_472 = tpu.memref_slice %arg3[%add3A_464, %dma_start3A_470, %dma_start3A_471] : memref<4000x2x80xi32, #tpu.memory_space<hbm>> -> memref<1x2x80xi32, #tpu.memory_space<hbm>>
    %dma_start3A_473 = tpu.memref_squeeze %dma_start3A_472 : memref<1x2x80xi32, #tpu.memory_space<hbm>> -> memref<2x80xi32, #tpu.memory_space<hbm>>
    %dma_start3A_474 = arith.constant 0 : i32
    %dma_start3A_475 = arith.constant 0 : i32
    %dma_start3A_476 = tpu.memref_slice %arg8[%dma_start3A_465, %dma_start3A_474, %dma_start3A_475] : memref<4x2x80xi32, #tpu.memory_space<vmem>> -> memref<1x2x80xi32, #tpu.memory_space<vmem>>
    %dma_start3A_477 = tpu.memref_squeeze %dma_start3A_476 : memref<1x2x80xi32, #tpu.memory_space<vmem>> -> memref<2x80xi32, #tpu.memory_space<vmem>>
    %dma_start3A_478 = arith.constant 0 : i32
    %dma_start3A_479 = arith.constant 0 : i32
    %dma_start3A_480 = tpu.memref_slice %arg3[%add3A_464, %dma_start3A_478, %dma_start3A_479] : memref<4000x2x80xi32, #tpu.memory_space<hbm>> -> memref<1x2x80xi32, #tpu.memory_space<hbm>>
    %dma_start3A_481 = tpu.memref_squeeze %dma_start3A_480 : memref<1x2x80xi32, #tpu.memory_space<hbm>> -> memref<2x80xi32, #tpu.memory_space<hbm>>
    tpu.enqueue_dma source(%dma_start3A_481 : memref<2x80xi32, #tpu.memory_space<hbm>>) target(%dma_start3A_477 : memref<2x80xi32, #tpu.memory_space<vmem>>) target_semaphore(%arg18 : memref<!tpu.dma_semaphore, #tpu.memory_space<semaphore_mem>>)
    %get3A_482 = arith.constant 1 : i32
    %get3A_483 = arith.constant 0 : i32
    %get3A_484 = arith.index_cast %get3A_482 : i32 to index
    %get3A_485 = arith.index_cast %get3A_483 : i32 to index
    %get3A_486 = arith.constant 0 : index
    %get3A_487 = tpu.vector_load %arg8[%get3A_484, %get3A_485, %get3A_486] {strides = array<i32>} : memref<4x2x80xi32, #tpu.memory_space<vmem>>, vector<16xi32>,
    tpu.vector_store_idx %arg10[%get3A_487], %broadcast_in_dim3A_234 {add = true} : memref<10240xf32, #tpu.memory_space<vmem>>[vector<16xi32>], vector<16xf32>,
    %get3A_488 = arith.constant 1 : i32
    %get3A_489 = arith.constant 0 : i32
    %get3A_490 = arith.index_cast %get3A_488 : i32 to index
    %get3A_491 = arith.index_cast %get3A_489 : i32 to index
    %get3A_492 = arith.constant 16 : index
    %get3A_493 = tpu.vector_load %arg8[%get3A_490, %get3A_491, %get3A_492] {strides = array<i32>} : memref<4x2x80xi32, #tpu.memory_space<vmem>>, vector<16xi32>,
    tpu.vector_store_idx %arg10[%get3A_493], %broadcast_in_dim3A_234 {add = true} : memref<10240xf32, #tpu.memory_space<vmem>>[vector<16xi32>], vector<16xf32>,
    %get3A_494 = arith.constant 1 : i32
    %get3A_495 = arith.constant 0 : i32
    %get3A_496 = arith.index_cast %get3A_494 : i32 to index
    %get3A_497 = arith.index_cast %get3A_495 : i32 to index
    %get3A_498 = arith.constant 32 : index
    %get3A_499 = tpu.vector_load %arg8[%get3A_496, %get3A_497, %get3A_498] {strides = array<i32>} : memref<4x2x80xi32, #tpu.memory_space<vmem>>, vector<16xi32>,
    tpu.vector_store_idx %arg10[%get3A_499], %broadcast_in_dim3A_234 {add = true} : memref<10240xf32, #tpu.memory_space<vmem>>[vector<16xi32>], vector<16xf32>,
    %get3A_500 = arith.constant 1 : i32
    %get3A_501 = arith.constant 0 : i32
    %get3A_502 = arith.index_cast %get3A_500 : i32 to index
    %get3A_503 = arith.index_cast %get3A_501 : i32 to index
    %get3A_504 = arith.constant 48 : index
    %get3A_505 = tpu.vector_load %arg8[%get3A_502, %get3A_503, %get3A_504] {strides = array<i32>} : memref<4x2x80xi32, #tpu.memory_space<vmem>>, vector<16xi32>,
    tpu.vector_store_idx %arg10[%get3A_505], %broadcast_in_dim3A_234 {add = true} : memref<10240xf32, #tpu.memory_space<vmem>>[vector<16xi32>], vector<16xf32>,
    %get3A_506 = arith.constant 1 : i32
    %get3A_507 = arith.constant 0 : i32
    %get3A_508 = arith.index_cast %get3A_506 : i32 to index
    %get3A_509 = arith.index_cast %get3A_507 : i32 to index
    %get3A_510 = arith.constant 64 : index
    %get3A_511 = tpu.vector_load %arg8[%get3A_508, %get3A_509, %get3A_510] {strides = array<i32>} : memref<4x2x80xi32, #tpu.memory_space<vmem>>, vector<16xi32>,
    tpu.vector_store_idx %arg10[%get3A_511], %broadcast_in_dim3A_234 {add = true} : memref<10240xf32, #tpu.memory_space<vmem>>[vector<16xi32>], vector<16xf32>,
    %scan3A_512 = arith.constant 0 : i32
    %scan3A_513 = arith.constant 0 : i32
    %scan3A_514 = arith.constant 10 : i32
    %scan3A_515 = arith.addi %scan3A_513, %scan3A_514 : i32
    %scan3A_516 = arith.constant 1 : i32
    scf.for %scan3A_1107 = %scan3A_513 to %scan3A_515 step %scan3A_516  : i32 {
      %mul3A_1108 = arith.constant 12 : i32
      %mul3A_1109 = arith.muli %scan3A_1107, %mul3A_1108 : i32
      %add3A_1110 = arith.constant 2 : i32
      %add3A_1111 = arith.addi %add3A_1110, %mul3A_1109 : i32
      %add3A_1112 = arith.constant 0 : i32
      %add3A_1113 = arith.addi %add3A_1111, %add3A_1112 : i32
      %dma_wait3A_1114 = arith.constant 0 : i32
      %dma_wait3A_1115 = arith.constant 1 : i32
      %dma_wait3A_1116 = arith.constant 2 : i32
      %dma_wait3A_1117 = arith.constant 0 : i32
      %dma_wait3A_1118 = arith.constant 0 : i32
      %dma_wait3A_1119 = tpu.memref_slice %arg9[%dma_wait3A_1116, %dma_wait3A_1117, %dma_wait3A_1118] : memref<3x80x128xf32, #tpu.memory_space<vmem>> -> memref<1x80x128xf32, #tpu.memory_space<vmem>>
      %dma_wait3A_1120 = tpu.memref_squeeze %dma_wait3A_1119 : memref<1x80x128xf32, #tpu.memory_space<vmem>> -> memref<80x128xf32, #tpu.memory_space<vmem>>
      %dma_wait3A_1121 = arith.constant 0 : i32
      %dma_wait3A_1122 = tpu.memref_slice %arg8[%dma_wait3A_1114, %dma_wait3A_1115, %dma_wait3A_1121] : memref<4x2x80xi32, #tpu.memory_space<vmem>> -> memref<1x1x80xi32, #tpu.memory_space<vmem>>
      %dma_wait3A_1123 = tpu.memref_squeeze %dma_wait3A_1122 : memref<1x1x80xi32, #tpu.memory_space<vmem>> -> memref<80xi32, #tpu.memory_space<vmem>>
      %dma_wait3A_1124 = arith.constant 0 : i32
      %dma_wait3A_1125 = arith.constant 0 : i32
      %dma_wait3A_1126 = tpu.memref_slice %arg2[%dma_wait3A_1124, %dma_wait3A_1125] : memref<10000x128xf32, #tpu.memory_space<hbm>> -> memref<10000x128xf32, #tpu.memory_space<hbm>>
      tpu.wait_indirect_dma semaphore(%arg11 : memref<!tpu.dma_semaphore, #tpu.memory_space<semaphore_mem>>) src(%dma_wait3A_1126 : memref<10000x128xf32, #tpu.memory_space<hbm>>) dst(%dma_wait3A_1120 : memref<80x128xf32, #tpu.memory_space<vmem>>)
      %dma_start3A_1127 = arith.constant 2 : i32
      %dma_start3A_1128 = arith.constant 2 : i32
      %dma_start3A_1129 = arith.constant 0 : i32
      %dma_start3A_1130 = arith.constant 0 : i32
      %dma_start3A_1131 = arith.constant 0 : i32
      %dma_start3A_1132 = tpu.memref_slice %arg9[%dma_start3A_1127, %dma_start3A_1130, %dma_start3A_1131] : memref<3x80x128xf32, #tpu.memory_space<vmem>> -> memref<1x80x128xf32, #tpu.memory_space<vmem>>
      %dma_start3A_1133 = tpu.memref_squeeze %dma_start3A_1132 : memref<1x80x128xf32, #tpu.memory_space<vmem>> -> memref<80x128xf32, #tpu.memory_space<vmem>>
      %dma_start3A_1134 = arith.constant 0 : i32
      %dma_start3A_1135 = tpu.memref_slice %arg8[%dma_start3A_1128, %dma_start3A_1129, %dma_start3A_1134] : memref<4x2x80xi32, #tpu.memory_space<vmem>> -> memref<1x1x80xi32, #tpu.memory_space<vmem>>
      %dma_start3A_1136 = tpu.memref_squeeze %dma_start3A_1135 : memref<1x1x80xi32, #tpu.memory_space<vmem>> -> memref<80xi32, #tpu.memory_space<vmem>>
      %dma_start3A_1137 = arith.constant 0 : i32
      %dma_start3A_1138 = arith.constant 0 : i32
      %dma_start3A_1139 = tpu.memref_slice %arg7[%dma_start3A_1137, %dma_start3A_1138] : memref<10240x128xf32, #tpu.memory_space<vmem_shared>> -> memref<10240x128xf32, #tpu.memory_space<vmem_shared>>
      tpu.enqueue_indirect_dma source(%dma_start3A_1133 : memref<80x128xf32, #tpu.memory_space<vmem>>) target(%dma_start3A_1139 : memref<10240x128xf32, #tpu.memory_space<vmem_shared>>) offsets(%dma_start3A_1136 : memref<80xi32, #tpu.memory_space<vmem>>) semaphore(%arg14 : memref<!tpu.dma_semaphore, #tpu.memory_space<semaphore_mem>>) {add = true}
      %dma_wait3A_1140 = arith.constant 3 : i32
      %dma_wait3A_1141 = arith.constant 0 : i32
      %dma_wait3A_1142 = arith.constant 0 : i32
      %dma_wait3A_1143 = tpu.memref_slice %arg8[%dma_wait3A_1140, %dma_wait3A_1141, %dma_wait3A_1142] : memref<4x2x80xi32, #tpu.memory_space<vmem>> -> memref<1x2x80xi32, #tpu.memory_space<vmem>>
      %dma_wait3A_1144 = tpu.memref_squeeze %dma_wait3A_1143 : memref<1x2x80xi32, #tpu.memory_space<vmem>> -> memref<2x80xi32, #tpu.memory_space<vmem>>
      %dma_wait3A_1145 = arith.constant 0 : i32
      %dma_wait3A_1146 = arith.constant 0 : i32
      %dma_wait3A_1147 = tpu.memref_slice %arg3[%mul3A_232, %dma_wait3A_1145, %dma_wait3A_1146] : memref<4000x2x80xi32, #tpu.memory_space<hbm>> -> memref<1x2x80xi32, #tpu.memory_space<hbm>>
      %dma_wait3A_1148 = tpu.memref_squeeze %dma_wait3A_1147 : memref<1x2x80xi32, #tpu.memory_space<hbm>> -> memref<2x80xi32, #tpu.memory_space<hbm>>
      %dma_wait3A_1149 = arith.constant 0 : i32
      %dma_wait3A_1150 = arith.constant 0 : i32
      %dma_wait3A_1151 = tpu.memref_slice %arg8[%dma_wait3A_1140, %dma_wait3A_1149, %dma_wait3A_1150] : memref<4x2x80xi32, #tpu.memory_space<vmem>> -> memref<1x2x80xi32, #tpu.memory_space<vmem>>
      %dma_wait3A_1152 = tpu.memref_squeeze %dma_wait3A_1151 : memref<1x2x80xi32, #tpu.memory_space<vmem>> -> memref<2x80xi32, #tpu.memory_space<vmem>>
      %dma_wait3A_1153 = arith.constant 0 : i32
      %dma_wait3A_1154 = arith.constant 0 : i32
      %dma_wait3A_1155 = tpu.memref_slice %arg3[%mul3A_232, %dma_wait3A_1153, %dma_wait3A_1154] : memref<4000x2x80xi32, #tpu.memory_space<hbm>> -> memref<1x2x80xi32, #tpu.memory_space<hbm>>
      %dma_wait3A_1156 = tpu.memref_squeeze %dma_wait3A_1155 : memref<1x2x80xi32, #tpu.memory_space<hbm>> -> memref<2x80xi32, #tpu.memory_space<hbm>>
      tpu.wait_dma2 semaphore(%arg18 : memref<!tpu.dma_semaphore, #tpu.memory_space<semaphore_mem>>) src(%dma_wait3A_1156 : memref<2x80xi32, #tpu.memory_space<hbm>>) dst(%dma_wait3A_1152 : memref<2x80xi32, #tpu.memory_space<vmem>>)
      %dma_wait3A_1157 = arith.constant 0 : i32
      %dma_wait3A_1158 = arith.constant 0 : i32
      %dma_wait3A_1159 = arith.constant 0 : i32
      %dma_wait3A_1160 = arith.constant 0 : i32
      %dma_wait3A_1161 = arith.constant 0 : i32
      %dma_wait3A_1162 = tpu.memref_slice %arg9[%dma_wait3A_1157, %dma_wait3A_1160, %dma_wait3A_1161] : memref<3x80x128xf32, #tpu.memory_space<vmem>> -> memref<1x80x128xf32, #tpu.memory_space<vmem>>
      %dma_wait3A_1163 = tpu.memref_squeeze %dma_wait3A_1162 : memref<1x80x128xf32, #tpu.memory_space<vmem>> -> memref<80x128xf32, #tpu.memory_space<vmem>>
      %dma_wait3A_1164 = arith.constant 0 : i32
      %dma_wait3A_1165 = tpu.memref_slice %arg8[%dma_wait3A_1158, %dma_wait3A_1159, %dma_wait3A_1164] : memref<4x2x80xi32, #tpu.memory_space<vmem>> -> memref<1x1x80xi32, #tpu.memory_space<vmem>>
      %dma_wait3A_1166 = tpu.memref_squeeze %dma_wait3A_1165 : memref<1x1x80xi32, #tpu.memory_space<vmem>> -> memref<80xi32, #tpu.memory_space<vmem>>
      %dma_wait3A_1167 = arith.constant 0 : i32
      %dma_wait3A_1168 = arith.constant 0 : i32
      %dma_wait3A_1169 = tpu.memref_slice %arg7[%dma_wait3A_1167, %dma_wait3A_1168] : memref<10240x128xf32, #tpu.memory_space<vmem_shared>> -> memref<10240x128xf32, #tpu.memory_space<vmem_shared>>
      tpu.wait_indirect_dma semaphore(%arg12 : memref<!tpu.dma_semaphore, #tpu.memory_space<semaphore_mem>>) src(%dma_wait3A_1163 : memref<80x128xf32, #tpu.memory_space<vmem>>) dst(%dma_wait3A_1169 : memref<10240x128xf32, #tpu.memory_space<vmem_shared>>)
      %add3A_1170 = arith.constant 1 : i32
      %add3A_1171 = arith.addi %add3A_1113, %add3A_1170 : i32
      %dma_start3A_1172 = arith.constant 3 : i32
      %dma_start3A_1173 = arith.constant 1 : i32
      %dma_start3A_1174 = arith.constant 0 : i32
      %dma_start3A_1175 = arith.constant 0 : i32
      %dma_start3A_1176 = arith.constant 0 : i32
      %dma_start3A_1177 = tpu.memref_slice %arg9[%dma_start3A_1174, %dma_start3A_1175, %dma_start3A_1176] : memref<3x80x128xf32, #tpu.memory_space<vmem>> -> memref<1x80x128xf32, #tpu.memory_space<vmem>>
      %dma_start3A_1178 = tpu.memref_squeeze %dma_start3A_1177 : memref<1x80x128xf32, #tpu.memory_space<vmem>> -> memref<80x128xf32, #tpu.memory_space<vmem>>
      %dma_start3A_1179 = arith.constant 0 : i32
      %dma_start3A_1180 = tpu.memref_slice %arg8[%dma_start3A_1172, %dma_start3A_1173, %dma_start3A_1179] : memref<4x2x80xi32, #tpu.memory_space<vmem>> -> memref<1x1x80xi32, #tpu.memory_space<vmem>>
      %dma_start3A_1181 = tpu.memref_squeeze %dma_start3A_1180 : memref<1x1x80xi32, #tpu.memory_space<vmem>> -> memref<80xi32, #tpu.memory_space<vmem>>
      %dma_start3A_1182 = arith.constant 0 : i32
      %dma_start3A_1183 = arith.constant 0 : i32
      %dma_start3A_1184 = tpu.memref_slice %arg2[%dma_start3A_1182, %dma_start3A_1183] : memref<10000x128xf32, #tpu.memory_space<hbm>> -> memref<10000x128xf32, #tpu.memory_space<hbm>>
      tpu.enqueue_indirect_dma source(%dma_start3A_1184 : memref<10000x128xf32, #tpu.memory_space<hbm>>) target(%dma_start3A_1178 : memref<80x128xf32, #tpu.memory_space<vmem>>) offsets(%dma_start3A_1181 : memref<80xi32, #tpu.memory_space<vmem>>) semaphore(%arg11 : memref<!tpu.dma_semaphore, #tpu.memory_space<semaphore_mem>>)
      %add3A_1185 = arith.constant 2 : i32
      %add3A_1186 = arith.addi %add3A_1113, %add3A_1185 : i32
      %add3A_1187 = arith.addi %mul3A_232, %add3A_1186 : i32
      %dma_start3A_1188 = arith.constant 0 : i32
      %dma_start3A_1189 = arith.constant 0 : i32
      %dma_start3A_1190 = arith.constant 0 : i32
      %dma_start3A_1191 = tpu.memref_slice %arg8[%dma_start3A_1188, %dma_start3A_1189, %dma_start3A_1190] : memref<4x2x80xi32, #tpu.memory_space<vmem>> -> memref<1x2x80xi32, #tpu.memory_space<vmem>>
      %dma_start3A_1192 = tpu.memref_squeeze %dma_start3A_1191 : memref<1x2x80xi32, #tpu.memory_space<vmem>> -> memref<2x80xi32, #tpu.memory_space<vmem>>
      %dma_start3A_1193 = arith.constant 0 : i32
      %dma_start3A_1194 = arith.constant 0 : i32
      %dma_start3A_1195 = tpu.memref_slice %arg3[%add3A_1187, %dma_start3A_1193, %dma_start3A_1194] : memref<4000x2x80xi32, #tpu.memory_space<hbm>> -> memref<1x2x80xi32, #tpu.memory_space<hbm>>
      %dma_start3A_1196 = tpu.memref_squeeze %dma_start3A_1195 : memref<1x2x80xi32, #tpu.memory_space<hbm>> -> memref<2x80xi32, #tpu.memory_space<hbm>>
      %dma_start3A_1197 = arith.constant 0 : i32
      %dma_start3A_1198 = arith.constant 0 : i32
      %dma_start3A_1199 = tpu.memref_slice %arg8[%dma_start3A_1188, %dma_start3A_1197, %dma_start3A_1198] : memref<4x2x80xi32, #tpu.memory_space<vmem>> -> memref<1x2x80xi32, #tpu.memory_space<vmem>>
      %dma_start3A_1200 = tpu.memref_squeeze %dma_start3A_1199 : memref<1x2x80xi32, #tpu.memory_space<vmem>> -> memref<2x80xi32, #tpu.memory_space<vmem>>
      %dma_start3A_1201 = arith.constant 0 : i32
      %dma_start3A_1202 = arith.constant 0 : i32
      %dma_start3A_1203 = tpu.memref_slice %arg3[%add3A_1187, %dma_start3A_1201, %dma_start3A_1202] : memref<4000x2x80xi32, #tpu.memory_space<hbm>> -> memref<1x2x80xi32, #tpu.memory_space<hbm>>
      %dma_start3A_1204 = tpu.memref_squeeze %dma_start3A_1203 : memref<1x2x80xi32, #tpu.memory_space<hbm>> -> memref<2x80xi32, #tpu.memory_space<hbm>>
      tpu.enqueue_dma source(%dma_start3A_1204 : memref<2x80xi32, #tpu.memory_space<hbm>>) target(%dma_start3A_1200 : memref<2x80xi32, #tpu.memory_space<vmem>>) target_semaphore(%arg15 : memref<!tpu.dma_semaphore, #tpu.memory_space<semaphore_mem>>)
      %get3A_1205 = arith.constant 2 : i32
      %get3A_1206 = arith.constant 0 : i32
      %get3A_1207 = arith.index_cast %get3A_1205 : i32 to index
      %get3A_1208 = arith.index_cast %get3A_1206 : i32 to index
      %get3A_1209 = arith.constant 0 : index
      %get3A_1210 = tpu.vector_load %arg8[%get3A_1207, %get3A_1208, %get3A_1209] {strides = array<i32>} : memref<4x2x80xi32, #tpu.memory_space<vmem>>, vector<16xi32>,
      tpu.vector_store_idx %arg10[%get3A_1210], %broadcast_in_dim3A_234 {add = true} : memref<10240xf32, #tpu.memory_space<vmem>>[vector<16xi32>], vector<16xf32>,
      %get3A_1211 = arith.constant 2 : i32
      %get3A_1212 = arith.constant 0 : i32
      %get3A_1213 = arith.index_cast %get3A_1211 : i32 to index
      %get3A_1214 = arith.index_cast %get3A_1212 : i32 to index
      %get3A_1215 = arith.constant 16 : index
      %get3A_1216 = tpu.vector_load %arg8[%get3A_1213, %get3A_1214, %get3A_1215] {strides = array<i32>} : memref<4x2x80xi32, #tpu.memory_space<vmem>>, vector<16xi32>,
      tpu.vector_store_idx %arg10[%get3A_1216], %broadcast_in_dim3A_234 {add = true} : memref<10240xf32, #tpu.memory_space<vmem>>[vector<16xi32>], vector<16xf32>,
      %get3A_1217 = arith.constant 2 : i32
      %get3A_1218 = arith.constant 0 : i32
      %get3A_1219 = arith.index_cast %get3A_1217 : i32 to index
      %get3A_1220 = arith.index_cast %get3A_1218 : i32 to index
      %get3A_1221 = arith.constant 32 : index
      %get3A_1222 = tpu.vector_load %arg8[%get3A_1219, %get3A_1220, %get3A_1221] {strides = array<i32>} : memref<4x2x80xi32, #tpu.memory_space<vmem>>, vector<16xi32>,
      tpu.vector_store_idx %arg10[%get3A_1222], %broadcast_in_dim3A_234 {add = true} : memref<10240xf32, #tpu.memory_space<vmem>>[vector<16xi32>], vector<16xf32>,
      %get3A_1223 = arith.constant 2 : i32
      %get3A_1224 = arith.constant 0 : i32
      %get3A_1225 = arith.index_cast %get3A_1223 : i32 to index
      %get3A_1226 = arith.index_cast %get3A_1224 : i32 to index
      %get3A_1227 = arith.constant 48 : index
      %get3A_1228 = tpu.vector_load %arg8[%get3A_1225, %get3A_1226, %get3A_1227] {strides = array<i32>} : memref<4x2x80xi32, #tpu.memory_space<vmem>>, vector<16xi32>,
      tpu.vector_store_idx %arg10[%get3A_1228], %broadcast_in_dim3A_234 {add = true} : memref<10240xf32, #tpu.memory_space<vmem>>[vector<16xi32>], vector<16xf32>,
      %get3A_1229 = arith.constant 2 : i32
      %get3A_1230 = arith.constant 0 : i32
      %get3A_1231 = arith.index_cast %get3A_1229 : i32 to index
      %get3A_1232 = arith.index_cast %get3A_1230 : i32 to index
      %get3A_1233 = arith.constant 64 : index
      %get3A_1234 = tpu.vector_load %arg8[%get3A_1231, %get3A_1232, %get3A_1233] {strides = array<i32>} : memref<4x2x80xi32, #tpu.memory_space<vmem>>, vector<16xi32>,
      tpu.vector_store_idx %arg10[%get3A_1234], %broadcast_in_dim3A_234 {add = true} : memref<10240xf32, #tpu.memory_space<vmem>>[vector<16xi32>], vector<16xf32>,
      %add3A_1235 = arith.constant 1 : i32
      %add3A_1236 = arith.addi %add3A_1111, %add3A_1235 : i32
      %dma_wait3A_1237 = arith.constant 0 : i32
      %dma_wait3A_1238 = arith.constant 1 : i32
      %dma_wait3A_1239 = arith.constant 0 : i32
      %dma_wait3A_1240 = arith.constant 0 : i32
      %dma_wait3A_1241 = arith.constant 0 : i32
      %dma_wait3A_1242 = tpu.memref_slice %arg9[%dma_wait3A_1239, %dma_wait3A_1240, %dma_wait3A_1241] : memref<3x80x128xf32, #tpu.memory_space<vmem>> -> memref<1x80x128xf32, #tpu.memory_space<vmem>>
      %dma_wait3A_1243 = tpu.memref_squeeze %dma_wait3A_1242 : memref<1x80x128xf32, #tpu.memory_space<vmem>> -> memref<80x128xf32, #tpu.memory_space<vmem>>
      %dma_wait3A_1244 = arith.constant 0 : i32
      %dma_wait3A_1245 = tpu.memref_slice %arg8[%dma_wait3A_1237, %dma_wait3A_1238, %dma_wait3A_1244] : memref<4x2x80xi32, #tpu.memory_space<vmem>> -> memref<1x1x80xi32, #tpu.memory_space<vmem>>
      %dma_wait3A_1246 = tpu.memref_squeeze %dma_wait3A_1245 : memref<1x1x80xi32, #tpu.memory_space<vmem>> -> memref<80xi32, #tpu.memory_space<vmem>>
      %dma_wait3A_1247 = arith.constant 0 : i32
      %dma_wait3A_1248 = arith.constant 0 : i32
      %dma_wait3A_1249 = tpu.memref_slice %arg2[%dma_wait3A_1247, %dma_wait3A_1248] : memref<10000x128xf32, #tpu.memory_space<hbm>> -> memref<10000x128xf32, #tpu.memory_space<hbm>>
      tpu.wait_indirect_dma semaphore(%arg11 : memref<!tpu.dma_semaphore, #tpu.memory_space<semaphore_mem>>) src(%dma_wait3A_1249 : memref<10000x128xf32, #tpu.memory_space<hbm>>) dst(%dma_wait3A_1243 : memref<80x128xf32, #tpu.memory_space<vmem>>)
      %dma_start3A_1250 = arith.constant 0 : i32
      %dma_start3A_1251 = arith.constant 3 : i32
      %dma_start3A_1252 = arith.constant 0 : i32
      %dma_start3A_1253 = arith.constant 0 : i32
      %dma_start3A_1254 = arith.constant 0 : i32
      %dma_start3A_1255 = tpu.memref_slice %arg9[%dma_start3A_1250, %dma_start3A_1253, %dma_start3A_1254] : memref<3x80x128xf32, #tpu.memory_space<vmem>> -> memref<1x80x128xf32, #tpu.memory_space<vmem>>
      %dma_start3A_1256 = tpu.memref_squeeze %dma_start3A_1255 : memref<1x80x128xf32, #tpu.memory_space<vmem>> -> memref<80x128xf32, #tpu.memory_space<vmem>>
      %dma_start3A_1257 = arith.constant 0 : i32
      %dma_start3A_1258 = tpu.memref_slice %arg8[%dma_start3A_1251, %dma_start3A_1252, %dma_start3A_1257] : memref<4x2x80xi32, #tpu.memory_space<vmem>> -> memref<1x1x80xi32, #tpu.memory_space<vmem>>
      %dma_start3A_1259 = tpu.memref_squeeze %dma_start3A_1258 : memref<1x1x80xi32, #tpu.memory_space<vmem>> -> memref<80xi32, #tpu.memory_space<vmem>>
      %dma_start3A_1260 = arith.constant 0 : i32
      %dma_start3A_1261 = arith.constant 0 : i32
      %dma_start3A_1262 = tpu.memref_slice %arg7[%dma_start3A_1260, %dma_start3A_1261] : memref<10240x128xf32, #tpu.memory_space<vmem_shared>> -> memref<10240x128xf32, #tpu.memory_space<vmem_shared>>
      tpu.enqueue_indirect_dma source(%dma_start3A_1256 : memref<80x128xf32, #tpu.memory_space<vmem>>) target(%dma_start3A_1262 : memref<10240x128xf32, #tpu.memory_space<vmem_shared>>) offsets(%dma_start3A_1259 : memref<80xi32, #tpu.memory_space<vmem>>) semaphore(%arg12 : memref<!tpu.dma_semaphore, #tpu.memory_space<semaphore_mem>>) {add = true}
      %dma_wait3A_1263 = arith.constant 0 : i32
      %dma_wait3A_1264 = arith.constant 0 : i32
      %dma_wait3A_1265 = arith.constant 0 : i32
      %dma_wait3A_1266 = tpu.memref_slice %arg8[%dma_wait3A_1263, %dma_wait3A_1264, %dma_wait3A_1265] : memref<4x2x80xi32, #tpu.memory_space<vmem>> -> memref<1x2x80xi32, #tpu.memory_space<vmem>>
      %dma_wait3A_1267 = tpu.memref_squeeze %dma_wait3A_1266 : memref<1x2x80xi32, #tpu.memory_space<vmem>> -> memref<2x80xi32, #tpu.memory_space<vmem>>
      %dma_wait3A_1268 = arith.constant 0 : i32
      %dma_wait3A_1269 = arith.constant 0 : i32
      %dma_wait3A_1270 = tpu.memref_slice %arg3[%mul3A_232, %dma_wait3A_1268, %dma_wait3A_1269] : memref<4000x2x80xi32, #tpu.memory_space<hbm>> -> memref<1x2x80xi32, #tpu.memory_space<hbm>>
      %dma_wait3A_1271 = tpu.memref_squeeze %dma_wait3A_1270 : memref<1x2x80xi32, #tpu.memory_space<hbm>> -> memref<2x80xi32, #tpu.memory_space<hbm>>
      %dma_wait3A_1272 = arith.constant 0 : i32
      %dma_wait3A_1273 = arith.constant 0 : i32
      %dma_wait3A_1274 = tpu.memref_slice %arg8[%dma_wait3A_1263, %dma_wait3A_1272, %dma_wait3A_1273] : memref<4x2x80xi32, #tpu.memory_space<vmem>> -> memref<1x2x80xi32, #tpu.memory_space<vmem>>
      %dma_wait3A_1275 = tpu.memref_squeeze %dma_wait3A_1274 : memref<1x2x80xi32, #tpu.memory_space<vmem>> -> memref<2x80xi32, #tpu.memory_space<vmem>>
      %dma_wait3A_1276 = arith.constant 0 : i32
      %dma_wait3A_1277 = arith.constant 0 : i32
      %dma_wait3A_1278 = tpu.memref_slice %arg3[%mul3A_232, %dma_wait3A_1276, %dma_wait3A_1277] : memref<4000x2x80xi32, #tpu.memory_space<hbm>> -> memref<1x2x80xi32, #tpu.memory_space<hbm>>
      %dma_wait3A_1279 = tpu.memref_squeeze %dma_wait3A_1278 : memref<1x2x80xi32, #tpu.memory_space<hbm>> -> memref<2x80xi32, #tpu.memory_space<hbm>>
      tpu.wait_dma2 semaphore(%arg15 : memref<!tpu.dma_semaphore, #tpu.memory_space<semaphore_mem>>) src(%dma_wait3A_1279 : memref<2x80xi32, #tpu.memory_space<hbm>>) dst(%dma_wait3A_1275 : memref<2x80xi32, #tpu.memory_space<vmem>>)
      %dma_wait3A_1280 = arith.constant 1 : i32
      %dma_wait3A_1281 = arith.constant 0 : i32
      %dma_wait3A_1282 = arith.constant 0 : i32
      %dma_wait3A_1283 = arith.constant 0 : i32
      %dma_wait3A_1284 = arith.constant 0 : i32
      %dma_wait3A_1285 = tpu.memref_slice %arg9[%dma_wait3A_1280, %dma_wait3A_1283, %dma_wait3A_1284] : memref<3x80x128xf32, #tpu.memory_space<vmem>> -> memref<1x80x128xf32, #tpu.memory_space<vmem>>
      %dma_wait3A_1286 = tpu.memref_squeeze %dma_wait3A_1285 : memref<1x80x128xf32, #tpu.memory_space<vmem>> -> memref<80x128xf32, #tpu.memory_space<vmem>>
      %dma_wait3A_1287 = arith.constant 0 : i32
      %dma_wait3A_1288 = tpu.memref_slice %arg8[%dma_wait3A_1281, %dma_wait3A_1282, %dma_wait3A_1287] : memref<4x2x80xi32, #tpu.memory_space<vmem>> -> memref<1x1x80xi32, #tpu.memory_space<vmem>>
      %dma_wait3A_1289 = tpu.memref_squeeze %dma_wait3A_1288 : memref<1x1x80xi32, #tpu.memory_space<vmem>> -> memref<80xi32, #tpu.memory_space<vmem>>
      %dma_wait3A_1290 = arith.constant 0 : i32
      %dma_wait3A_1291 = arith.constant 0 : i32
      %dma_wait3A_1292 = tpu.memref_slice %arg7[%dma_wait3A_1290, %dma_wait3A_1291] : memref<10240x128xf32, #tpu.memory_space<vmem_shared>> -> memref<10240x128xf32, #tpu.memory_space<vmem_shared>>
      tpu.wait_indirect_dma semaphore(%arg13 : memref<!tpu.dma_semaphore, #tpu.memory_space<semaphore_mem>>) src(%dma_wait3A_1286 : memref<80x128xf32, #tpu.memory_space<vmem>>) dst(%dma_wait3A_1292 : memref<10240x128xf32, #tpu.memory_space<vmem_shared>>)
      %add3A_1293 = arith.constant 1 : i32
      %add3A_1294 = arith.addi %add3A_1236, %add3A_1293 : i32
      %dma_start3A_1295 = arith.constant 0 : i32
      %dma_start3A_1296 = arith.constant 1 : i32
      %dma_start3A_1297 = arith.constant 1 : i32
      %dma_start3A_1298 = arith.constant 0 : i32
      %dma_start3A_1299 = arith.constant 0 : i32
      %dma_start3A_1300 = tpu.memref_slice %arg9[%dma_start3A_1297, %dma_start3A_1298, %dma_start3A_1299] : memref<3x80x128xf32, #tpu.memory_space<vmem>> -> memref<1x80x128xf32, #tpu.memory_space<vmem>>
      %dma_start3A_1301 = tpu.memref_squeeze %dma_start3A_1300 : memref<1x80x128xf32, #tpu.memory_space<vmem>> -> memref<80x128xf32, #tpu.memory_space<vmem>>
      %dma_start3A_1302 = arith.constant 0 : i32
      %dma_start3A_1303 = tpu.memref_slice %arg8[%dma_start3A_1295, %dma_start3A_1296, %dma_start3A_1302] : memref<4x2x80xi32, #tpu.memory_space<vmem>> -> memref<1x1x80xi32, #tpu.memory_space<vmem>>
      %dma_start3A_1304 = tpu.memref_squeeze %dma_start3A_1303 : memref<1x1x80xi32, #tpu.memory_space<vmem>> -> memref<80xi32, #tpu.memory_space<vmem>>
      %dma_start3A_1305 = arith.constant 0 : i32
      %dma_start3A_1306 = arith.constant 0 : i32
      %dma_start3A_1307 = tpu.memref_slice %arg2[%dma_start3A_1305, %dma_start3A_1306] : memref<10000x128xf32, #tpu.memory_space<hbm>> -> memref<10000x128xf32, #tpu.memory_space<hbm>>
      tpu.enqueue_indirect_dma source(%dma_start3A_1307 : memref<10000x128xf32, #tpu.memory_space<hbm>>) target(%dma_start3A_1301 : memref<80x128xf32, #tpu.memory_space<vmem>>) offsets(%dma_start3A_1304 : memref<80xi32, #tpu.memory_space<vmem>>) semaphore(%arg11 : memref<!tpu.dma_semaphore, #tpu.memory_space<semaphore_mem>>)
      %add3A_1308 = arith.constant 2 : i32
      %add3A_1309 = arith.addi %add3A_1236, %add3A_1308 : i32
      %add3A_1310 = arith.addi %mul3A_232, %add3A_1309 : i32
      %dma_start3A_1311 = arith.constant 1 : i32
      %dma_start3A_1312 = arith.constant 0 : i32
      %dma_start3A_1313 = arith.constant 0 : i32
      %dma_start3A_1314 = tpu.memref_slice %arg8[%dma_start3A_1311, %dma_start3A_1312, %dma_start3A_1313] : memref<4x2x80xi32, #tpu.memory_space<vmem>> -> memref<1x2x80xi32, #tpu.memory_space<vmem>>
      %dma_start3A_1315 = tpu.memref_squeeze %dma_start3A_1314 : memref<1x2x80xi32, #tpu.memory_space<vmem>> -> memref<2x80xi32, #tpu.memory_space<vmem>>
      %dma_start3A_1316 = arith.constant 0 : i32
      %dma_start3A_1317 = arith.constant 0 : i32
      %dma_start3A_1318 = tpu.memref_slice %arg3[%add3A_1310, %dma_start3A_1316, %dma_start3A_1317] : memref<4000x2x80xi32, #tpu.memory_space<hbm>> -> memref<1x2x80xi32, #tpu.memory_space<hbm>>
      %dma_start3A_1319 = tpu.memref_squeeze %dma_start3A_1318 : memref<1x2x80xi32, #tpu.memory_space<hbm>> -> memref<2x80xi32, #tpu.memory_space<hbm>>
      %dma_start3A_1320 = arith.constant 0 : i32
      %dma_start3A_1321 = arith.constant 0 : i32
      %dma_start3A_1322 = tpu.memref_slice %arg8[%dma_start3A_1311, %dma_start3A_1320, %dma_start3A_1321] : memref<4x2x80xi32, #tpu.memory_space<vmem>> -> memref<1x2x80xi32, #tpu.memory_space<vmem>>
      %dma_start3A_1323 = tpu.memref_squeeze %dma_start3A_1322 : memref<1x2x80xi32, #tpu.memory_space<vmem>> -> memref<2x80xi32, #tpu.memory_space<vmem>>
      %dma_start3A_1324 = arith.constant 0 : i32
      %dma_start3A_1325 = arith.constant 0 : i32
      %dma_start3A_1326 = tpu.memref_slice %arg3[%add3A_1310, %dma_start3A_1324, %dma_start3A_1325] : memref<4000x2x80xi32, #tpu.memory_space<hbm>> -> memref<1x2x80xi32, #tpu.memory_space<hbm>>
      %dma_start3A_1327 = tpu.memref_squeeze %dma_start3A_1326 : memref<1x2x80xi32, #tpu.memory_space<hbm>> -> memref<2x80xi32, #tpu.memory_space<hbm>>
      tpu.enqueue_dma source(%dma_start3A_1327 : memref<2x80xi32, #tpu.memory_space<hbm>>) target(%dma_start3A_1323 : memref<2x80xi32, #tpu.memory_space<vmem>>) target_semaphore(%arg16 : memref<!tpu.dma_semaphore, #tpu.memory_space<semaphore_mem>>)
      %get3A_1328 = arith.constant 3 : i32
      %get3A_1329 = arith.constant 0 : i32
      %get3A_1330 = arith.index_cast %get3A_1328 : i32 to index
      %get3A_1331 = arith.index_cast %get3A_1329 : i32 to index
      %get3A_1332 = arith.constant 0 : index
      %get3A_1333 = tpu.vector_load %arg8[%get3A_1330, %get3A_1331, %get3A_1332] {strides = array<i32>} : memref<4x2x80xi32, #tpu.memory_space<vmem>>, vector<16xi32>,
      tpu.vector_store_idx %arg10[%get3A_1333], %broadcast_in_dim3A_234 {add = true} : memref<10240xf32, #tpu.memory_space<vmem>>[vector<16xi32>], vector<16xf32>,
      %get3A_1334 = arith.constant 3 : i32
      %get3A_1335 = arith.constant 0 : i32
      %get3A_1336 = arith.index_cast %get3A_1334 : i32 to index
      %get3A_1337 = arith.index_cast %get3A_1335 : i32 to index
      %get3A_1338 = arith.constant 16 : index
      %get3A_1339 = tpu.vector_load %arg8[%get3A_1336, %get3A_1337, %get3A_1338] {strides = array<i32>} : memref<4x2x80xi32, #tpu.memory_space<vmem>>, vector<16xi32>,
      tpu.vector_store_idx %arg10[%get3A_1339], %broadcast_in_dim3A_234 {add = true} : memref<10240xf32, #tpu.memory_space<vmem>>[vector<16xi32>], vector<16xf32>,
      %get3A_1340 = arith.constant 3 : i32
      %get3A_1341 = arith.constant 0 : i32
      %get3A_1342 = arith.index_cast %get3A_1340 : i32 to index
      %get3A_1343 = arith.index_cast %get3A_1341 : i32 to index
      %get3A_1344 = arith.constant 32 : index
      %get3A_1345 = tpu.vector_load %arg8[%get3A_1342, %get3A_1343, %get3A_1344] {strides = array<i32>} : memref<4x2x80xi32, #tpu.memory_space<vmem>>, vector<16xi32>,
      tpu.vector_store_idx %arg10[%get3A_1345], %broadcast_in_dim3A_234 {add = true} : memref<10240xf32, #tpu.memory_space<vmem>>[vector<16xi32>], vector<16xf32>,
      %get3A_1346 = arith.constant 3 : i32
      %get3A_1347 = arith.constant 0 : i32
      %get3A_1348 = arith.index_cast %get3A_1346 : i32 to index
      %get3A_1349 = arith.index_cast %get3A_1347 : i32 to index
      %get3A_1350 = arith.constant 48 : index
      %get3A_1351 = tpu.vector_load %arg8[%get3A_1348, %get3A_1349, %get3A_1350] {strides = array<i32>} : memref<4x2x80xi32, #tpu.memory_space<vmem>>, vector<16xi32>,
      tpu.vector_store_idx %arg10[%get3A_1351], %broadcast_in_dim3A_234 {add = true} : memref<10240xf32, #tpu.memory_space<vmem>>[vector<16xi32>], vector<16xf32>,
      %get3A_1352 = arith.constant 3 : i32
      %get3A_1353 = arith.constant 0 : i32
      %get3A_1354 = arith.index_cast %get3A_1352 : i32 to index
      %get3A_1355 = arith.index_cast %get3A_1353 : i32 to index
      %get3A_1356 = arith.constant 64 : index
      %get3A_1357 = tpu.vector_load %arg8[%get3A_1354, %get3A_1355, %get3A_1356] {strides = array<i32>} : memref<4x2x80xi32, #tpu.memory_space<vmem>>, vector<16xi32>,
      tpu.vector_store_idx %arg10[%get3A_1357], %broadcast_in_dim3A_234 {add = true} : memref<10240xf32, #tpu.memory_space<vmem>>[vector<16xi32>], vector<16xf32>,
      %add3A_1358 = arith.constant 2 : i32
      %add3A_1359 = arith.addi %add3A_1111, %add3A_1358 : i32
      %dma_wait3A_1360 = arith.constant 0 : i32
      %dma_wait3A_1361 = arith.constant 1 : i32
      %dma_wait3A_1362 = arith.constant 1 : i32
      %dma_wait3A_1363 = arith.constant 0 : i32
      %dma_wait3A_1364 = arith.constant 0 : i32
      %dma_wait3A_1365 = tpu.memref_slice %arg9[%dma_wait3A_1362, %dma_wait3A_1363, %dma_wait3A_1364] : memref<3x80x128xf32, #tpu.memory_space<vmem>> -> memref<1x80x128xf32, #tpu.memory_space<vmem>>
      %dma_wait3A_1366 = tpu.memref_squeeze %dma_wait3A_1365 : memref<1x80x128xf32, #tpu.memory_space<vmem>> -> memref<80x128xf32, #tpu.memory_space<vmem>>
      %dma_wait3A_1367 = arith.constant 0 : i32
      %dma_wait3A_1368 = tpu.memref_slice %arg8[%dma_wait3A_1360, %dma_wait3A_1361, %dma_wait3A_1367] : memref<4x2x80xi32, #tpu.memory_space<vmem>> -> memref<1x1x80xi32, #tpu.memory_space<vmem>>
      %dma_wait3A_1369 = tpu.memref_squeeze %dma_wait3A_1368 : memref<1x1x80xi32, #tpu.memory_space<vmem>> -> memref<80xi32, #tpu.memory_space<vmem>>
      %dma_wait3A_1370 = arith.constant 0 : i32
      %dma_wait3A_1371 = arith.constant 0 : i32
      %dma_wait3A_1372 = tpu.memref_slice %arg2[%dma_wait3A_1370, %dma_wait3A_1371] : memref<10000x128xf32, #tpu.memory_space<hbm>> -> memref<10000x128xf32, #tpu.memory_space<hbm>>
      tpu.wait_indirect_dma semaphore(%arg11 : memref<!tpu.dma_semaphore, #tpu.memory_space<semaphore_mem>>) src(%dma_wait3A_1372 : memref<10000x128xf32, #tpu.memory_space<hbm>>) dst(%dma_wait3A_1366 : memref<80x128xf32, #tpu.memory_space<vmem>>)
      %dma_start3A_1373 = arith.constant 1 : i32
      %dma_start3A_1374 = arith.constant 0 : i32
      %dma_start3A_1375 = arith.constant 0 : i32
      %dma_start3A_1376 = arith.constant 0 : i32
      %dma_start3A_1377 = arith.constant 0 : i32
      %dma_start3A_1378 = tpu.memref_slice %arg9[%dma_start3A_1373, %dma_start3A_1376, %dma_start3A_1377] : memref<3x80x128xf32, #tpu.memory_space<vmem>> -> memref<1x80x128xf32, #tpu.memory_space<vmem>>
      %dma_start3A_1379 = tpu.memref_squeeze %dma_start3A_1378 : memref<1x80x128xf32, #tpu.memory_space<vmem>> -> memref<80x128xf32, #tpu.memory_space<vmem>>
      %dma_start3A_1380 = arith.constant 0 : i32
      %dma_start3A_1381 = tpu.memref_slice %arg8[%dma_start3A_1374, %dma_start3A_1375, %dma_start3A_1380] : memref<4x2x80xi32, #tpu.memory_space<vmem>> -> memref<1x1x80xi32, #tpu.memory_space<vmem>>
      %dma_start3A_1382 = tpu.memref_squeeze %dma_start3A_1381 : memref<1x1x80xi32, #tpu.memory_space<vmem>> -> memref<80xi32, #tpu.memory_space<vmem>>
      %dma_start3A_1383 = arith.constant 0 : i32
      %dma_start3A_1384 = arith.constant 0 : i32
      %dma_start3A_1385 = tpu.memref_slice %arg7[%dma_start3A_1383, %dma_start3A_1384] : memref<10240x128xf32, #tpu.memory_space<vmem_shared>> -> memref<10240x128xf32, #tpu.memory_space<vmem_shared>>
      tpu.enqueue_indirect_dma source(%dma_start3A_1379 : memref<80x128xf32, #tpu.memory_space<vmem>>) target(%dma_start3A_1385 : memref<10240x128xf32, #tpu.memory_space<vmem_shared>>) offsets(%dma_start3A_1382 : memref<80xi32, #tpu.memory_space<vmem>>) semaphore(%arg13 : memref<!tpu.dma_semaphore, #tpu.memory_space<semaphore_mem>>) {add = true}
      %dma_wait3A_1386 = arith.constant 1 : i32
      %dma_wait3A_1387 = arith.constant 0 : i32
      %dma_wait3A_1388 = arith.constant 0 : i32
      %dma_wait3A_1389 = tpu.memref_slice %arg8[%dma_wait3A_1386, %dma_wait3A_1387, %dma_wait3A_1388] : memref<4x2x80xi32, #tpu.memory_space<vmem>> -> memref<1x2x80xi32, #tpu.memory_space<vmem>>
      %dma_wait3A_1390 = tpu.memref_squeeze %dma_wait3A_1389 : memref<1x2x80xi32, #tpu.memory_space<vmem>> -> memref<2x80xi32, #tpu.memory_space<vmem>>
      %dma_wait3A_1391 = arith.constant 0 : i32
      %dma_wait3A_1392 = arith.constant 0 : i32
      %dma_wait3A_1393 = tpu.memref_slice %arg3[%mul3A_232, %dma_wait3A_1391, %dma_wait3A_1392] : memref<4000x2x80xi32, #tpu.memory_space<hbm>> -> memref<1x2x80xi32, #tpu.memory_space<hbm>>
      %dma_wait3A_1394 = tpu.memref_squeeze %dma_wait3A_1393 : memref<1x2x80xi32, #tpu.memory_space<hbm>> -> memref<2x80xi32, #tpu.memory_space<hbm>>
      %dma_wait3A_1395 = arith.constant 0 : i32
      %dma_wait3A_1396 = arith.constant 0 : i32
      %dma_wait3A_1397 = tpu.memref_slice %arg8[%dma_wait3A_1386, %dma_wait3A_1395, %dma_wait3A_1396] : memref<4x2x80xi32, #tpu.memory_space<vmem>> -> memref<1x2x80xi32, #tpu.memory_space<vmem>>
      %dma_wait3A_1398 = tpu.memref_squeeze %dma_wait3A_1397 : memref<1x2x80xi32, #tpu.memory_space<vmem>> -> memref<2x80xi32, #tpu.memory_space<vmem>>
      %dma_wait3A_1399 = arith.constant 0 : i32
      %dma_wait3A_1400 = arith.constant 0 : i32
      %dma_wait3A_1401 = tpu.memref_slice %arg3[%mul3A_232, %dma_wait3A_1399, %dma_wait3A_1400] : memref<4000x2x80xi32, #tpu.memory_space<hbm>> -> memref<1x2x80xi32, #tpu.memory_space<hbm>>
      %dma_wait3A_1402 = tpu.memref_squeeze %dma_wait3A_1401 : memref<1x2x80xi32, #tpu.memory_space<hbm>> -> memref<2x80xi32, #tpu.memory_space<hbm>>
      tpu.wait_dma2 semaphore(%arg16 : memref<!tpu.dma_semaphore, #tpu.memory_space<semaphore_mem>>) src(%dma_wait3A_1402 : memref<2x80xi32, #tpu.memory_space<hbm>>) dst(%dma_wait3A_1398 : memref<2x80xi32, #tpu.memory_space<vmem>>)
      %dma_wait3A_1403 = arith.constant 2 : i32
      %dma_wait3A_1404 = arith.constant 0 : i32
      %dma_wait3A_1405 = arith.constant 0 : i32
      %dma_wait3A_1406 = arith.constant 0 : i32
      %dma_wait3A_1407 = arith.constant 0 : i32
      %dma_wait3A_1408 = tpu.memref_slice %arg9[%dma_wait3A_1403, %dma_wait3A_1406, %dma_wait3A_1407] : memref<3x80x128xf32, #tpu.memory_space<vmem>> -> memref<1x80x128xf32, #tpu.memory_space<vmem>>
      %dma_wait3A_1409 = tpu.memref_squeeze %dma_wait3A_1408 : memref<1x80x128xf32, #tpu.memory_space<vmem>> -> memref<80x128xf32, #tpu.memory_space<vmem>>
      %dma_wait3A_1410 = arith.constant 0 : i32
      %dma_wait3A_1411 = tpu.memref_slice %arg8[%dma_wait3A_1404, %dma_wait3A_1405, %dma_wait3A_1410] : memref<4x2x80xi32, #tpu.memory_space<vmem>> -> memref<1x1x80xi32, #tpu.memory_space<vmem>>
      %dma_wait3A_1412 = tpu.memref_squeeze %dma_wait3A_1411 : memref<1x1x80xi32, #tpu.memory_space<vmem>> -> memref<80xi32, #tpu.memory_space<vmem>>
      %dma_wait3A_1413 = arith.constant 0 : i32
      %dma_wait3A_1414 = arith.constant 0 : i32
      %dma_wait3A_1415 = tpu.memref_slice %arg7[%dma_wait3A_1413, %dma_wait3A_1414] : memref<10240x128xf32, #tpu.memory_space<vmem_shared>> -> memref<10240x128xf32, #tpu.memory_space<vmem_shared>>
      tpu.wait_indirect_dma semaphore(%arg14 : memref<!tpu.dma_semaphore, #tpu.memory_space<semaphore_mem>>) src(%dma_wait3A_1409 : memref<80x128xf32, #tpu.memory_space<vmem>>) dst(%dma_wait3A_1415 : memref<10240x128xf32, #tpu.memory_space<vmem_shared>>)
      %add3A_1416 = arith.constant 1 : i32
      %add3A_1417 = arith.addi %add3A_1359, %add3A_1416 : i32
      %dma_start3A_1418 = arith.constant 1 : i32
      %dma_start3A_1419 = arith.constant 1 : i32
      %dma_start3A_1420 = arith.constant 2 : i32
      %dma_start3A_1421 = arith.constant 0 : i32
      %dma_start3A_1422 = arith.constant 0 : i32
      %dma_start3A_1423 = tpu.memref_slice %arg9[%dma_start3A_1420, %dma_start3A_1421, %dma_start3A_1422] : memref<3x80x128xf32, #tpu.memory_space<vmem>> -> memref<1x80x128xf32, #tpu.memory_space<vmem>>
      %dma_start3A_1424 = tpu.memref_squeeze %dma_start3A_1423 : memref<1x80x128xf32, #tpu.memory_space<vmem>> -> memref<80x128xf32, #tpu.memory_space<vmem>>
      %dma_start3A_1425 = arith.constant 0 : i32
      %dma_start3A_1426 = tpu.memref_slice %arg8[%dma_start3A_1418, %dma_start3A_1419, %dma_start3A_1425] : memref<4x2x80xi32, #tpu.memory_space<vmem>> -> memref<1x1x80xi32, #tpu.memory_space<vmem>>
      %dma_start3A_1427 = tpu.memref_squeeze %dma_start3A_1426 : memref<1x1x80xi32, #tpu.memory_space<vmem>> -> memref<80xi32, #tpu.memory_space<vmem>>
      %dma_start3A_1428 = arith.constant 0 : i32
      %dma_start3A_1429 = arith.constant 0 : i32
      %dma_start3A_1430 = tpu.memref_slice %arg2[%dma_start3A_1428, %dma_start3A_1429] : memref<10000x128xf32, #tpu.memory_space<hbm>> -> memref<10000x128xf32, #tpu.memory_space<hbm>>
      tpu.enqueue_indirect_dma source(%dma_start3A_1430 : memref<10000x128xf32, #tpu.memory_space<hbm>>) target(%dma_start3A_1424 : memref<80x128xf32, #tpu.memory_space<vmem>>) offsets(%dma_start3A_1427 : memref<80xi32, #tpu.memory_space<vmem>>) semaphore(%arg11 : memref<!tpu.dma_semaphore, #tpu.memory_space<semaphore_mem>>)
      %add3A_1431 = arith.constant 2 : i32
      %add3A_1432 = arith.addi %add3A_1359, %add3A_1431 : i32
      %add3A_1433 = arith.addi %mul3A_232, %add3A_1432 : i32
      %dma_start3A_1434 = arith.constant 2 : i32
      %dma_start3A_1435 = arith.constant 0 : i32
      %dma_start3A_1436 = arith.constant 0 : i32
      %dma_start3A_1437 = tpu.memref_slice %arg8[%dma_start3A_1434, %dma_start3A_1435, %dma_start3A_1436] : memref<4x2x80xi32, #tpu.memory_space<vmem>> -> memref<1x2x80xi32, #tpu.memory_space<vmem>>
      %dma_start3A_1438 = tpu.memref_squeeze %dma_start3A_1437 : memref<1x2x80xi32, #tpu.memory_space<vmem>> -> memref<2x80xi32, #tpu.memory_space<vmem>>
      %dma_start3A_1439 = arith.constant 0 : i32
      %dma_start3A_1440 = arith.constant 0 : i32
      %dma_start3A_1441 = tpu.memref_slice %arg3[%add3A_1433, %dma_start3A_1439, %dma_start3A_1440] : memref<4000x2x80xi32, #tpu.memory_space<hbm>> -> memref<1x2x80xi32, #tpu.memory_space<hbm>>
      %dma_start3A_1442 = tpu.memref_squeeze %dma_start3A_1441 : memref<1x2x80xi32, #tpu.memory_space<hbm>> -> memref<2x80xi32, #tpu.memory_space<hbm>>
      %dma_start3A_1443 = arith.constant 0 : i32
      %dma_start3A_1444 = arith.constant 0 : i32
      %dma_start3A_1445 = tpu.memref_slice %arg8[%dma_start3A_1434, %dma_start3A_1443, %dma_start3A_1444] : memref<4x2x80xi32, #tpu.memory_space<vmem>> -> memref<1x2x80xi32, #tpu.memory_space<vmem>>
      %dma_start3A_1446 = tpu.memref_squeeze %dma_start3A_1445 : memref<1x2x80xi32, #tpu.memory_space<vmem>> -> memref<2x80xi32, #tpu.memory_space<vmem>>
      %dma_start3A_1447 = arith.constant 0 : i32
      %dma_start3A_1448 = arith.constant 0 : i32
      %dma_start3A_1449 = tpu.memref_slice %arg3[%add3A_1433, %dma_start3A_1447, %dma_start3A_1448] : memref<4000x2x80xi32, #tpu.memory_space<hbm>> -> memref<1x2x80xi32, #tpu.memory_space<hbm>>
      %dma_start3A_1450 = tpu.memref_squeeze %dma_start3A_1449 : memref<1x2x80xi32, #tpu.memory_space<hbm>> -> memref<2x80xi32, #tpu.memory_space<hbm>>
      tpu.enqueue_dma source(%dma_start3A_1450 : memref<2x80xi32, #tpu.memory_space<hbm>>) target(%dma_start3A_1446 : memref<2x80xi32, #tpu.memory_space<vmem>>) target_semaphore(%arg17 : memref<!tpu.dma_semaphore, #tpu.memory_space<semaphore_mem>>)
      %get3A_1451 = arith.constant 0 : i32
      %get3A_1452 = arith.constant 0 : i32
      %get3A_1453 = arith.index_cast %get3A_1451 : i32 to index
      %get3A_1454 = arith.index_cast %get3A_1452 : i32 to index
      %get3A_1455 = arith.constant 0 : index
      %get3A_1456 = tpu.vector_load %arg8[%get3A_1453, %get3A_1454, %get3A_1455] {strides = array<i32>} : memref<4x2x80xi32, #tpu.memory_space<vmem>>, vector<16xi32>,
      tpu.vector_store_idx %arg10[%get3A_1456], %broadcast_in_dim3A_234 {add = true} : memref<10240xf32, #tpu.memory_space<vmem>>[vector<16xi32>], vector<16xf32>,
      %get3A_1457 = arith.constant 0 : i32
      %get3A_1458 = arith.constant 0 : i32
      %get3A_1459 = arith.index_cast %get3A_1457 : i32 to index
      %get3A_1460 = arith.index_cast %get3A_1458 : i32 to index
      %get3A_1461 = arith.constant 16 : index
      %get3A_1462 = tpu.vector_load %arg8[%get3A_1459, %get3A_1460, %get3A_1461] {strides = array<i32>} : memref<4x2x80xi32, #tpu.memory_space<vmem>>, vector<16xi32>,
      tpu.vector_store_idx %arg10[%get3A_1462], %broadcast_in_dim3A_234 {add = true} : memref<10240xf32, #tpu.memory_space<vmem>>[vector<16xi32>], vector<16xf32>,
      %get3A_1463 = arith.constant 0 : i32
      %get3A_1464 = arith.constant 0 : i32
      %get3A_1465 = arith.index_cast %get3A_1463 : i32 to index
      %get3A_1466 = arith.index_cast %get3A_1464 : i32 to index
      %get3A_1467 = arith.constant 32 : index
      %get3A_1468 = tpu.vector_load %arg8[%get3A_1465, %get3A_1466, %get3A_1467] {strides = array<i32>} : memref<4x2x80xi32, #tpu.memory_space<vmem>>, vector<16xi32>,
      tpu.vector_store_idx %arg10[%get3A_1468], %broadcast_in_dim3A_234 {add = true} : memref<10240xf32, #tpu.memory_space<vmem>>[vector<16xi32>], vector<16xf32>,
      %get3A_1469 = arith.constant 0 : i32
      %get3A_1470 = arith.constant 0 : i32
      %get3A_1471 = arith.index_cast %get3A_1469 : i32 to index
      %get3A_1472 = arith.index_cast %get3A_1470 : i32 to index
      %get3A_1473 = arith.constant 48 : index
      %get3A_1474 = tpu.vector_load %arg8[%get3A_1471, %get3A_1472, %get3A_1473] {strides = array<i32>} : memref<4x2x80xi32, #tpu.memory_space<vmem>>, vector<16xi32>,
      tpu.vector_store_idx %arg10[%get3A_1474], %broadcast_in_dim3A_234 {add = true} : memref<10240xf32, #tpu.memory_space<vmem>>[vector<16xi32>], vector<16xf32>,
      %get3A_1475 = arith.constant 0 : i32
      %get3A_1476 = arith.constant 0 : i32
      %get3A_1477 = arith.index_cast %get3A_1475 : i32 to index
      %get3A_1478 = arith.index_cast %get3A_1476 : i32 to index
      %get3A_1479 = arith.constant 64 : index
      %get3A_1480 = tpu.vector_load %arg8[%get3A_1477, %get3A_1478, %get3A_1479] {strides = array<i32>} : memref<4x2x80xi32, #tpu.memory_space<vmem>>, vector<16xi32>,
      tpu.vector_store_idx %arg10[%get3A_1480], %broadcast_in_dim3A_234 {add = true} : memref<10240xf32, #tpu.memory_space<vmem>>[vector<16xi32>], vector<16xf32>,
      %add3A_1481 = arith.constant 3 : i32
      %add3A_1482 = arith.addi %add3A_1111, %add3A_1481 : i32
      %dma_wait3A_1483 = arith.constant 0 : i32
      %dma_wait3A_1484 = arith.constant 1 : i32
      %dma_wait3A_1485 = arith.constant 2 : i32
      %dma_wait3A_1486 = arith.constant 0 : i32
      %dma_wait3A_1487 = arith.constant 0 : i32
      %dma_wait3A_1488 = tpu.memref_slice %arg9[%dma_wait3A_1485, %dma_wait3A_1486, %dma_wait3A_1487] : memref<3x80x128xf32, #tpu.memory_space<vmem>> -> memref<1x80x128xf32, #tpu.memory_space<vmem>>
      %dma_wait3A_1489 = tpu.memref_squeeze %dma_wait3A_1488 : memref<1x80x128xf32, #tpu.memory_space<vmem>> -> memref<80x128xf32, #tpu.memory_space<vmem>>
      %dma_wait3A_1490 = arith.constant 0 : i32
      %dma_wait3A_1491 = tpu.memref_slice %arg8[%dma_wait3A_1483, %dma_wait3A_1484, %dma_wait3A_1490] : memref<4x2x80xi32, #tpu.memory_space<vmem>> -> memref<1x1x80xi32, #tpu.memory_space<vmem>>
      %dma_wait3A_1492 = tpu.memref_squeeze %dma_wait3A_1491 : memref<1x1x80xi32, #tpu.memory_space<vmem>> -> memref<80xi32, #tpu.memory_space<vmem>>
      %dma_wait3A_1493 = arith.constant 0 : i32
      %dma_wait3A_1494 = arith.constant 0 : i32
      %dma_wait3A_1495 = tpu.memref_slice %arg2[%dma_wait3A_1493, %dma_wait3A_1494] : memref<10000x128xf32, #tpu.memory_space<hbm>> -> memref<10000x128xf32, #tpu.memory_space<hbm>>
      tpu.wait_indirect_dma semaphore(%arg11 : memref<!tpu.dma_semaphore, #tpu.memory_space<semaphore_mem>>) src(%dma_wait3A_1495 : memref<10000x128xf32, #tpu.memory_space<hbm>>) dst(%dma_wait3A_1489 : memref<80x128xf32, #tpu.memory_space<vmem>>)
      %dma_start3A_1496 = arith.constant 2 : i32
      %dma_start3A_1497 = arith.constant 1 : i32
      %dma_start3A_1498 = arith.constant 0 : i32
      %dma_start3A_1499 = arith.constant 0 : i32
      %dma_start3A_1500 = arith.constant 0 : i32
      %dma_start3A_1501 = tpu.memref_slice %arg9[%dma_start3A_1496, %dma_start3A_1499, %dma_start3A_1500] : memref<3x80x128xf32, #tpu.memory_space<vmem>> -> memref<1x80x128xf32, #tpu.memory_space<vmem>>
      %dma_start3A_1502 = tpu.memref_squeeze %dma_start3A_1501 : memref<1x80x128xf32, #tpu.memory_space<vmem>> -> memref<80x128xf32, #tpu.memory_space<vmem>>
      %dma_start3A_1503 = arith.constant 0 : i32
      %dma_start3A_1504 = tpu.memref_slice %arg8[%dma_start3A_1497, %dma_start3A_1498, %dma_start3A_1503] : memref<4x2x80xi32, #tpu.memory_space<vmem>> -> memref<1x1x80xi32, #tpu.memory_space<vmem>>
      %dma_start3A_1505 = tpu.memref_squeeze %dma_start3A_1504 : memref<1x1x80xi32, #tpu.memory_space<vmem>> -> memref<80xi32, #tpu.memory_space<vmem>>
      %dma_start3A_1506 = arith.constant 0 : i32
      %dma_start3A_1507 = arith.constant 0 : i32
      %dma_start3A_1508 = tpu.memref_slice %arg7[%dma_start3A_1506, %dma_start3A_1507] : memref<10240x128xf32, #tpu.memory_space<vmem_shared>> -> memref<10240x128xf32, #tpu.memory_space<vmem_shared>>
      tpu.enqueue_indirect_dma source(%dma_start3A_1502 : memref<80x128xf32, #tpu.memory_space<vmem>>) target(%dma_start3A_1508 : memref<10240x128xf32, #tpu.memory_space<vmem_shared>>) offsets(%dma_start3A_1505 : memref<80xi32, #tpu.memory_space<vmem>>) semaphore(%arg14 : memref<!tpu.dma_semaphore, #tpu.memory_space<semaphore_mem>>) {add = true}
      %dma_wait3A_1509 = arith.constant 2 : i32
      %dma_wait3A_1510 = arith.constant 0 : i32
      %dma_wait3A_1511 = arith.constant 0 : i32
      %dma_wait3A_1512 = tpu.memref_slice %arg8[%dma_wait3A_1509, %dma_wait3A_1510, %dma_wait3A_1511] : memref<4x2x80xi32, #tpu.memory_space<vmem>> -> memref<1x2x80xi32, #tpu.memory_space<vmem>>
      %dma_wait3A_1513 = tpu.memref_squeeze %dma_wait3A_1512 : memref<1x2x80xi32, #tpu.memory_space<vmem>> -> memref<2x80xi32, #tpu.memory_space<vmem>>
      %dma_wait3A_1514 = arith.constant 0 : i32
      %dma_wait3A_1515 = arith.constant 0 : i32
      %dma_wait3A_1516 = tpu.memref_slice %arg3[%mul3A_232, %dma_wait3A_1514, %dma_wait3A_1515] : memref<4000x2x80xi32, #tpu.memory_space<hbm>> -> memref<1x2x80xi32, #tpu.memory_space<hbm>>
      %dma_wait3A_1517 = tpu.memref_squeeze %dma_wait3A_1516 : memref<1x2x80xi32, #tpu.memory_space<hbm>> -> memref<2x80xi32, #tpu.memory_space<hbm>>
      %dma_wait3A_1518 = arith.constant 0 : i32
      %dma_wait3A_1519 = arith.constant 0 : i32
      %dma_wait3A_1520 = tpu.memref_slice %arg8[%dma_wait3A_1509, %dma_wait3A_1518, %dma_wait3A_1519] : memref<4x2x80xi32, #tpu.memory_space<vmem>> -> memref<1x2x80xi32, #tpu.memory_space<vmem>>
      %dma_wait3A_1521 = tpu.memref_squeeze %dma_wait3A_1520 : memref<1x2x80xi32, #tpu.memory_space<vmem>> -> memref<2x80xi32, #tpu.memory_space<vmem>>
      %dma_wait3A_1522 = arith.constant 0 : i32
      %dma_wait3A_1523 = arith.constant 0 : i32
      %dma_wait3A_1524 = tpu.memref_slice %arg3[%mul3A_232, %dma_wait3A_1522, %dma_wait3A_1523] : memref<4000x2x80xi32, #tpu.memory_space<hbm>> -> memref<1x2x80xi32, #tpu.memory_space<hbm>>
      %dma_wait3A_1525 = tpu.memref_squeeze %dma_wait3A_1524 : memref<1x2x80xi32, #tpu.memory_space<hbm>> -> memref<2x80xi32, #tpu.memory_space<hbm>>
      tpu.wait_dma2 semaphore(%arg17 : memref<!tpu.dma_semaphore, #tpu.memory_space<semaphore_mem>>) src(%dma_wait3A_1525 : memref<2x80xi32, #tpu.memory_space<hbm>>) dst(%dma_wait3A_1521 : memref<2x80xi32, #tpu.memory_space<vmem>>)
      %dma_wait3A_1526 = arith.constant 0 : i32
      %dma_wait3A_1527 = arith.constant 0 : i32
      %dma_wait3A_1528 = arith.constant 0 : i32
      %dma_wait3A_1529 = arith.constant 0 : i32
      %dma_wait3A_1530 = arith.constant 0 : i32
      %dma_wait3A_1531 = tpu.memref_slice %arg9[%dma_wait3A_1526, %dma_wait3A_1529, %dma_wait3A_1530] : memref<3x80x128xf32, #tpu.memory_space<vmem>> -> memref<1x80x128xf32, #tpu.memory_space<vmem>>
      %dma_wait3A_1532 = tpu.memref_squeeze %dma_wait3A_1531 : memref<1x80x128xf32, #tpu.memory_space<vmem>> -> memref<80x128xf32, #tpu.memory_space<vmem>>
      %dma_wait3A_1533 = arith.constant 0 : i32
      %dma_wait3A_1534 = tpu.memref_slice %arg8[%dma_wait3A_1527, %dma_wait3A_1528, %dma_wait3A_1533] : memref<4x2x80xi32, #tpu.memory_space<vmem>> -> memref<1x1x80xi32, #tpu.memory_space<vmem>>
      %dma_wait3A_1535 = tpu.memref_squeeze %dma_wait3A_1534 : memref<1x1x80xi32, #tpu.memory_space<vmem>> -> memref<80xi32, #tpu.memory_space<vmem>>
      %dma_wait3A_1536 = arith.constant 0 : i32
      %dma_wait3A_1537 = arith.constant 0 : i32
      %dma_wait3A_1538 = tpu.memref_slice %arg7[%dma_wait3A_1536, %dma_wait3A_1537] : memref<10240x128xf32, #tpu.memory_space<vmem_shared>> -> memref<10240x128xf32, #tpu.memory_space<vmem_shared>>
      tpu.wait_indirect_dma semaphore(%arg12 : memref<!tpu.dma_semaphore, #tpu.memory_space<semaphore_mem>>) src(%dma_wait3A_1532 : memref<80x128xf32, #tpu.memory_space<vmem>>) dst(%dma_wait3A_1538 : memref<10240x128xf32, #tpu.memory_space<vmem_shared>>)
      %add3A_1539 = arith.constant 1 : i32
      %add3A_1540 = arith.addi %add3A_1482, %add3A_1539 : i32
      %dma_start3A_1541 = arith.constant 2 : i32
      %dma_start3A_1542 = arith.constant 1 : i32
      %dma_start3A_1543 = arith.constant 0 : i32
      %dma_start3A_1544 = arith.constant 0 : i32
      %dma_start3A_1545 = arith.constant 0 : i32
      %dma_start3A_1546 = tpu.memref_slice %arg9[%dma_start3A_1543, %dma_start3A_1544, %dma_start3A_1545] : memref<3x80x128xf32, #tpu.memory_space<vmem>> -> memref<1x80x128xf32, #tpu.memory_space<vmem>>
      %dma_start3A_1547 = tpu.memref_squeeze %dma_start3A_1546 : memref<1x80x128xf32, #tpu.memory_space<vmem>> -> memref<80x128xf32, #tpu.memory_space<vmem>>
      %dma_start3A_1548 = arith.constant 0 : i32
      %dma_start3A_1549 = tpu.memref_slice %arg8[%dma_start3A_1541, %dma_start3A_1542, %dma_start3A_1548] : memref<4x2x80xi32, #tpu.memory_space<vmem>> -> memref<1x1x80xi32, #tpu.memory_space<vmem>>
      %dma_start3A_1550 = tpu.memref_squeeze %dma_start3A_1549 : memref<1x1x80xi32, #tpu.memory_space<vmem>> -> memref<80xi32, #tpu.memory_space<vmem>>
      %dma_start3A_1551 = arith.constant 0 : i32
      %dma_start3A_1552 = arith.constant 0 : i32
      %dma_start3A_1553 = tpu.memref_slice %arg2[%dma_start3A_1551, %dma_start3A_1552] : memref<10000x128xf32, #tpu.memory_space<hbm>> -> memref<10000x128xf32, #tpu.memory_space<hbm>>
      tpu.enqueue_indirect_dma source(%dma_start3A_1553 : memref<10000x128xf32, #tpu.memory_space<hbm>>) target(%dma_start3A_1547 : memref<80x128xf32, #tpu.memory_space<vmem>>) offsets(%dma_start3A_1550 : memref<80xi32, #tpu.memory_space<vmem>>) semaphore(%arg11 : memref<!tpu.dma_semaphore, #tpu.memory_space<semaphore_mem>>)
      %add3A_1554 = arith.constant 2 : i32
      %add3A_1555 = arith.addi %add3A_1482, %add3A_1554 : i32
      %add3A_1556 = arith.addi %mul3A_232, %add3A_1555 : i32
      %dma_start3A_1557 = arith.constant 3 : i32
      %dma_start3A_1558 = arith.constant 0 : i32
      %dma_start3A_1559 = arith.constant 0 : i32
      %dma_start3A_1560 = tpu.memref_slice %arg8[%dma_start3A_1557, %dma_start3A_1558, %dma_start3A_1559] : memref<4x2x80xi32, #tpu.memory_space<vmem>> -> memref<1x2x80xi32, #tpu.memory_space<vmem>>
      %dma_start3A_1561 = tpu.memref_squeeze %dma_start3A_1560 : memref<1x2x80xi32, #tpu.memory_space<vmem>> -> memref<2x80xi32, #tpu.memory_space<vmem>>
      %dma_start3A_1562 = arith.constant 0 : i32
      %dma_start3A_1563 = arith.constant 0 : i32
      %dma_start3A_1564 = tpu.memref_slice %arg3[%add3A_1556, %dma_start3A_1562, %dma_start3A_1563] : memref<4000x2x80xi32, #tpu.memory_space<hbm>> -> memref<1x2x80xi32, #tpu.memory_space<hbm>>
      %dma_start3A_1565 = tpu.memref_squeeze %dma_start3A_1564 : memref<1x2x80xi32, #tpu.memory_space<hbm>> -> memref<2x80xi32, #tpu.memory_space<hbm>>
      %dma_start3A_1566 = arith.constant 0 : i32
      %dma_start3A_1567 = arith.constant 0 : i32
      %dma_start3A_1568 = tpu.memref_slice %arg8[%dma_start3A_1557, %dma_start3A_1566, %dma_start3A_1567] : memref<4x2x80xi32, #tpu.memory_space<vmem>> -> memref<1x2x80xi32, #tpu.memory_space<vmem>>
      %dma_start3A_1569 = tpu.memref_squeeze %dma_start3A_1568 : memref<1x2x80xi32, #tpu.memory_space<vmem>> -> memref<2x80xi32, #tpu.memory_space<vmem>>
      %dma_start3A_1570 = arith.constant 0 : i32
      %dma_start3A_1571 = arith.constant 0 : i32
      %dma_start3A_1572 = tpu.memref_slice %arg3[%add3A_1556, %dma_start3A_1570, %dma_start3A_1571] : memref<4000x2x80xi32, #tpu.memory_space<hbm>> -> memref<1x2x80xi32, #tpu.memory_space<hbm>>
      %dma_start3A_1573 = tpu.memref_squeeze %dma_start3A_1572 : memref<1x2x80xi32, #tpu.memory_space<hbm>> -> memref<2x80xi32, #tpu.memory_space<hbm>>
      tpu.enqueue_dma source(%dma_start3A_1573 : memref<2x80xi32, #tpu.memory_space<hbm>>) target(%dma_start3A_1569 : memref<2x80xi32, #tpu.memory_space<vmem>>) target_semaphore(%arg18 : memref<!tpu.dma_semaphore, #tpu.memory_space<semaphore_mem>>)
      %get3A_1574 = arith.constant 1 : i32
      %get3A_1575 = arith.constant 0 : i32
      %get3A_1576 = arith.index_cast %get3A_1574 : i32 to index
      %get3A_1577 = arith.index_cast %get3A_1575 : i32 to index
      %get3A_1578 = arith.constant 0 : index
      %get3A_1579 = tpu.vector_load %arg8[%get3A_1576, %get3A_1577, %get3A_1578] {strides = array<i32>} : memref<4x2x80xi32, #tpu.memory_space<vmem>>, vector<16xi32>,
      tpu.vector_store_idx %arg10[%get3A_1579], %broadcast_in_dim3A_234 {add = true} : memref<10240xf32, #tpu.memory_space<vmem>>[vector<16xi32>], vector<16xf32>,
      %get3A_1580 = arith.constant 1 : i32
      %get3A_1581 = arith.constant 0 : i32
      %get3A_1582 = arith.index_cast %get3A_1580 : i32 to index
      %get3A_1583 = arith.index_cast %get3A_1581 : i32 to index
      %get3A_1584 = arith.constant 16 : index
      %get3A_1585 = tpu.vector_load %arg8[%get3A_1582, %get3A_1583, %get3A_1584] {strides = array<i32>} : memref<4x2x80xi32, #tpu.memory_space<vmem>>, vector<16xi32>,
      tpu.vector_store_idx %arg10[%get3A_1585], %broadcast_in_dim3A_234 {add = true} : memref<10240xf32, #tpu.memory_space<vmem>>[vector<16xi32>], vector<16xf32>,
      %get3A_1586 = arith.constant 1 : i32
      %get3A_1587 = arith.constant 0 : i32
      %get3A_1588 = arith.index_cast %get3A_1586 : i32 to index
      %get3A_1589 = arith.index_cast %get3A_1587 : i32 to index
      %get3A_1590 = arith.constant 32 : index
      %get3A_1591 = tpu.vector_load %arg8[%get3A_1588, %get3A_1589, %get3A_1590] {strides = array<i32>} : memref<4x2x80xi32, #tpu.memory_space<vmem>>, vector<16xi32>,
      tpu.vector_store_idx %arg10[%get3A_1591], %broadcast_in_dim3A_234 {add = true} : memref<10240xf32, #tpu.memory_space<vmem>>[vector<16xi32>], vector<16xf32>,
      %get3A_1592 = arith.constant 1 : i32
      %get3A_1593 = arith.constant 0 : i32
      %get3A_1594 = arith.index_cast %get3A_1592 : i32 to index
      %get3A_1595 = arith.index_cast %get3A_1593 : i32 to index
      %get3A_1596 = arith.constant 48 : index
      %get3A_1597 = tpu.vector_load %arg8[%get3A_1594, %get3A_1595, %get3A_1596] {strides = array<i32>} : memref<4x2x80xi32, #tpu.memory_space<vmem>>, vector<16xi32>,
      tpu.vector_store_idx %arg10[%get3A_1597], %broadcast_in_dim3A_234 {add = true} : memref<10240xf32, #tpu.memory_space<vmem>>[vector<16xi32>], vector<16xf32>,
      %get3A_1598 = arith.constant 1 : i32
      %get3A_1599 = arith.constant 0 : i32
      %get3A_1600 = arith.index_cast %get3A_1598 : i32 to index
      %get3A_1601 = arith.index_cast %get3A_1599 : i32 to index
      %get3A_1602 = arith.constant 64 : index
      %get3A_1603 = tpu.vector_load %arg8[%get3A_1600, %get3A_1601, %get3A_1602] {strides = array<i32>} : memref<4x2x80xi32, #tpu.memory_space<vmem>>, vector<16xi32>,
      tpu.vector_store_idx %arg10[%get3A_1603], %broadcast_in_dim3A_234 {add = true} : memref<10240xf32, #tpu.memory_space<vmem>>[vector<16xi32>], vector<16xf32>,
      %add3A_1604 = arith.constant 4 : i32
      %add3A_1605 = arith.addi %add3A_1111, %add3A_1604 : i32
      %dma_wait3A_1606 = arith.constant 0 : i32
      %dma_wait3A_1607 = arith.constant 1 : i32
      %dma_wait3A_1608 = arith.constant 0 : i32
      %dma_wait3A_1609 = arith.constant 0 : i32
      %dma_wait3A_1610 = arith.constant 0 : i32
      %dma_wait3A_1611 = tpu.memref_slice %arg9[%dma_wait3A_1608, %dma_wait3A_1609, %dma_wait3A_1610] : memref<3x80x128xf32, #tpu.memory_space<vmem>> -> memref<1x80x128xf32, #tpu.memory_space<vmem>>
      %dma_wait3A_1612 = tpu.memref_squeeze %dma_wait3A_1611 : memref<1x80x128xf32, #tpu.memory_space<vmem>> -> memref<80x128xf32, #tpu.memory_space<vmem>>
      %dma_wait3A_1613 = arith.constant 0 : i32
      %dma_wait3A_1614 = tpu.memref_slice %arg8[%dma_wait3A_1606, %dma_wait3A_1607, %dma_wait3A_1613] : memref<4x2x80xi32, #tpu.memory_space<vmem>> -> memref<1x1x80xi32, #tpu.memory_space<vmem>>
      %dma_wait3A_1615 = tpu.memref_squeeze %dma_wait3A_1614 : memref<1x1x80xi32, #tpu.memory_space<vmem>> -> memref<80xi32, #tpu.memory_space<vmem>>
      %dma_wait3A_1616 = arith.constant 0 : i32
      %dma_wait3A_1617 = arith.constant 0 : i32
      %dma_wait3A_1618 = tpu.memref_slice %arg2[%dma_wait3A_1616, %dma_wait3A_1617] : memref<10000x128xf32, #tpu.memory_space<hbm>> -> memref<10000x128xf32, #tpu.memory_space<hbm>>
      tpu.wait_indirect_dma semaphore(%arg11 : memref<!tpu.dma_semaphore, #tpu.memory_space<semaphore_mem>>) src(%dma_wait3A_1618 : memref<10000x128xf32, #tpu.memory_space<hbm>>) dst(%dma_wait3A_1612 : memref<80x128xf32, #tpu.memory_space<vmem>>)
      %dma_start3A_1619 = arith.constant 0 : i32
      %dma_start3A_1620 = arith.constant 2 : i32
      %dma_start3A_1621 = arith.constant 0 : i32
      %dma_start3A_1622 = arith.constant 0 : i32
      %dma_start3A_1623 = arith.constant 0 : i32
      %dma_start3A_1624 = tpu.memref_slice %arg9[%dma_start3A_1619, %dma_start3A_1622, %dma_start3A_1623] : memref<3x80x128xf32, #tpu.memory_space<vmem>> -> memref<1x80x128xf32, #tpu.memory_space<vmem>>
      %dma_start3A_1625 = tpu.memref_squeeze %dma_start3A_1624 : memref<1x80x128xf32, #tpu.memory_space<vmem>> -> memref<80x128xf32, #tpu.memory_space<vmem>>
      %dma_start3A_1626 = arith.constant 0 : i32
      %dma_start3A_1627 = tpu.memref_slice %arg8[%dma_start3A_1620, %dma_start3A_1621, %dma_start3A_1626] : memref<4x2x80xi32, #tpu.memory_space<vmem>> -> memref<1x1x80xi32, #tpu.memory_space<vmem>>
      %dma_start3A_1628 = tpu.memref_squeeze %dma_start3A_1627 : memref<1x1x80xi32, #tpu.memory_space<vmem>> -> memref<80xi32, #tpu.memory_space<vmem>>
      %dma_start3A_1629 = arith.constant 0 : i32
      %dma_start3A_1630 = arith.constant 0 : i32
      %dma_start3A_1631 = tpu.memref_slice %arg7[%dma_start3A_1629, %dma_start3A_1630] : memref<10240x128xf32, #tpu.memory_space<vmem_shared>> -> memref<10240x128xf32, #tpu.memory_space<vmem_shared>>
      tpu.enqueue_indirect_dma source(%dma_start3A_1625 : memref<80x128xf32, #tpu.memory_space<vmem>>) target(%dma_start3A_1631 : memref<10240x128xf32, #tpu.memory_space<vmem_shared>>) offsets(%dma_start3A_1628 : memref<80xi32, #tpu.memory_space<vmem>>) semaphore(%arg12 : memref<!tpu.dma_semaphore, #tpu.memory_space<semaphore_mem>>) {add = true}
      %dma_wait3A_1632 = arith.constant 3 : i32
      %dma_wait3A_1633 = arith.constant 0 : i32
      %dma_wait3A_1634 = arith.constant 0 : i32
      %dma_wait3A_1635 = tpu.memref_slice %arg8[%dma_wait3A_1632, %dma_wait3A_1633, %dma_wait3A_1634] : memref<4x2x80xi32, #tpu.memory_space<vmem>> -> memref<1x2x80xi32, #tpu.memory_space<vmem>>
      %dma_wait3A_1636 = tpu.memref_squeeze %dma_wait3A_1635 : memref<1x2x80xi32, #tpu.memory_space<vmem>> -> memref<2x80xi32, #tpu.memory_space<vmem>>
      %dma_wait3A_1637 = arith.constant 0 : i32
      %dma_wait3A_1638 = arith.constant 0 : i32
      %dma_wait3A_1639 = tpu.memref_slice %arg3[%mul3A_232, %dma_wait3A_1637, %dma_wait3A_1638] : memref<4000x2x80xi32, #tpu.memory_space<hbm>> -> memref<1x2x80xi32, #tpu.memory_space<hbm>>
      %dma_wait3A_1640 = tpu.memref_squeeze %dma_wait3A_1639 : memref<1x2x80xi32, #tpu.memory_space<hbm>> -> memref<2x80xi32, #tpu.memory_space<hbm>>
      %dma_wait3A_1641 = arith.constant 0 : i32
      %dma_wait3A_1642 = arith.constant 0 : i32
      %dma_wait3A_1643 = tpu.memref_slice %arg8[%dma_wait3A_1632, %dma_wait3A_1641, %dma_wait3A_1642] : memref<4x2x80xi32, #tpu.memory_space<vmem>> -> memref<1x2x80xi32, #tpu.memory_space<vmem>>
      %dma_wait3A_1644 = tpu.memref_squeeze %dma_wait3A_1643 : memref<1x2x80xi32, #tpu.memory_space<vmem>> -> memref<2x80xi32, #tpu.memory_space<vmem>>
      %dma_wait3A_1645 = arith.constant 0 : i32
      %dma_wait3A_1646 = arith.constant 0 : i32
      %dma_wait3A_1647 = tpu.memref_slice %arg3[%mul3A_232, %dma_wait3A_1645, %dma_wait3A_1646] : memref<4000x2x80xi32, #tpu.memory_space<hbm>> -> memref<1x2x80xi32, #tpu.memory_space<hbm>>
      %dma_wait3A_1648 = tpu.memref_squeeze %dma_wait3A_1647 : memref<1x2x80xi32, #tpu.memory_space<hbm>> -> memref<2x80xi32, #tpu.memory_space<hbm>>
      tpu.wait_dma2 semaphore(%arg18 : memref<!tpu.dma_semaphore, #tpu.memory_space<semaphore_mem>>) src(%dma_wait3A_1648 : memref<2x80xi32, #tpu.memory_space<hbm>>) dst(%dma_wait3A_1644 : memref<2x80xi32, #tpu.memory_space<vmem>>)
      %dma_wait3A_1649 = arith.constant 1 : i32
      %dma_wait3A_1650 = arith.constant 0 : i32
      %dma_wait3A_1651 = arith.constant 0 : i32
      %dma_wait3A_1652 = arith.constant 0 : i32
      %dma_wait3A_1653 = arith.constant 0 : i32
      %dma_wait3A_1654 = tpu.memref_slice %arg9[%dma_wait3A_1649, %dma_wait3A_1652, %dma_wait3A_1653] : memref<3x80x128xf32, #tpu.memory_space<vmem>> -> memref<1x80x128xf32, #tpu.memory_space<vmem>>
      %dma_wait3A_1655 = tpu.memref_squeeze %dma_wait3A_1654 : memref<1x80x128xf32, #tpu.memory_space<vmem>> -> memref<80x128xf32, #tpu.memory_space<vmem>>
      %dma_wait3A_1656 = arith.constant 0 : i32
      %dma_wait3A_1657 = tpu.memref_slice %arg8[%dma_wait3A_1650, %dma_wait3A_1651, %dma_wait3A_1656] : memref<4x2x80xi32, #tpu.memory_space<vmem>> -> memref<1x1x80xi32, #tpu.memory_space<vmem>>
      %dma_wait3A_1658 = tpu.memref_squeeze %dma_wait3A_1657 : memref<1x1x80xi32, #tpu.memory_space<vmem>> -> memref<80xi32, #tpu.memory_space<vmem>>
      %dma_wait3A_1659 = arith.constant 0 : i32
      %dma_wait3A_1660 = arith.constant 0 : i32
      %dma_wait3A_1661 = tpu.memref_slice %arg7[%dma_wait3A_1659, %dma_wait3A_1660] : memref<10240x128xf32, #tpu.memory_space<vmem_shared>> -> memref<10240x128xf32, #tpu.memory_space<vmem_shared>>
      tpu.wait_indirect_dma semaphore(%arg13 : memref<!tpu.dma_semaphore, #tpu.memory_space<semaphore_mem>>) src(%dma_wait3A_1655 : memref<80x128xf32, #tpu.memory_space<vmem>>) dst(%dma_wait3A_1661 : memref<10240x128xf32, #tpu.memory_space<vmem_shared>>)
      %add3A_1662 = arith.constant 1 : i32
      %add3A_1663 = arith.addi %add3A_1605, %add3A_1662 : i32
      %dma_start3A_1664 = arith.constant 3 : i32
      %dma_start3A_1665 = arith.constant 1 : i32
      %dma_start3A_1666 = arith.constant 1 : i32
      %dma_start3A_1667 = arith.constant 0 : i32
      %dma_start3A_1668 = arith.constant 0 : i32
      %dma_start3A_1669 = tpu.memref_slice %arg9[%dma_start3A_1666, %dma_start3A_1667, %dma_start3A_1668] : memref<3x80x128xf32, #tpu.memory_space<vmem>> -> memref<1x80x128xf32, #tpu.memory_space<vmem>>
      %dma_start3A_1670 = tpu.memref_squeeze %dma_start3A_1669 : memref<1x80x128xf32, #tpu.memory_space<vmem>> -> memref<80x128xf32, #tpu.memory_space<vmem>>
      %dma_start3A_1671 = arith.constant 0 : i32
      %dma_start3A_1672 = tpu.memref_slice %arg8[%dma_start3A_1664, %dma_start3A_1665, %dma_start3A_1671] : memref<4x2x80xi32, #tpu.memory_space<vmem>> -> memref<1x1x80xi32, #tpu.memory_space<vmem>>
      %dma_start3A_1673 = tpu.memref_squeeze %dma_start3A_1672 : memref<1x1x80xi32, #tpu.memory_space<vmem>> -> memref<80xi32, #tpu.memory_space<vmem>>
      %dma_start3A_1674 = arith.constant 0 : i32
      %dma_start3A_1675 = arith.constant 0 : i32
      %dma_start3A_1676 = tpu.memref_slice %arg2[%dma_start3A_1674, %dma_start3A_1675] : memref<10000x128xf32, #tpu.memory_space<hbm>> -> memref<10000x128xf32, #tpu.memory_space<hbm>>
      tpu.enqueue_indirect_dma source(%dma_start3A_1676 : memref<10000x128xf32, #tpu.memory_space<hbm>>) target(%dma_start3A_1670 : memref<80x128xf32, #tpu.memory_space<vmem>>) offsets(%dma_start3A_1673 : memref<80xi32, #tpu.memory_space<vmem>>) semaphore(%arg11 : memref<!tpu.dma_semaphore, #tpu.memory_space<semaphore_mem>>)
      %add3A_1677 = arith.constant 2 : i32
      %add3A_1678 = arith.addi %add3A_1605, %add3A_1677 : i32
      %add3A_1679 = arith.addi %mul3A_232, %add3A_1678 : i32
      %dma_start3A_1680 = arith.constant 0 : i32
      %dma_start3A_1681 = arith.constant 0 : i32
      %dma_start3A_1682 = arith.constant 0 : i32
      %dma_start3A_1683 = tpu.memref_slice %arg8[%dma_start3A_1680, %dma_start3A_1681, %dma_start3A_1682] : memref<4x2x80xi32, #tpu.memory_space<vmem>> -> memref<1x2x80xi32, #tpu.memory_space<vmem>>
      %dma_start3A_1684 = tpu.memref_squeeze %dma_start3A_1683 : memref<1x2x80xi32, #tpu.memory_space<vmem>> -> memref<2x80xi32, #tpu.memory_space<vmem>>
      %dma_start3A_1685 = arith.constant 0 : i32
      %dma_start3A_1686 = arith.constant 0 : i32
      %dma_start3A_1687 = tpu.memref_slice %arg3[%add3A_1679, %dma_start3A_1685, %dma_start3A_1686] : memref<4000x2x80xi32, #tpu.memory_space<hbm>> -> memref<1x2x80xi32, #tpu.memory_space<hbm>>
      %dma_start3A_1688 = tpu.memref_squeeze %dma_start3A_1687 : memref<1x2x80xi32, #tpu.memory_space<hbm>> -> memref<2x80xi32, #tpu.memory_space<hbm>>
      %dma_start3A_1689 = arith.constant 0 : i32
      %dma_start3A_1690 = arith.constant 0 : i32
      %dma_start3A_1691 = tpu.memref_slice %arg8[%dma_start3A_1680, %dma_start3A_1689, %dma_start3A_1690] : memref<4x2x80xi32, #tpu.memory_space<vmem>> -> memref<1x2x80xi32, #tpu.memory_space<vmem>>
      %dma_start3A_1692 = tpu.memref_squeeze %dma_start3A_1691 : memref<1x2x80xi32, #tpu.memory_space<vmem>> -> memref<2x80xi32, #tpu.memory_space<vmem>>
      %dma_start3A_1693 = arith.constant 0 : i32
      %dma_start3A_1694 = arith.constant 0 : i32
      %dma_start3A_1695 = tpu.memref_slice %arg3[%add3A_1679, %dma_start3A_1693, %dma_start3A_1694] : memref<4000x2x80xi32, #tpu.memory_space<hbm>> -> memref<1x2x80xi32, #tpu.memory_space<hbm>>
      %dma_start3A_1696 = tpu.memref_squeeze %dma_start3A_1695 : memref<1x2x80xi32, #tpu.memory_space<hbm>> -> memref<2x80xi32, #tpu.memory_space<hbm>>
      tpu.enqueue_dma source(%dma_start3A_1696 : memref<2x80xi32, #tpu.memory_space<hbm>>) target(%dma_start3A_1692 : memref<2x80xi32, #tpu.memory_space<vmem>>) target_semaphore(%arg15 : memref<!tpu.dma_semaphore, #tpu.memory_space<semaphore_mem>>)
      %get3A_1697 = arith.constant 2 : i32
      %get3A_1698 = arith.constant 0 : i32
      %get3A_1699 = arith.index_cast %get3A_1697 : i32 to index
      %get3A_1700 = arith.index_cast %get3A_1698 : i32 to index
      %get3A_1701 = arith.constant 0 : index
      %get3A_1702 = tpu.vector_load %arg8[%get3A_1699, %get3A_1700, %get3A_1701] {strides = array<i32>} : memref<4x2x80xi32, #tpu.memory_space<vmem>>, vector<16xi32>,
      tpu.vector_store_idx %arg10[%get3A_1702], %broadcast_in_dim3A_234 {add = true} : memref<10240xf32, #tpu.memory_space<vmem>>[vector<16xi32>], vector<16xf32>,
      %get3A_1703 = arith.constant 2 : i32
      %get3A_1704 = arith.constant 0 : i32
      %get3A_1705 = arith.index_cast %get3A_1703 : i32 to index
      %get3A_1706 = arith.index_cast %get3A_1704 : i32 to index
      %get3A_1707 = arith.constant 16 : index
      %get3A_1708 = tpu.vector_load %arg8[%get3A_1705, %get3A_1706, %get3A_1707] {strides = array<i32>} : memref<4x2x80xi32, #tpu.memory_space<vmem>>, vector<16xi32>,
      tpu.vector_store_idx %arg10[%get3A_1708], %broadcast_in_dim3A_234 {add = true} : memref<10240xf32, #tpu.memory_space<vmem>>[vector<16xi32>], vector<16xf32>,
      %get3A_1709 = arith.constant 2 : i32
      %get3A_1710 = arith.constant 0 : i32
      %get3A_1711 = arith.index_cast %get3A_1709 : i32 to index
      %get3A_1712 = arith.index_cast %get3A_1710 : i32 to index
      %get3A_1713 = arith.constant 32 : index
      %get3A_1714 = tpu.vector_load %arg8[%get3A_1711, %get3A_1712, %get3A_1713] {strides = array<i32>} : memref<4x2x80xi32, #tpu.memory_space<vmem>>, vector<16xi32>,
      tpu.vector_store_idx %arg10[%get3A_1714], %broadcast_in_dim3A_234 {add = true} : memref<10240xf32, #tpu.memory_space<vmem>>[vector<16xi32>], vector<16xf32>,
      %get3A_1715 = arith.constant 2 : i32
      %get3A_1716 = arith.constant 0 : i32
      %get3A_1717 = arith.index_cast %get3A_1715 : i32 to index
      %get3A_1718 = arith.index_cast %get3A_1716 : i32 to index
      %get3A_1719 = arith.constant 48 : index
      %get3A_1720 = tpu.vector_load %arg8[%get3A_1717, %get3A_1718, %get3A_1719] {strides = array<i32>} : memref<4x2x80xi32, #tpu.memory_space<vmem>>, vector<16xi32>,
      tpu.vector_store_idx %arg10[%get3A_1720], %broadcast_in_dim3A_234 {add = true} : memref<10240xf32, #tpu.memory_space<vmem>>[vector<16xi32>], vector<16xf32>,
      %get3A_1721 = arith.constant 2 : i32
      %get3A_1722 = arith.constant 0 : i32
      %get3A_1723 = arith.index_cast %get3A_1721 : i32 to index
      %get3A_1724 = arith.index_cast %get3A_1722 : i32 to index
      %get3A_1725 = arith.constant 64 : index
      %get3A_1726 = tpu.vector_load %arg8[%get3A_1723, %get3A_1724, %get3A_1725] {strides = array<i32>} : memref<4x2x80xi32, #tpu.memory_space<vmem>>, vector<16xi32>,
      tpu.vector_store_idx %arg10[%get3A_1726], %broadcast_in_dim3A_234 {add = true} : memref<10240xf32, #tpu.memory_space<vmem>>[vector<16xi32>], vector<16xf32>,
      %add3A_1727 = arith.constant 5 : i32
      %add3A_1728 = arith.addi %add3A_1111, %add3A_1727 : i32
      %dma_wait3A_1729 = arith.constant 0 : i32
      %dma_wait3A_1730 = arith.constant 1 : i32
      %dma_wait3A_1731 = arith.constant 1 : i32
      %dma_wait3A_1732 = arith.constant 0 : i32
      %dma_wait3A_1733 = arith.constant 0 : i32
      %dma_wait3A_1734 = tpu.memref_slice %arg9[%dma_wait3A_1731, %dma_wait3A_1732, %dma_wait3A_1733] : memref<3x80x128xf32, #tpu.memory_space<vmem>> -> memref<1x80x128xf32, #tpu.memory_space<vmem>>
      %dma_wait3A_1735 = tpu.memref_squeeze %dma_wait3A_1734 : memref<1x80x128xf32, #tpu.memory_space<vmem>> -> memref<80x128xf32, #tpu.memory_space<vmem>>
      %dma_wait3A_1736 = arith.constant 0 : i32
      %dma_wait3A_1737 = tpu.memref_slice %arg8[%dma_wait3A_1729, %dma_wait3A_1730, %dma_wait3A_1736] : memref<4x2x80xi32, #tpu.memory_space<vmem>> -> memref<1x1x80xi32, #tpu.memory_space<vmem>>
      %dma_wait3A_1738 = tpu.memref_squeeze %dma_wait3A_1737 : memref<1x1x80xi32, #tpu.memory_space<vmem>> -> memref<80xi32, #tpu.memory_space<vmem>>
      %dma_wait3A_1739 = arith.constant 0 : i32
      %dma_wait3A_1740 = arith.constant 0 : i32
      %dma_wait3A_1741 = tpu.memref_slice %arg2[%dma_wait3A_1739, %dma_wait3A_1740] : memref<10000x128xf32, #tpu.memory_space<hbm>> -> memref<10000x128xf32, #tpu.memory_space<hbm>>
      tpu.wait_indirect_dma semaphore(%arg11 : memref<!tpu.dma_semaphore, #tpu.memory_space<semaphore_mem>>) src(%dma_wait3A_1741 : memref<10000x128xf32, #tpu.memory_space<hbm>>) dst(%dma_wait3A_1735 : memref<80x128xf32, #tpu.memory_space<vmem>>)
      %dma_start3A_1742 = arith.constant 1 : i32
      %dma_start3A_1743 = arith.constant 3 : i32
      %dma_start3A_1744 = arith.constant 0 : i32
      %dma_start3A_1745 = arith.constant 0 : i32
      %dma_start3A_1746 = arith.constant 0 : i32
      %dma_start3A_1747 = tpu.memref_slice %arg9[%dma_start3A_1742, %dma_start3A_1745, %dma_start3A_1746] : memref<3x80x128xf32, #tpu.memory_space<vmem>> -> memref<1x80x128xf32, #tpu.memory_space<vmem>>
      %dma_start3A_1748 = tpu.memref_squeeze %dma_start3A_1747 : memref<1x80x128xf32, #tpu.memory_space<vmem>> -> memref<80x128xf32, #tpu.memory_space<vmem>>
      %dma_start3A_1749 = arith.constant 0 : i32
      %dma_start3A_1750 = tpu.memref_slice %arg8[%dma_start3A_1743, %dma_start3A_1744, %dma_start3A_1749] : memref<4x2x80xi32, #tpu.memory_space<vmem>> -> memref<1x1x80xi32, #tpu.memory_space<vmem>>
      %dma_start3A_1751 = tpu.memref_squeeze %dma_start3A_1750 : memref<1x1x80xi32, #tpu.memory_space<vmem>> -> memref<80xi32, #tpu.memory_space<vmem>>
      %dma_start3A_1752 = arith.constant 0 : i32
      %dma_start3A_1753 = arith.constant 0 : i32
      %dma_start3A_1754 = tpu.memref_slice %arg7[%dma_start3A_1752, %dma_start3A_1753] : memref<10240x128xf32, #tpu.memory_space<vmem_shared>> -> memref<10240x128xf32, #tpu.memory_space<vmem_shared>>
      tpu.enqueue_indirect_dma source(%dma_start3A_1748 : memref<80x128xf32, #tpu.memory_space<vmem>>) target(%dma_start3A_1754 : memref<10240x128xf32, #tpu.memory_space<vmem_shared>>) offsets(%dma_start3A_1751 : memref<80xi32, #tpu.memory_space<vmem>>) semaphore(%arg13 : memref<!tpu.dma_semaphore, #tpu.memory_space<semaphore_mem>>) {add = true}
      %dma_wait3A_1755 = arith.constant 0 : i32
      %dma_wait3A_1756 = arith.constant 0 : i32
      %dma_wait3A_1757 = arith.constant 0 : i32
      %dma_wait3A_1758 = tpu.memref_slice %arg8[%dma_wait3A_1755, %dma_wait3A_1756, %dma_wait3A_1757] : memref<4x2x80xi32, #tpu.memory_space<vmem>> -> memref<1x2x80xi32, #tpu.memory_space<vmem>>
      %dma_wait3A_1759 = tpu.memref_squeeze %dma_wait3A_1758 : memref<1x2x80xi32, #tpu.memory_space<vmem>> -> memref<2x80xi32, #tpu.memory_space<vmem>>
      %dma_wait3A_1760 = arith.constant 0 : i32
      %dma_wait3A_1761 = arith.constant 0 : i32
      %dma_wait3A_1762 = tpu.memref_slice %arg3[%mul3A_232, %dma_wait3A_1760, %dma_wait3A_1761] : memref<4000x2x80xi32, #tpu.memory_space<hbm>> -> memref<1x2x80xi32, #tpu.memory_space<hbm>>
      %dma_wait3A_1763 = tpu.memref_squeeze %dma_wait3A_1762 : memref<1x2x80xi32, #tpu.memory_space<hbm>> -> memref<2x80xi32, #tpu.memory_space<hbm>>
      %dma_wait3A_1764 = arith.constant 0 : i32
      %dma_wait3A_1765 = arith.constant 0 : i32
      %dma_wait3A_1766 = tpu.memref_slice %arg8[%dma_wait3A_1755, %dma_wait3A_1764, %dma_wait3A_1765] : memref<4x2x80xi32, #tpu.memory_space<vmem>> -> memref<1x2x80xi32, #tpu.memory_space<vmem>>
      %dma_wait3A_1767 = tpu.memref_squeeze %dma_wait3A_1766 : memref<1x2x80xi32, #tpu.memory_space<vmem>> -> memref<2x80xi32, #tpu.memory_space<vmem>>
      %dma_wait3A_1768 = arith.constant 0 : i32
      %dma_wait3A_1769 = arith.constant 0 : i32
      %dma_wait3A_1770 = tpu.memref_slice %arg3[%mul3A_232, %dma_wait3A_1768, %dma_wait3A_1769] : memref<4000x2x80xi32, #tpu.memory_space<hbm>> -> memref<1x2x80xi32, #tpu.memory_space<hbm>>
      %dma_wait3A_1771 = tpu.memref_squeeze %dma_wait3A_1770 : memref<1x2x80xi32, #tpu.memory_space<hbm>> -> memref<2x80xi32, #tpu.memory_space<hbm>>
      tpu.wait_dma2 semaphore(%arg15 : memref<!tpu.dma_semaphore, #tpu.memory_space<semaphore_mem>>) src(%dma_wait3A_1771 : memref<2x80xi32, #tpu.memory_space<hbm>>) dst(%dma_wait3A_1767 : memref<2x80xi32, #tpu.memory_space<vmem>>)
      %dma_wait3A_1772 = arith.constant 2 : i32
      %dma_wait3A_1773 = arith.constant 0 : i32
      %dma_wait3A_1774 = arith.constant 0 : i32
      %dma_wait3A_1775 = arith.constant 0 : i32
      %dma_wait3A_1776 = arith.constant 0 : i32
      %dma_wait3A_1777 = tpu.memref_slice %arg9[%dma_wait3A_1772, %dma_wait3A_1775, %dma_wait3A_1776] : memref<3x80x128xf32, #tpu.memory_space<vmem>> -> memref<1x80x128xf32, #tpu.memory_space<vmem>>
      %dma_wait3A_1778 = tpu.memref_squeeze %dma_wait3A_1777 : memref<1x80x128xf32, #tpu.memory_space<vmem>> -> memref<80x128xf32, #tpu.memory_space<vmem>>
      %dma_wait3A_1779 = arith.constant 0 : i32
      %dma_wait3A_1780 = tpu.memref_slice %arg8[%dma_wait3A_1773, %dma_wait3A_1774, %dma_wait3A_1779] : memref<4x2x80xi32, #tpu.memory_space<vmem>> -> memref<1x1x80xi32, #tpu.memory_space<vmem>>
      %dma_wait3A_1781 = tpu.memref_squeeze %dma_wait3A_1780 : memref<1x1x80xi32, #tpu.memory_space<vmem>> -> memref<80xi32, #tpu.memory_space<vmem>>
      %dma_wait3A_1782 = arith.constant 0 : i32
      %dma_wait3A_1783 = arith.constant 0 : i32
      %dma_wait3A_1784 = tpu.memref_slice %arg7[%dma_wait3A_1782, %dma_wait3A_1783] : memref<10240x128xf32, #tpu.memory_space<vmem_shared>> -> memref<10240x128xf32, #tpu.memory_space<vmem_shared>>
      tpu.wait_indirect_dma semaphore(%arg14 : memref<!tpu.dma_semaphore, #tpu.memory_space<semaphore_mem>>) src(%dma_wait3A_1778 : memref<80x128xf32, #tpu.memory_space<vmem>>) dst(%dma_wait3A_1784 : memref<10240x128xf32, #tpu.memory_space<vmem_shared>>)
      %add3A_1785 = arith.constant 1 : i32
      %add3A_1786 = arith.addi %add3A_1728, %add3A_1785 : i32
      %dma_start3A_1787 = arith.constant 0 : i32
      %dma_start3A_1788 = arith.constant 1 : i32
      %dma_start3A_1789 = arith.constant 2 : i32
      %dma_start3A_1790 = arith.constant 0 : i32
      %dma_start3A_1791 = arith.constant 0 : i32
      %dma_start3A_1792 = tpu.memref_slice %arg9[%dma_start3A_1789, %dma_start3A_1790, %dma_start3A_1791] : memref<3x80x128xf32, #tpu.memory_space<vmem>> -> memref<1x80x128xf32, #tpu.memory_space<vmem>>
      %dma_start3A_1793 = tpu.memref_squeeze %dma_start3A_1792 : memref<1x80x128xf32, #tpu.memory_space<vmem>> -> memref<80x128xf32, #tpu.memory_space<vmem>>
      %dma_start3A_1794 = arith.constant 0 : i32
      %dma_start3A_1795 = tpu.memref_slice %arg8[%dma_start3A_1787, %dma_start3A_1788, %dma_start3A_1794] : memref<4x2x80xi32, #tpu.memory_space<vmem>> -> memref<1x1x80xi32, #tpu.memory_space<vmem>>
      %dma_start3A_1796 = tpu.memref_squeeze %dma_start3A_1795 : memref<1x1x80xi32, #tpu.memory_space<vmem>> -> memref<80xi32, #tpu.memory_space<vmem>>
      %dma_start3A_1797 = arith.constant 0 : i32
      %dma_start3A_1798 = arith.constant 0 : i32
      %dma_start3A_1799 = tpu.memref_slice %arg2[%dma_start3A_1797, %dma_start3A_1798] : memref<10000x128xf32, #tpu.memory_space<hbm>> -> memref<10000x128xf32, #tpu.memory_space<hbm>>
      tpu.enqueue_indirect_dma source(%dma_start3A_1799 : memref<10000x128xf32, #tpu.memory_space<hbm>>) target(%dma_start3A_1793 : memref<80x128xf32, #tpu.memory_space<vmem>>) offsets(%dma_start3A_1796 : memref<80xi32, #tpu.memory_space<vmem>>) semaphore(%arg11 : memref<!tpu.dma_semaphore, #tpu.memory_space<semaphore_mem>>)
      %add3A_1800 = arith.constant 2 : i32
      %add3A_1801 = arith.addi %add3A_1728, %add3A_1800 : i32
      %add3A_1802 = arith.addi %mul3A_232, %add3A_1801 : i32
      %dma_start3A_1803 = arith.constant 1 : i32
      %dma_start3A_1804 = arith.constant 0 : i32
      %dma_start3A_1805 = arith.constant 0 : i32
      %dma_start3A_1806 = tpu.memref_slice %arg8[%dma_start3A_1803, %dma_start3A_1804, %dma_start3A_1805] : memref<4x2x80xi32, #tpu.memory_space<vmem>> -> memref<1x2x80xi32, #tpu.memory_space<vmem>>
      %dma_start3A_1807 = tpu.memref_squeeze %dma_start3A_1806 : memref<1x2x80xi32, #tpu.memory_space<vmem>> -> memref<2x80xi32, #tpu.memory_space<vmem>>
      %dma_start3A_1808 = arith.constant 0 : i32
      %dma_start3A_1809 = arith.constant 0 : i32
      %dma_start3A_1810 = tpu.memref_slice %arg3[%add3A_1802, %dma_start3A_1808, %dma_start3A_1809] : memref<4000x2x80xi32, #tpu.memory_space<hbm>> -> memref<1x2x80xi32, #tpu.memory_space<hbm>>
      %dma_start3A_1811 = tpu.memref_squeeze %dma_start3A_1810 : memref<1x2x80xi32, #tpu.memory_space<hbm>> -> memref<2x80xi32, #tpu.memory_space<hbm>>
      %dma_start3A_1812 = arith.constant 0 : i32
      %dma_start3A_1813 = arith.constant 0 : i32
      %dma_start3A_1814 = tpu.memref_slice %arg8[%dma_start3A_1803, %dma_start3A_1812, %dma_start3A_1813] : memref<4x2x80xi32, #tpu.memory_space<vmem>> -> memref<1x2x80xi32, #tpu.memory_space<vmem>>
      %dma_start3A_1815 = tpu.memref_squeeze %dma_start3A_1814 : memref<1x2x80xi32, #tpu.memory_space<vmem>> -> memref<2x80xi32, #tpu.memory_space<vmem>>
      %dma_start3A_1816 = arith.constant 0 : i32
      %dma_start3A_1817 = arith.constant 0 : i32
      %dma_start3A_1818 = tpu.memref_slice %arg3[%add3A_1802, %dma_start3A_1816, %dma_start3A_1817] : memref<4000x2x80xi32, #tpu.memory_space<hbm>> -> memref<1x2x80xi32, #tpu.memory_space<hbm>>
      %dma_start3A_1819 = tpu.memref_squeeze %dma_start3A_1818 : memref<1x2x80xi32, #tpu.memory_space<hbm>> -> memref<2x80xi32, #tpu.memory_space<hbm>>
      tpu.enqueue_dma source(%dma_start3A_1819 : memref<2x80xi32, #tpu.memory_space<hbm>>) target(%dma_start3A_1815 : memref<2x80xi32, #tpu.memory_space<vmem>>) target_semaphore(%arg16 : memref<!tpu.dma_semaphore, #tpu.memory_space<semaphore_mem>>)
      %get3A_1820 = arith.constant 3 : i32
      %get3A_1821 = arith.constant 0 : i32
      %get3A_1822 = arith.index_cast %get3A_1820 : i32 to index
      %get3A_1823 = arith.index_cast %get3A_1821 : i32 to index
      %get3A_1824 = arith.constant 0 : index
      %get3A_1825 = tpu.vector_load %arg8[%get3A_1822, %get3A_1823, %get3A_1824] {strides = array<i32>} : memref<4x2x80xi32, #tpu.memory_space<vmem>>, vector<16xi32>,
      tpu.vector_store_idx %arg10[%get3A_1825], %broadcast_in_dim3A_234 {add = true} : memref<10240xf32, #tpu.memory_space<vmem>>[vector<16xi32>], vector<16xf32>,
      %get3A_1826 = arith.constant 3 : i32
      %get3A_1827 = arith.constant 0 : i32
      %get3A_1828 = arith.index_cast %get3A_1826 : i32 to index
      %get3A_1829 = arith.index_cast %get3A_1827 : i32 to index
      %get3A_1830 = arith.constant 16 : index
      %get3A_1831 = tpu.vector_load %arg8[%get3A_1828, %get3A_1829, %get3A_1830] {strides = array<i32>} : memref<4x2x80xi32, #tpu.memory_space<vmem>>, vector<16xi32>,
      tpu.vector_store_idx %arg10[%get3A_1831], %broadcast_in_dim3A_234 {add = true} : memref<10240xf32, #tpu.memory_space<vmem>>[vector<16xi32>], vector<16xf32>,
      %get3A_1832 = arith.constant 3 : i32
      %get3A_1833 = arith.constant 0 : i32
      %get3A_1834 = arith.index_cast %get3A_1832 : i32 to index
      %get3A_1835 = arith.index_cast %get3A_1833 : i32 to index
      %get3A_1836 = arith.constant 32 : index
      %get3A_1837 = tpu.vector_load %arg8[%get3A_1834, %get3A_1835, %get3A_1836] {strides = array<i32>} : memref<4x2x80xi32, #tpu.memory_space<vmem>>, vector<16xi32>,
      tpu.vector_store_idx %arg10[%get3A_1837], %broadcast_in_dim3A_234 {add = true} : memref<10240xf32, #tpu.memory_space<vmem>>[vector<16xi32>], vector<16xf32>,
      %get3A_1838 = arith.constant 3 : i32
      %get3A_1839 = arith.constant 0 : i32
      %get3A_1840 = arith.index_cast %get3A_1838 : i32 to index
      %get3A_1841 = arith.index_cast %get3A_1839 : i32 to index
      %get3A_1842 = arith.constant 48 : index
      %get3A_1843 = tpu.vector_load %arg8[%get3A_1840, %get3A_1841, %get3A_1842] {strides = array<i32>} : memref<4x2x80xi32, #tpu.memory_space<vmem>>, vector<16xi32>,
      tpu.vector_store_idx %arg10[%get3A_1843], %broadcast_in_dim3A_234 {add = true} : memref<10240xf32, #tpu.memory_space<vmem>>[vector<16xi32>], vector<16xf32>,
      %get3A_1844 = arith.constant 3 : i32
      %get3A_1845 = arith.constant 0 : i32
      %get3A_1846 = arith.index_cast %get3A_1844 : i32 to index
      %get3A_1847 = arith.index_cast %get3A_1845 : i32 to index
      %get3A_1848 = arith.constant 64 : index
      %get3A_1849 = tpu.vector_load %arg8[%get3A_1846, %get3A_1847, %get3A_1848] {strides = array<i32>} : memref<4x2x80xi32, #tpu.memory_space<vmem>>, vector<16xi32>,
      tpu.vector_store_idx %arg10[%get3A_1849], %broadcast_in_dim3A_234 {add = true} : memref<10240xf32, #tpu.memory_space<vmem>>[vector<16xi32>], vector<16xf32>,
      %add3A_1850 = arith.constant 6 : i32
      %add3A_1851 = arith.addi %add3A_1111, %add3A_1850 : i32
      %dma_wait3A_1852 = arith.constant 0 : i32
      %dma_wait3A_1853 = arith.constant 1 : i32
      %dma_wait3A_1854 = arith.constant 2 : i32
      %dma_wait3A_1855 = arith.constant 0 : i32
      %dma_wait3A_1856 = arith.constant 0 : i32
      %dma_wait3A_1857 = tpu.memref_slice %arg9[%dma_wait3A_1854, %dma_wait3A_1855, %dma_wait3A_1856] : memref<3x80x128xf32, #tpu.memory_space<vmem>> -> memref<1x80x128xf32, #tpu.memory_space<vmem>>
      %dma_wait3A_1858 = tpu.memref_squeeze %dma_wait3A_1857 : memref<1x80x128xf32, #tpu.memory_space<vmem>> -> memref<80x128xf32, #tpu.memory_space<vmem>>
      %dma_wait3A_1859 = arith.constant 0 : i32
      %dma_wait3A_1860 = tpu.memref_slice %arg8[%dma_wait3A_1852, %dma_wait3A_1853, %dma_wait3A_1859] : memref<4x2x80xi32, #tpu.memory_space<vmem>> -> memref<1x1x80xi32, #tpu.memory_space<vmem>>
      %dma_wait3A_1861 = tpu.memref_squeeze %dma_wait3A_1860 : memref<1x1x80xi32, #tpu.memory_space<vmem>> -> memref<80xi32, #tpu.memory_space<vmem>>
      %dma_wait3A_1862 = arith.constant 0 : i32
      %dma_wait3A_1863 = arith.constant 0 : i32
      %dma_wait3A_1864 = tpu.memref_slice %arg2[%dma_wait3A_1862, %dma_wait3A_1863] : memref<10000x128xf32, #tpu.memory_space<hbm>> -> memref<10000x128xf32, #tpu.memory_space<hbm>>
      tpu.wait_indirect_dma semaphore(%arg11 : memref<!tpu.dma_semaphore, #tpu.memory_space<semaphore_mem>>) src(%dma_wait3A_1864 : memref<10000x128xf32, #tpu.memory_space<hbm>>) dst(%dma_wait3A_1858 : memref<80x128xf32, #tpu.memory_space<vmem>>)
      %dma_start3A_1865 = arith.constant 2 : i32
      %dma_start3A_1866 = arith.constant 0 : i32
      %dma_start3A_1867 = arith.constant 0 : i32
      %dma_start3A_1868 = arith.constant 0 : i32
      %dma_start3A_1869 = arith.constant 0 : i32
      %dma_start3A_1870 = tpu.memref_slice %arg9[%dma_start3A_1865, %dma_start3A_1868, %dma_start3A_1869] : memref<3x80x128xf32, #tpu.memory_space<vmem>> -> memref<1x80x128xf32, #tpu.memory_space<vmem>>
      %dma_start3A_1871 = tpu.memref_squeeze %dma_start3A_1870 : memref<1x80x128xf32, #tpu.memory_space<vmem>> -> memref<80x128xf32, #tpu.memory_space<vmem>>
      %dma_start3A_1872 = arith.constant 0 : i32
      %dma_start3A_1873 = tpu.memref_slice %arg8[%dma_start3A_1866, %dma_start3A_1867, %dma_start3A_1872] : memref<4x2x80xi32, #tpu.memory_space<vmem>> -> memref<1x1x80xi32, #tpu.memory_space<vmem>>
      %dma_start3A_1874 = tpu.memref_squeeze %dma_start3A_1873 : memref<1x1x80xi32, #tpu.memory_space<vmem>> -> memref<80xi32, #tpu.memory_space<vmem>>
      %dma_start3A_1875 = arith.constant 0 : i32
      %dma_start3A_1876 = arith.constant 0 : i32
      %dma_start3A_1877 = tpu.memref_slice %arg7[%dma_start3A_1875, %dma_start3A_1876] : memref<10240x128xf32, #tpu.memory_space<vmem_shared>> -> memref<10240x128xf32, #tpu.memory_space<vmem_shared>>
      tpu.enqueue_indirect_dma source(%dma_start3A_1871 : memref<80x128xf32, #tpu.memory_space<vmem>>) target(%dma_start3A_1877 : memref<10240x128xf32, #tpu.memory_space<vmem_shared>>) offsets(%dma_start3A_1874 : memref<80xi32, #tpu.memory_space<vmem>>) semaphore(%arg14 : memref<!tpu.dma_semaphore, #tpu.memory_space<semaphore_mem>>) {add = true}
      %dma_wait3A_1878 = arith.constant 1 : i32
      %dma_wait3A_1879 = arith.constant 0 : i32
      %dma_wait3A_1880 = arith.constant 0 : i32
      %dma_wait3A_1881 = tpu.memref_slice %arg8[%dma_wait3A_1878, %dma_wait3A_1879, %dma_wait3A_1880] : memref<4x2x80xi32, #tpu.memory_space<vmem>> -> memref<1x2x80xi32, #tpu.memory_space<vmem>>
      %dma_wait3A_1882 = tpu.memref_squeeze %dma_wait3A_1881 : memref<1x2x80xi32, #tpu.memory_space<vmem>> -> memref<2x80xi32, #tpu.memory_space<vmem>>
      %dma_wait3A_1883 = arith.constant 0 : i32
      %dma_wait3A_1884 = arith.constant 0 : i32
      %dma_wait3A_1885 = tpu.memref_slice %arg3[%mul3A_232, %dma_wait3A_1883, %dma_wait3A_1884] : memref<4000x2x80xi32, #tpu.memory_space<hbm>> -> memref<1x2x80xi32, #tpu.memory_space<hbm>>
      %dma_wait3A_1886 = tpu.memref_squeeze %dma_wait3A_1885 : memref<1x2x80xi32, #tpu.memory_space<hbm>> -> memref<2x80xi32, #tpu.memory_space<hbm>>
      %dma_wait3A_1887 = arith.constant 0 : i32
      %dma_wait3A_1888 = arith.constant 0 : i32
      %dma_wait3A_1889 = tpu.memref_slice %arg8[%dma_wait3A_1878, %dma_wait3A_1887, %dma_wait3A_1888] : memref<4x2x80xi32, #tpu.memory_space<vmem>> -> memref<1x2x80xi32, #tpu.memory_space<vmem>>
      %dma_wait3A_1890 = tpu.memref_squeeze %dma_wait3A_1889 : memref<1x2x80xi32, #tpu.memory_space<vmem>> -> memref<2x80xi32, #tpu.memory_space<vmem>>
      %dma_wait3A_1891 = arith.constant 0 : i32
      %dma_wait3A_1892 = arith.constant 0 : i32
      %dma_wait3A_1893 = tpu.memref_slice %arg3[%mul3A_232, %dma_wait3A_1891, %dma_wait3A_1892] : memref<4000x2x80xi32, #tpu.memory_space<hbm>> -> memref<1x2x80xi32, #tpu.memory_space<hbm>>
      %dma_wait3A_1894 = tpu.memref_squeeze %dma_wait3A_1893 : memref<1x2x80xi32, #tpu.memory_space<hbm>> -> memref<2x80xi32, #tpu.memory_space<hbm>>
      tpu.wait_dma2 semaphore(%arg16 : memref<!tpu.dma_semaphore, #tpu.memory_space<semaphore_mem>>) src(%dma_wait3A_1894 : memref<2x80xi32, #tpu.memory_space<hbm>>) dst(%dma_wait3A_1890 : memref<2x80xi32, #tpu.memory_space<vmem>>)
      %dma_wait3A_1895 = arith.constant 0 : i32
      %dma_wait3A_1896 = arith.constant 0 : i32
      %dma_wait3A_1897 = arith.constant 0 : i32
      %dma_wait3A_1898 = arith.constant 0 : i32
      %dma_wait3A_1899 = arith.constant 0 : i32
      %dma_wait3A_1900 = tpu.memref_slice %arg9[%dma_wait3A_1895, %dma_wait3A_1898, %dma_wait3A_1899] : memref<3x80x128xf32, #tpu.memory_space<vmem>> -> memref<1x80x128xf32, #tpu.memory_space<vmem>>
      %dma_wait3A_1901 = tpu.memref_squeeze %dma_wait3A_1900 : memref<1x80x128xf32, #tpu.memory_space<vmem>> -> memref<80x128xf32, #tpu.memory_space<vmem>>
      %dma_wait3A_1902 = arith.constant 0 : i32
      %dma_wait3A_1903 = tpu.memref_slice %arg8[%dma_wait3A_1896, %dma_wait3A_1897, %dma_wait3A_1902] : memref<4x2x80xi32, #tpu.memory_space<vmem>> -> memref<1x1x80xi32, #tpu.memory_space<vmem>>
      %dma_wait3A_1904 = tpu.memref_squeeze %dma_wait3A_1903 : memref<1x1x80xi32, #tpu.memory_space<vmem>> -> memref<80xi32, #tpu.memory_space<vmem>>
      %dma_wait3A_1905 = arith.constant 0 : i32
      %dma_wait3A_1906 = arith.constant 0 : i32
      %dma_wait3A_1907 = tpu.memref_slice %arg7[%dma_wait3A_1905, %dma_wait3A_1906] : memref<10240x128xf32, #tpu.memory_space<vmem_shared>> -> memref<10240x128xf32, #tpu.memory_space<vmem_shared>>
      tpu.wait_indirect_dma semaphore(%arg12 : memref<!tpu.dma_semaphore, #tpu.memory_space<semaphore_mem>>) src(%dma_wait3A_1901 : memref<80x128xf32, #tpu.memory_space<vmem>>) dst(%dma_wait3A_1907 : memref<10240x128xf32, #tpu.memory_space<vmem_shared>>)
      %add3A_1908 = arith.constant 1 : i32
      %add3A_1909 = arith.addi %add3A_1851, %add3A_1908 : i32
      %dma_start3A_1910 = arith.constant 1 : i32
      %dma_start3A_1911 = arith.constant 1 : i32
      %dma_start3A_1912 = arith.constant 0 : i32
      %dma_start3A_1913 = arith.constant 0 : i32
      %dma_start3A_1914 = arith.constant 0 : i32
      %dma_start3A_1915 = tpu.memref_slice %arg9[%dma_start3A_1912, %dma_start3A_1913, %dma_start3A_1914] : memref<3x80x128xf32, #tpu.memory_space<vmem>> -> memref<1x80x128xf32, #tpu.memory_space<vmem>>
      %dma_start3A_1916 = tpu.memref_squeeze %dma_start3A_1915 : memref<1x80x128xf32, #tpu.memory_space<vmem>> -> memref<80x128xf32, #tpu.memory_space<vmem>>
      %dma_start3A_1917 = arith.constant 0 : i32
      %dma_start3A_1918 = tpu.memref_slice %arg8[%dma_start3A_1910, %dma_start3A_1911, %dma_start3A_1917] : memref<4x2x80xi32, #tpu.memory_space<vmem>> -> memref<1x1x80xi32, #tpu.memory_space<vmem>>
      %dma_start3A_1919 = tpu.memref_squeeze %dma_start3A_1918 : memref<1x1x80xi32, #tpu.memory_space<vmem>> -> memref<80xi32, #tpu.memory_space<vmem>>
      %dma_start3A_1920 = arith.constant 0 : i32
      %dma_start3A_1921 = arith.constant 0 : i32
      %dma_start3A_1922 = tpu.memref_slice %arg2[%dma_start3A_1920, %dma_start3A_1921] : memref<10000x128xf32, #tpu.memory_space<hbm>> -> memref<10000x128xf32, #tpu.memory_space<hbm>>
      tpu.enqueue_indirect_dma source(%dma_start3A_1922 : memref<10000x128xf32, #tpu.memory_space<hbm>>) target(%dma_start3A_1916 : memref<80x128xf32, #tpu.memory_space<vmem>>) offsets(%dma_start3A_1919 : memref<80xi32, #tpu.memory_space<vmem>>) semaphore(%arg11 : memref<!tpu.dma_semaphore, #tpu.memory_space<semaphore_mem>>)
      %add3A_1923 = arith.constant 2 : i32
      %add3A_1924 = arith.addi %add3A_1851, %add3A_1923 : i32
      %add3A_1925 = arith.addi %mul3A_232, %add3A_1924 : i32
      %dma_start3A_1926 = arith.constant 2 : i32
      %dma_start3A_1927 = arith.constant 0 : i32
      %dma_start3A_1928 = arith.constant 0 : i32
      %dma_start3A_1929 = tpu.memref_slice %arg8[%dma_start3A_1926, %dma_start3A_1927, %dma_start3A_1928] : memref<4x2x80xi32, #tpu.memory_space<vmem>> -> memref<1x2x80xi32, #tpu.memory_space<vmem>>
      %dma_start3A_1930 = tpu.memref_squeeze %dma_start3A_1929 : memref<1x2x80xi32, #tpu.memory_space<vmem>> -> memref<2x80xi32, #tpu.memory_space<vmem>>
      %dma_start3A_1931 = arith.constant 0 : i32
      %dma_start3A_1932 = arith.constant 0 : i32
      %dma_start3A_1933 = tpu.memref_slice %arg3[%add3A_1925, %dma_start3A_1931, %dma_start3A_1932] : memref<4000x2x80xi32, #tpu.memory_space<hbm>> -> memref<1x2x80xi32, #tpu.memory_space<hbm>>
      %dma_start3A_1934 = tpu.memref_squeeze %dma_start3A_1933 : memref<1x2x80xi32, #tpu.memory_space<hbm>> -> memref<2x80xi32, #tpu.memory_space<hbm>>
      %dma_start3A_1935 = arith.constant 0 : i32
      %dma_start3A_1936 = arith.constant 0 : i32
      %dma_start3A_1937 = tpu.memref_slice %arg8[%dma_start3A_1926, %dma_start3A_1935, %dma_start3A_1936] : memref<4x2x80xi32, #tpu.memory_space<vmem>> -> memref<1x2x80xi32, #tpu.memory_space<vmem>>
      %dma_start3A_1938 = tpu.memref_squeeze %dma_start3A_1937 : memref<1x2x80xi32, #tpu.memory_space<vmem>> -> memref<2x80xi32, #tpu.memory_space<vmem>>
      %dma_start3A_1939 = arith.constant 0 : i32
      %dma_start3A_1940 = arith.constant 0 : i32
      %dma_start3A_1941 = tpu.memref_slice %arg3[%add3A_1925, %dma_start3A_1939, %dma_start3A_1940] : memref<4000x2x80xi32, #tpu.memory_space<hbm>> -> memref<1x2x80xi32, #tpu.memory_space<hbm>>
      %dma_start3A_1942 = tpu.memref_squeeze %dma_start3A_1941 : memref<1x2x80xi32, #tpu.memory_space<hbm>> -> memref<2x80xi32, #tpu.memory_space<hbm>>
      tpu.enqueue_dma source(%dma_start3A_1942 : memref<2x80xi32, #tpu.memory_space<hbm>>) target(%dma_start3A_1938 : memref<2x80xi32, #tpu.memory_space<vmem>>) target_semaphore(%arg17 : memref<!tpu.dma_semaphore, #tpu.memory_space<semaphore_mem>>)
      %get3A_1943 = arith.constant 0 : i32
      %get3A_1944 = arith.constant 0 : i32
      %get3A_1945 = arith.index_cast %get3A_1943 : i32 to index
      %get3A_1946 = arith.index_cast %get3A_1944 : i32 to index
      %get3A_1947 = arith.constant 0 : index
      %get3A_1948 = tpu.vector_load %arg8[%get3A_1945, %get3A_1946, %get3A_1947] {strides = array<i32>} : memref<4x2x80xi32, #tpu.memory_space<vmem>>, vector<16xi32>,
      tpu.vector_store_idx %arg10[%get3A_1948], %broadcast_in_dim3A_234 {add = true} : memref<10240xf32, #tpu.memory_space<vmem>>[vector<16xi32>], vector<16xf32>,
      %get3A_1949 = arith.constant 0 : i32
      %get3A_1950 = arith.constant 0 : i32
      %get3A_1951 = arith.index_cast %get3A_1949 : i32 to index
      %get3A_1952 = arith.index_cast %get3A_1950 : i32 to index
      %get3A_1953 = arith.constant 16 : index
      %get3A_1954 = tpu.vector_load %arg8[%get3A_1951, %get3A_1952, %get3A_1953] {strides = array<i32>} : memref<4x2x80xi32, #tpu.memory_space<vmem>>, vector<16xi32>,
      tpu.vector_store_idx %arg10[%get3A_1954], %broadcast_in_dim3A_234 {add = true} : memref<10240xf32, #tpu.memory_space<vmem>>[vector<16xi32>], vector<16xf32>,
      %get3A_1955 = arith.constant 0 : i32
      %get3A_1956 = arith.constant 0 : i32
      %get3A_1957 = arith.index_cast %get3A_1955 : i32 to index
      %get3A_1958 = arith.index_cast %get3A_1956 : i32 to index
      %get3A_1959 = arith.constant 32 : index
      %get3A_1960 = tpu.vector_load %arg8[%get3A_1957, %get3A_1958, %get3A_1959] {strides = array<i32>} : memref<4x2x80xi32, #tpu.memory_space<vmem>>, vector<16xi32>,
      tpu.vector_store_idx %arg10[%get3A_1960], %broadcast_in_dim3A_234 {add = true} : memref<10240xf32, #tpu.memory_space<vmem>>[vector<16xi32>], vector<16xf32>,
      %get3A_1961 = arith.constant 0 : i32
      %get3A_1962 = arith.constant 0 : i32
      %get3A_1963 = arith.index_cast %get3A_1961 : i32 to index
      %get3A_1964 = arith.index_cast %get3A_1962 : i32 to index
      %get3A_1965 = arith.constant 48 : index
      %get3A_1966 = tpu.vector_load %arg8[%get3A_1963, %get3A_1964, %get3A_1965] {strides = array<i32>} : memref<4x2x80xi32, #tpu.memory_space<vmem>>, vector<16xi32>,
      tpu.vector_store_idx %arg10[%get3A_1966], %broadcast_in_dim3A_234 {add = true} : memref<10240xf32, #tpu.memory_space<vmem>>[vector<16xi32>], vector<16xf32>,
      %get3A_1967 = arith.constant 0 : i32
      %get3A_1968 = arith.constant 0 : i32
      %get3A_1969 = arith.index_cast %get3A_1967 : i32 to index
      %get3A_1970 = arith.index_cast %get3A_1968 : i32 to index
      %get3A_1971 = arith.constant 64 : index
      %get3A_1972 = tpu.vector_load %arg8[%get3A_1969, %get3A_1970, %get3A_1971] {strides = array<i32>} : memref<4x2x80xi32, #tpu.memory_space<vmem>>, vector<16xi32>,
      tpu.vector_store_idx %arg10[%get3A_1972], %broadcast_in_dim3A_234 {add = true} : memref<10240xf32, #tpu.memory_space<vmem>>[vector<16xi32>], vector<16xf32>,
      %add3A_1973 = arith.constant 7 : i32
      %add3A_1974 = arith.addi %add3A_1111, %add3A_1973 : i32
      %dma_wait3A_1975 = arith.constant 0 : i32
      %dma_wait3A_1976 = arith.constant 1 : i32
      %dma_wait3A_1977 = arith.constant 0 : i32
      %dma_wait3A_1978 = arith.constant 0 : i32
      %dma_wait3A_1979 = arith.constant 0 : i32
      %dma_wait3A_1980 = tpu.memref_slice %arg9[%dma_wait3A_1977, %dma_wait3A_1978, %dma_wait3A_1979] : memref<3x80x128xf32, #tpu.memory_space<vmem>> -> memref<1x80x128xf32, #tpu.memory_space<vmem>>
      %dma_wait3A_1981 = tpu.memref_squeeze %dma_wait3A_1980 : memref<1x80x128xf32, #tpu.memory_space<vmem>> -> memref<80x128xf32, #tpu.memory_space<vmem>>
      %dma_wait3A_1982 = arith.constant 0 : i32
      %dma_wait3A_1983 = tpu.memref_slice %arg8[%dma_wait3A_1975, %dma_wait3A_1976, %dma_wait3A_1982] : memref<4x2x80xi32, #tpu.memory_space<vmem>> -> memref<1x1x80xi32, #tpu.memory_space<vmem>>
      %dma_wait3A_1984 = tpu.memref_squeeze %dma_wait3A_1983 : memref<1x1x80xi32, #tpu.memory_space<vmem>> -> memref<80xi32, #tpu.memory_space<vmem>>
      %dma_wait3A_1985 = arith.constant 0 : i32
      %dma_wait3A_1986 = arith.constant 0 : i32
      %dma_wait3A_1987 = tpu.memref_slice %arg2[%dma_wait3A_1985, %dma_wait3A_1986] : memref<10000x128xf32, #tpu.memory_space<hbm>> -> memref<10000x128xf32, #tpu.memory_space<hbm>>
      tpu.wait_indirect_dma semaphore(%arg11 : memref<!tpu.dma_semaphore, #tpu.memory_space<semaphore_mem>>) src(%dma_wait3A_1987 : memref<10000x128xf32, #tpu.memory_space<hbm>>) dst(%dma_wait3A_1981 : memref<80x128xf32, #tpu.memory_space<vmem>>)
      %dma_start3A_1988 = arith.constant 0 : i32
      %dma_start3A_1989 = arith.constant 1 : i32
      %dma_start3A_1990 = arith.constant 0 : i32
      %dma_start3A_1991 = arith.constant 0 : i32
      %dma_start3A_1992 = arith.constant 0 : i32
      %dma_start3A_1993 = tpu.memref_slice %arg9[%dma_start3A_1988, %dma_start3A_1991, %dma_start3A_1992] : memref<3x80x128xf32, #tpu.memory_space<vmem>> -> memref<1x80x128xf32, #tpu.memory_space<vmem>>
      %dma_start3A_1994 = tpu.memref_squeeze %dma_start3A_1993 : memref<1x80x128xf32, #tpu.memory_space<vmem>> -> memref<80x128xf32, #tpu.memory_space<vmem>>
      %dma_start3A_1995 = arith.constant 0 : i32
      %dma_start3A_1996 = tpu.memref_slice %arg8[%dma_start3A_1989, %dma_start3A_1990, %dma_start3A_1995] : memref<4x2x80xi32, #tpu.memory_space<vmem>> -> memref<1x1x80xi32, #tpu.memory_space<vmem>>
      %dma_start3A_1997 = tpu.memref_squeeze %dma_start3A_1996 : memref<1x1x80xi32, #tpu.memory_space<vmem>> -> memref<80xi32, #tpu.memory_space<vmem>>
      %dma_start3A_1998 = arith.constant 0 : i32
      %dma_start3A_1999 = arith.constant 0 : i32
      %dma_start3A_2000 = tpu.memref_slice %arg7[%dma_start3A_1998, %dma_start3A_1999] : memref<10240x128xf32, #tpu.memory_space<vmem_shared>> -> memref<10240x128xf32, #tpu.memory_space<vmem_shared>>
      tpu.enqueue_indirect_dma source(%dma_start3A_1994 : memref<80x128xf32, #tpu.memory_space<vmem>>) target(%dma_start3A_2000 : memref<10240x128xf32, #tpu.memory_space<vmem_shared>>) offsets(%dma_start3A_1997 : memref<80xi32, #tpu.memory_space<vmem>>) semaphore(%arg12 : memref<!tpu.dma_semaphore, #tpu.memory_space<semaphore_mem>>) {add = true}
      %dma_wait3A_2001 = arith.constant 2 : i32
      %dma_wait3A_2002 = arith.constant 0 : i32
      %dma_wait3A_2003 = arith.constant 0 : i32
      %dma_wait3A_2004 = tpu.memref_slice %arg8[%dma_wait3A_2001, %dma_wait3A_2002, %dma_wait3A_2003] : memref<4x2x80xi32, #tpu.memory_space<vmem>> -> memref<1x2x80xi32, #tpu.memory_space<vmem>>
      %dma_wait3A_2005 = tpu.memref_squeeze %dma_wait3A_2004 : memref<1x2x80xi32, #tpu.memory_space<vmem>> -> memref<2x80xi32, #tpu.memory_space<vmem>>
      %dma_wait3A_2006 = arith.constant 0 : i32
      %dma_wait3A_2007 = arith.constant 0 : i32
      %dma_wait3A_2008 = tpu.memref_slice %arg3[%mul3A_232, %dma_wait3A_2006, %dma_wait3A_2007] : memref<4000x2x80xi32, #tpu.memory_space<hbm>> -> memref<1x2x80xi32, #tpu.memory_space<hbm>>
      %dma_wait3A_2009 = tpu.memref_squeeze %dma_wait3A_2008 : memref<1x2x80xi32, #tpu.memory_space<hbm>> -> memref<2x80xi32, #tpu.memory_space<hbm>>
      %dma_wait3A_2010 = arith.constant 0 : i32
      %dma_wait3A_2011 = arith.constant 0 : i32
      %dma_wait3A_2012 = tpu.memref_slice %arg8[%dma_wait3A_2001, %dma_wait3A_2010, %dma_wait3A_2011] : memref<4x2x80xi32, #tpu.memory_space<vmem>> -> memref<1x2x80xi32, #tpu.memory_space<vmem>>
      %dma_wait3A_2013 = tpu.memref_squeeze %dma_wait3A_2012 : memref<1x2x80xi32, #tpu.memory_space<vmem>> -> memref<2x80xi32, #tpu.memory_space<vmem>>
      %dma_wait3A_2014 = arith.constant 0 : i32
      %dma_wait3A_2015 = arith.constant 0 : i32
      %dma_wait3A_2016 = tpu.memref_slice %arg3[%mul3A_232, %dma_wait3A_2014, %dma_wait3A_2015] : memref<4000x2x80xi32, #tpu.memory_space<hbm>> -> memref<1x2x80xi32, #tpu.memory_space<hbm>>
      %dma_wait3A_2017 = tpu.memref_squeeze %dma_wait3A_2016 : memref<1x2x80xi32, #tpu.memory_space<hbm>> -> memref<2x80xi32, #tpu.memory_space<hbm>>
      tpu.wait_dma2 semaphore(%arg17 : memref<!tpu.dma_semaphore, #tpu.memory_space<semaphore_mem>>) src(%dma_wait3A_2017 : memref<2x80xi32, #tpu.memory_space<hbm>>) dst(%dma_wait3A_2013 : memref<2x80xi32, #tpu.memory_space<vmem>>)
      %dma_wait3A_2018 = arith.constant 1 : i32
      %dma_wait3A_2019 = arith.constant 0 : i32
      %dma_wait3A_2020 = arith.constant 0 : i32
      %dma_wait3A_2021 = arith.constant 0 : i32
      %dma_wait3A_2022 = arith.constant 0 : i32
      %dma_wait3A_2023 = tpu.memref_slice %arg9[%dma_wait3A_2018, %dma_wait3A_2021, %dma_wait3A_2022] : memref<3x80x128xf32, #tpu.memory_space<vmem>> -> memref<1x80x128xf32, #tpu.memory_space<vmem>>
      %dma_wait3A_2024 = tpu.memref_squeeze %dma_wait3A_2023 : memref<1x80x128xf32, #tpu.memory_space<vmem>> -> memref<80x128xf32, #tpu.memory_space<vmem>>
      %dma_wait3A_2025 = arith.constant 0 : i32
      %dma_wait3A_2026 = tpu.memref_slice %arg8[%dma_wait3A_2019, %dma_wait3A_2020, %dma_wait3A_2025] : memref<4x2x80xi32, #tpu.memory_space<vmem>> -> memref<1x1x80xi32, #tpu.memory_space<vmem>>
      %dma_wait3A_2027 = tpu.memref_squeeze %dma_wait3A_2026 : memref<1x1x80xi32, #tpu.memory_space<vmem>> -> memref<80xi32, #tpu.memory_space<vmem>>
      %dma_wait3A_2028 = arith.constant 0 : i32
      %dma_wait3A_2029 = arith.constant 0 : i32
      %dma_wait3A_2030 = tpu.memref_slice %arg7[%dma_wait3A_2028, %dma_wait3A_2029] : memref<10240x128xf32, #tpu.memory_space<vmem_shared>> -> memref<10240x128xf32, #tpu.memory_space<vmem_shared>>
      tpu.wait_indirect_dma semaphore(%arg13 : memref<!tpu.dma_semaphore, #tpu.memory_space<semaphore_mem>>) src(%dma_wait3A_2024 : memref<80x128xf32, #tpu.memory_space<vmem>>) dst(%dma_wait3A_2030 : memref<10240x128xf32, #tpu.memory_space<vmem_shared>>)
      %add3A_2031 = arith.constant 1 : i32
      %add3A_2032 = arith.addi %add3A_1974, %add3A_2031 : i32
      %dma_start3A_2033 = arith.constant 2 : i32
      %dma_start3A_2034 = arith.constant 1 : i32
      %dma_start3A_2035 = arith.constant 1 : i32
      %dma_start3A_2036 = arith.constant 0 : i32
      %dma_start3A_2037 = arith.constant 0 : i32
      %dma_start3A_2038 = tpu.memref_slice %arg9[%dma_start3A_2035, %dma_start3A_2036, %dma_start3A_2037] : memref<3x80x128xf32, #tpu.memory_space<vmem>> -> memref<1x80x128xf32, #tpu.memory_space<vmem>>
      %dma_start3A_2039 = tpu.memref_squeeze %dma_start3A_2038 : memref<1x80x128xf32, #tpu.memory_space<vmem>> -> memref<80x128xf32, #tpu.memory_space<vmem>>
      %dma_start3A_2040 = arith.constant 0 : i32
      %dma_start3A_2041 = tpu.memref_slice %arg8[%dma_start3A_2033, %dma_start3A_2034, %dma_start3A_2040] : memref<4x2x80xi32, #tpu.memory_space<vmem>> -> memref<1x1x80xi32, #tpu.memory_space<vmem>>
      %dma_start3A_2042 = tpu.memref_squeeze %dma_start3A_2041 : memref<1x1x80xi32, #tpu.memory_space<vmem>> -> memref<80xi32, #tpu.memory_space<vmem>>
      %dma_start3A_2043 = arith.constant 0 : i32
      %dma_start3A_2044 = arith.constant 0 : i32
      %dma_start3A_2045 = tpu.memref_slice %arg2[%dma_start3A_2043, %dma_start3A_2044] : memref<10000x128xf32, #tpu.memory_space<hbm>> -> memref<10000x128xf32, #tpu.memory_space<hbm>>
      tpu.enqueue_indirect_dma source(%dma_start3A_2045 : memref<10000x128xf32, #tpu.memory_space<hbm>>) target(%dma_start3A_2039 : memref<80x128xf32, #tpu.memory_space<vmem>>) offsets(%dma_start3A_2042 : memref<80xi32, #tpu.memory_space<vmem>>) semaphore(%arg11 : memref<!tpu.dma_semaphore, #tpu.memory_space<semaphore_mem>>)
      %add3A_2046 = arith.constant 2 : i32
      %add3A_2047 = arith.addi %add3A_1974, %add3A_2046 : i32
      %add3A_2048 = arith.addi %mul3A_232, %add3A_2047 : i32
      %dma_start3A_2049 = arith.constant 3 : i32
      %dma_start3A_2050 = arith.constant 0 : i32
      %dma_start3A_2051 = arith.constant 0 : i32
      %dma_start3A_2052 = tpu.memref_slice %arg8[%dma_start3A_2049, %dma_start3A_2050, %dma_start3A_2051] : memref<4x2x80xi32, #tpu.memory_space<vmem>> -> memref<1x2x80xi32, #tpu.memory_space<vmem>>
      %dma_start3A_2053 = tpu.memref_squeeze %dma_start3A_2052 : memref<1x2x80xi32, #tpu.memory_space<vmem>> -> memref<2x80xi32, #tpu.memory_space<vmem>>
      %dma_start3A_2054 = arith.constant 0 : i32
      %dma_start3A_2055 = arith.constant 0 : i32
      %dma_start3A_2056 = tpu.memref_slice %arg3[%add3A_2048, %dma_start3A_2054, %dma_start3A_2055] : memref<4000x2x80xi32, #tpu.memory_space<hbm>> -> memref<1x2x80xi32, #tpu.memory_space<hbm>>
      %dma_start3A_2057 = tpu.memref_squeeze %dma_start3A_2056 : memref<1x2x80xi32, #tpu.memory_space<hbm>> -> memref<2x80xi32, #tpu.memory_space<hbm>>
      %dma_start3A_2058 = arith.constant 0 : i32
      %dma_start3A_2059 = arith.constant 0 : i32
      %dma_start3A_2060 = tpu.memref_slice %arg8[%dma_start3A_2049, %dma_start3A_2058, %dma_start3A_2059] : memref<4x2x80xi32, #tpu.memory_space<vmem>> -> memref<1x2x80xi32, #tpu.memory_space<vmem>>
      %dma_start3A_2061 = tpu.memref_squeeze %dma_start3A_2060 : memref<1x2x80xi32, #tpu.memory_space<vmem>> -> memref<2x80xi32, #tpu.memory_space<vmem>>
      %dma_start3A_2062 = arith.constant 0 : i32
      %dma_start3A_2063 = arith.constant 0 : i32
      %dma_start3A_2064 = tpu.memref_slice %arg3[%add3A_2048, %dma_start3A_2062, %dma_start3A_2063] : memref<4000x2x80xi32, #tpu.memory_space<hbm>> -> memref<1x2x80xi32, #tpu.memory_space<hbm>>
      %dma_start3A_2065 = tpu.memref_squeeze %dma_start3A_2064 : memref<1x2x80xi32, #tpu.memory_space<hbm>> -> memref<2x80xi32, #tpu.memory_space<hbm>>
      tpu.enqueue_dma source(%dma_start3A_2065 : memref<2x80xi32, #tpu.memory_space<hbm>>) target(%dma_start3A_2061 : memref<2x80xi32, #tpu.memory_space<vmem>>) target_semaphore(%arg18 : memref<!tpu.dma_semaphore, #tpu.memory_space<semaphore_mem>>)
      %get3A_2066 = arith.constant 1 : i32
      %get3A_2067 = arith.constant 0 : i32
      %get3A_2068 = arith.index_cast %get3A_2066 : i32 to index
      %get3A_2069 = arith.index_cast %get3A_2067 : i32 to index
      %get3A_2070 = arith.constant 0 : index
      %get3A_2071 = tpu.vector_load %arg8[%get3A_2068, %get3A_2069, %get3A_2070] {strides = array<i32>} : memref<4x2x80xi32, #tpu.memory_space<vmem>>, vector<16xi32>,
      tpu.vector_store_idx %arg10[%get3A_2071], %broadcast_in_dim3A_234 {add = true} : memref<10240xf32, #tpu.memory_space<vmem>>[vector<16xi32>], vector<16xf32>,
      %get3A_2072 = arith.constant 1 : i32
      %get3A_2073 = arith.constant 0 : i32
      %get3A_2074 = arith.index_cast %get3A_2072 : i32 to index
      %get3A_2075 = arith.index_cast %get3A_2073 : i32 to index
      %get3A_2076 = arith.constant 16 : index
      %get3A_2077 = tpu.vector_load %arg8[%get3A_2074, %get3A_2075, %get3A_2076] {strides = array<i32>} : memref<4x2x80xi32, #tpu.memory_space<vmem>>, vector<16xi32>,
      tpu.vector_store_idx %arg10[%get3A_2077], %broadcast_in_dim3A_234 {add = true} : memref<10240xf32, #tpu.memory_space<vmem>>[vector<16xi32>], vector<16xf32>,
      %get3A_2078 = arith.constant 1 : i32
      %get3A_2079 = arith.constant 0 : i32
      %get3A_2080 = arith.index_cast %get3A_2078 : i32 to index
      %get3A_2081 = arith.index_cast %get3A_2079 : i32 to index
      %get3A_2082 = arith.constant 32 : index
      %get3A_2083 = tpu.vector_load %arg8[%get3A_2080, %get3A_2081, %get3A_2082] {strides = array<i32>} : memref<4x2x80xi32, #tpu.memory_space<vmem>>, vector<16xi32>,
      tpu.vector_store_idx %arg10[%get3A_2083], %broadcast_in_dim3A_234 {add = true} : memref<10240xf32, #tpu.memory_space<vmem>>[vector<16xi32>], vector<16xf32>,
      %get3A_2084 = arith.constant 1 : i32
      %get3A_2085 = arith.constant 0 : i32
      %get3A_2086 = arith.index_cast %get3A_2084 : i32 to index
      %get3A_2087 = arith.index_cast %get3A_2085 : i32 to index
      %get3A_2088 = arith.constant 48 : index
      %get3A_2089 = tpu.vector_load %arg8[%get3A_2086, %get3A_2087, %get3A_2088] {strides = array<i32>} : memref<4x2x80xi32, #tpu.memory_space<vmem>>, vector<16xi32>,
      tpu.vector_store_idx %arg10[%get3A_2089], %broadcast_in_dim3A_234 {add = true} : memref<10240xf32, #tpu.memory_space<vmem>>[vector<16xi32>], vector<16xf32>,
      %get3A_2090 = arith.constant 1 : i32
      %get3A_2091 = arith.constant 0 : i32
      %get3A_2092 = arith.index_cast %get3A_2090 : i32 to index
      %get3A_2093 = arith.index_cast %get3A_2091 : i32 to index
      %get3A_2094 = arith.constant 64 : index
      %get3A_2095 = tpu.vector_load %arg8[%get3A_2092, %get3A_2093, %get3A_2094] {strides = array<i32>} : memref<4x2x80xi32, #tpu.memory_space<vmem>>, vector<16xi32>,
      tpu.vector_store_idx %arg10[%get3A_2095], %broadcast_in_dim3A_234 {add = true} : memref<10240xf32, #tpu.memory_space<vmem>>[vector<16xi32>], vector<16xf32>,
      %add3A_2096 = arith.constant 8 : i32
      %add3A_2097 = arith.addi %add3A_1111, %add3A_2096 : i32
      %dma_wait3A_2098 = arith.constant 0 : i32
      %dma_wait3A_2099 = arith.constant 1 : i32
      %dma_wait3A_2100 = arith.constant 1 : i32
      %dma_wait3A_2101 = arith.constant 0 : i32
      %dma_wait3A_2102 = arith.constant 0 : i32
      %dma_wait3A_2103 = tpu.memref_slice %arg9[%dma_wait3A_2100, %dma_wait3A_2101, %dma_wait3A_2102] : memref<3x80x128xf32, #tpu.memory_space<vmem>> -> memref<1x80x128xf32, #tpu.memory_space<vmem>>
      %dma_wait3A_2104 = tpu.memref_squeeze %dma_wait3A_2103 : memref<1x80x128xf32, #tpu.memory_space<vmem>> -> memref<80x128xf32, #tpu.memory_space<vmem>>
      %dma_wait3A_2105 = arith.constant 0 : i32
      %dma_wait3A_2106 = tpu.memref_slice %arg8[%dma_wait3A_2098, %dma_wait3A_2099, %dma_wait3A_2105] : memref<4x2x80xi32, #tpu.memory_space<vmem>> -> memref<1x1x80xi32, #tpu.memory_space<vmem>>
      %dma_wait3A_2107 = tpu.memref_squeeze %dma_wait3A_2106 : memref<1x1x80xi32, #tpu.memory_space<vmem>> -> memref<80xi32, #tpu.memory_space<vmem>>
      %dma_wait3A_2108 = arith.constant 0 : i32
      %dma_wait3A_2109 = arith.constant 0 : i32
      %dma_wait3A_2110 = tpu.memref_slice %arg2[%dma_wait3A_2108, %dma_wait3A_2109] : memref<10000x128xf32, #tpu.memory_space<hbm>> -> memref<10000x128xf32, #tpu.memory_space<hbm>>
      tpu.wait_indirect_dma semaphore(%arg11 : memref<!tpu.dma_semaphore, #tpu.memory_space<semaphore_mem>>) src(%dma_wait3A_2110 : memref<10000x128xf32, #tpu.memory_space<hbm>>) dst(%dma_wait3A_2104 : memref<80x128xf32, #tpu.memory_space<vmem>>)
      %dma_start3A_2111 = arith.constant 1 : i32
      %dma_start3A_2112 = arith.constant 2 : i32
      %dma_start3A_2113 = arith.constant 0 : i32
      %dma_start3A_2114 = arith.constant 0 : i32
      %dma_start3A_2115 = arith.constant 0 : i32
      %dma_start3A_2116 = tpu.memref_slice %arg9[%dma_start3A_2111, %dma_start3A_2114, %dma_start3A_2115] : memref<3x80x128xf32, #tpu.memory_space<vmem>> -> memref<1x80x128xf32, #tpu.memory_space<vmem>>
      %dma_start3A_2117 = tpu.memref_squeeze %dma_start3A_2116 : memref<1x80x128xf32, #tpu.memory_space<vmem>> -> memref<80x128xf32, #tpu.memory_space<vmem>>
      %dma_start3A_2118 = arith.constant 0 : i32
      %dma_start3A_2119 = tpu.memref_slice %arg8[%dma_start3A_2112, %dma_start3A_2113, %dma_start3A_2118] : memref<4x2x80xi32, #tpu.memory_space<vmem>> -> memref<1x1x80xi32, #tpu.memory_space<vmem>>
      %dma_start3A_2120 = tpu.memref_squeeze %dma_start3A_2119 : memref<1x1x80xi32, #tpu.memory_space<vmem>> -> memref<80xi32, #tpu.memory_space<vmem>>
      %dma_start3A_2121 = arith.constant 0 : i32
      %dma_start3A_2122 = arith.constant 0 : i32
      %dma_start3A_2123 = tpu.memref_slice %arg7[%dma_start3A_2121, %dma_start3A_2122] : memref<10240x128xf32, #tpu.memory_space<vmem_shared>> -> memref<10240x128xf32, #tpu.memory_space<vmem_shared>>
      tpu.enqueue_indirect_dma source(%dma_start3A_2117 : memref<80x128xf32, #tpu.memory_space<vmem>>) target(%dma_start3A_2123 : memref<10240x128xf32, #tpu.memory_space<vmem_shared>>) offsets(%dma_start3A_2120 : memref<80xi32, #tpu.memory_space<vmem>>) semaphore(%arg13 : memref<!tpu.dma_semaphore, #tpu.memory_space<semaphore_mem>>) {add = true}
      %dma_wait3A_2124 = arith.constant 3 : i32
      %dma_wait3A_2125 = arith.constant 0 : i32
      %dma_wait3A_2126 = arith.constant 0 : i32
      %dma_wait3A_2127 = tpu.memref_slice %arg8[%dma_wait3A_2124, %dma_wait3A_2125, %dma_wait3A_2126] : memref<4x2x80xi32, #tpu.memory_space<vmem>> -> memref<1x2x80xi32, #tpu.memory_space<vmem>>
      %dma_wait3A_2128 = tpu.memref_squeeze %dma_wait3A_2127 : memref<1x2x80xi32, #tpu.memory_space<vmem>> -> memref<2x80xi32, #tpu.memory_space<vmem>>
      %dma_wait3A_2129 = arith.constant 0 : i32
      %dma_wait3A_2130 = arith.constant 0 : i32
      %dma_wait3A_2131 = tpu.memref_slice %arg3[%mul3A_232, %dma_wait3A_2129, %dma_wait3A_2130] : memref<4000x2x80xi32, #tpu.memory_space<hbm>> -> memref<1x2x80xi32, #tpu.memory_space<hbm>>
      %dma_wait3A_2132 = tpu.memref_squeeze %dma_wait3A_2131 : memref<1x2x80xi32, #tpu.memory_space<hbm>> -> memref<2x80xi32, #tpu.memory_space<hbm>>
      %dma_wait3A_2133 = arith.constant 0 : i32
      %dma_wait3A_2134 = arith.constant 0 : i32
      %dma_wait3A_2135 = tpu.memref_slice %arg8[%dma_wait3A_2124, %dma_wait3A_2133, %dma_wait3A_2134] : memref<4x2x80xi32, #tpu.memory_space<vmem>> -> memref<1x2x80xi32, #tpu.memory_space<vmem>>
      %dma_wait3A_2136 = tpu.memref_squeeze %dma_wait3A_2135 : memref<1x2x80xi32, #tpu.memory_space<vmem>> -> memref<2x80xi32, #tpu.memory_space<vmem>>
      %dma_wait3A_2137 = arith.constant 0 : i32
      %dma_wait3A_2138 = arith.constant 0 : i32
      %dma_wait3A_2139 = tpu.memref_slice %arg3[%mul3A_232, %dma_wait3A_2137, %dma_wait3A_2138] : memref<4000x2x80xi32, #tpu.memory_space<hbm>> -> memref<1x2x80xi32, #tpu.memory_space<hbm>>
      %dma_wait3A_2140 = tpu.memref_squeeze %dma_wait3A_2139 : memref<1x2x80xi32, #tpu.memory_space<hbm>> -> memref<2x80xi32, #tpu.memory_space<hbm>>
      tpu.wait_dma2 semaphore(%arg18 : memref<!tpu.dma_semaphore, #tpu.memory_space<semaphore_mem>>) src(%dma_wait3A_2140 : memref<2x80xi32, #tpu.memory_space<hbm>>) dst(%dma_wait3A_2136 : memref<2x80xi32, #tpu.memory_space<vmem>>)
      %dma_wait3A_2141 = arith.constant 2 : i32
      %dma_wait3A_2142 = arith.constant 0 : i32
      %dma_wait3A_2143 = arith.constant 0 : i32
      %dma_wait3A_2144 = arith.constant 0 : i32
      %dma_wait3A_2145 = arith.constant 0 : i32
      %dma_wait3A_2146 = tpu.memref_slice %arg9[%dma_wait3A_2141, %dma_wait3A_2144, %dma_wait3A_2145] : memref<3x80x128xf32, #tpu.memory_space<vmem>> -> memref<1x80x128xf32, #tpu.memory_space<vmem>>
      %dma_wait3A_2147 = tpu.memref_squeeze %dma_wait3A_2146 : memref<1x80x128xf32, #tpu.memory_space<vmem>> -> memref<80x128xf32, #tpu.memory_space<vmem>>
      %dma_wait3A_2148 = arith.constant 0 : i32
      %dma_wait3A_2149 = tpu.memref_slice %arg8[%dma_wait3A_2142, %dma_wait3A_2143, %dma_wait3A_2148] : memref<4x2x80xi32, #tpu.memory_space<vmem>> -> memref<1x1x80xi32, #tpu.memory_space<vmem>>
      %dma_wait3A_2150 = tpu.memref_squeeze %dma_wait3A_2149 : memref<1x1x80xi32, #tpu.memory_space<vmem>> -> memref<80xi32, #tpu.memory_space<vmem>>
      %dma_wait3A_2151 = arith.constant 0 : i32
      %dma_wait3A_2152 = arith.constant 0 : i32
      %dma_wait3A_2153 = tpu.memref_slice %arg7[%dma_wait3A_2151, %dma_wait3A_2152] : memref<10240x128xf32, #tpu.memory_space<vmem_shared>> -> memref<10240x128xf32, #tpu.memory_space<vmem_shared>>
      tpu.wait_indirect_dma semaphore(%arg14 : memref<!tpu.dma_semaphore, #tpu.memory_space<semaphore_mem>>) src(%dma_wait3A_2147 : memref<80x128xf32, #tpu.memory_space<vmem>>) dst(%dma_wait3A_2153 : memref<10240x128xf32, #tpu.memory_space<vmem_shared>>)
      %add3A_2154 = arith.constant 1 : i32
      %add3A_2155 = arith.addi %add3A_2097, %add3A_2154 : i32
      %dma_start3A_2156 = arith.constant 3 : i32
      %dma_start3A_2157 = arith.constant 1 : i32
      %dma_start3A_2158 = arith.constant 2 : i32
      %dma_start3A_2159 = arith.constant 0 : i32
      %dma_start3A_2160 = arith.constant 0 : i32
      %dma_start3A_2161 = tpu.memref_slice %arg9[%dma_start3A_2158, %dma_start3A_2159, %dma_start3A_2160] : memref<3x80x128xf32, #tpu.memory_space<vmem>> -> memref<1x80x128xf32, #tpu.memory_space<vmem>>
      %dma_start3A_2162 = tpu.memref_squeeze %dma_start3A_2161 : memref<1x80x128xf32, #tpu.memory_space<vmem>> -> memref<80x128xf32, #tpu.memory_space<vmem>>
      %dma_start3A_2163 = arith.constant 0 : i32
      %dma_start3A_2164 = tpu.memref_slice %arg8[%dma_start3A_2156, %dma_start3A_2157, %dma_start3A_2163] : memref<4x2x80xi32, #tpu.memory_space<vmem>> -> memref<1x1x80xi32, #tpu.memory_space<vmem>>
      %dma_start3A_2165 = tpu.memref_squeeze %dma_start3A_2164 : memref<1x1x80xi32, #tpu.memory_space<vmem>> -> memref<80xi32, #tpu.memory_space<vmem>>
      %dma_start3A_2166 = arith.constant 0 : i32
      %dma_start3A_2167 = arith.constant 0 : i32
      %dma_start3A_2168 = tpu.memref_slice %arg2[%dma_start3A_2166, %dma_start3A_2167] : memref<10000x128xf32, #tpu.memory_space<hbm>> -> memref<10000x128xf32, #tpu.memory_space<hbm>>
      tpu.enqueue_indirect_dma source(%dma_start3A_2168 : memref<10000x128xf32, #tpu.memory_space<hbm>>) target(%dma_start3A_2162 : memref<80x128xf32, #tpu.memory_space<vmem>>) offsets(%dma_start3A_2165 : memref<80xi32, #tpu.memory_space<vmem>>) semaphore(%arg11 : memref<!tpu.dma_semaphore, #tpu.memory_space<semaphore_mem>>)
      %add3A_2169 = arith.constant 2 : i32
      %add3A_2170 = arith.addi %add3A_2097, %add3A_2169 : i32
      %add3A_2171 = arith.addi %mul3A_232, %add3A_2170 : i32
      %dma_start3A_2172 = arith.constant 0 : i32
      %dma_start3A_2173 = arith.constant 0 : i32
      %dma_start3A_2174 = arith.constant 0 : i32
      %dma_start3A_2175 = tpu.memref_slice %arg8[%dma_start3A_2172, %dma_start3A_2173, %dma_start3A_2174] : memref<4x2x80xi32, #tpu.memory_space<vmem>> -> memref<1x2x80xi32, #tpu.memory_space<vmem>>
      %dma_start3A_2176 = tpu.memref_squeeze %dma_start3A_2175 : memref<1x2x80xi32, #tpu.memory_space<vmem>> -> memref<2x80xi32, #tpu.memory_space<vmem>>
      %dma_start3A_2177 = arith.constant 0 : i32
      %dma_start3A_2178 = arith.constant 0 : i32
      %dma_start3A_2179 = tpu.memref_slice %arg3[%add3A_2171, %dma_start3A_2177, %dma_start3A_2178] : memref<4000x2x80xi32, #tpu.memory_space<hbm>> -> memref<1x2x80xi32, #tpu.memory_space<hbm>>
      %dma_start3A_2180 = tpu.memref_squeeze %dma_start3A_2179 : memref<1x2x80xi32, #tpu.memory_space<hbm>> -> memref<2x80xi32, #tpu.memory_space<hbm>>
      %dma_start3A_2181 = arith.constant 0 : i32
      %dma_start3A_2182 = arith.constant 0 : i32
      %dma_start3A_2183 = tpu.memref_slice %arg8[%dma_start3A_2172, %dma_start3A_2181, %dma_start3A_2182] : memref<4x2x80xi32, #tpu.memory_space<vmem>> -> memref<1x2x80xi32, #tpu.memory_space<vmem>>
      %dma_start3A_2184 = tpu.memref_squeeze %dma_start3A_2183 : memref<1x2x80xi32, #tpu.memory_space<vmem>> -> memref<2x80xi32, #tpu.memory_space<vmem>>
      %dma_start3A_2185 = arith.constant 0 : i32
      %dma_start3A_2186 = arith.constant 0 : i32
      %dma_start3A_2187 = tpu.memref_slice %arg3[%add3A_2171, %dma_start3A_2185, %dma_start3A_2186] : memref<4000x2x80xi32, #tpu.memory_space<hbm>> -> memref<1x2x80xi32, #tpu.memory_space<hbm>>
      %dma_start3A_2188 = tpu.memref_squeeze %dma_start3A_2187 : memref<1x2x80xi32, #tpu.memory_space<hbm>> -> memref<2x80xi32, #tpu.memory_space<hbm>>
      tpu.enqueue_dma source(%dma_start3A_2188 : memref<2x80xi32, #tpu.memory_space<hbm>>) target(%dma_start3A_2184 : memref<2x80xi32, #tpu.memory_space<vmem>>) target_semaphore(%arg15 : memref<!tpu.dma_semaphore, #tpu.memory_space<semaphore_mem>>)
      %get3A_2189 = arith.constant 2 : i32
      %get3A_2190 = arith.constant 0 : i32
      %get3A_2191 = arith.index_cast %get3A_2189 : i32 to index
      %get3A_2192 = arith.index_cast %get3A_2190 : i32 to index
      %get3A_2193 = arith.constant 0 : index
      %get3A_2194 = tpu.vector_load %arg8[%get3A_2191, %get3A_2192, %get3A_2193] {strides = array<i32>} : memref<4x2x80xi32, #tpu.memory_space<vmem>>, vector<16xi32>,
      tpu.vector_store_idx %arg10[%get3A_2194], %broadcast_in_dim3A_234 {add = true} : memref<10240xf32, #tpu.memory_space<vmem>>[vector<16xi32>], vector<16xf32>,
      %get3A_2195 = arith.constant 2 : i32
      %get3A_2196 = arith.constant 0 : i32
      %get3A_2197 = arith.index_cast %get3A_2195 : i32 to index
      %get3A_2198 = arith.index_cast %get3A_2196 : i32 to index
      %get3A_2199 = arith.constant 16 : index
      %get3A_2200 = tpu.vector_load %arg8[%get3A_2197, %get3A_2198, %get3A_2199] {strides = array<i32>} : memref<4x2x80xi32, #tpu.memory_space<vmem>>, vector<16xi32>,
      tpu.vector_store_idx %arg10[%get3A_2200], %broadcast_in_dim3A_234 {add = true} : memref<10240xf32, #tpu.memory_space<vmem>>[vector<16xi32>], vector<16xf32>,
      %get3A_2201 = arith.constant 2 : i32
      %get3A_2202 = arith.constant 0 : i32
      %get3A_2203 = arith.index_cast %get3A_2201 : i32 to index
      %get3A_2204 = arith.index_cast %get3A_2202 : i32 to index
      %get3A_2205 = arith.constant 32 : index
      %get3A_2206 = tpu.vector_load %arg8[%get3A_2203, %get3A_2204, %get3A_2205] {strides = array<i32>} : memref<4x2x80xi32, #tpu.memory_space<vmem>>, vector<16xi32>,
      tpu.vector_store_idx %arg10[%get3A_2206], %broadcast_in_dim3A_234 {add = true} : memref<10240xf32, #tpu.memory_space<vmem>>[vector<16xi32>], vector<16xf32>,
      %get3A_2207 = arith.constant 2 : i32
      %get3A_2208 = arith.constant 0 : i32
      %get3A_2209 = arith.index_cast %get3A_2207 : i32 to index
      %get3A_2210 = arith.index_cast %get3A_2208 : i32 to index
      %get3A_2211 = arith.constant 48 : index
      %get3A_2212 = tpu.vector_load %arg8[%get3A_2209, %get3A_2210, %get3A_2211] {strides = array<i32>} : memref<4x2x80xi32, #tpu.memory_space<vmem>>, vector<16xi32>,
      tpu.vector_store_idx %arg10[%get3A_2212], %broadcast_in_dim3A_234 {add = true} : memref<10240xf32, #tpu.memory_space<vmem>>[vector<16xi32>], vector<16xf32>,
      %get3A_2213 = arith.constant 2 : i32
      %get3A_2214 = arith.constant 0 : i32
      %get3A_2215 = arith.index_cast %get3A_2213 : i32 to index
      %get3A_2216 = arith.index_cast %get3A_2214 : i32 to index
      %get3A_2217 = arith.constant 64 : index
      %get3A_2218 = tpu.vector_load %arg8[%get3A_2215, %get3A_2216, %get3A_2217] {strides = array<i32>} : memref<4x2x80xi32, #tpu.memory_space<vmem>>, vector<16xi32>,
      tpu.vector_store_idx %arg10[%get3A_2218], %broadcast_in_dim3A_234 {add = true} : memref<10240xf32, #tpu.memory_space<vmem>>[vector<16xi32>], vector<16xf32>,
      %add3A_2219 = arith.constant 9 : i32
      %add3A_2220 = arith.addi %add3A_1111, %add3A_2219 : i32
      %dma_wait3A_2221 = arith.constant 0 : i32
      %dma_wait3A_2222 = arith.constant 1 : i32
      %dma_wait3A_2223 = arith.constant 2 : i32
      %dma_wait3A_2224 = arith.constant 0 : i32
      %dma_wait3A_2225 = arith.constant 0 : i32
      %dma_wait3A_2226 = tpu.memref_slice %arg9[%dma_wait3A_2223, %dma_wait3A_2224, %dma_wait3A_2225] : memref<3x80x128xf32, #tpu.memory_space<vmem>> -> memref<1x80x128xf32, #tpu.memory_space<vmem>>
      %dma_wait3A_2227 = tpu.memref_squeeze %dma_wait3A_2226 : memref<1x80x128xf32, #tpu.memory_space<vmem>> -> memref<80x128xf32, #tpu.memory_space<vmem>>
      %dma_wait3A_2228 = arith.constant 0 : i32
      %dma_wait3A_2229 = tpu.memref_slice %arg8[%dma_wait3A_2221, %dma_wait3A_2222, %dma_wait3A_2228] : memref<4x2x80xi32, #tpu.memory_space<vmem>> -> memref<1x1x80xi32, #tpu.memory_space<vmem>>
      %dma_wait3A_2230 = tpu.memref_squeeze %dma_wait3A_2229 : memref<1x1x80xi32, #tpu.memory_space<vmem>> -> memref<80xi32, #tpu.memory_space<vmem>>
      %dma_wait3A_2231 = arith.constant 0 : i32
      %dma_wait3A_2232 = arith.constant 0 : i32
      %dma_wait3A_2233 = tpu.memref_slice %arg2[%dma_wait3A_2231, %dma_wait3A_2232] : memref<10000x128xf32, #tpu.memory_space<hbm>> -> memref<10000x128xf32, #tpu.memory_space<hbm>>
      tpu.wait_indirect_dma semaphore(%arg11 : memref<!tpu.dma_semaphore, #tpu.memory_space<semaphore_mem>>) src(%dma_wait3A_2233 : memref<10000x128xf32, #tpu.memory_space<hbm>>) dst(%dma_wait3A_2227 : memref<80x128xf32, #tpu.memory_space<vmem>>)
      %dma_start3A_2234 = arith.constant 2 : i32
      %dma_start3A_2235 = arith.constant 3 : i32
      %dma_start3A_2236 = arith.constant 0 : i32
      %dma_start3A_2237 = arith.constant 0 : i32
      %dma_start3A_2238 = arith.constant 0 : i32
      %dma_start3A_2239 = tpu.memref_slice %arg9[%dma_start3A_2234, %dma_start3A_2237, %dma_start3A_2238] : memref<3x80x128xf32, #tpu.memory_space<vmem>> -> memref<1x80x128xf32, #tpu.memory_space<vmem>>
      %dma_start3A_2240 = tpu.memref_squeeze %dma_start3A_2239 : memref<1x80x128xf32, #tpu.memory_space<vmem>> -> memref<80x128xf32, #tpu.memory_space<vmem>>
      %dma_start3A_2241 = arith.constant 0 : i32
      %dma_start3A_2242 = tpu.memref_slice %arg8[%dma_start3A_2235, %dma_start3A_2236, %dma_start3A_2241] : memref<4x2x80xi32, #tpu.memory_space<vmem>> -> memref<1x1x80xi32, #tpu.memory_space<vmem>>
      %dma_start3A_2243 = tpu.memref_squeeze %dma_start3A_2242 : memref<1x1x80xi32, #tpu.memory_space<vmem>> -> memref<80xi32, #tpu.memory_space<vmem>>
      %dma_start3A_2244 = arith.constant 0 : i32
      %dma_start3A_2245 = arith.constant 0 : i32
      %dma_start3A_2246 = tpu.memref_slice %arg7[%dma_start3A_2244, %dma_start3A_2245] : memref<10240x128xf32, #tpu.memory_space<vmem_shared>> -> memref<10240x128xf32, #tpu.memory_space<vmem_shared>>
      tpu.enqueue_indirect_dma source(%dma_start3A_2240 : memref<80x128xf32, #tpu.memory_space<vmem>>) target(%dma_start3A_2246 : memref<10240x128xf32, #tpu.memory_space<vmem_shared>>) offsets(%dma_start3A_2243 : memref<80xi32, #tpu.memory_space<vmem>>) semaphore(%arg14 : memref<!tpu.dma_semaphore, #tpu.memory_space<semaphore_mem>>) {add = true}
      %dma_wait3A_2247 = arith.constant 0 : i32
      %dma_wait3A_2248 = arith.constant 0 : i32
      %dma_wait3A_2249 = arith.constant 0 : i32
      %dma_wait3A_2250 = tpu.memref_slice %arg8[%dma_wait3A_2247, %dma_wait3A_2248, %dma_wait3A_2249] : memref<4x2x80xi32, #tpu.memory_space<vmem>> -> memref<1x2x80xi32, #tpu.memory_space<vmem>>
      %dma_wait3A_2251 = tpu.memref_squeeze %dma_wait3A_2250 : memref<1x2x80xi32, #tpu.memory_space<vmem>> -> memref<2x80xi32, #tpu.memory_space<vmem>>
      %dma_wait3A_2252 = arith.constant 0 : i32
      %dma_wait3A_2253 = arith.constant 0 : i32
      %dma_wait3A_2254 = tpu.memref_slice %arg3[%mul3A_232, %dma_wait3A_2252, %dma_wait3A_2253] : memref<4000x2x80xi32, #tpu.memory_space<hbm>> -> memref<1x2x80xi32, #tpu.memory_space<hbm>>
      %dma_wait3A_2255 = tpu.memref_squeeze %dma_wait3A_2254 : memref<1x2x80xi32, #tpu.memory_space<hbm>> -> memref<2x80xi32, #tpu.memory_space<hbm>>
      %dma_wait3A_2256 = arith.constant 0 : i32
      %dma_wait3A_2257 = arith.constant 0 : i32
      %dma_wait3A_2258 = tpu.memref_slice %arg8[%dma_wait3A_2247, %dma_wait3A_2256, %dma_wait3A_2257] : memref<4x2x80xi32, #tpu.memory_space<vmem>> -> memref<1x2x80xi32, #tpu.memory_space<vmem>>
      %dma_wait3A_2259 = tpu.memref_squeeze %dma_wait3A_2258 : memref<1x2x80xi32, #tpu.memory_space<vmem>> -> memref<2x80xi32, #tpu.memory_space<vmem>>
      %dma_wait3A_2260 = arith.constant 0 : i32
      %dma_wait3A_2261 = arith.constant 0 : i32
      %dma_wait3A_2262 = tpu.memref_slice %arg3[%mul3A_232, %dma_wait3A_2260, %dma_wait3A_2261] : memref<4000x2x80xi32, #tpu.memory_space<hbm>> -> memref<1x2x80xi32, #tpu.memory_space<hbm>>
      %dma_wait3A_2263 = tpu.memref_squeeze %dma_wait3A_2262 : memref<1x2x80xi32, #tpu.memory_space<hbm>> -> memref<2x80xi32, #tpu.memory_space<hbm>>
      tpu.wait_dma2 semaphore(%arg15 : memref<!tpu.dma_semaphore, #tpu.memory_space<semaphore_mem>>) src(%dma_wait3A_2263 : memref<2x80xi32, #tpu.memory_space<hbm>>) dst(%dma_wait3A_2259 : memref<2x80xi32, #tpu.memory_space<vmem>>)
      %dma_wait3A_2264 = arith.constant 0 : i32
      %dma_wait3A_2265 = arith.constant 0 : i32
      %dma_wait3A_2266 = arith.constant 0 : i32
      %dma_wait3A_2267 = arith.constant 0 : i32
      %dma_wait3A_2268 = arith.constant 0 : i32
      %dma_wait3A_2269 = tpu.memref_slice %arg9[%dma_wait3A_2264, %dma_wait3A_2267, %dma_wait3A_2268] : memref<3x80x128xf32, #tpu.memory_space<vmem>> -> memref<1x80x128xf32, #tpu.memory_space<vmem>>
      %dma_wait3A_2270 = tpu.memref_squeeze %dma_wait3A_2269 : memref<1x80x128xf32, #tpu.memory_space<vmem>> -> memref<80x128xf32, #tpu.memory_space<vmem>>
      %dma_wait3A_2271 = arith.constant 0 : i32
      %dma_wait3A_2272 = tpu.memref_slice %arg8[%dma_wait3A_2265, %dma_wait3A_2266, %dma_wait3A_2271] : memref<4x2x80xi32, #tpu.memory_space<vmem>> -> memref<1x1x80xi32, #tpu.memory_space<vmem>>
      %dma_wait3A_2273 = tpu.memref_squeeze %dma_wait3A_2272 : memref<1x1x80xi32, #tpu.memory_space<vmem>> -> memref<80xi32, #tpu.memory_space<vmem>>
      %dma_wait3A_2274 = arith.constant 0 : i32
      %dma_wait3A_2275 = arith.constant 0 : i32
      %dma_wait3A_2276 = tpu.memref_slice %arg7[%dma_wait3A_2274, %dma_wait3A_2275] : memref<10240x128xf32, #tpu.memory_space<vmem_shared>> -> memref<10240x128xf32, #tpu.memory_space<vmem_shared>>
      tpu.wait_indirect_dma semaphore(%arg12 : memref<!tpu.dma_semaphore, #tpu.memory_space<semaphore_mem>>) src(%dma_wait3A_2270 : memref<80x128xf32, #tpu.memory_space<vmem>>) dst(%dma_wait3A_2276 : memref<10240x128xf32, #tpu.memory_space<vmem_shared>>)
      %add3A_2277 = arith.constant 1 : i32
      %add3A_2278 = arith.addi %add3A_2220, %add3A_2277 : i32
      %dma_start3A_2279 = arith.constant 0 : i32
      %dma_start3A_2280 = arith.constant 1 : i32
      %dma_start3A_2281 = arith.constant 0 : i32
      %dma_start3A_2282 = arith.constant 0 : i32
      %dma_start3A_2283 = arith.constant 0 : i32
      %dma_start3A_2284 = tpu.memref_slice %arg9[%dma_start3A_2281, %dma_start3A_2282, %dma_start3A_2283] : memref<3x80x128xf32, #tpu.memory_space<vmem>> -> memref<1x80x128xf32, #tpu.memory_space<vmem>>
      %dma_start3A_2285 = tpu.memref_squeeze %dma_start3A_2284 : memref<1x80x128xf32, #tpu.memory_space<vmem>> -> memref<80x128xf32, #tpu.memory_space<vmem>>
      %dma_start3A_2286 = arith.constant 0 : i32
      %dma_start3A_2287 = tpu.memref_slice %arg8[%dma_start3A_2279, %dma_start3A_2280, %dma_start3A_2286] : memref<4x2x80xi32, #tpu.memory_space<vmem>> -> memref<1x1x80xi32, #tpu.memory_space<vmem>>
      %dma_start3A_2288 = tpu.memref_squeeze %dma_start3A_2287 : memref<1x1x80xi32, #tpu.memory_space<vmem>> -> memref<80xi32, #tpu.memory_space<vmem>>
      %dma_start3A_2289 = arith.constant 0 : i32
      %dma_start3A_2290 = arith.constant 0 : i32
      %dma_start3A_2291 = tpu.memref_slice %arg2[%dma_start3A_2289, %dma_start3A_2290] : memref<10000x128xf32, #tpu.memory_space<hbm>> -> memref<10000x128xf32, #tpu.memory_space<hbm>>
      tpu.enqueue_indirect_dma source(%dma_start3A_2291 : memref<10000x128xf32, #tpu.memory_space<hbm>>) target(%dma_start3A_2285 : memref<80x128xf32, #tpu.memory_space<vmem>>) offsets(%dma_start3A_2288 : memref<80xi32, #tpu.memory_space<vmem>>) semaphore(%arg11 : memref<!tpu.dma_semaphore, #tpu.memory_space<semaphore_mem>>)
      %add3A_2292 = arith.constant 2 : i32
      %add3A_2293 = arith.addi %add3A_2220, %add3A_2292 : i32
      %add3A_2294 = arith.addi %mul3A_232, %add3A_2293 : i32
      %dma_start3A_2295 = arith.constant 1 : i32
      %dma_start3A_2296 = arith.constant 0 : i32
      %dma_start3A_2297 = arith.constant 0 : i32
      %dma_start3A_2298 = tpu.memref_slice %arg8[%dma_start3A_2295, %dma_start3A_2296, %dma_start3A_2297] : memref<4x2x80xi32, #tpu.memory_space<vmem>> -> memref<1x2x80xi32, #tpu.memory_space<vmem>>
      %dma_start3A_2299 = tpu.memref_squeeze %dma_start3A_2298 : memref<1x2x80xi32, #tpu.memory_space<vmem>> -> memref<2x80xi32, #tpu.memory_space<vmem>>
      %dma_start3A_2300 = arith.constant 0 : i32
      %dma_start3A_2301 = arith.constant 0 : i32
      %dma_start3A_2302 = tpu.memref_slice %arg3[%add3A_2294, %dma_start3A_2300, %dma_start3A_2301] : memref<4000x2x80xi32, #tpu.memory_space<hbm>> -> memref<1x2x80xi32, #tpu.memory_space<hbm>>
      %dma_start3A_2303 = tpu.memref_squeeze %dma_start3A_2302 : memref<1x2x80xi32, #tpu.memory_space<hbm>> -> memref<2x80xi32, #tpu.memory_space<hbm>>
      %dma_start3A_2304 = arith.constant 0 : i32
      %dma_start3A_2305 = arith.constant 0 : i32
      %dma_start3A_2306 = tpu.memref_slice %arg8[%dma_start3A_2295, %dma_start3A_2304, %dma_start3A_2305] : memref<4x2x80xi32, #tpu.memory_space<vmem>> -> memref<1x2x80xi32, #tpu.memory_space<vmem>>
      %dma_start3A_2307 = tpu.memref_squeeze %dma_start3A_2306 : memref<1x2x80xi32, #tpu.memory_space<vmem>> -> memref<2x80xi32, #tpu.memory_space<vmem>>
      %dma_start3A_2308 = arith.constant 0 : i32
      %dma_start3A_2309 = arith.constant 0 : i32
      %dma_start3A_2310 = tpu.memref_slice %arg3[%add3A_2294, %dma_start3A_2308, %dma_start3A_2309] : memref<4000x2x80xi32, #tpu.memory_space<hbm>> -> memref<1x2x80xi32, #tpu.memory_space<hbm>>
      %dma_start3A_2311 = tpu.memref_squeeze %dma_start3A_2310 : memref<1x2x80xi32, #tpu.memory_space<hbm>> -> memref<2x80xi32, #tpu.memory_space<hbm>>
      tpu.enqueue_dma source(%dma_start3A_2311 : memref<2x80xi32, #tpu.memory_space<hbm>>) target(%dma_start3A_2307 : memref<2x80xi32, #tpu.memory_space<vmem>>) target_semaphore(%arg16 : memref<!tpu.dma_semaphore, #tpu.memory_space<semaphore_mem>>)
      %get3A_2312 = arith.constant 3 : i32
      %get3A_2313 = arith.constant 0 : i32
      %get3A_2314 = arith.index_cast %get3A_2312 : i32 to index
      %get3A_2315 = arith.index_cast %get3A_2313 : i32 to index
      %get3A_2316 = arith.constant 0 : index
      %get3A_2317 = tpu.vector_load %arg8[%get3A_2314, %get3A_2315, %get3A_2316] {strides = array<i32>} : memref<4x2x80xi32, #tpu.memory_space<vmem>>, vector<16xi32>,
      tpu.vector_store_idx %arg10[%get3A_2317], %broadcast_in_dim3A_234 {add = true} : memref<10240xf32, #tpu.memory_space<vmem>>[vector<16xi32>], vector<16xf32>,
      %get3A_2318 = arith.constant 3 : i32
      %get3A_2319 = arith.constant 0 : i32
      %get3A_2320 = arith.index_cast %get3A_2318 : i32 to index
      %get3A_2321 = arith.index_cast %get3A_2319 : i32 to index
      %get3A_2322 = arith.constant 16 : index
      %get3A_2323 = tpu.vector_load %arg8[%get3A_2320, %get3A_2321, %get3A_2322] {strides = array<i32>} : memref<4x2x80xi32, #tpu.memory_space<vmem>>, vector<16xi32>,
      tpu.vector_store_idx %arg10[%get3A_2323], %broadcast_in_dim3A_234 {add = true} : memref<10240xf32, #tpu.memory_space<vmem>>[vector<16xi32>], vector<16xf32>,
      %get3A_2324 = arith.constant 3 : i32
      %get3A_2325 = arith.constant 0 : i32
      %get3A_2326 = arith.index_cast %get3A_2324 : i32 to index
      %get3A_2327 = arith.index_cast %get3A_2325 : i32 to index
      %get3A_2328 = arith.constant 32 : index
      %get3A_2329 = tpu.vector_load %arg8[%get3A_2326, %get3A_2327, %get3A_2328] {strides = array<i32>} : memref<4x2x80xi32, #tpu.memory_space<vmem>>, vector<16xi32>,
      tpu.vector_store_idx %arg10[%get3A_2329], %broadcast_in_dim3A_234 {add = true} : memref<10240xf32, #tpu.memory_space<vmem>>[vector<16xi32>], vector<16xf32>,
      %get3A_2330 = arith.constant 3 : i32
      %get3A_2331 = arith.constant 0 : i32
      %get3A_2332 = arith.index_cast %get3A_2330 : i32 to index
      %get3A_2333 = arith.index_cast %get3A_2331 : i32 to index
      %get3A_2334 = arith.constant 48 : index
      %get3A_2335 = tpu.vector_load %arg8[%get3A_2332, %get3A_2333, %get3A_2334] {strides = array<i32>} : memref<4x2x80xi32, #tpu.memory_space<vmem>>, vector<16xi32>,
      tpu.vector_store_idx %arg10[%get3A_2335], %broadcast_in_dim3A_234 {add = true} : memref<10240xf32, #tpu.memory_space<vmem>>[vector<16xi32>], vector<16xf32>,
      %get3A_2336 = arith.constant 3 : i32
      %get3A_2337 = arith.constant 0 : i32
      %get3A_2338 = arith.index_cast %get3A_2336 : i32 to index
      %get3A_2339 = arith.index_cast %get3A_2337 : i32 to index
      %get3A_2340 = arith.constant 64 : index
      %get3A_2341 = tpu.vector_load %arg8[%get3A_2338, %get3A_2339, %get3A_2340] {strides = array<i32>} : memref<4x2x80xi32, #tpu.memory_space<vmem>>, vector<16xi32>,
      tpu.vector_store_idx %arg10[%get3A_2341], %broadcast_in_dim3A_234 {add = true} : memref<10240xf32, #tpu.memory_space<vmem>>[vector<16xi32>], vector<16xf32>,
      %add3A_2342 = arith.constant 10 : i32
      %add3A_2343 = arith.addi %add3A_1111, %add3A_2342 : i32
      %dma_wait3A_2344 = arith.constant 0 : i32
      %dma_wait3A_2345 = arith.constant 1 : i32
      %dma_wait3A_2346 = arith.constant 0 : i32
      %dma_wait3A_2347 = arith.constant 0 : i32
      %dma_wait3A_2348 = arith.constant 0 : i32
      %dma_wait3A_2349 = tpu.memref_slice %arg9[%dma_wait3A_2346, %dma_wait3A_2347, %dma_wait3A_2348] : memref<3x80x128xf32, #tpu.memory_space<vmem>> -> memref<1x80x128xf32, #tpu.memory_space<vmem>>
      %dma_wait3A_2350 = tpu.memref_squeeze %dma_wait3A_2349 : memref<1x80x128xf32, #tpu.memory_space<vmem>> -> memref<80x128xf32, #tpu.memory_space<vmem>>
      %dma_wait3A_2351 = arith.constant 0 : i32
      %dma_wait3A_2352 = tpu.memref_slice %arg8[%dma_wait3A_2344, %dma_wait3A_2345, %dma_wait3A_2351] : memref<4x2x80xi32, #tpu.memory_space<vmem>> -> memref<1x1x80xi32, #tpu.memory_space<vmem>>
      %dma_wait3A_2353 = tpu.memref_squeeze %dma_wait3A_2352 : memref<1x1x80xi32, #tpu.memory_space<vmem>> -> memref<80xi32, #tpu.memory_space<vmem>>
      %dma_wait3A_2354 = arith.constant 0 : i32
      %dma_wait3A_2355 = arith.constant 0 : i32
      %dma_wait3A_2356 = tpu.memref_slice %arg2[%dma_wait3A_2354, %dma_wait3A_2355] : memref<10000x128xf32, #tpu.memory_space<hbm>> -> memref<10000x128xf32, #tpu.memory_space<hbm>>
      tpu.wait_indirect_dma semaphore(%arg11 : memref<!tpu.dma_semaphore, #tpu.memory_space<semaphore_mem>>) src(%dma_wait3A_2356 : memref<10000x128xf32, #tpu.memory_space<hbm>>) dst(%dma_wait3A_2350 : memref<80x128xf32, #tpu.memory_space<vmem>>)
      %dma_start3A_2357 = arith.constant 0 : i32
      %dma_start3A_2358 = arith.constant 0 : i32
      %dma_start3A_2359 = arith.constant 0 : i32
      %dma_start3A_2360 = arith.constant 0 : i32
      %dma_start3A_2361 = arith.constant 0 : i32
      %dma_start3A_2362 = tpu.memref_slice %arg9[%dma_start3A_2357, %dma_start3A_2360, %dma_start3A_2361] : memref<3x80x128xf32, #tpu.memory_space<vmem>> -> memref<1x80x128xf32, #tpu.memory_space<vmem>>
      %dma_start3A_2363 = tpu.memref_squeeze %dma_start3A_2362 : memref<1x80x128xf32, #tpu.memory_space<vmem>> -> memref<80x128xf32, #tpu.memory_space<vmem>>
      %dma_start3A_2364 = arith.constant 0 : i32
      %dma_start3A_2365 = tpu.memref_slice %arg8[%dma_start3A_2358, %dma_start3A_2359, %dma_start3A_2364] : memref<4x2x80xi32, #tpu.memory_space<vmem>> -> memref<1x1x80xi32, #tpu.memory_space<vmem>>
      %dma_start3A_2366 = tpu.memref_squeeze %dma_start3A_2365 : memref<1x1x80xi32, #tpu.memory_space<vmem>> -> memref<80xi32, #tpu.memory_space<vmem>>
      %dma_start3A_2367 = arith.constant 0 : i32
      %dma_start3A_2368 = arith.constant 0 : i32
      %dma_start3A_2369 = tpu.memref_slice %arg7[%dma_start3A_2367, %dma_start3A_2368] : memref<10240x128xf32, #tpu.memory_space<vmem_shared>> -> memref<10240x128xf32, #tpu.memory_space<vmem_shared>>
      tpu.enqueue_indirect_dma source(%dma_start3A_2363 : memref<80x128xf32, #tpu.memory_space<vmem>>) target(%dma_start3A_2369 : memref<10240x128xf32, #tpu.memory_space<vmem_shared>>) offsets(%dma_start3A_2366 : memref<80xi32, #tpu.memory_space<vmem>>) semaphore(%arg12 : memref<!tpu.dma_semaphore, #tpu.memory_space<semaphore_mem>>) {add = true}
      %dma_wait3A_2370 = arith.constant 1 : i32
      %dma_wait3A_2371 = arith.constant 0 : i32
      %dma_wait3A_2372 = arith.constant 0 : i32
      %dma_wait3A_2373 = tpu.memref_slice %arg8[%dma_wait3A_2370, %dma_wait3A_2371, %dma_wait3A_2372] : memref<4x2x80xi32, #tpu.memory_space<vmem>> -> memref<1x2x80xi32, #tpu.memory_space<vmem>>
      %dma_wait3A_2374 = tpu.memref_squeeze %dma_wait3A_2373 : memref<1x2x80xi32, #tpu.memory_space<vmem>> -> memref<2x80xi32, #tpu.memory_space<vmem>>
      %dma_wait3A_2375 = arith.constant 0 : i32
      %dma_wait3A_2376 = arith.constant 0 : i32
      %dma_wait3A_2377 = tpu.memref_slice %arg3[%mul3A_232, %dma_wait3A_2375, %dma_wait3A_2376] : memref<4000x2x80xi32, #tpu.memory_space<hbm>> -> memref<1x2x80xi32, #tpu.memory_space<hbm>>
      %dma_wait3A_2378 = tpu.memref_squeeze %dma_wait3A_2377 : memref<1x2x80xi32, #tpu.memory_space<hbm>> -> memref<2x80xi32, #tpu.memory_space<hbm>>
      %dma_wait3A_2379 = arith.constant 0 : i32
      %dma_wait3A_2380 = arith.constant 0 : i32
      %dma_wait3A_2381 = tpu.memref_slice %arg8[%dma_wait3A_2370, %dma_wait3A_2379, %dma_wait3A_2380] : memref<4x2x80xi32, #tpu.memory_space<vmem>> -> memref<1x2x80xi32, #tpu.memory_space<vmem>>
      %dma_wait3A_2382 = tpu.memref_squeeze %dma_wait3A_2381 : memref<1x2x80xi32, #tpu.memory_space<vmem>> -> memref<2x80xi32, #tpu.memory_space<vmem>>
      %dma_wait3A_2383 = arith.constant 0 : i32
      %dma_wait3A_2384 = arith.constant 0 : i32
      %dma_wait3A_2385 = tpu.memref_slice %arg3[%mul3A_232, %dma_wait3A_2383, %dma_wait3A_2384] : memref<4000x2x80xi32, #tpu.memory_space<hbm>> -> memref<1x2x80xi32, #tpu.memory_space<hbm>>
      %dma_wait3A_2386 = tpu.memref_squeeze %dma_wait3A_2385 : memref<1x2x80xi32, #tpu.memory_space<hbm>> -> memref<2x80xi32, #tpu.memory_space<hbm>>
      tpu.wait_dma2 semaphore(%arg16 : memref<!tpu.dma_semaphore, #tpu.memory_space<semaphore_mem>>) src(%dma_wait3A_2386 : memref<2x80xi32, #tpu.memory_space<hbm>>) dst(%dma_wait3A_2382 : memref<2x80xi32, #tpu.memory_space<vmem>>)
      %dma_wait3A_2387 = arith.constant 1 : i32
      %dma_wait3A_2388 = arith.constant 0 : i32
      %dma_wait3A_2389 = arith.constant 0 : i32
      %dma_wait3A_2390 = arith.constant 0 : i32
      %dma_wait3A_2391 = arith.constant 0 : i32
      %dma_wait3A_2392 = tpu.memref_slice %arg9[%dma_wait3A_2387, %dma_wait3A_2390, %dma_wait3A_2391] : memref<3x80x128xf32, #tpu.memory_space<vmem>> -> memref<1x80x128xf32, #tpu.memory_space<vmem>>
      %dma_wait3A_2393 = tpu.memref_squeeze %dma_wait3A_2392 : memref<1x80x128xf32, #tpu.memory_space<vmem>> -> memref<80x128xf32, #tpu.memory_space<vmem>>
      %dma_wait3A_2394 = arith.constant 0 : i32
      %dma_wait3A_2395 = tpu.memref_slice %arg8[%dma_wait3A_2388, %dma_wait3A_2389, %dma_wait3A_2394] : memref<4x2x80xi32, #tpu.memory_space<vmem>> -> memref<1x1x80xi32, #tpu.memory_space<vmem>>
      %dma_wait3A_2396 = tpu.memref_squeeze %dma_wait3A_2395 : memref<1x1x80xi32, #tpu.memory_space<vmem>> -> memref<80xi32, #tpu.memory_space<vmem>>
      %dma_wait3A_2397 = arith.constant 0 : i32
      %dma_wait3A_2398 = arith.constant 0 : i32
      %dma_wait3A_2399 = tpu.memref_slice %arg7[%dma_wait3A_2397, %dma_wait3A_2398] : memref<10240x128xf32, #tpu.memory_space<vmem_shared>> -> memref<10240x128xf32, #tpu.memory_space<vmem_shared>>
      tpu.wait_indirect_dma semaphore(%arg13 : memref<!tpu.dma_semaphore, #tpu.memory_space<semaphore_mem>>) src(%dma_wait3A_2393 : memref<80x128xf32, #tpu.memory_space<vmem>>) dst(%dma_wait3A_2399 : memref<10240x128xf32, #tpu.memory_space<vmem_shared>>)
      %add3A_2400 = arith.constant 1 : i32
      %add3A_2401 = arith.addi %add3A_2343, %add3A_2400 : i32
      %dma_start3A_2402 = arith.constant 1 : i32
      %dma_start3A_2403 = arith.constant 1 : i32
      %dma_start3A_2404 = arith.constant 1 : i32
      %dma_start3A_2405 = arith.constant 0 : i32
      %dma_start3A_2406 = arith.constant 0 : i32
      %dma_start3A_2407 = tpu.memref_slice %arg9[%dma_start3A_2404, %dma_start3A_2405, %dma_start3A_2406] : memref<3x80x128xf32, #tpu.memory_space<vmem>> -> memref<1x80x128xf32, #tpu.memory_space<vmem>>
      %dma_start3A_2408 = tpu.memref_squeeze %dma_start3A_2407 : memref<1x80x128xf32, #tpu.memory_space<vmem>> -> memref<80x128xf32, #tpu.memory_space<vmem>>
      %dma_start3A_2409 = arith.constant 0 : i32
      %dma_start3A_2410 = tpu.memref_slice %arg8[%dma_start3A_2402, %dma_start3A_2403, %dma_start3A_2409] : memref<4x2x80xi32, #tpu.memory_space<vmem>> -> memref<1x1x80xi32, #tpu.memory_space<vmem>>
      %dma_start3A_2411 = tpu.memref_squeeze %dma_start3A_2410 : memref<1x1x80xi32, #tpu.memory_space<vmem>> -> memref<80xi32, #tpu.memory_space<vmem>>
      %dma_start3A_2412 = arith.constant 0 : i32
      %dma_start3A_2413 = arith.constant 0 : i32
      %dma_start3A_2414 = tpu.memref_slice %arg2[%dma_start3A_2412, %dma_start3A_2413] : memref<10000x128xf32, #tpu.memory_space<hbm>> -> memref<10000x128xf32, #tpu.memory_space<hbm>>
      tpu.enqueue_indirect_dma source(%dma_start3A_2414 : memref<10000x128xf32, #tpu.memory_space<hbm>>) target(%dma_start3A_2408 : memref<80x128xf32, #tpu.memory_space<vmem>>) offsets(%dma_start3A_2411 : memref<80xi32, #tpu.memory_space<vmem>>) semaphore(%arg11 : memref<!tpu.dma_semaphore, #tpu.memory_space<semaphore_mem>>)
      %add3A_2415 = arith.constant 2 : i32
      %add3A_2416 = arith.addi %add3A_2343, %add3A_2415 : i32
      %add3A_2417 = arith.addi %mul3A_232, %add3A_2416 : i32
      %dma_start3A_2418 = arith.constant 2 : i32
      %dma_start3A_2419 = arith.constant 0 : i32
      %dma_start3A_2420 = arith.constant 0 : i32
      %dma_start3A_2421 = tpu.memref_slice %arg8[%dma_start3A_2418, %dma_start3A_2419, %dma_start3A_2420] : memref<4x2x80xi32, #tpu.memory_space<vmem>> -> memref<1x2x80xi32, #tpu.memory_space<vmem>>
      %dma_start3A_2422 = tpu.memref_squeeze %dma_start3A_2421 : memref<1x2x80xi32, #tpu.memory_space<vmem>> -> memref<2x80xi32, #tpu.memory_space<vmem>>
      %dma_start3A_2423 = arith.constant 0 : i32
      %dma_start3A_2424 = arith.constant 0 : i32
      %dma_start3A_2425 = tpu.memref_slice %arg3[%add3A_2417, %dma_start3A_2423, %dma_start3A_2424] : memref<4000x2x80xi32, #tpu.memory_space<hbm>> -> memref<1x2x80xi32, #tpu.memory_space<hbm>>
      %dma_start3A_2426 = tpu.memref_squeeze %dma_start3A_2425 : memref<1x2x80xi32, #tpu.memory_space<hbm>> -> memref<2x80xi32, #tpu.memory_space<hbm>>
      %dma_start3A_2427 = arith.constant 0 : i32
      %dma_start3A_2428 = arith.constant 0 : i32
      %dma_start3A_2429 = tpu.memref_slice %arg8[%dma_start3A_2418, %dma_start3A_2427, %dma_start3A_2428] : memref<4x2x80xi32, #tpu.memory_space<vmem>> -> memref<1x2x80xi32, #tpu.memory_space<vmem>>
      %dma_start3A_2430 = tpu.memref_squeeze %dma_start3A_2429 : memref<1x2x80xi32, #tpu.memory_space<vmem>> -> memref<2x80xi32, #tpu.memory_space<vmem>>
      %dma_start3A_2431 = arith.constant 0 : i32
      %dma_start3A_2432 = arith.constant 0 : i32
      %dma_start3A_2433 = tpu.memref_slice %arg3[%add3A_2417, %dma_start3A_2431, %dma_start3A_2432] : memref<4000x2x80xi32, #tpu.memory_space<hbm>> -> memref<1x2x80xi32, #tpu.memory_space<hbm>>
      %dma_start3A_2434 = tpu.memref_squeeze %dma_start3A_2433 : memref<1x2x80xi32, #tpu.memory_space<hbm>> -> memref<2x80xi32, #tpu.memory_space<hbm>>
      tpu.enqueue_dma source(%dma_start3A_2434 : memref<2x80xi32, #tpu.memory_space<hbm>>) target(%dma_start3A_2430 : memref<2x80xi32, #tpu.memory_space<vmem>>) target_semaphore(%arg17 : memref<!tpu.dma_semaphore, #tpu.memory_space<semaphore_mem>>)
      %get3A_2435 = arith.constant 0 : i32
      %get3A_2436 = arith.constant 0 : i32
      %get3A_2437 = arith.index_cast %get3A_2435 : i32 to index
      %get3A_2438 = arith.index_cast %get3A_2436 : i32 to index
      %get3A_2439 = arith.constant 0 : index
      %get3A_2440 = tpu.vector_load %arg8[%get3A_2437, %get3A_2438, %get3A_2439] {strides = array<i32>} : memref<4x2x80xi32, #tpu.memory_space<vmem>>, vector<16xi32>,
      tpu.vector_store_idx %arg10[%get3A_2440], %broadcast_in_dim3A_234 {add = true} : memref<10240xf32, #tpu.memory_space<vmem>>[vector<16xi32>], vector<16xf32>,
      %get3A_2441 = arith.constant 0 : i32
      %get3A_2442 = arith.constant 0 : i32
      %get3A_2443 = arith.index_cast %get3A_2441 : i32 to index
      %get3A_2444 = arith.index_cast %get3A_2442 : i32 to index
      %get3A_2445 = arith.constant 16 : index
      %get3A_2446 = tpu.vector_load %arg8[%get3A_2443, %get3A_2444, %get3A_2445] {strides = array<i32>} : memref<4x2x80xi32, #tpu.memory_space<vmem>>, vector<16xi32>,
      tpu.vector_store_idx %arg10[%get3A_2446], %broadcast_in_dim3A_234 {add = true} : memref<10240xf32, #tpu.memory_space<vmem>>[vector<16xi32>], vector<16xf32>,
      %get3A_2447 = arith.constant 0 : i32
      %get3A_2448 = arith.constant 0 : i32
      %get3A_2449 = arith.index_cast %get3A_2447 : i32 to index
      %get3A_2450 = arith.index_cast %get3A_2448 : i32 to index
      %get3A_2451 = arith.constant 32 : index
      %get3A_2452 = tpu.vector_load %arg8[%get3A_2449, %get3A_2450, %get3A_2451] {strides = array<i32>} : memref<4x2x80xi32, #tpu.memory_space<vmem>>, vector<16xi32>,
      tpu.vector_store_idx %arg10[%get3A_2452], %broadcast_in_dim3A_234 {add = true} : memref<10240xf32, #tpu.memory_space<vmem>>[vector<16xi32>], vector<16xf32>,
      %get3A_2453 = arith.constant 0 : i32
      %get3A_2454 = arith.constant 0 : i32
      %get3A_2455 = arith.index_cast %get3A_2453 : i32 to index
      %get3A_2456 = arith.index_cast %get3A_2454 : i32 to index
      %get3A_2457 = arith.constant 48 : index
      %get3A_2458 = tpu.vector_load %arg8[%get3A_2455, %get3A_2456, %get3A_2457] {strides = array<i32>} : memref<4x2x80xi32, #tpu.memory_space<vmem>>, vector<16xi32>,
      tpu.vector_store_idx %arg10[%get3A_2458], %broadcast_in_dim3A_234 {add = true} : memref<10240xf32, #tpu.memory_space<vmem>>[vector<16xi32>], vector<16xf32>,
      %get3A_2459 = arith.constant 0 : i32
      %get3A_2460 = arith.constant 0 : i32
      %get3A_2461 = arith.index_cast %get3A_2459 : i32 to index
      %get3A_2462 = arith.index_cast %get3A_2460 : i32 to index
      %get3A_2463 = arith.constant 64 : index
      %get3A_2464 = tpu.vector_load %arg8[%get3A_2461, %get3A_2462, %get3A_2463] {strides = array<i32>} : memref<4x2x80xi32, #tpu.memory_space<vmem>>, vector<16xi32>,
      tpu.vector_store_idx %arg10[%get3A_2464], %broadcast_in_dim3A_234 {add = true} : memref<10240xf32, #tpu.memory_space<vmem>>[vector<16xi32>], vector<16xf32>,
      %add3A_2465 = arith.constant 11 : i32
      %add3A_2466 = arith.addi %add3A_1111, %add3A_2465 : i32
      %dma_wait3A_2467 = arith.constant 0 : i32
      %dma_wait3A_2468 = arith.constant 1 : i32
      %dma_wait3A_2469 = arith.constant 1 : i32
      %dma_wait3A_2470 = arith.constant 0 : i32
      %dma_wait3A_2471 = arith.constant 0 : i32
      %dma_wait3A_2472 = tpu.memref_slice %arg9[%dma_wait3A_2469, %dma_wait3A_2470, %dma_wait3A_2471] : memref<3x80x128xf32, #tpu.memory_space<vmem>> -> memref<1x80x128xf32, #tpu.memory_space<vmem>>
      %dma_wait3A_2473 = tpu.memref_squeeze %dma_wait3A_2472 : memref<1x80x128xf32, #tpu.memory_space<vmem>> -> memref<80x128xf32, #tpu.memory_space<vmem>>
      %dma_wait3A_2474 = arith.constant 0 : i32
      %dma_wait3A_2475 = tpu.memref_slice %arg8[%dma_wait3A_2467, %dma_wait3A_2468, %dma_wait3A_2474] : memref<4x2x80xi32, #tpu.memory_space<vmem>> -> memref<1x1x80xi32, #tpu.memory_space<vmem>>
      %dma_wait3A_2476 = tpu.memref_squeeze %dma_wait3A_2475 : memref<1x1x80xi32, #tpu.memory_space<vmem>> -> memref<80xi32, #tpu.memory_space<vmem>>
      %dma_wait3A_2477 = arith.constant 0 : i32
      %dma_wait3A_2478 = arith.constant 0 : i32
      %dma_wait3A_2479 = tpu.memref_slice %arg2[%dma_wait3A_2477, %dma_wait3A_2478] : memref<10000x128xf32, #tpu.memory_space<hbm>> -> memref<10000x128xf32, #tpu.memory_space<hbm>>
      tpu.wait_indirect_dma semaphore(%arg11 : memref<!tpu.dma_semaphore, #tpu.memory_space<semaphore_mem>>) src(%dma_wait3A_2479 : memref<10000x128xf32, #tpu.memory_space<hbm>>) dst(%dma_wait3A_2473 : memref<80x128xf32, #tpu.memory_space<vmem>>)
      %dma_start3A_2480 = arith.constant 1 : i32
      %dma_start3A_2481 = arith.constant 1 : i32
      %dma_start3A_2482 = arith.constant 0 : i32
      %dma_start3A_2483 = arith.constant 0 : i32
      %dma_start3A_2484 = arith.constant 0 : i32
      %dma_start3A_2485 = tpu.memref_slice %arg9[%dma_start3A_2480, %dma_start3A_2483, %dma_start3A_2484] : memref<3x80x128xf32, #tpu.memory_space<vmem>> -> memref<1x80x128xf32, #tpu.memory_space<vmem>>
      %dma_start3A_2486 = tpu.memref_squeeze %dma_start3A_2485 : memref<1x80x128xf32, #tpu.memory_space<vmem>> -> memref<80x128xf32, #tpu.memory_space<vmem>>
      %dma_start3A_2487 = arith.constant 0 : i32
      %dma_start3A_2488 = tpu.memref_slice %arg8[%dma_start3A_2481, %dma_start3A_2482, %dma_start3A_2487] : memref<4x2x80xi32, #tpu.memory_space<vmem>> -> memref<1x1x80xi32, #tpu.memory_space<vmem>>
      %dma_start3A_2489 = tpu.memref_squeeze %dma_start3A_2488 : memref<1x1x80xi32, #tpu.memory_space<vmem>> -> memref<80xi32, #tpu.memory_space<vmem>>
      %dma_start3A_2490 = arith.constant 0 : i32
      %dma_start3A_2491 = arith.constant 0 : i32
      %dma_start3A_2492 = tpu.memref_slice %arg7[%dma_start3A_2490, %dma_start3A_2491] : memref<10240x128xf32, #tpu.memory_space<vmem_shared>> -> memref<10240x128xf32, #tpu.memory_space<vmem_shared>>
      tpu.enqueue_indirect_dma source(%dma_start3A_2486 : memref<80x128xf32, #tpu.memory_space<vmem>>) target(%dma_start3A_2492 : memref<10240x128xf32, #tpu.memory_space<vmem_shared>>) offsets(%dma_start3A_2489 : memref<80xi32, #tpu.memory_space<vmem>>) semaphore(%arg13 : memref<!tpu.dma_semaphore, #tpu.memory_space<semaphore_mem>>) {add = true}
      %dma_wait3A_2493 = arith.constant 2 : i32
      %dma_wait3A_2494 = arith.constant 0 : i32
      %dma_wait3A_2495 = arith.constant 0 : i32
      %dma_wait3A_2496 = tpu.memref_slice %arg8[%dma_wait3A_2493, %dma_wait3A_2494, %dma_wait3A_2495] : memref<4x2x80xi32, #tpu.memory_space<vmem>> -> memref<1x2x80xi32, #tpu.memory_space<vmem>>
      %dma_wait3A_2497 = tpu.memref_squeeze %dma_wait3A_2496 : memref<1x2x80xi32, #tpu.memory_space<vmem>> -> memref<2x80xi32, #tpu.memory_space<vmem>>
      %dma_wait3A_2498 = arith.constant 0 : i32
      %dma_wait3A_2499 = arith.constant 0 : i32
      %dma_wait3A_2500 = tpu.memref_slice %arg3[%mul3A_232, %dma_wait3A_2498, %dma_wait3A_2499] : memref<4000x2x80xi32, #tpu.memory_space<hbm>> -> memref<1x2x80xi32, #tpu.memory_space<hbm>>
      %dma_wait3A_2501 = tpu.memref_squeeze %dma_wait3A_2500 : memref<1x2x80xi32, #tpu.memory_space<hbm>> -> memref<2x80xi32, #tpu.memory_space<hbm>>
      %dma_wait3A_2502 = arith.constant 0 : i32
      %dma_wait3A_2503 = arith.constant 0 : i32
      %dma_wait3A_2504 = tpu.memref_slice %arg8[%dma_wait3A_2493, %dma_wait3A_2502, %dma_wait3A_2503] : memref<4x2x80xi32, #tpu.memory_space<vmem>> -> memref<1x2x80xi32, #tpu.memory_space<vmem>>
      %dma_wait3A_2505 = tpu.memref_squeeze %dma_wait3A_2504 : memref<1x2x80xi32, #tpu.memory_space<vmem>> -> memref<2x80xi32, #tpu.memory_space<vmem>>
      %dma_wait3A_2506 = arith.constant 0 : i32
      %dma_wait3A_2507 = arith.constant 0 : i32
      %dma_wait3A_2508 = tpu.memref_slice %arg3[%mul3A_232, %dma_wait3A_2506, %dma_wait3A_2507] : memref<4000x2x80xi32, #tpu.memory_space<hbm>> -> memref<1x2x80xi32, #tpu.memory_space<hbm>>
      %dma_wait3A_2509 = tpu.memref_squeeze %dma_wait3A_2508 : memref<1x2x80xi32, #tpu.memory_space<hbm>> -> memref<2x80xi32, #tpu.memory_space<hbm>>
      tpu.wait_dma2 semaphore(%arg17 : memref<!tpu.dma_semaphore, #tpu.memory_space<semaphore_mem>>) src(%dma_wait3A_2509 : memref<2x80xi32, #tpu.memory_space<hbm>>) dst(%dma_wait3A_2505 : memref<2x80xi32, #tpu.memory_space<vmem>>)
      %dma_wait3A_2510 = arith.constant 2 : i32
      %dma_wait3A_2511 = arith.constant 0 : i32
      %dma_wait3A_2512 = arith.constant 0 : i32
      %dma_wait3A_2513 = arith.constant 0 : i32
      %dma_wait3A_2514 = arith.constant 0 : i32
      %dma_wait3A_2515 = tpu.memref_slice %arg9[%dma_wait3A_2510, %dma_wait3A_2513, %dma_wait3A_2514] : memref<3x80x128xf32, #tpu.memory_space<vmem>> -> memref<1x80x128xf32, #tpu.memory_space<vmem>>
      %dma_wait3A_2516 = tpu.memref_squeeze %dma_wait3A_2515 : memref<1x80x128xf32, #tpu.memory_space<vmem>> -> memref<80x128xf32, #tpu.memory_space<vmem>>
      %dma_wait3A_2517 = arith.constant 0 : i32
      %dma_wait3A_2518 = tpu.memref_slice %arg8[%dma_wait3A_2511, %dma_wait3A_2512, %dma_wait3A_2517] : memref<4x2x80xi32, #tpu.memory_space<vmem>> -> memref<1x1x80xi32, #tpu.memory_space<vmem>>
      %dma_wait3A_2519 = tpu.memref_squeeze %dma_wait3A_2518 : memref<1x1x80xi32, #tpu.memory_space<vmem>> -> memref<80xi32, #tpu.memory_space<vmem>>
      %dma_wait3A_2520 = arith.constant 0 : i32
      %dma_wait3A_2521 = arith.constant 0 : i32
      %dma_wait3A_2522 = tpu.memref_slice %arg7[%dma_wait3A_2520, %dma_wait3A_2521] : memref<10240x128xf32, #tpu.memory_space<vmem_shared>> -> memref<10240x128xf32, #tpu.memory_space<vmem_shared>>
      tpu.wait_indirect_dma semaphore(%arg14 : memref<!tpu.dma_semaphore, #tpu.memory_space<semaphore_mem>>) src(%dma_wait3A_2516 : memref<80x128xf32, #tpu.memory_space<vmem>>) dst(%dma_wait3A_2522 : memref<10240x128xf32, #tpu.memory_space<vmem_shared>>)
      %add3A_2523 = arith.constant 1 : i32
      %add3A_2524 = arith.addi %add3A_2466, %add3A_2523 : i32
      %dma_start3A_2525 = arith.constant 2 : i32
      %dma_start3A_2526 = arith.constant 1 : i32
      %dma_start3A_2527 = arith.constant 2 : i32
      %dma_start3A_2528 = arith.constant 0 : i32
      %dma_start3A_2529 = arith.constant 0 : i32
      %dma_start3A_2530 = tpu.memref_slice %arg9[%dma_start3A_2527, %dma_start3A_2528, %dma_start3A_2529] : memref<3x80x128xf32, #tpu.memory_space<vmem>> -> memref<1x80x128xf32, #tpu.memory_space<vmem>>
      %dma_start3A_2531 = tpu.memref_squeeze %dma_start3A_2530 : memref<1x80x128xf32, #tpu.memory_space<vmem>> -> memref<80x128xf32, #tpu.memory_space<vmem>>
      %dma_start3A_2532 = arith.constant 0 : i32
      %dma_start3A_2533 = tpu.memref_slice %arg8[%dma_start3A_2525, %dma_start3A_2526, %dma_start3A_2532] : memref<4x2x80xi32, #tpu.memory_space<vmem>> -> memref<1x1x80xi32, #tpu.memory_space<vmem>>
      %dma_start3A_2534 = tpu.memref_squeeze %dma_start3A_2533 : memref<1x1x80xi32, #tpu.memory_space<vmem>> -> memref<80xi32, #tpu.memory_space<vmem>>
      %dma_start3A_2535 = arith.constant 0 : i32
      %dma_start3A_2536 = arith.constant 0 : i32
      %dma_start3A_2537 = tpu.memref_slice %arg2[%dma_start3A_2535, %dma_start3A_2536] : memref<10000x128xf32, #tpu.memory_space<hbm>> -> memref<10000x128xf32, #tpu.memory_space<hbm>>
      tpu.enqueue_indirect_dma source(%dma_start3A_2537 : memref<10000x128xf32, #tpu.memory_space<hbm>>) target(%dma_start3A_2531 : memref<80x128xf32, #tpu.memory_space<vmem>>) offsets(%dma_start3A_2534 : memref<80xi32, #tpu.memory_space<vmem>>) semaphore(%arg11 : memref<!tpu.dma_semaphore, #tpu.memory_space<semaphore_mem>>)
      %add3A_2538 = arith.constant 2 : i32
      %add3A_2539 = arith.addi %add3A_2466, %add3A_2538 : i32
      %add3A_2540 = arith.addi %mul3A_232, %add3A_2539 : i32
      %dma_start3A_2541 = arith.constant 3 : i32
      %dma_start3A_2542 = arith.constant 0 : i32
      %dma_start3A_2543 = arith.constant 0 : i32
      %dma_start3A_2544 = tpu.memref_slice %arg8[%dma_start3A_2541, %dma_start3A_2542, %dma_start3A_2543] : memref<4x2x80xi32, #tpu.memory_space<vmem>> -> memref<1x2x80xi32, #tpu.memory_space<vmem>>
      %dma_start3A_2545 = tpu.memref_squeeze %dma_start3A_2544 : memref<1x2x80xi32, #tpu.memory_space<vmem>> -> memref<2x80xi32, #tpu.memory_space<vmem>>
      %dma_start3A_2546 = arith.constant 0 : i32
      %dma_start3A_2547 = arith.constant 0 : i32
      %dma_start3A_2548 = tpu.memref_slice %arg3[%add3A_2540, %dma_start3A_2546, %dma_start3A_2547] : memref<4000x2x80xi32, #tpu.memory_space<hbm>> -> memref<1x2x80xi32, #tpu.memory_space<hbm>>
      %dma_start3A_2549 = tpu.memref_squeeze %dma_start3A_2548 : memref<1x2x80xi32, #tpu.memory_space<hbm>> -> memref<2x80xi32, #tpu.memory_space<hbm>>
      %dma_start3A_2550 = arith.constant 0 : i32
      %dma_start3A_2551 = arith.constant 0 : i32
      %dma_start3A_2552 = tpu.memref_slice %arg8[%dma_start3A_2541, %dma_start3A_2550, %dma_start3A_2551] : memref<4x2x80xi32, #tpu.memory_space<vmem>> -> memref<1x2x80xi32, #tpu.memory_space<vmem>>
      %dma_start3A_2553 = tpu.memref_squeeze %dma_start3A_2552 : memref<1x2x80xi32, #tpu.memory_space<vmem>> -> memref<2x80xi32, #tpu.memory_space<vmem>>
      %dma_start3A_2554 = arith.constant 0 : i32
      %dma_start3A_2555 = arith.constant 0 : i32
      %dma_start3A_2556 = tpu.memref_slice %arg3[%add3A_2540, %dma_start3A_2554, %dma_start3A_2555] : memref<4000x2x80xi32, #tpu.memory_space<hbm>> -> memref<1x2x80xi32, #tpu.memory_space<hbm>>
      %dma_start3A_2557 = tpu.memref_squeeze %dma_start3A_2556 : memref<1x2x80xi32, #tpu.memory_space<hbm>> -> memref<2x80xi32, #tpu.memory_space<hbm>>
      tpu.enqueue_dma source(%dma_start3A_2557 : memref<2x80xi32, #tpu.memory_space<hbm>>) target(%dma_start3A_2553 : memref<2x80xi32, #tpu.memory_space<vmem>>) target_semaphore(%arg18 : memref<!tpu.dma_semaphore, #tpu.memory_space<semaphore_mem>>)
      %get3A_2558 = arith.constant 1 : i32
      %get3A_2559 = arith.constant 0 : i32
      %get3A_2560 = arith.index_cast %get3A_2558 : i32 to index
      %get3A_2561 = arith.index_cast %get3A_2559 : i32 to index
      %get3A_2562 = arith.constant 0 : index
      %get3A_2563 = tpu.vector_load %arg8[%get3A_2560, %get3A_2561, %get3A_2562] {strides = array<i32>} : memref<4x2x80xi32, #tpu.memory_space<vmem>>, vector<16xi32>,
      tpu.vector_store_idx %arg10[%get3A_2563], %broadcast_in_dim3A_234 {add = true} : memref<10240xf32, #tpu.memory_space<vmem>>[vector<16xi32>], vector<16xf32>,
      %get3A_2564 = arith.constant 1 : i32
      %get3A_2565 = arith.constant 0 : i32
      %get3A_2566 = arith.index_cast %get3A_2564 : i32 to index
      %get3A_2567 = arith.index_cast %get3A_2565 : i32 to index
      %get3A_2568 = arith.constant 16 : index
      %get3A_2569 = tpu.vector_load %arg8[%get3A_2566, %get3A_2567, %get3A_2568] {strides = array<i32>} : memref<4x2x80xi32, #tpu.memory_space<vmem>>, vector<16xi32>,
      tpu.vector_store_idx %arg10[%get3A_2569], %broadcast_in_dim3A_234 {add = true} : memref<10240xf32, #tpu.memory_space<vmem>>[vector<16xi32>], vector<16xf32>,
      %get3A_2570 = arith.constant 1 : i32
      %get3A_2571 = arith.constant 0 : i32
      %get3A_2572 = arith.index_cast %get3A_2570 : i32 to index
      %get3A_2573 = arith.index_cast %get3A_2571 : i32 to index
      %get3A_2574 = arith.constant 32 : index
      %get3A_2575 = tpu.vector_load %arg8[%get3A_2572, %get3A_2573, %get3A_2574] {strides = array<i32>} : memref<4x2x80xi32, #tpu.memory_space<vmem>>, vector<16xi32>,
      tpu.vector_store_idx %arg10[%get3A_2575], %broadcast_in_dim3A_234 {add = true} : memref<10240xf32, #tpu.memory_space<vmem>>[vector<16xi32>], vector<16xf32>,
      %get3A_2576 = arith.constant 1 : i32
      %get3A_2577 = arith.constant 0 : i32
      %get3A_2578 = arith.index_cast %get3A_2576 : i32 to index
      %get3A_2579 = arith.index_cast %get3A_2577 : i32 to index
      %get3A_2580 = arith.constant 48 : index
      %get3A_2581 = tpu.vector_load %arg8[%get3A_2578, %get3A_2579, %get3A_2580] {strides = array<i32>} : memref<4x2x80xi32, #tpu.memory_space<vmem>>, vector<16xi32>,
      tpu.vector_store_idx %arg10[%get3A_2581], %broadcast_in_dim3A_234 {add = true} : memref<10240xf32, #tpu.memory_space<vmem>>[vector<16xi32>], vector<16xf32>,
      %get3A_2582 = arith.constant 1 : i32
      %get3A_2583 = arith.constant 0 : i32
      %get3A_2584 = arith.index_cast %get3A_2582 : i32 to index
      %get3A_2585 = arith.index_cast %get3A_2583 : i32 to index
      %get3A_2586 = arith.constant 64 : index
      %get3A_2587 = tpu.vector_load %arg8[%get3A_2584, %get3A_2585, %get3A_2586] {strides = array<i32>} : memref<4x2x80xi32, #tpu.memory_space<vmem>>, vector<16xi32>,
      tpu.vector_store_idx %arg10[%get3A_2587], %broadcast_in_dim3A_234 {add = true} : memref<10240xf32, #tpu.memory_space<vmem>>[vector<16xi32>], vector<16xf32>,
    }
    %scan3A_517 = arith.constant 10 : i32
    %dma_wait3A_518 = arith.constant 0 : i32
    %dma_wait3A_519 = arith.constant 1 : i32
    %dma_wait3A_520 = arith.constant 2 : i32
    %dma_wait3A_521 = arith.constant 0 : i32
    %dma_wait3A_522 = arith.constant 0 : i32
    %dma_wait3A_523 = tpu.memref_slice %arg9[%dma_wait3A_520, %dma_wait3A_521, %dma_wait3A_522] : memref<3x80x128xf32, #tpu.memory_space<vmem>> -> memref<1x80x128xf32, #tpu.memory_space<vmem>>
    %dma_wait3A_524 = tpu.memref_squeeze %dma_wait3A_523 : memref<1x80x128xf32, #tpu.memory_space<vmem>> -> memref<80x128xf32, #tpu.memory_space<vmem>>
    %dma_wait3A_525 = arith.constant 0 : i32
    %dma_wait3A_526 = tpu.memref_slice %arg8[%dma_wait3A_518, %dma_wait3A_519, %dma_wait3A_525] : memref<4x2x80xi32, #tpu.memory_space<vmem>> -> memref<1x1x80xi32, #tpu.memory_space<vmem>>
    %dma_wait3A_527 = tpu.memref_squeeze %dma_wait3A_526 : memref<1x1x80xi32, #tpu.memory_space<vmem>> -> memref<80xi32, #tpu.memory_space<vmem>>
    %dma_wait3A_528 = arith.constant 0 : i32
    %dma_wait3A_529 = arith.constant 0 : i32
    %dma_wait3A_530 = tpu.memref_slice %arg2[%dma_wait3A_528, %dma_wait3A_529] : memref<10000x128xf32, #tpu.memory_space<hbm>> -> memref<10000x128xf32, #tpu.memory_space<hbm>>
    tpu.wait_indirect_dma semaphore(%arg11 : memref<!tpu.dma_semaphore, #tpu.memory_space<semaphore_mem>>) src(%dma_wait3A_530 : memref<10000x128xf32, #tpu.memory_space<hbm>>) dst(%dma_wait3A_524 : memref<80x128xf32, #tpu.memory_space<vmem>>)
    %dma_start3A_531 = arith.constant 2 : i32
    %dma_start3A_532 = arith.constant 2 : i32
    %dma_start3A_533 = arith.constant 0 : i32
    %dma_start3A_534 = arith.constant 0 : i32
    %dma_start3A_535 = arith.constant 0 : i32
    %dma_start3A_536 = tpu.memref_slice %arg9[%dma_start3A_531, %dma_start3A_534, %dma_start3A_535] : memref<3x80x128xf32, #tpu.memory_space<vmem>> -> memref<1x80x128xf32, #tpu.memory_space<vmem>>
    %dma_start3A_537 = tpu.memref_squeeze %dma_start3A_536 : memref<1x80x128xf32, #tpu.memory_space<vmem>> -> memref<80x128xf32, #tpu.memory_space<vmem>>
    %dma_start3A_538 = arith.constant 0 : i32
    %dma_start3A_539 = tpu.memref_slice %arg8[%dma_start3A_532, %dma_start3A_533, %dma_start3A_538] : memref<4x2x80xi32, #tpu.memory_space<vmem>> -> memref<1x1x80xi32, #tpu.memory_space<vmem>>
    %dma_start3A_540 = tpu.memref_squeeze %dma_start3A_539 : memref<1x1x80xi32, #tpu.memory_space<vmem>> -> memref<80xi32, #tpu.memory_space<vmem>>
    %dma_start3A_541 = arith.constant 0 : i32
    %dma_start3A_542 = arith.constant 0 : i32
    %dma_start3A_543 = tpu.memref_slice %arg7[%dma_start3A_541, %dma_start3A_542] : memref<10240x128xf32, #tpu.memory_space<vmem_shared>> -> memref<10240x128xf32, #tpu.memory_space<vmem_shared>>
    tpu.enqueue_indirect_dma source(%dma_start3A_537 : memref<80x128xf32, #tpu.memory_space<vmem>>) target(%dma_start3A_543 : memref<10240x128xf32, #tpu.memory_space<vmem_shared>>) offsets(%dma_start3A_540 : memref<80xi32, #tpu.memory_space<vmem>>) semaphore(%arg14 : memref<!tpu.dma_semaphore, #tpu.memory_space<semaphore_mem>>) {add = true}
    %dma_wait3A_544 = arith.constant 3 : i32
    %dma_wait3A_545 = arith.constant 0 : i32
    %dma_wait3A_546 = arith.constant 0 : i32
    %dma_wait3A_547 = tpu.memref_slice %arg8[%dma_wait3A_544, %dma_wait3A_545, %dma_wait3A_546] : memref<4x2x80xi32, #tpu.memory_space<vmem>> -> memref<1x2x80xi32, #tpu.memory_space<vmem>>
    %dma_wait3A_548 = tpu.memref_squeeze %dma_wait3A_547 : memref<1x2x80xi32, #tpu.memory_space<vmem>> -> memref<2x80xi32, #tpu.memory_space<vmem>>
    %dma_wait3A_549 = arith.constant 0 : i32
    %dma_wait3A_550 = arith.constant 0 : i32
    %dma_wait3A_551 = tpu.memref_slice %arg3[%mul3A_232, %dma_wait3A_549, %dma_wait3A_550] : memref<4000x2x80xi32, #tpu.memory_space<hbm>> -> memref<1x2x80xi32, #tpu.memory_space<hbm>>
    %dma_wait3A_552 = tpu.memref_squeeze %dma_wait3A_551 : memref<1x2x80xi32, #tpu.memory_space<hbm>> -> memref<2x80xi32, #tpu.memory_space<hbm>>
    %dma_wait3A_553 = arith.constant 0 : i32
    %dma_wait3A_554 = arith.constant 0 : i32
    %dma_wait3A_555 = tpu.memref_slice %arg8[%dma_wait3A_544, %dma_wait3A_553, %dma_wait3A_554] : memref<4x2x80xi32, #tpu.memory_space<vmem>> -> memref<1x2x80xi32, #tpu.memory_space<vmem>>
    %dma_wait3A_556 = tpu.memref_squeeze %dma_wait3A_555 : memref<1x2x80xi32, #tpu.memory_space<vmem>> -> memref<2x80xi32, #tpu.memory_space<vmem>>
    %dma_wait3A_557 = arith.constant 0 : i32
    %dma_wait3A_558 = arith.constant 0 : i32
    %dma_wait3A_559 = tpu.memref_slice %arg3[%mul3A_232, %dma_wait3A_557, %dma_wait3A_558] : memref<4000x2x80xi32, #tpu.memory_space<hbm>> -> memref<1x2x80xi32, #tpu.memory_space<hbm>>
    %dma_wait3A_560 = tpu.memref_squeeze %dma_wait3A_559 : memref<1x2x80xi32, #tpu.memory_space<hbm>> -> memref<2x80xi32, #tpu.memory_space<hbm>>
    tpu.wait_dma2 semaphore(%arg18 : memref<!tpu.dma_semaphore, #tpu.memory_space<semaphore_mem>>) src(%dma_wait3A_560 : memref<2x80xi32, #tpu.memory_space<hbm>>) dst(%dma_wait3A_556 : memref<2x80xi32, #tpu.memory_space<vmem>>)
    %dma_wait3A_561 = arith.constant 0 : i32
    %dma_wait3A_562 = arith.constant 0 : i32
    %dma_wait3A_563 = arith.constant 0 : i32
    %dma_wait3A_564 = arith.constant 0 : i32
    %dma_wait3A_565 = arith.constant 0 : i32
    %dma_wait3A_566 = tpu.memref_slice %arg9[%dma_wait3A_561, %dma_wait3A_564, %dma_wait3A_565] : memref<3x80x128xf32, #tpu.memory_space<vmem>> -> memref<1x80x128xf32, #tpu.memory_space<vmem>>
    %dma_wait3A_567 = tpu.memref_squeeze %dma_wait3A_566 : memref<1x80x128xf32, #tpu.memory_space<vmem>> -> memref<80x128xf32, #tpu.memory_space<vmem>>
    %dma_wait3A_568 = arith.constant 0 : i32
    %dma_wait3A_569 = tpu.memref_slice %arg8[%dma_wait3A_562, %dma_wait3A_563, %dma_wait3A_568] : memref<4x2x80xi32, #tpu.memory_space<vmem>> -> memref<1x1x80xi32, #tpu.memory_space<vmem>>
    %dma_wait3A_570 = tpu.memref_squeeze %dma_wait3A_569 : memref<1x1x80xi32, #tpu.memory_space<vmem>> -> memref<80xi32, #tpu.memory_space<vmem>>
    %dma_wait3A_571 = arith.constant 0 : i32
    %dma_wait3A_572 = arith.constant 0 : i32
    %dma_wait3A_573 = tpu.memref_slice %arg7[%dma_wait3A_571, %dma_wait3A_572] : memref<10240x128xf32, #tpu.memory_space<vmem_shared>> -> memref<10240x128xf32, #tpu.memory_space<vmem_shared>>
    tpu.wait_indirect_dma semaphore(%arg12 : memref<!tpu.dma_semaphore, #tpu.memory_space<semaphore_mem>>) src(%dma_wait3A_567 : memref<80x128xf32, #tpu.memory_space<vmem>>) dst(%dma_wait3A_573 : memref<10240x128xf32, #tpu.memory_space<vmem_shared>>)
    %dma_start3A_574 = arith.constant 3 : i32
    %dma_start3A_575 = arith.constant 1 : i32
    %dma_start3A_576 = arith.constant 0 : i32
    %dma_start3A_577 = arith.constant 0 : i32
    %dma_start3A_578 = arith.constant 0 : i32
    %dma_start3A_579 = tpu.memref_slice %arg9[%dma_start3A_576, %dma_start3A_577, %dma_start3A_578] : memref<3x80x128xf32, #tpu.memory_space<vmem>> -> memref<1x80x128xf32, #tpu.memory_space<vmem>>
    %dma_start3A_580 = tpu.memref_squeeze %dma_start3A_579 : memref<1x80x128xf32, #tpu.memory_space<vmem>> -> memref<80x128xf32, #tpu.memory_space<vmem>>
    %dma_start3A_581 = arith.constant 0 : i32
    %dma_start3A_582 = tpu.memref_slice %arg8[%dma_start3A_574, %dma_start3A_575, %dma_start3A_581] : memref<4x2x80xi32, #tpu.memory_space<vmem>> -> memref<1x1x80xi32, #tpu.memory_space<vmem>>
    %dma_start3A_583 = tpu.memref_squeeze %dma_start3A_582 : memref<1x1x80xi32, #tpu.memory_space<vmem>> -> memref<80xi32, #tpu.memory_space<vmem>>
    %dma_start3A_584 = arith.constant 0 : i32
    %dma_start3A_585 = arith.constant 0 : i32
    %dma_start3A_586 = tpu.memref_slice %arg2[%dma_start3A_584, %dma_start3A_585] : memref<10000x128xf32, #tpu.memory_space<hbm>> -> memref<10000x128xf32, #tpu.memory_space<hbm>>
    tpu.enqueue_indirect_dma source(%dma_start3A_586 : memref<10000x128xf32, #tpu.memory_space<hbm>>) target(%dma_start3A_580 : memref<80x128xf32, #tpu.memory_space<vmem>>) offsets(%dma_start3A_583 : memref<80xi32, #tpu.memory_space<vmem>>) semaphore(%arg11 : memref<!tpu.dma_semaphore, #tpu.memory_space<semaphore_mem>>)
    %add3A_587 = arith.constant 124 : i32
    %add3A_588 = arith.addi %mul3A_232, %add3A_587 : i32
    %dma_start3A_589 = arith.constant 0 : i32
    %dma_start3A_590 = arith.constant 0 : i32
    %dma_start3A_591 = arith.constant 0 : i32
    %dma_start3A_592 = tpu.memref_slice %arg8[%dma_start3A_589, %dma_start3A_590, %dma_start3A_591] : memref<4x2x80xi32, #tpu.memory_space<vmem>> -> memref<1x2x80xi32, #tpu.memory_space<vmem>>
    %dma_start3A_593 = tpu.memref_squeeze %dma_start3A_592 : memref<1x2x80xi32, #tpu.memory_space<vmem>> -> memref<2x80xi32, #tpu.memory_space<vmem>>
    %dma_start3A_594 = arith.constant 0 : i32
    %dma_start3A_595 = arith.constant 0 : i32
    %dma_start3A_596 = tpu.memref_slice %arg3[%add3A_588, %dma_start3A_594, %dma_start3A_595] : memref<4000x2x80xi32, #tpu.memory_space<hbm>> -> memref<1x2x80xi32, #tpu.memory_space<hbm>>
    %dma_start3A_597 = tpu.memref_squeeze %dma_start3A_596 : memref<1x2x80xi32, #tpu.memory_space<hbm>> -> memref<2x80xi32, #tpu.memory_space<hbm>>
    %dma_start3A_598 = arith.constant 0 : i32
    %dma_start3A_599 = arith.constant 0 : i32
    %dma_start3A_600 = tpu.memref_slice %arg8[%dma_start3A_589, %dma_start3A_598, %dma_start3A_599] : memref<4x2x80xi32, #tpu.memory_space<vmem>> -> memref<1x2x80xi32, #tpu.memory_space<vmem>>
    %dma_start3A_601 = tpu.memref_squeeze %dma_start3A_600 : memref<1x2x80xi32, #tpu.memory_space<vmem>> -> memref<2x80xi32, #tpu.memory_space<vmem>>
    %dma_start3A_602 = arith.constant 0 : i32
    %dma_start3A_603 = arith.constant 0 : i32
    %dma_start3A_604 = tpu.memref_slice %arg3[%add3A_588, %dma_start3A_602, %dma_start3A_603] : memref<4000x2x80xi32, #tpu.memory_space<hbm>> -> memref<1x2x80xi32, #tpu.memory_space<hbm>>
    %dma_start3A_605 = tpu.memref_squeeze %dma_start3A_604 : memref<1x2x80xi32, #tpu.memory_space<hbm>> -> memref<2x80xi32, #tpu.memory_space<hbm>>
    tpu.enqueue_dma source(%dma_start3A_605 : memref<2x80xi32, #tpu.memory_space<hbm>>) target(%dma_start3A_601 : memref<2x80xi32, #tpu.memory_space<vmem>>) target_semaphore(%arg15 : memref<!tpu.dma_semaphore, #tpu.memory_space<semaphore_mem>>)
    %get3A_606 = arith.constant 2 : i32
    %get3A_607 = arith.constant 0 : i32
    %get3A_608 = arith.index_cast %get3A_606 : i32 to index
    %get3A_609 = arith.index_cast %get3A_607 : i32 to index
    %get3A_610 = arith.constant 0 : index
    %get3A_611 = tpu.vector_load %arg8[%get3A_608, %get3A_609, %get3A_610] {strides = array<i32>} : memref<4x2x80xi32, #tpu.memory_space<vmem>>, vector<16xi32>,
    tpu.vector_store_idx %arg10[%get3A_611], %broadcast_in_dim3A_234 {add = true} : memref<10240xf32, #tpu.memory_space<vmem>>[vector<16xi32>], vector<16xf32>,
    %get3A_612 = arith.constant 2 : i32
    %get3A_613 = arith.constant 0 : i32
    %get3A_614 = arith.index_cast %get3A_612 : i32 to index
    %get3A_615 = arith.index_cast %get3A_613 : i32 to index
    %get3A_616 = arith.constant 16 : index
    %get3A_617 = tpu.vector_load %arg8[%get3A_614, %get3A_615, %get3A_616] {strides = array<i32>} : memref<4x2x80xi32, #tpu.memory_space<vmem>>, vector<16xi32>,
    tpu.vector_store_idx %arg10[%get3A_617], %broadcast_in_dim3A_234 {add = true} : memref<10240xf32, #tpu.memory_space<vmem>>[vector<16xi32>], vector<16xf32>,
    %get3A_618 = arith.constant 2 : i32
    %get3A_619 = arith.constant 0 : i32
    %get3A_620 = arith.index_cast %get3A_618 : i32 to index
    %get3A_621 = arith.index_cast %get3A_619 : i32 to index
    %get3A_622 = arith.constant 32 : index
    %get3A_623 = tpu.vector_load %arg8[%get3A_620, %get3A_621, %get3A_622] {strides = array<i32>} : memref<4x2x80xi32, #tpu.memory_space<vmem>>, vector<16xi32>,
    tpu.vector_store_idx %arg10[%get3A_623], %broadcast_in_dim3A_234 {add = true} : memref<10240xf32, #tpu.memory_space<vmem>>[vector<16xi32>], vector<16xf32>,
    %get3A_624 = arith.constant 2 : i32
    %get3A_625 = arith.constant 0 : i32
    %get3A_626 = arith.index_cast %get3A_624 : i32 to index
    %get3A_627 = arith.index_cast %get3A_625 : i32 to index
    %get3A_628 = arith.constant 48 : index
    %get3A_629 = tpu.vector_load %arg8[%get3A_626, %get3A_627, %get3A_628] {strides = array<i32>} : memref<4x2x80xi32, #tpu.memory_space<vmem>>, vector<16xi32>,
    tpu.vector_store_idx %arg10[%get3A_629], %broadcast_in_dim3A_234 {add = true} : memref<10240xf32, #tpu.memory_space<vmem>>[vector<16xi32>], vector<16xf32>,
    %get3A_630 = arith.constant 2 : i32
    %get3A_631 = arith.constant 0 : i32
    %get3A_632 = arith.index_cast %get3A_630 : i32 to index
    %get3A_633 = arith.index_cast %get3A_631 : i32 to index
    %get3A_634 = arith.constant 64 : index
    %get3A_635 = tpu.vector_load %arg8[%get3A_632, %get3A_633, %get3A_634] {strides = array<i32>} : memref<4x2x80xi32, #tpu.memory_space<vmem>>, vector<16xi32>,
    tpu.vector_store_idx %arg10[%get3A_635], %broadcast_in_dim3A_234 {add = true} : memref<10240xf32, #tpu.memory_space<vmem>>[vector<16xi32>], vector<16xf32>,
    %dma_wait3A_636 = arith.constant 0 : i32
    %dma_wait3A_637 = arith.constant 1 : i32
    %dma_wait3A_638 = arith.constant 0 : i32
    %dma_wait3A_639 = arith.constant 0 : i32
    %dma_wait3A_640 = arith.constant 0 : i32
    %dma_wait3A_641 = tpu.memref_slice %arg9[%dma_wait3A_638, %dma_wait3A_639, %dma_wait3A_640] : memref<3x80x128xf32, #tpu.memory_space<vmem>> -> memref<1x80x128xf32, #tpu.memory_space<vmem>>
    %dma_wait3A_642 = tpu.memref_squeeze %dma_wait3A_641 : memref<1x80x128xf32, #tpu.memory_space<vmem>> -> memref<80x128xf32, #tpu.memory_space<vmem>>
    %dma_wait3A_643 = arith.constant 0 : i32
    %dma_wait3A_644 = tpu.memref_slice %arg8[%dma_wait3A_636, %dma_wait3A_637, %dma_wait3A_643] : memref<4x2x80xi32, #tpu.memory_space<vmem>> -> memref<1x1x80xi32, #tpu.memory_space<vmem>>
    %dma_wait3A_645 = tpu.memref_squeeze %dma_wait3A_644 : memref<1x1x80xi32, #tpu.memory_space<vmem>> -> memref<80xi32, #tpu.memory_space<vmem>>
    %dma_wait3A_646 = arith.constant 0 : i32
    %dma_wait3A_647 = arith.constant 0 : i32
    %dma_wait3A_648 = tpu.memref_slice %arg2[%dma_wait3A_646, %dma_wait3A_647] : memref<10000x128xf32, #tpu.memory_space<hbm>> -> memref<10000x128xf32, #tpu.memory_space<hbm>>
    tpu.wait_indirect_dma semaphore(%arg11 : memref<!tpu.dma_semaphore, #tpu.memory_space<semaphore_mem>>) src(%dma_wait3A_648 : memref<10000x128xf32, #tpu.memory_space<hbm>>) dst(%dma_wait3A_642 : memref<80x128xf32, #tpu.memory_space<vmem>>)
    %dma_start3A_649 = arith.constant 0 : i32
    %dma_start3A_650 = arith.constant 3 : i32
    %dma_start3A_651 = arith.constant 0 : i32
    %dma_start3A_652 = arith.constant 0 : i32
    %dma_start3A_653 = arith.constant 0 : i32
    %dma_start3A_654 = tpu.memref_slice %arg9[%dma_start3A_649, %dma_start3A_652, %dma_start3A_653] : memref<3x80x128xf32, #tpu.memory_space<vmem>> -> memref<1x80x128xf32, #tpu.memory_space<vmem>>
    %dma_start3A_655 = tpu.memref_squeeze %dma_start3A_654 : memref<1x80x128xf32, #tpu.memory_space<vmem>> -> memref<80x128xf32, #tpu.memory_space<vmem>>
    %dma_start3A_656 = arith.constant 0 : i32
    %dma_start3A_657 = tpu.memref_slice %arg8[%dma_start3A_650, %dma_start3A_651, %dma_start3A_656] : memref<4x2x80xi32, #tpu.memory_space<vmem>> -> memref<1x1x80xi32, #tpu.memory_space<vmem>>
    %dma_start3A_658 = tpu.memref_squeeze %dma_start3A_657 : memref<1x1x80xi32, #tpu.memory_space<vmem>> -> memref<80xi32, #tpu.memory_space<vmem>>
    %dma_start3A_659 = arith.constant 0 : i32
    %dma_start3A_660 = arith.constant 0 : i32
    %dma_start3A_661 = tpu.memref_slice %arg7[%dma_start3A_659, %dma_start3A_660] : memref<10240x128xf32, #tpu.memory_space<vmem_shared>> -> memref<10240x128xf32, #tpu.memory_space<vmem_shared>>
    tpu.enqueue_indirect_dma source(%dma_start3A_655 : memref<80x128xf32, #tpu.memory_space<vmem>>) target(%dma_start3A_661 : memref<10240x128xf32, #tpu.memory_space<vmem_shared>>) offsets(%dma_start3A_658 : memref<80xi32, #tpu.memory_space<vmem>>) semaphore(%arg12 : memref<!tpu.dma_semaphore, #tpu.memory_space<semaphore_mem>>) {add = true}
    %dma_wait3A_662 = arith.constant 0 : i32
    %dma_wait3A_663 = arith.constant 0 : i32
    %dma_wait3A_664 = arith.constant 0 : i32
    %dma_wait3A_665 = tpu.memref_slice %arg8[%dma_wait3A_662, %dma_wait3A_663, %dma_wait3A_664] : memref<4x2x80xi32, #tpu.memory_space<vmem>> -> memref<1x2x80xi32, #tpu.memory_space<vmem>>
    %dma_wait3A_666 = tpu.memref_squeeze %dma_wait3A_665 : memref<1x2x80xi32, #tpu.memory_space<vmem>> -> memref<2x80xi32, #tpu.memory_space<vmem>>
    %dma_wait3A_667 = arith.constant 0 : i32
    %dma_wait3A_668 = arith.constant 0 : i32
    %dma_wait3A_669 = tpu.memref_slice %arg3[%mul3A_232, %dma_wait3A_667, %dma_wait3A_668] : memref<4000x2x80xi32, #tpu.memory_space<hbm>> -> memref<1x2x80xi32, #tpu.memory_space<hbm>>
    %dma_wait3A_670 = tpu.memref_squeeze %dma_wait3A_669 : memref<1x2x80xi32, #tpu.memory_space<hbm>> -> memref<2x80xi32, #tpu.memory_space<hbm>>
    %dma_wait3A_671 = arith.constant 0 : i32
    %dma_wait3A_672 = arith.constant 0 : i32
    %dma_wait3A_673 = tpu.memref_slice %arg8[%dma_wait3A_662, %dma_wait3A_671, %dma_wait3A_672] : memref<4x2x80xi32, #tpu.memory_space<vmem>> -> memref<1x2x80xi32, #tpu.memory_space<vmem>>
    %dma_wait3A_674 = tpu.memref_squeeze %dma_wait3A_673 : memref<1x2x80xi32, #tpu.memory_space<vmem>> -> memref<2x80xi32, #tpu.memory_space<vmem>>
    %dma_wait3A_675 = arith.constant 0 : i32
    %dma_wait3A_676 = arith.constant 0 : i32
    %dma_wait3A_677 = tpu.memref_slice %arg3[%mul3A_232, %dma_wait3A_675, %dma_wait3A_676] : memref<4000x2x80xi32, #tpu.memory_space<hbm>> -> memref<1x2x80xi32, #tpu.memory_space<hbm>>
    %dma_wait3A_678 = tpu.memref_squeeze %dma_wait3A_677 : memref<1x2x80xi32, #tpu.memory_space<hbm>> -> memref<2x80xi32, #tpu.memory_space<hbm>>
    tpu.wait_dma2 semaphore(%arg15 : memref<!tpu.dma_semaphore, #tpu.memory_space<semaphore_mem>>) src(%dma_wait3A_678 : memref<2x80xi32, #tpu.memory_space<hbm>>) dst(%dma_wait3A_674 : memref<2x80xi32, #tpu.memory_space<vmem>>)
    %dma_wait3A_679 = arith.constant 1 : i32
    %dma_wait3A_680 = arith.constant 0 : i32
    %dma_wait3A_681 = arith.constant 0 : i32
    %dma_wait3A_682 = arith.constant 0 : i32
    %dma_wait3A_683 = arith.constant 0 : i32
    %dma_wait3A_684 = tpu.memref_slice %arg9[%dma_wait3A_679, %dma_wait3A_682, %dma_wait3A_683] : memref<3x80x128xf32, #tpu.memory_space<vmem>> -> memref<1x80x128xf32, #tpu.memory_space<vmem>>
    %dma_wait3A_685 = tpu.memref_squeeze %dma_wait3A_684 : memref<1x80x128xf32, #tpu.memory_space<vmem>> -> memref<80x128xf32, #tpu.memory_space<vmem>>
    %dma_wait3A_686 = arith.constant 0 : i32
    %dma_wait3A_687 = tpu.memref_slice %arg8[%dma_wait3A_680, %dma_wait3A_681, %dma_wait3A_686] : memref<4x2x80xi32, #tpu.memory_space<vmem>> -> memref<1x1x80xi32, #tpu.memory_space<vmem>>
    %dma_wait3A_688 = tpu.memref_squeeze %dma_wait3A_687 : memref<1x1x80xi32, #tpu.memory_space<vmem>> -> memref<80xi32, #tpu.memory_space<vmem>>
    %dma_wait3A_689 = arith.constant 0 : i32
    %dma_wait3A_690 = arith.constant 0 : i32
    %dma_wait3A_691 = tpu.memref_slice %arg7[%dma_wait3A_689, %dma_wait3A_690] : memref<10240x128xf32, #tpu.memory_space<vmem_shared>> -> memref<10240x128xf32, #tpu.memory_space<vmem_shared>>
    tpu.wait_indirect_dma semaphore(%arg13 : memref<!tpu.dma_semaphore, #tpu.memory_space<semaphore_mem>>) src(%dma_wait3A_685 : memref<80x128xf32, #tpu.memory_space<vmem>>) dst(%dma_wait3A_691 : memref<10240x128xf32, #tpu.memory_space<vmem_shared>>)
    %dma_start3A_692 = arith.constant 0 : i32
    %dma_start3A_693 = arith.constant 1 : i32
    %dma_start3A_694 = arith.constant 1 : i32
    %dma_start3A_695 = arith.constant 0 : i32
    %dma_start3A_696 = arith.constant 0 : i32
    %dma_start3A_697 = tpu.memref_slice %arg9[%dma_start3A_694, %dma_start3A_695, %dma_start3A_696] : memref<3x80x128xf32, #tpu.memory_space<vmem>> -> memref<1x80x128xf32, #tpu.memory_space<vmem>>
    %dma_start3A_698 = tpu.memref_squeeze %dma_start3A_697 : memref<1x80x128xf32, #tpu.memory_space<vmem>> -> memref<80x128xf32, #tpu.memory_space<vmem>>
    %dma_start3A_699 = arith.constant 0 : i32
    %dma_start3A_700 = tpu.memref_slice %arg8[%dma_start3A_692, %dma_start3A_693, %dma_start3A_699] : memref<4x2x80xi32, #tpu.memory_space<vmem>> -> memref<1x1x80xi32, #tpu.memory_space<vmem>>
    %dma_start3A_701 = tpu.memref_squeeze %dma_start3A_700 : memref<1x1x80xi32, #tpu.memory_space<vmem>> -> memref<80xi32, #tpu.memory_space<vmem>>
    %dma_start3A_702 = arith.constant 0 : i32
    %dma_start3A_703 = arith.constant 0 : i32
    %dma_start3A_704 = tpu.memref_slice %arg2[%dma_start3A_702, %dma_start3A_703] : memref<10000x128xf32, #tpu.memory_space<hbm>> -> memref<10000x128xf32, #tpu.memory_space<hbm>>
    tpu.enqueue_indirect_dma source(%dma_start3A_704 : memref<10000x128xf32, #tpu.memory_space<hbm>>) target(%dma_start3A_698 : memref<80x128xf32, #tpu.memory_space<vmem>>) offsets(%dma_start3A_701 : memref<80xi32, #tpu.memory_space<vmem>>) semaphore(%arg11 : memref<!tpu.dma_semaphore, #tpu.memory_space<semaphore_mem>>)
    %get3A_705 = arith.constant 3 : i32
    %get3A_706 = arith.constant 0 : i32
    %get3A_707 = arith.index_cast %get3A_705 : i32 to index
    %get3A_708 = arith.index_cast %get3A_706 : i32 to index
    %get3A_709 = arith.constant 0 : index
    %get3A_710 = tpu.vector_load %arg8[%get3A_707, %get3A_708, %get3A_709] {strides = array<i32>} : memref<4x2x80xi32, #tpu.memory_space<vmem>>, vector<16xi32>,
    tpu.vector_store_idx %arg10[%get3A_710], %broadcast_in_dim3A_234 {add = true} : memref<10240xf32, #tpu.memory_space<vmem>>[vector<16xi32>], vector<16xf32>,
    %get3A_711 = arith.constant 3 : i32
    %get3A_712 = arith.constant 0 : i32
    %get3A_713 = arith.index_cast %get3A_711 : i32 to index
    %get3A_714 = arith.index_cast %get3A_712 : i32 to index
    %get3A_715 = arith.constant 16 : index
    %get3A_716 = tpu.vector_load %arg8[%get3A_713, %get3A_714, %get3A_715] {strides = array<i32>} : memref<4x2x80xi32, #tpu.memory_space<vmem>>, vector<16xi32>,
    tpu.vector_store_idx %arg10[%get3A_716], %broadcast_in_dim3A_234 {add = true} : memref<10240xf32, #tpu.memory_space<vmem>>[vector<16xi32>], vector<16xf32>,
    %get3A_717 = arith.constant 3 : i32
    %get3A_718 = arith.constant 0 : i32
    %get3A_719 = arith.index_cast %get3A_717 : i32 to index
    %get3A_720 = arith.index_cast %get3A_718 : i32 to index
    %get3A_721 = arith.constant 32 : index
    %get3A_722 = tpu.vector_load %arg8[%get3A_719, %get3A_720, %get3A_721] {strides = array<i32>} : memref<4x2x80xi32, #tpu.memory_space<vmem>>, vector<16xi32>,
    tpu.vector_store_idx %arg10[%get3A_722], %broadcast_in_dim3A_234 {add = true} : memref<10240xf32, #tpu.memory_space<vmem>>[vector<16xi32>], vector<16xf32>,
    %get3A_723 = arith.constant 3 : i32
    %get3A_724 = arith.constant 0 : i32
    %get3A_725 = arith.index_cast %get3A_723 : i32 to index
    %get3A_726 = arith.index_cast %get3A_724 : i32 to index
    %get3A_727 = arith.constant 48 : index
    %get3A_728 = tpu.vector_load %arg8[%get3A_725, %get3A_726, %get3A_727] {strides = array<i32>} : memref<4x2x80xi32, #tpu.memory_space<vmem>>, vector<16xi32>,
    tpu.vector_store_idx %arg10[%get3A_728], %broadcast_in_dim3A_234 {add = true} : memref<10240xf32, #tpu.memory_space<vmem>>[vector<16xi32>], vector<16xf32>,
    %get3A_729 = arith.constant 3 : i32
    %get3A_730 = arith.constant 0 : i32
    %get3A_731 = arith.index_cast %get3A_729 : i32 to index
    %get3A_732 = arith.index_cast %get3A_730 : i32 to index
    %get3A_733 = arith.constant 64 : index
    %get3A_734 = tpu.vector_load %arg8[%get3A_731, %get3A_732, %get3A_733] {strides = array<i32>} : memref<4x2x80xi32, #tpu.memory_space<vmem>>, vector<16xi32>,
    tpu.vector_store_idx %arg10[%get3A_734], %broadcast_in_dim3A_234 {add = true} : memref<10240xf32, #tpu.memory_space<vmem>>[vector<16xi32>], vector<16xf32>,
    %dma_wait3A_735 = arith.constant 0 : i32
    %dma_wait3A_736 = arith.constant 1 : i32
    %dma_wait3A_737 = arith.constant 1 : i32
    %dma_wait3A_738 = arith.constant 0 : i32
    %dma_wait3A_739 = arith.constant 0 : i32
    %dma_wait3A_740 = tpu.memref_slice %arg9[%dma_wait3A_737, %dma_wait3A_738, %dma_wait3A_739] : memref<3x80x128xf32, #tpu.memory_space<vmem>> -> memref<1x80x128xf32, #tpu.memory_space<vmem>>
    %dma_wait3A_741 = tpu.memref_squeeze %dma_wait3A_740 : memref<1x80x128xf32, #tpu.memory_space<vmem>> -> memref<80x128xf32, #tpu.memory_space<vmem>>
    %dma_wait3A_742 = arith.constant 0 : i32
    %dma_wait3A_743 = tpu.memref_slice %arg8[%dma_wait3A_735, %dma_wait3A_736, %dma_wait3A_742] : memref<4x2x80xi32, #tpu.memory_space<vmem>> -> memref<1x1x80xi32, #tpu.memory_space<vmem>>
    %dma_wait3A_744 = tpu.memref_squeeze %dma_wait3A_743 : memref<1x1x80xi32, #tpu.memory_space<vmem>> -> memref<80xi32, #tpu.memory_space<vmem>>
    %dma_wait3A_745 = arith.constant 0 : i32
    %dma_wait3A_746 = arith.constant 0 : i32
    %dma_wait3A_747 = tpu.memref_slice %arg2[%dma_wait3A_745, %dma_wait3A_746] : memref<10000x128xf32, #tpu.memory_space<hbm>> -> memref<10000x128xf32, #tpu.memory_space<hbm>>
    tpu.wait_indirect_dma semaphore(%arg11 : memref<!tpu.dma_semaphore, #tpu.memory_space<semaphore_mem>>) src(%dma_wait3A_747 : memref<10000x128xf32, #tpu.memory_space<hbm>>) dst(%dma_wait3A_741 : memref<80x128xf32, #tpu.memory_space<vmem>>)
    %dma_start3A_748 = arith.constant 1 : i32
    %dma_start3A_749 = arith.constant 0 : i32
    %dma_start3A_750 = arith.constant 0 : i32
    %dma_start3A_751 = arith.constant 0 : i32
    %dma_start3A_752 = arith.constant 0 : i32
    %dma_start3A_753 = tpu.memref_slice %arg9[%dma_start3A_748, %dma_start3A_751, %dma_start3A_752] : memref<3x80x128xf32, #tpu.memory_space<vmem>> -> memref<1x80x128xf32, #tpu.memory_space<vmem>>
    %dma_start3A_754 = tpu.memref_squeeze %dma_start3A_753 : memref<1x80x128xf32, #tpu.memory_space<vmem>> -> memref<80x128xf32, #tpu.memory_space<vmem>>
    %dma_start3A_755 = arith.constant 0 : i32
    %dma_start3A_756 = tpu.memref_slice %arg8[%dma_start3A_749, %dma_start3A_750, %dma_start3A_755] : memref<4x2x80xi32, #tpu.memory_space<vmem>> -> memref<1x1x80xi32, #tpu.memory_space<vmem>>
    %dma_start3A_757 = tpu.memref_squeeze %dma_start3A_756 : memref<1x1x80xi32, #tpu.memory_space<vmem>> -> memref<80xi32, #tpu.memory_space<vmem>>
    %dma_start3A_758 = arith.constant 0 : i32
    %dma_start3A_759 = arith.constant 0 : i32
    %dma_start3A_760 = tpu.memref_slice %arg7[%dma_start3A_758, %dma_start3A_759] : memref<10240x128xf32, #tpu.memory_space<vmem_shared>> -> memref<10240x128xf32, #tpu.memory_space<vmem_shared>>
    tpu.enqueue_indirect_dma source(%dma_start3A_754 : memref<80x128xf32, #tpu.memory_space<vmem>>) target(%dma_start3A_760 : memref<10240x128xf32, #tpu.memory_space<vmem_shared>>) offsets(%dma_start3A_757 : memref<80xi32, #tpu.memory_space<vmem>>) semaphore(%arg13 : memref<!tpu.dma_semaphore, #tpu.memory_space<semaphore_mem>>) {add = true}
    %dma_wait3A_761 = arith.constant 2 : i32
    %dma_wait3A_762 = arith.constant 0 : i32
    %dma_wait3A_763 = arith.constant 0 : i32
    %dma_wait3A_764 = arith.constant 0 : i32
    %dma_wait3A_765 = arith.constant 0 : i32
    %dma_wait3A_766 = tpu.memref_slice %arg9[%dma_wait3A_761, %dma_wait3A_764, %dma_wait3A_765] : memref<3x80x128xf32, #tpu.memory_space<vmem>> -> memref<1x80x128xf32, #tpu.memory_space<vmem>>
    %dma_wait3A_767 = tpu.memref_squeeze %dma_wait3A_766 : memref<1x80x128xf32, #tpu.memory_space<vmem>> -> memref<80x128xf32, #tpu.memory_space<vmem>>
    %dma_wait3A_768 = arith.constant 0 : i32
    %dma_wait3A_769 = tpu.memref_slice %arg8[%dma_wait3A_762, %dma_wait3A_763, %dma_wait3A_768] : memref<4x2x80xi32, #tpu.memory_space<vmem>> -> memref<1x1x80xi32, #tpu.memory_space<vmem>>
    %dma_wait3A_770 = tpu.memref_squeeze %dma_wait3A_769 : memref<1x1x80xi32, #tpu.memory_space<vmem>> -> memref<80xi32, #tpu.memory_space<vmem>>
    %dma_wait3A_771 = arith.constant 0 : i32
    %dma_wait3A_772 = arith.constant 0 : i32
    %dma_wait3A_773 = tpu.memref_slice %arg7[%dma_wait3A_771, %dma_wait3A_772] : memref<10240x128xf32, #tpu.memory_space<vmem_shared>> -> memref<10240x128xf32, #tpu.memory_space<vmem_shared>>
    tpu.wait_indirect_dma semaphore(%arg14 : memref<!tpu.dma_semaphore, #tpu.memory_space<semaphore_mem>>) src(%dma_wait3A_767 : memref<80x128xf32, #tpu.memory_space<vmem>>) dst(%dma_wait3A_773 : memref<10240x128xf32, #tpu.memory_space<vmem_shared>>)
    %get3A_774 = arith.constant 0 : i32
    %get3A_775 = arith.constant 0 : i32
    %get3A_776 = arith.index_cast %get3A_774 : i32 to index
    %get3A_777 = arith.index_cast %get3A_775 : i32 to index
    %get3A_778 = arith.constant 0 : index
    %get3A_779 = tpu.vector_load %arg8[%get3A_776, %get3A_777, %get3A_778] {strides = array<i32>} : memref<4x2x80xi32, #tpu.memory_space<vmem>>, vector<16xi32>,
    tpu.vector_store_idx %arg10[%get3A_779], %broadcast_in_dim3A_234 {add = true} : memref<10240xf32, #tpu.memory_space<vmem>>[vector<16xi32>], vector<16xf32>,
    %get3A_780 = arith.constant 0 : i32
    %get3A_781 = arith.constant 0 : i32
    %get3A_782 = arith.index_cast %get3A_780 : i32 to index
    %get3A_783 = arith.index_cast %get3A_781 : i32 to index
    %get3A_784 = arith.constant 16 : index
    %get3A_785 = tpu.vector_load %arg8[%get3A_782, %get3A_783, %get3A_784] {strides = array<i32>} : memref<4x2x80xi32, #tpu.memory_space<vmem>>, vector<16xi32>,
    tpu.vector_store_idx %arg10[%get3A_785], %broadcast_in_dim3A_234 {add = true} : memref<10240xf32, #tpu.memory_space<vmem>>[vector<16xi32>], vector<16xf32>,
    %get3A_786 = arith.constant 0 : i32
    %get3A_787 = arith.constant 0 : i32
    %get3A_788 = arith.index_cast %get3A_786 : i32 to index
    %get3A_789 = arith.index_cast %get3A_787 : i32 to index
    %get3A_790 = arith.constant 32 : index
    %get3A_791 = tpu.vector_load %arg8[%get3A_788, %get3A_789, %get3A_790] {strides = array<i32>} : memref<4x2x80xi32, #tpu.memory_space<vmem>>, vector<16xi32>,
    tpu.vector_store_idx %arg10[%get3A_791], %broadcast_in_dim3A_234 {add = true} : memref<10240xf32, #tpu.memory_space<vmem>>[vector<16xi32>], vector<16xf32>,
    %get3A_792 = arith.constant 0 : i32
    %get3A_793 = arith.constant 0 : i32
    %get3A_794 = arith.index_cast %get3A_792 : i32 to index
    %get3A_795 = arith.index_cast %get3A_793 : i32 to index
    %get3A_796 = arith.constant 48 : index
    %get3A_797 = tpu.vector_load %arg8[%get3A_794, %get3A_795, %get3A_796] {strides = array<i32>} : memref<4x2x80xi32, #tpu.memory_space<vmem>>, vector<16xi32>,
    tpu.vector_store_idx %arg10[%get3A_797], %broadcast_in_dim3A_234 {add = true} : memref<10240xf32, #tpu.memory_space<vmem>>[vector<16xi32>], vector<16xf32>,
    %get3A_798 = arith.constant 0 : i32
    %get3A_799 = arith.constant 0 : i32
    %get3A_800 = arith.index_cast %get3A_798 : i32 to index
    %get3A_801 = arith.index_cast %get3A_799 : i32 to index
    %get3A_802 = arith.constant 64 : index
    %get3A_803 = tpu.vector_load %arg8[%get3A_800, %get3A_801, %get3A_802] {strides = array<i32>} : memref<4x2x80xi32, #tpu.memory_space<vmem>>, vector<16xi32>,
    tpu.vector_store_idx %arg10[%get3A_803], %broadcast_in_dim3A_234 {add = true} : memref<10240xf32, #tpu.memory_space<vmem>>[vector<16xi32>], vector<16xf32>,
    %dma_wait3A_804 = arith.constant 0 : i32
    %dma_wait3A_805 = arith.constant 0 : i32
    %dma_wait3A_806 = arith.constant 0 : i32
    %dma_wait3A_807 = arith.constant 0 : i32
    %dma_wait3A_808 = arith.constant 0 : i32
    %dma_wait3A_809 = tpu.memref_slice %arg9[%dma_wait3A_804, %dma_wait3A_807, %dma_wait3A_808] : memref<3x80x128xf32, #tpu.memory_space<vmem>> -> memref<1x80x128xf32, #tpu.memory_space<vmem>>
    %dma_wait3A_810 = tpu.memref_squeeze %dma_wait3A_809 : memref<1x80x128xf32, #tpu.memory_space<vmem>> -> memref<80x128xf32, #tpu.memory_space<vmem>>
    %dma_wait3A_811 = arith.constant 0 : i32
    %dma_wait3A_812 = tpu.memref_slice %arg8[%dma_wait3A_805, %dma_wait3A_806, %dma_wait3A_811] : memref<4x2x80xi32, #tpu.memory_space<vmem>> -> memref<1x1x80xi32, #tpu.memory_space<vmem>>
    %dma_wait3A_813 = tpu.memref_squeeze %dma_wait3A_812 : memref<1x1x80xi32, #tpu.memory_space<vmem>> -> memref<80xi32, #tpu.memory_space<vmem>>
    %dma_wait3A_814 = arith.constant 0 : i32
    %dma_wait3A_815 = arith.constant 0 : i32
    %dma_wait3A_816 = tpu.memref_slice %arg7[%dma_wait3A_814, %dma_wait3A_815] : memref<10240x128xf32, #tpu.memory_space<vmem_shared>> -> memref<10240x128xf32, #tpu.memory_space<vmem_shared>>
    tpu.wait_indirect_dma semaphore(%arg12 : memref<!tpu.dma_semaphore, #tpu.memory_space<semaphore_mem>>) src(%dma_wait3A_810 : memref<80x128xf32, #tpu.memory_space<vmem>>) dst(%dma_wait3A_816 : memref<10240x128xf32, #tpu.memory_space<vmem_shared>>)
    %dma_wait3A_817 = arith.constant 1 : i32
    %dma_wait3A_818 = arith.constant 0 : i32
    %dma_wait3A_819 = arith.constant 0 : i32
    %dma_wait3A_820 = arith.constant 0 : i32
    %dma_wait3A_821 = arith.constant 0 : i32
    %dma_wait3A_822 = tpu.memref_slice %arg9[%dma_wait3A_817, %dma_wait3A_820, %dma_wait3A_821] : memref<3x80x128xf32, #tpu.memory_space<vmem>> -> memref<1x80x128xf32, #tpu.memory_space<vmem>>
    %dma_wait3A_823 = tpu.memref_squeeze %dma_wait3A_822 : memref<1x80x128xf32, #tpu.memory_space<vmem>> -> memref<80x128xf32, #tpu.memory_space<vmem>>
    %dma_wait3A_824 = arith.constant 0 : i32
    %dma_wait3A_825 = tpu.memref_slice %arg8[%dma_wait3A_818, %dma_wait3A_819, %dma_wait3A_824] : memref<4x2x80xi32, #tpu.memory_space<vmem>> -> memref<1x1x80xi32, #tpu.memory_space<vmem>>
    %dma_wait3A_826 = tpu.memref_squeeze %dma_wait3A_825 : memref<1x1x80xi32, #tpu.memory_space<vmem>> -> memref<80xi32, #tpu.memory_space<vmem>>
    %dma_wait3A_827 = arith.constant 0 : i32
    %dma_wait3A_828 = arith.constant 0 : i32
    %dma_wait3A_829 = tpu.memref_slice %arg7[%dma_wait3A_827, %dma_wait3A_828] : memref<10240x128xf32, #tpu.memory_space<vmem_shared>> -> memref<10240x128xf32, #tpu.memory_space<vmem_shared>>
    tpu.wait_indirect_dma semaphore(%arg13 : memref<!tpu.dma_semaphore, #tpu.memory_space<semaphore_mem>>) src(%dma_wait3A_823 : memref<80x128xf32, #tpu.memory_space<vmem>>) dst(%dma_wait3A_829 : memref<10240x128xf32, #tpu.memory_space<vmem_shared>>)
    %barrier3A_830 = arith.constant 0 : index
    tpu.barrier barrier_id(%barrier3A_830)
    %dma_start3A_831 = arith.constant 0 : i32
    %dma_start3A_832 = tpu.memref_slice %arg6[%arg0, %arg1, %dma_start3A_831] : memref<2x16x10240xf32, #tpu.memory_space<hbm>> -> memref<1x1x10240xf32, #tpu.memory_space<hbm>>
    %dma_start3A_833 = tpu.memref_squeeze %dma_start3A_832 : memref<1x1x10240xf32, #tpu.memory_space<hbm>> -> memref<10240xf32, #tpu.memory_space<hbm>>
    %dma_start3A_834 = arith.constant 0 : i32
    %dma_start3A_835 = tpu.memref_slice %arg6[%arg0, %arg1, %dma_start3A_834] : memref<2x16x10240xf32, #tpu.memory_space<hbm>> -> memref<1x1x10240xf32, #tpu.memory_space<hbm>>
    %dma_start3A_836 = tpu.memref_squeeze %dma_start3A_835 : memref<1x1x10240xf32, #tpu.memory_space<hbm>> -> memref<10240xf32, #tpu.memory_space<hbm>>
    tpu.enqueue_dma source(%arg10 : memref<10240xf32, #tpu.memory_space<vmem>>) target(%dma_start3A_836 : memref<10240xf32, #tpu.memory_space<hbm>>) target_semaphore(%arg16 : memref<!tpu.dma_semaphore, #tpu.memory_space<semaphore_mem>>)
    %add3A_837 = arith.constant 0 : i32
    %add3A_838 = arith.addi %mul3A_2, %add3A_837 : i32
    %run_scoped3A_839 = arith.constant 0 : i32
    "tpu.region"() ({
      %run_scoped3A_1107 = tpu.sem_alloc : memref<!tpu.dma_semaphore, #tpu.memory_space<semaphore_mem>>
      %dma_start3A_1108 = arith.constant 0 : i32
      %dma_start3A_1109 = arith.constant 0 : i32
      %dma_start3A_1110 = tpu.memref_slice %arg9[%run_scoped3A_839, %dma_start3A_1108, %dma_start3A_1109] : memref<3x80x128xf32, #tpu.memory_space<vmem>> -> memref<1x80x128xf32, #tpu.memory_space<vmem>>
      %dma_start3A_1111 = tpu.memref_squeeze %dma_start3A_1110 : memref<1x80x128xf32, #tpu.memory_space<vmem>> -> memref<80x128xf32, #tpu.memory_space<vmem>>
      %dma_start3A_1112 = arith.constant 0 : i32
      %dma_start3A_1113 = tpu.memref_slice %arg7[%add3A_838, %dma_start3A_1112] : memref<10240x128xf32, #tpu.memory_space<vmem_shared>> -> memref<80x128xf32, #tpu.memory_space<vmem_shared>>
      %dma_start3A_1114 = arith.constant 0 : i32
      %dma_start3A_1115 = arith.constant 0 : i32
      %dma_start3A_1116 = tpu.memref_slice %arg9[%run_scoped3A_839, %dma_start3A_1114, %dma_start3A_1115] : memref<3x80x128xf32, #tpu.memory_space<vmem>> -> memref<1x80x128xf32, #tpu.memory_space<vmem>>
      %dma_start3A_1117 = tpu.memref_squeeze %dma_start3A_1116 : memref<1x80x128xf32, #tpu.memory_space<vmem>> -> memref<80x128xf32, #tpu.memory_space<vmem>>
      %dma_start3A_1118 = arith.constant 0 : i32
      %dma_start3A_1119 = tpu.memref_slice %arg7[%add3A_838, %dma_start3A_1118] : memref<10240x128xf32, #tpu.memory_space<vmem_shared>> -> memref<80x128xf32, #tpu.memory_space<vmem_shared>>
      tpu.enqueue_dma source(%dma_start3A_1119 : memref<80x128xf32, #tpu.memory_space<vmem_shared>>) target(%dma_start3A_1117 : memref<80x128xf32, #tpu.memory_space<vmem>>) target_semaphore(%run_scoped3A_1107 : memref<!tpu.dma_semaphore, #tpu.memory_space<semaphore_mem>>)
      %dma_wait3A_1120 = arith.constant 0 : i32
      %dma_wait3A_1121 = arith.constant 0 : i32
      %dma_wait3A_1122 = tpu.memref_slice %arg9[%run_scoped3A_839, %dma_wait3A_1120, %dma_wait3A_1121] : memref<3x80x128xf32, #tpu.memory_space<vmem>> -> memref<1x80x128xf32, #tpu.memory_space<vmem>>
      %dma_wait3A_1123 = tpu.memref_squeeze %dma_wait3A_1122 : memref<1x80x128xf32, #tpu.memory_space<vmem>> -> memref<80x128xf32, #tpu.memory_space<vmem>>
      %dma_wait3A_1124 = arith.constant 0 : i32
      %dma_wait3A_1125 = tpu.memref_slice %arg7[%add3A_838, %dma_wait3A_1124] : memref<10240x128xf32, #tpu.memory_space<vmem_shared>> -> memref<80x128xf32, #tpu.memory_space<vmem_shared>>
      %dma_wait3A_1126 = arith.constant 0 : i32
      %dma_wait3A_1127 = arith.constant 0 : i32
      %dma_wait3A_1128 = tpu.memref_slice %arg9[%run_scoped3A_839, %dma_wait3A_1126, %dma_wait3A_1127] : memref<3x80x128xf32, #tpu.memory_space<vmem>> -> memref<1x80x128xf32, #tpu.memory_space<vmem>>
      %dma_wait3A_1129 = tpu.memref_squeeze %dma_wait3A_1128 : memref<1x80x128xf32, #tpu.memory_space<vmem>> -> memref<80x128xf32, #tpu.memory_space<vmem>>
      %dma_wait3A_1130 = arith.constant 0 : i32
      %dma_wait3A_1131 = tpu.memref_slice %arg7[%add3A_838, %dma_wait3A_1130] : memref<10240x128xf32, #tpu.memory_space<vmem_shared>> -> memref<80x128xf32, #tpu.memory_space<vmem_shared>>
      tpu.wait_dma2 semaphore(%run_scoped3A_1107 : memref<!tpu.dma_semaphore, #tpu.memory_space<semaphore_mem>>) src(%dma_wait3A_1131 : memref<80x128xf32, #tpu.memory_space<vmem_shared>>) dst(%dma_wait3A_1129 : memref<80x128xf32, #tpu.memory_space<vmem>>)
      tpu.yield
    }) : () -> ()
    %dma_start3A_840 = arith.constant 0 : i32
    %dma_start3A_841 = arith.constant 0 : i32
    %dma_start3A_842 = arith.constant 0 : i32
    %dma_start3A_843 = tpu.memref_slice %arg9[%dma_start3A_840, %dma_start3A_841, %dma_start3A_842] : memref<3x80x128xf32, #tpu.memory_space<vmem>> -> memref<1x80x128xf32, #tpu.memory_space<vmem>>
    %dma_start3A_844 = tpu.memref_squeeze %dma_start3A_843 : memref<1x80x128xf32, #tpu.memory_space<vmem>> -> memref<80x128xf32, #tpu.memory_space<vmem>>
    %dma_start3A_845 = arith.constant 0 : i32
    %dma_start3A_846 = tpu.memref_slice %arg5[%arg0, %add3A_838, %dma_start3A_845] : memref<2x10240x128xf32, #tpu.memory_space<hbm>> -> memref<1x80x128xf32, #tpu.memory_space<hbm>>
    %dma_start3A_847 = tpu.memref_squeeze %dma_start3A_846 : memref<1x80x128xf32, #tpu.memory_space<hbm>> -> memref<80x128xf32, #tpu.memory_space<hbm>>
    %dma_start3A_848 = arith.constant 0 : i32
    %dma_start3A_849 = tpu.memref_slice %arg5[%arg0, %add3A_838, %dma_start3A_848] : memref<2x10240x128xf32, #tpu.memory_space<hbm>> -> memref<1x80x128xf32, #tpu.memory_space<hbm>>
    %dma_start3A_850 = tpu.memref_squeeze %dma_start3A_849 : memref<1x80x128xf32, #tpu.memory_space<hbm>> -> memref<80x128xf32, #tpu.memory_space<hbm>>
    %dma_start3A_851 = arith.constant 0 : i32
    %dma_start3A_852 = arith.constant 0 : i32
    %dma_start3A_853 = tpu.memref_slice %arg9[%dma_start3A_840, %dma_start3A_851, %dma_start3A_852] : memref<3x80x128xf32, #tpu.memory_space<vmem>> -> memref<1x80x128xf32, #tpu.memory_space<vmem>>
    %dma_start3A_854 = tpu.memref_squeeze %dma_start3A_853 : memref<1x80x128xf32, #tpu.memory_space<vmem>> -> memref<80x128xf32, #tpu.memory_space<vmem>>
    tpu.enqueue_dma source(%dma_start3A_854 : memref<80x128xf32, #tpu.memory_space<vmem>>) target(%dma_start3A_850 : memref<80x128xf32, #tpu.memory_space<hbm>>) target_semaphore(%arg12 : memref<!tpu.dma_semaphore, #tpu.memory_space<semaphore_mem>>)
    %add3A_855 = arith.constant 80 : i32
    %add3A_856 = arith.addi %mul3A_2, %add3A_855 : i32
    %run_scoped3A_857 = arith.constant 1 : i32
    "tpu.region"() ({
      %run_scoped3A_1107 = tpu.sem_alloc : memref<!tpu.dma_semaphore, #tpu.memory_space<semaphore_mem>>
      %dma_start3A_1108 = arith.constant 0 : i32
      %dma_start3A_1109 = arith.constant 0 : i32
      %dma_start3A_1110 = tpu.memref_slice %arg9[%run_scoped3A_857, %dma_start3A_1108, %dma_start3A_1109] : memref<3x80x128xf32, #tpu.memory_space<vmem>> -> memref<1x80x128xf32, #tpu.memory_space<vmem>>
      %dma_start3A_1111 = tpu.memref_squeeze %dma_start3A_1110 : memref<1x80x128xf32, #tpu.memory_space<vmem>> -> memref<80x128xf32, #tpu.memory_space<vmem>>
      %dma_start3A_1112 = arith.constant 0 : i32
      %dma_start3A_1113 = tpu.memref_slice %arg7[%add3A_856, %dma_start3A_1112] : memref<10240x128xf32, #tpu.memory_space<vmem_shared>> -> memref<80x128xf32, #tpu.memory_space<vmem_shared>>
      %dma_start3A_1114 = arith.constant 0 : i32
      %dma_start3A_1115 = arith.constant 0 : i32
      %dma_start3A_1116 = tpu.memref_slice %arg9[%run_scoped3A_857, %dma_start3A_1114, %dma_start3A_1115] : memref<3x80x128xf32, #tpu.memory_space<vmem>> -> memref<1x80x128xf32, #tpu.memory_space<vmem>>
      %dma_start3A_1117 = tpu.memref_squeeze %dma_start3A_1116 : memref<1x80x128xf32, #tpu.memory_space<vmem>> -> memref<80x128xf32, #tpu.memory_space<vmem>>
      %dma_start3A_1118 = arith.constant 0 : i32
      %dma_start3A_1119 = tpu.memref_slice %arg7[%add3A_856, %dma_start3A_1118] : memref<10240x128xf32, #tpu.memory_space<vmem_shared>> -> memref<80x128xf32, #tpu.memory_space<vmem_shared>>
      tpu.enqueue_dma source(%dma_start3A_1119 : memref<80x128xf32, #tpu.memory_space<vmem_shared>>) target(%dma_start3A_1117 : memref<80x128xf32, #tpu.memory_space<vmem>>) target_semaphore(%run_scoped3A_1107 : memref<!tpu.dma_semaphore, #tpu.memory_space<semaphore_mem>>)
      %dma_wait3A_1120 = arith.constant 0 : i32
      %dma_wait3A_1121 = arith.constant 0 : i32
      %dma_wait3A_1122 = tpu.memref_slice %arg9[%run_scoped3A_857, %dma_wait3A_1120, %dma_wait3A_1121] : memref<3x80x128xf32, #tpu.memory_space<vmem>> -> memref<1x80x128xf32, #tpu.memory_space<vmem>>
      %dma_wait3A_1123 = tpu.memref_squeeze %dma_wait3A_1122 : memref<1x80x128xf32, #tpu.memory_space<vmem>> -> memref<80x128xf32, #tpu.memory_space<vmem>>
      %dma_wait3A_1124 = arith.constant 0 : i32
      %dma_wait3A_1125 = tpu.memref_slice %arg7[%add3A_856, %dma_wait3A_1124] : memref<10240x128xf32, #tpu.memory_space<vmem_shared>> -> memref<80x128xf32, #tpu.memory_space<vmem_shared>>
      %dma_wait3A_1126 = arith.constant 0 : i32
      %dma_wait3A_1127 = arith.constant 0 : i32
      %dma_wait3A_1128 = tpu.memref_slice %arg9[%run_scoped3A_857, %dma_wait3A_1126, %dma_wait3A_1127] : memref<3x80x128xf32, #tpu.memory_space<vmem>> -> memref<1x80x128xf32, #tpu.memory_space<vmem>>
      %dma_wait3A_1129 = tpu.memref_squeeze %dma_wait3A_1128 : memref<1x80x128xf32, #tpu.memory_space<vmem>> -> memref<80x128xf32, #tpu.memory_space<vmem>>
      %dma_wait3A_1130 = arith.constant 0 : i32
      %dma_wait3A_1131 = tpu.memref_slice %arg7[%add3A_856, %dma_wait3A_1130] : memref<10240x128xf32, #tpu.memory_space<vmem_shared>> -> memref<80x128xf32, #tpu.memory_space<vmem_shared>>
      tpu.wait_dma2 semaphore(%run_scoped3A_1107 : memref<!tpu.dma_semaphore, #tpu.memory_space<semaphore_mem>>) src(%dma_wait3A_1131 : memref<80x128xf32, #tpu.memory_space<vmem_shared>>) dst(%dma_wait3A_1129 : memref<80x128xf32, #tpu.memory_space<vmem>>)
      tpu.yield
    }) : () -> ()
    %dma_start3A_858 = arith.constant 1 : i32
    %dma_start3A_859 = arith.constant 0 : i32
    %dma_start3A_860 = arith.constant 0 : i32
    %dma_start3A_861 = tpu.memref_slice %arg9[%dma_start3A_858, %dma_start3A_859, %dma_start3A_860] : memref<3x80x128xf32, #tpu.memory_space<vmem>> -> memref<1x80x128xf32, #tpu.memory_space<vmem>>
    %dma_start3A_862 = tpu.memref_squeeze %dma_start3A_861 : memref<1x80x128xf32, #tpu.memory_space<vmem>> -> memref<80x128xf32, #tpu.memory_space<vmem>>
    %dma_start3A_863 = arith.constant 0 : i32
    %dma_start3A_864 = tpu.memref_slice %arg5[%arg0, %add3A_856, %dma_start3A_863] : memref<2x10240x128xf32, #tpu.memory_space<hbm>> -> memref<1x80x128xf32, #tpu.memory_space<hbm>>
    %dma_start3A_865 = tpu.memref_squeeze %dma_start3A_864 : memref<1x80x128xf32, #tpu.memory_space<hbm>> -> memref<80x128xf32, #tpu.memory_space<hbm>>
    %dma_start3A_866 = arith.constant 0 : i32
    %dma_start3A_867 = tpu.memref_slice %arg5[%arg0, %add3A_856, %dma_start3A_866] : memref<2x10240x128xf32, #tpu.memory_space<hbm>> -> memref<1x80x128xf32, #tpu.memory_space<hbm>>
    %dma_start3A_868 = tpu.memref_squeeze %dma_start3A_867 : memref<1x80x128xf32, #tpu.memory_space<hbm>> -> memref<80x128xf32, #tpu.memory_space<hbm>>
    %dma_start3A_869 = arith.constant 0 : i32
    %dma_start3A_870 = arith.constant 0 : i32
    %dma_start3A_871 = tpu.memref_slice %arg9[%dma_start3A_858, %dma_start3A_869, %dma_start3A_870] : memref<3x80x128xf32, #tpu.memory_space<vmem>> -> memref<1x80x128xf32, #tpu.memory_space<vmem>>
    %dma_start3A_872 = tpu.memref_squeeze %dma_start3A_871 : memref<1x80x128xf32, #tpu.memory_space<vmem>> -> memref<80x128xf32, #tpu.memory_space<vmem>>
    tpu.enqueue_dma source(%dma_start3A_872 : memref<80x128xf32, #tpu.memory_space<vmem>>) target(%dma_start3A_868 : memref<80x128xf32, #tpu.memory_space<hbm>>) target_semaphore(%arg13 : memref<!tpu.dma_semaphore, #tpu.memory_space<semaphore_mem>>)
    %add3A_873 = arith.constant 160 : i32
    %add3A_874 = arith.addi %mul3A_2, %add3A_873 : i32
    %run_scoped3A_875 = arith.constant 2 : i32
    "tpu.region"() ({
      %run_scoped3A_1107 = tpu.sem_alloc : memref<!tpu.dma_semaphore, #tpu.memory_space<semaphore_mem>>
      %dma_start3A_1108 = arith.constant 0 : i32
      %dma_start3A_1109 = arith.constant 0 : i32
      %dma_start3A_1110 = tpu.memref_slice %arg9[%run_scoped3A_875, %dma_start3A_1108, %dma_start3A_1109] : memref<3x80x128xf32, #tpu.memory_space<vmem>> -> memref<1x80x128xf32, #tpu.memory_space<vmem>>
      %dma_start3A_1111 = tpu.memref_squeeze %dma_start3A_1110 : memref<1x80x128xf32, #tpu.memory_space<vmem>> -> memref<80x128xf32, #tpu.memory_space<vmem>>
      %dma_start3A_1112 = arith.constant 0 : i32
      %dma_start3A_1113 = tpu.memref_slice %arg7[%add3A_874, %dma_start3A_1112] : memref<10240x128xf32, #tpu.memory_space<vmem_shared>> -> memref<80x128xf32, #tpu.memory_space<vmem_shared>>
      %dma_start3A_1114 = arith.constant 0 : i32
      %dma_start3A_1115 = arith.constant 0 : i32
      %dma_start3A_1116 = tpu.memref_slice %arg9[%run_scoped3A_875, %dma_start3A_1114, %dma_start3A_1115] : memref<3x80x128xf32, #tpu.memory_space<vmem>> -> memref<1x80x128xf32, #tpu.memory_space<vmem>>
      %dma_start3A_1117 = tpu.memref_squeeze %dma_start3A_1116 : memref<1x80x128xf32, #tpu.memory_space<vmem>> -> memref<80x128xf32, #tpu.memory_space<vmem>>
      %dma_start3A_1118 = arith.constant 0 : i32
      %dma_start3A_1119 = tpu.memref_slice %arg7[%add3A_874, %dma_start3A_1118] : memref<10240x128xf32, #tpu.memory_space<vmem_shared>> -> memref<80x128xf32, #tpu.memory_space<vmem_shared>>
      tpu.enqueue_dma source(%dma_start3A_1119 : memref<80x128xf32, #tpu.memory_space<vmem_shared>>) target(%dma_start3A_1117 : memref<80x128xf32, #tpu.memory_space<vmem>>) target_semaphore(%run_scoped3A_1107 : memref<!tpu.dma_semaphore, #tpu.memory_space<semaphore_mem>>)
      %dma_wait3A_1120 = arith.constant 0 : i32
      %dma_wait3A_1121 = arith.constant 0 : i32
      %dma_wait3A_1122 = tpu.memref_slice %arg9[%run_scoped3A_875, %dma_wait3A_1120, %dma_wait3A_1121] : memref<3x80x128xf32, #tpu.memory_space<vmem>> -> memref<1x80x128xf32, #tpu.memory_space<vmem>>
      %dma_wait3A_1123 = tpu.memref_squeeze %dma_wait3A_1122 : memref<1x80x128xf32, #tpu.memory_space<vmem>> -> memref<80x128xf32, #tpu.memory_space<vmem>>
      %dma_wait3A_1124 = arith.constant 0 : i32
      %dma_wait3A_1125 = tpu.memref_slice %arg7[%add3A_874, %dma_wait3A_1124] : memref<10240x128xf32, #tpu.memory_space<vmem_shared>> -> memref<80x128xf32, #tpu.memory_space<vmem_shared>>
      %dma_wait3A_1126 = arith.constant 0 : i32
      %dma_wait3A_1127 = arith.constant 0 : i32
      %dma_wait3A_1128 = tpu.memref_slice %arg9[%run_scoped3A_875, %dma_wait3A_1126, %dma_wait3A_1127] : memref<3x80x128xf32, #tpu.memory_space<vmem>> -> memref<1x80x128xf32, #tpu.memory_space<vmem>>
      %dma_wait3A_1129 = tpu.memref_squeeze %dma_wait3A_1128 : memref<1x80x128xf32, #tpu.memory_space<vmem>> -> memref<80x128xf32, #tpu.memory_space<vmem>>
      %dma_wait3A_1130 = arith.constant 0 : i32
      %dma_wait3A_1131 = tpu.memref_slice %arg7[%add3A_874, %dma_wait3A_1130] : memref<10240x128xf32, #tpu.memory_space<vmem_shared>> -> memref<80x128xf32, #tpu.memory_space<vmem_shared>>
      tpu.wait_dma2 semaphore(%run_scoped3A_1107 : memref<!tpu.dma_semaphore, #tpu.memory_space<semaphore_mem>>) src(%dma_wait3A_1131 : memref<80x128xf32, #tpu.memory_space<vmem_shared>>) dst(%dma_wait3A_1129 : memref<80x128xf32, #tpu.memory_space<vmem>>)
      tpu.yield
    }) : () -> ()
    %dma_start3A_876 = arith.constant 2 : i32
    %dma_start3A_877 = arith.constant 0 : i32
    %dma_start3A_878 = arith.constant 0 : i32
    %dma_start3A_879 = tpu.memref_slice %arg9[%dma_start3A_876, %dma_start3A_877, %dma_start3A_878] : memref<3x80x128xf32, #tpu.memory_space<vmem>> -> memref<1x80x128xf32, #tpu.memory_space<vmem>>
    %dma_start3A_880 = tpu.memref_squeeze %dma_start3A_879 : memref<1x80x128xf32, #tpu.memory_space<vmem>> -> memref<80x128xf32, #tpu.memory_space<vmem>>
    %dma_start3A_881 = arith.constant 0 : i32
    %dma_start3A_882 = tpu.memref_slice %arg5[%arg0, %add3A_874, %dma_start3A_881] : memref<2x10240x128xf32, #tpu.memory_space<hbm>> -> memref<1x80x128xf32, #tpu.memory_space<hbm>>
    %dma_start3A_883 = tpu.memref_squeeze %dma_start3A_882 : memref<1x80x128xf32, #tpu.memory_space<hbm>> -> memref<80x128xf32, #tpu.memory_space<hbm>>
    %dma_start3A_884 = arith.constant 0 : i32
    %dma_start3A_885 = tpu.memref_slice %arg5[%arg0, %add3A_874, %dma_start3A_884] : memref<2x10240x128xf32, #tpu.memory_space<hbm>> -> memref<1x80x128xf32, #tpu.memory_space<hbm>>
    %dma_start3A_886 = tpu.memref_squeeze %dma_start3A_885 : memref<1x80x128xf32, #tpu.memory_space<hbm>> -> memref<80x128xf32, #tpu.memory_space<hbm>>
    %dma_start3A_887 = arith.constant 0 : i32
    %dma_start3A_888 = arith.constant 0 : i32
    %dma_start3A_889 = tpu.memref_slice %arg9[%dma_start3A_876, %dma_start3A_887, %dma_start3A_888] : memref<3x80x128xf32, #tpu.memory_space<vmem>> -> memref<1x80x128xf32, #tpu.memory_space<vmem>>
    %dma_start3A_890 = tpu.memref_squeeze %dma_start3A_889 : memref<1x80x128xf32, #tpu.memory_space<vmem>> -> memref<80x128xf32, #tpu.memory_space<vmem>>
    tpu.enqueue_dma source(%dma_start3A_890 : memref<80x128xf32, #tpu.memory_space<vmem>>) target(%dma_start3A_886 : memref<80x128xf32, #tpu.memory_space<hbm>>) target_semaphore(%arg14 : memref<!tpu.dma_semaphore, #tpu.memory_space<semaphore_mem>>)
    %add3A_891 = arith.constant 240 : i32
    %add3A_892 = arith.addi %mul3A_2, %add3A_891 : i32
    %dma_wait3A_893 = arith.constant 0 : i32
    %dma_wait3A_894 = arith.constant 0 : i32
    %dma_wait3A_895 = arith.constant 0 : i32
    %dma_wait3A_896 = tpu.memref_slice %arg9[%dma_wait3A_893, %dma_wait3A_894, %dma_wait3A_895] : memref<3x80x128xf32, #tpu.memory_space<vmem>> -> memref<1x80x128xf32, #tpu.memory_space<vmem>>
    %dma_wait3A_897 = tpu.memref_squeeze %dma_wait3A_896 : memref<1x80x128xf32, #tpu.memory_space<vmem>> -> memref<80x128xf32, #tpu.memory_space<vmem>>
    %dma_wait3A_898 = arith.constant 0 : i32
    %dma_wait3A_899 = tpu.memref_slice %arg5[%arg0, %add3A_892, %dma_wait3A_898] : memref<2x10240x128xf32, #tpu.memory_space<hbm>> -> memref<1x80x128xf32, #tpu.memory_space<hbm>>
    %dma_wait3A_900 = tpu.memref_squeeze %dma_wait3A_899 : memref<1x80x128xf32, #tpu.memory_space<hbm>> -> memref<80x128xf32, #tpu.memory_space<hbm>>
    %dma_wait3A_901 = arith.constant 0 : i32
    %dma_wait3A_902 = tpu.memref_slice %arg5[%arg0, %add3A_892, %dma_wait3A_901] : memref<2x10240x128xf32, #tpu.memory_space<hbm>> -> memref<1x80x128xf32, #tpu.memory_space<hbm>>
    %dma_wait3A_903 = tpu.memref_squeeze %dma_wait3A_902 : memref<1x80x128xf32, #tpu.memory_space<hbm>> -> memref<80x128xf32, #tpu.memory_space<hbm>>
    %dma_wait3A_904 = arith.constant 0 : i32
    %dma_wait3A_905 = arith.constant 0 : i32
    %dma_wait3A_906 = tpu.memref_slice %arg9[%dma_wait3A_893, %dma_wait3A_904, %dma_wait3A_905] : memref<3x80x128xf32, #tpu.memory_space<vmem>> -> memref<1x80x128xf32, #tpu.memory_space<vmem>>
    %dma_wait3A_907 = tpu.memref_squeeze %dma_wait3A_906 : memref<1x80x128xf32, #tpu.memory_space<vmem>> -> memref<80x128xf32, #tpu.memory_space<vmem>>
    tpu.wait_dma2 semaphore(%arg12 : memref<!tpu.dma_semaphore, #tpu.memory_space<semaphore_mem>>) src(%dma_wait3A_907 : memref<80x128xf32, #tpu.memory_space<vmem>>) dst(%dma_wait3A_903 : memref<80x128xf32, #tpu.memory_space<hbm>>)
    %run_scoped3A_908 = arith.constant 0 : i32
    "tpu.region"() ({
      %run_scoped3A_1107 = tpu.sem_alloc : memref<!tpu.dma_semaphore, #tpu.memory_space<semaphore_mem>>
      %dma_start3A_1108 = arith.constant 0 : i32
      %dma_start3A_1109 = arith.constant 0 : i32
      %dma_start3A_1110 = tpu.memref_slice %arg9[%run_scoped3A_908, %dma_start3A_1108, %dma_start3A_1109] : memref<3x80x128xf32, #tpu.memory_space<vmem>> -> memref<1x80x128xf32, #tpu.memory_space<vmem>>
      %dma_start3A_1111 = tpu.memref_squeeze %dma_start3A_1110 : memref<1x80x128xf32, #tpu.memory_space<vmem>> -> memref<80x128xf32, #tpu.memory_space<vmem>>
      %dma_start3A_1112 = arith.constant 0 : i32
      %dma_start3A_1113 = tpu.memref_slice %arg7[%add3A_892, %dma_start3A_1112] : memref<10240x128xf32, #tpu.memory_space<vmem_shared>> -> memref<80x128xf32, #tpu.memory_space<vmem_shared>>
      %dma_start3A_1114 = arith.constant 0 : i32
      %dma_start3A_1115 = arith.constant 0 : i32
      %dma_start3A_1116 = tpu.memref_slice %arg9[%run_scoped3A_908, %dma_start3A_1114, %dma_start3A_1115] : memref<3x80x128xf32, #tpu.memory_space<vmem>> -> memref<1x80x128xf32, #tpu.memory_space<vmem>>
      %dma_start3A_1117 = tpu.memref_squeeze %dma_start3A_1116 : memref<1x80x128xf32, #tpu.memory_space<vmem>> -> memref<80x128xf32, #tpu.memory_space<vmem>>
      %dma_start3A_1118 = arith.constant 0 : i32
      %dma_start3A_1119 = tpu.memref_slice %arg7[%add3A_892, %dma_start3A_1118] : memref<10240x128xf32, #tpu.memory_space<vmem_shared>> -> memref<80x128xf32, #tpu.memory_space<vmem_shared>>
      tpu.enqueue_dma source(%dma_start3A_1119 : memref<80x128xf32, #tpu.memory_space<vmem_shared>>) target(%dma_start3A_1117 : memref<80x128xf32, #tpu.memory_space<vmem>>) target_semaphore(%run_scoped3A_1107 : memref<!tpu.dma_semaphore, #tpu.memory_space<semaphore_mem>>)
      %dma_wait3A_1120 = arith.constant 0 : i32
      %dma_wait3A_1121 = arith.constant 0 : i32
      %dma_wait3A_1122 = tpu.memref_slice %arg9[%run_scoped3A_908, %dma_wait3A_1120, %dma_wait3A_1121] : memref<3x80x128xf32, #tpu.memory_space<vmem>> -> memref<1x80x128xf32, #tpu.memory_space<vmem>>
      %dma_wait3A_1123 = tpu.memref_squeeze %dma_wait3A_1122 : memref<1x80x128xf32, #tpu.memory_space<vmem>> -> memref<80x128xf32, #tpu.memory_space<vmem>>
      %dma_wait3A_1124 = arith.constant 0 : i32
      %dma_wait3A_1125 = tpu.memref_slice %arg7[%add3A_892, %dma_wait3A_1124] : memref<10240x128xf32, #tpu.memory_space<vmem_shared>> -> memref<80x128xf32, #tpu.memory_space<vmem_shared>>
      %dma_wait3A_1126 = arith.constant 0 : i32
      %dma_wait3A_1127 = arith.constant 0 : i32
      %dma_wait3A_1128 = tpu.memref_slice %arg9[%run_scoped3A_908, %dma_wait3A_1126, %dma_wait3A_1127] : memref<3x80x128xf32, #tpu.memory_space<vmem>> -> memref<1x80x128xf32, #tpu.memory_space<vmem>>
      %dma_wait3A_1129 = tpu.memref_squeeze %dma_wait3A_1128 : memref<1x80x128xf32, #tpu.memory_space<vmem>> -> memref<80x128xf32, #tpu.memory_space<vmem>>
      %dma_wait3A_1130 = arith.constant 0 : i32
      %dma_wait3A_1131 = tpu.memref_slice %arg7[%add3A_892, %dma_wait3A_1130] : memref<10240x128xf32, #tpu.memory_space<vmem_shared>> -> memref<80x128xf32, #tpu.memory_space<vmem_shared>>
      tpu.wait_dma2 semaphore(%run_scoped3A_1107 : memref<!tpu.dma_semaphore, #tpu.memory_space<semaphore_mem>>) src(%dma_wait3A_1131 : memref<80x128xf32, #tpu.memory_space<vmem_shared>>) dst(%dma_wait3A_1129 : memref<80x128xf32, #tpu.memory_space<vmem>>)
      tpu.yield
    }) : () -> ()
    %dma_start3A_909 = arith.constant 0 : i32
    %dma_start3A_910 = arith.constant 0 : i32
    %dma_start3A_911 = arith.constant 0 : i32
    %dma_start3A_912 = tpu.memref_slice %arg9[%dma_start3A_909, %dma_start3A_910, %dma_start3A_911] : memref<3x80x128xf32, #tpu.memory_space<vmem>> -> memref<1x80x128xf32, #tpu.memory_space<vmem>>
    %dma_start3A_913 = tpu.memref_squeeze %dma_start3A_912 : memref<1x80x128xf32, #tpu.memory_space<vmem>> -> memref<80x128xf32, #tpu.memory_space<vmem>>
    %dma_start3A_914 = arith.constant 0 : i32
    %dma_start3A_915 = tpu.memref_slice %arg5[%arg0, %add3A_892, %dma_start3A_914] : memref<2x10240x128xf32, #tpu.memory_space<hbm>> -> memref<1x80x128xf32, #tpu.memory_space<hbm>>
    %dma_start3A_916 = tpu.memref_squeeze %dma_start3A_915 : memref<1x80x128xf32, #tpu.memory_space<hbm>> -> memref<80x128xf32, #tpu.memory_space<hbm>>
    %dma_start3A_917 = arith.constant 0 : i32
    %dma_start3A_918 = tpu.memref_slice %arg5[%arg0, %add3A_892, %dma_start3A_917] : memref<2x10240x128xf32, #tpu.memory_space<hbm>> -> memref<1x80x128xf32, #tpu.memory_space<hbm>>
    %dma_start3A_919 = tpu.memref_squeeze %dma_start3A_918 : memref<1x80x128xf32, #tpu.memory_space<hbm>> -> memref<80x128xf32, #tpu.memory_space<hbm>>
    %dma_start3A_920 = arith.constant 0 : i32
    %dma_start3A_921 = arith.constant 0 : i32
    %dma_start3A_922 = tpu.memref_slice %arg9[%dma_start3A_909, %dma_start3A_920, %dma_start3A_921] : memref<3x80x128xf32, #tpu.memory_space<vmem>> -> memref<1x80x128xf32, #tpu.memory_space<vmem>>
    %dma_start3A_923 = tpu.memref_squeeze %dma_start3A_922 : memref<1x80x128xf32, #tpu.memory_space<vmem>> -> memref<80x128xf32, #tpu.memory_space<vmem>>
    tpu.enqueue_dma source(%dma_start3A_923 : memref<80x128xf32, #tpu.memory_space<vmem>>) target(%dma_start3A_919 : memref<80x128xf32, #tpu.memory_space<hbm>>) target_semaphore(%arg12 : memref<!tpu.dma_semaphore, #tpu.memory_space<semaphore_mem>>)
    %add3A_924 = arith.constant 320 : i32
    %add3A_925 = arith.addi %mul3A_2, %add3A_924 : i32
    %dma_wait3A_926 = arith.constant 1 : i32
    %dma_wait3A_927 = arith.constant 0 : i32
    %dma_wait3A_928 = arith.constant 0 : i32
    %dma_wait3A_929 = tpu.memref_slice %arg9[%dma_wait3A_926, %dma_wait3A_927, %dma_wait3A_928] : memref<3x80x128xf32, #tpu.memory_space<vmem>> -> memref<1x80x128xf32, #tpu.memory_space<vmem>>
    %dma_wait3A_930 = tpu.memref_squeeze %dma_wait3A_929 : memref<1x80x128xf32, #tpu.memory_space<vmem>> -> memref<80x128xf32, #tpu.memory_space<vmem>>
    %dma_wait3A_931 = arith.constant 0 : i32
    %dma_wait3A_932 = tpu.memref_slice %arg5[%arg0, %add3A_925, %dma_wait3A_931] : memref<2x10240x128xf32, #tpu.memory_space<hbm>> -> memref<1x80x128xf32, #tpu.memory_space<hbm>>
    %dma_wait3A_933 = tpu.memref_squeeze %dma_wait3A_932 : memref<1x80x128xf32, #tpu.memory_space<hbm>> -> memref<80x128xf32, #tpu.memory_space<hbm>>
    %dma_wait3A_934 = arith.constant 0 : i32
    %dma_wait3A_935 = tpu.memref_slice %arg5[%arg0, %add3A_925, %dma_wait3A_934] : memref<2x10240x128xf32, #tpu.memory_space<hbm>> -> memref<1x80x128xf32, #tpu.memory_space<hbm>>
    %dma_wait3A_936 = tpu.memref_squeeze %dma_wait3A_935 : memref<1x80x128xf32, #tpu.memory_space<hbm>> -> memref<80x128xf32, #tpu.memory_space<hbm>>
    %dma_wait3A_937 = arith.constant 0 : i32
    %dma_wait3A_938 = arith.constant 0 : i32
    %dma_wait3A_939 = tpu.memref_slice %arg9[%dma_wait3A_926, %dma_wait3A_937, %dma_wait3A_938] : memref<3x80x128xf32, #tpu.memory_space<vmem>> -> memref<1x80x128xf32, #tpu.memory_space<vmem>>
    %dma_wait3A_940 = tpu.memref_squeeze %dma_wait3A_939 : memref<1x80x128xf32, #tpu.memory_space<vmem>> -> memref<80x128xf32, #tpu.memory_space<vmem>>
    tpu.wait_dma2 semaphore(%arg13 : memref<!tpu.dma_semaphore, #tpu.memory_space<semaphore_mem>>) src(%dma_wait3A_940 : memref<80x128xf32, #tpu.memory_space<vmem>>) dst(%dma_wait3A_936 : memref<80x128xf32, #tpu.memory_space<hbm>>)
    %run_scoped3A_941 = arith.constant 1 : i32
    "tpu.region"() ({
      %run_scoped3A_1107 = tpu.sem_alloc : memref<!tpu.dma_semaphore, #tpu.memory_space<semaphore_mem>>
      %dma_start3A_1108 = arith.constant 0 : i32
      %dma_start3A_1109 = arith.constant 0 : i32
      %dma_start3A_1110 = tpu.memref_slice %arg9[%run_scoped3A_941, %dma_start3A_1108, %dma_start3A_1109] : memref<3x80x128xf32, #tpu.memory_space<vmem>> -> memref<1x80x128xf32, #tpu.memory_space<vmem>>
      %dma_start3A_1111 = tpu.memref_squeeze %dma_start3A_1110 : memref<1x80x128xf32, #tpu.memory_space<vmem>> -> memref<80x128xf32, #tpu.memory_space<vmem>>
      %dma_start3A_1112 = arith.constant 0 : i32
      %dma_start3A_1113 = tpu.memref_slice %arg7[%add3A_925, %dma_start3A_1112] : memref<10240x128xf32, #tpu.memory_space<vmem_shared>> -> memref<80x128xf32, #tpu.memory_space<vmem_shared>>
      %dma_start3A_1114 = arith.constant 0 : i32
      %dma_start3A_1115 = arith.constant 0 : i32
      %dma_start3A_1116 = tpu.memref_slice %arg9[%run_scoped3A_941, %dma_start3A_1114, %dma_start3A_1115] : memref<3x80x128xf32, #tpu.memory_space<vmem>> -> memref<1x80x128xf32, #tpu.memory_space<vmem>>
      %dma_start3A_1117 = tpu.memref_squeeze %dma_start3A_1116 : memref<1x80x128xf32, #tpu.memory_space<vmem>> -> memref<80x128xf32, #tpu.memory_space<vmem>>
      %dma_start3A_1118 = arith.constant 0 : i32
      %dma_start3A_1119 = tpu.memref_slice %arg7[%add3A_925, %dma_start3A_1118] : memref<10240x128xf32, #tpu.memory_space<vmem_shared>> -> memref<80x128xf32, #tpu.memory_space<vmem_shared>>
      tpu.enqueue_dma source(%dma_start3A_1119 : memref<80x128xf32, #tpu.memory_space<vmem_shared>>) target(%dma_start3A_1117 : memref<80x128xf32, #tpu.memory_space<vmem>>) target_semaphore(%run_scoped3A_1107 : memref<!tpu.dma_semaphore, #tpu.memory_space<semaphore_mem>>)
      %dma_wait3A_1120 = arith.constant 0 : i32
      %dma_wait3A_1121 = arith.constant 0 : i32
      %dma_wait3A_1122 = tpu.memref_slice %arg9[%run_scoped3A_941, %dma_wait3A_1120, %dma_wait3A_1121] : memref<3x80x128xf32, #tpu.memory_space<vmem>> -> memref<1x80x128xf32, #tpu.memory_space<vmem>>
      %dma_wait3A_1123 = tpu.memref_squeeze %dma_wait3A_1122 : memref<1x80x128xf32, #tpu.memory_space<vmem>> -> memref<80x128xf32, #tpu.memory_space<vmem>>
      %dma_wait3A_1124 = arith.constant 0 : i32
      %dma_wait3A_1125 = tpu.memref_slice %arg7[%add3A_925, %dma_wait3A_1124] : memref<10240x128xf32, #tpu.memory_space<vmem_shared>> -> memref<80x128xf32, #tpu.memory_space<vmem_shared>>
      %dma_wait3A_1126 = arith.constant 0 : i32
      %dma_wait3A_1127 = arith.constant 0 : i32
      %dma_wait3A_1128 = tpu.memref_slice %arg9[%run_scoped3A_941, %dma_wait3A_1126, %dma_wait3A_1127] : memref<3x80x128xf32, #tpu.memory_space<vmem>> -> memref<1x80x128xf32, #tpu.memory_space<vmem>>
      %dma_wait3A_1129 = tpu.memref_squeeze %dma_wait3A_1128 : memref<1x80x128xf32, #tpu.memory_space<vmem>> -> memref<80x128xf32, #tpu.memory_space<vmem>>
      %dma_wait3A_1130 = arith.constant 0 : i32
      %dma_wait3A_1131 = tpu.memref_slice %arg7[%add3A_925, %dma_wait3A_1130] : memref<10240x128xf32, #tpu.memory_space<vmem_shared>> -> memref<80x128xf32, #tpu.memory_space<vmem_shared>>
      tpu.wait_dma2 semaphore(%run_scoped3A_1107 : memref<!tpu.dma_semaphore, #tpu.memory_space<semaphore_mem>>) src(%dma_wait3A_1131 : memref<80x128xf32, #tpu.memory_space<vmem_shared>>) dst(%dma_wait3A_1129 : memref<80x128xf32, #tpu.memory_space<vmem>>)
      tpu.yield
    }) : () -> ()
    %dma_start3A_942 = arith.constant 1 : i32
    %dma_start3A_943 = arith.constant 0 : i32
    %dma_start3A_944 = arith.constant 0 : i32
    %dma_start3A_945 = tpu.memref_slice %arg9[%dma_start3A_942, %dma_start3A_943, %dma_start3A_944] : memref<3x80x128xf32, #tpu.memory_space<vmem>> -> memref<1x80x128xf32, #tpu.memory_space<vmem>>
    %dma_start3A_946 = tpu.memref_squeeze %dma_start3A_945 : memref<1x80x128xf32, #tpu.memory_space<vmem>> -> memref<80x128xf32, #tpu.memory_space<vmem>>
    %dma_start3A_947 = arith.constant 0 : i32
    %dma_start3A_948 = tpu.memref_slice %arg5[%arg0, %add3A_925, %dma_start3A_947] : memref<2x10240x128xf32, #tpu.memory_space<hbm>> -> memref<1x80x128xf32, #tpu.memory_space<hbm>>
    %dma_start3A_949 = tpu.memref_squeeze %dma_start3A_948 : memref<1x80x128xf32, #tpu.memory_space<hbm>> -> memref<80x128xf32, #tpu.memory_space<hbm>>
    %dma_start3A_950 = arith.constant 0 : i32
    %dma_start3A_951 = tpu.memref_slice %arg5[%arg0, %add3A_925, %dma_start3A_950] : memref<2x10240x128xf32, #tpu.memory_space<hbm>> -> memref<1x80x128xf32, #tpu.memory_space<hbm>>
    %dma_start3A_952 = tpu.memref_squeeze %dma_start3A_951 : memref<1x80x128xf32, #tpu.memory_space<hbm>> -> memref<80x128xf32, #tpu.memory_space<hbm>>
    %dma_start3A_953 = arith.constant 0 : i32
    %dma_start3A_954 = arith.constant 0 : i32
    %dma_start3A_955 = tpu.memref_slice %arg9[%dma_start3A_942, %dma_start3A_953, %dma_start3A_954] : memref<3x80x128xf32, #tpu.memory_space<vmem>> -> memref<1x80x128xf32, #tpu.memory_space<vmem>>
    %dma_start3A_956 = tpu.memref_squeeze %dma_start3A_955 : memref<1x80x128xf32, #tpu.memory_space<vmem>> -> memref<80x128xf32, #tpu.memory_space<vmem>>
    tpu.enqueue_dma source(%dma_start3A_956 : memref<80x128xf32, #tpu.memory_space<vmem>>) target(%dma_start3A_952 : memref<80x128xf32, #tpu.memory_space<hbm>>) target_semaphore(%arg13 : memref<!tpu.dma_semaphore, #tpu.memory_space<semaphore_mem>>)
    %add3A_957 = arith.constant 400 : i32
    %add3A_958 = arith.addi %mul3A_2, %add3A_957 : i32
    %dma_wait3A_959 = arith.constant 2 : i32
    %dma_wait3A_960 = arith.constant 0 : i32
    %dma_wait3A_961 = arith.constant 0 : i32
    %dma_wait3A_962 = tpu.memref_slice %arg9[%dma_wait3A_959, %dma_wait3A_960, %dma_wait3A_961] : memref<3x80x128xf32, #tpu.memory_space<vmem>> -> memref<1x80x128xf32, #tpu.memory_space<vmem>>
    %dma_wait3A_963 = tpu.memref_squeeze %dma_wait3A_962 : memref<1x80x128xf32, #tpu.memory_space<vmem>> -> memref<80x128xf32, #tpu.memory_space<vmem>>
    %dma_wait3A_964 = arith.constant 0 : i32
    %dma_wait3A_965 = tpu.memref_slice %arg5[%arg0, %add3A_958, %dma_wait3A_964] : memref<2x10240x128xf32, #tpu.memory_space<hbm>> -> memref<1x80x128xf32, #tpu.memory_space<hbm>>
    %dma_wait3A_966 = tpu.memref_squeeze %dma_wait3A_965 : memref<1x80x128xf32, #tpu.memory_space<hbm>> -> memref<80x128xf32, #tpu.memory_space<hbm>>
    %dma_wait3A_967 = arith.constant 0 : i32
    %dma_wait3A_968 = tpu.memref_slice %arg5[%arg0, %add3A_958, %dma_wait3A_967] : memref<2x10240x128xf32, #tpu.memory_space<hbm>> -> memref<1x80x128xf32, #tpu.memory_space<hbm>>
    %dma_wait3A_969 = tpu.memref_squeeze %dma_wait3A_968 : memref<1x80x128xf32, #tpu.memory_space<hbm>> -> memref<80x128xf32, #tpu.memory_space<hbm>>
    %dma_wait3A_970 = arith.constant 0 : i32
    %dma_wait3A_971 = arith.constant 0 : i32
    %dma_wait3A_972 = tpu.memref_slice %arg9[%dma_wait3A_959, %dma_wait3A_970, %dma_wait3A_971] : memref<3x80x128xf32, #tpu.memory_space<vmem>> -> memref<1x80x128xf32, #tpu.memory_space<vmem>>
    %dma_wait3A_973 = tpu.memref_squeeze %dma_wait3A_972 : memref<1x80x128xf32, #tpu.memory_space<vmem>> -> memref<80x128xf32, #tpu.memory_space<vmem>>
    tpu.wait_dma2 semaphore(%arg14 : memref<!tpu.dma_semaphore, #tpu.memory_space<semaphore_mem>>) src(%dma_wait3A_973 : memref<80x128xf32, #tpu.memory_space<vmem>>) dst(%dma_wait3A_969 : memref<80x128xf32, #tpu.memory_space<hbm>>)
    %run_scoped3A_974 = arith.constant 2 : i32
    "tpu.region"() ({
      %run_scoped3A_1107 = tpu.sem_alloc : memref<!tpu.dma_semaphore, #tpu.memory_space<semaphore_mem>>
      %dma_start3A_1108 = arith.constant 0 : i32
      %dma_start3A_1109 = arith.constant 0 : i32
      %dma_start3A_1110 = tpu.memref_slice %arg9[%run_scoped3A_974, %dma_start3A_1108, %dma_start3A_1109] : memref<3x80x128xf32, #tpu.memory_space<vmem>> -> memref<1x80x128xf32, #tpu.memory_space<vmem>>
      %dma_start3A_1111 = tpu.memref_squeeze %dma_start3A_1110 : memref<1x80x128xf32, #tpu.memory_space<vmem>> -> memref<80x128xf32, #tpu.memory_space<vmem>>
      %dma_start3A_1112 = arith.constant 0 : i32
      %dma_start3A_1113 = tpu.memref_slice %arg7[%add3A_958, %dma_start3A_1112] : memref<10240x128xf32, #tpu.memory_space<vmem_shared>> -> memref<80x128xf32, #tpu.memory_space<vmem_shared>>
      %dma_start3A_1114 = arith.constant 0 : i32
      %dma_start3A_1115 = arith.constant 0 : i32
      %dma_start3A_1116 = tpu.memref_slice %arg9[%run_scoped3A_974, %dma_start3A_1114, %dma_start3A_1115] : memref<3x80x128xf32, #tpu.memory_space<vmem>> -> memref<1x80x128xf32, #tpu.memory_space<vmem>>
      %dma_start3A_1117 = tpu.memref_squeeze %dma_start3A_1116 : memref<1x80x128xf32, #tpu.memory_space<vmem>> -> memref<80x128xf32, #tpu.memory_space<vmem>>
      %dma_start3A_1118 = arith.constant 0 : i32
      %dma_start3A_1119 = tpu.memref_slice %arg7[%add3A_958, %dma_start3A_1118] : memref<10240x128xf32, #tpu.memory_space<vmem_shared>> -> memref<80x128xf32, #tpu.memory_space<vmem_shared>>
      tpu.enqueue_dma source(%dma_start3A_1119 : memref<80x128xf32, #tpu.memory_space<vmem_shared>>) target(%dma_start3A_1117 : memref<80x128xf32, #tpu.memory_space<vmem>>) target_semaphore(%run_scoped3A_1107 : memref<!tpu.dma_semaphore, #tpu.memory_space<semaphore_mem>>)
      %dma_wait3A_1120 = arith.constant 0 : i32
      %dma_wait3A_1121 = arith.constant 0 : i32
      %dma_wait3A_1122 = tpu.memref_slice %arg9[%run_scoped3A_974, %dma_wait3A_1120, %dma_wait3A_1121] : memref<3x80x128xf32, #tpu.memory_space<vmem>> -> memref<1x80x128xf32, #tpu.memory_space<vmem>>
      %dma_wait3A_1123 = tpu.memref_squeeze %dma_wait3A_1122 : memref<1x80x128xf32, #tpu.memory_space<vmem>> -> memref<80x128xf32, #tpu.memory_space<vmem>>
      %dma_wait3A_1124 = arith.constant 0 : i32
      %dma_wait3A_1125 = tpu.memref_slice %arg7[%add3A_958, %dma_wait3A_1124] : memref<10240x128xf32, #tpu.memory_space<vmem_shared>> -> memref<80x128xf32, #tpu.memory_space<vmem_shared>>
      %dma_wait3A_1126 = arith.constant 0 : i32
      %dma_wait3A_1127 = arith.constant 0 : i32
      %dma_wait3A_1128 = tpu.memref_slice %arg9[%run_scoped3A_974, %dma_wait3A_1126, %dma_wait3A_1127] : memref<3x80x128xf32, #tpu.memory_space<vmem>> -> memref<1x80x128xf32, #tpu.memory_space<vmem>>
      %dma_wait3A_1129 = tpu.memref_squeeze %dma_wait3A_1128 : memref<1x80x128xf32, #tpu.memory_space<vmem>> -> memref<80x128xf32, #tpu.memory_space<vmem>>
      %dma_wait3A_1130 = arith.constant 0 : i32
      %dma_wait3A_1131 = tpu.memref_slice %arg7[%add3A_958, %dma_wait3A_1130] : memref<10240x128xf32, #tpu.memory_space<vmem_shared>> -> memref<80x128xf32, #tpu.memory_space<vmem_shared>>
      tpu.wait_dma2 semaphore(%run_scoped3A_1107 : memref<!tpu.dma_semaphore, #tpu.memory_space<semaphore_mem>>) src(%dma_wait3A_1131 : memref<80x128xf32, #tpu.memory_space<vmem_shared>>) dst(%dma_wait3A_1129 : memref<80x128xf32, #tpu.memory_space<vmem>>)
      tpu.yield
    }) : () -> ()
    %dma_start3A_975 = arith.constant 2 : i32
    %dma_start3A_976 = arith.constant 0 : i32
    %dma_start3A_977 = arith.constant 0 : i32
    %dma_start3A_978 = tpu.memref_slice %arg9[%dma_start3A_975, %dma_start3A_976, %dma_start3A_977] : memref<3x80x128xf32, #tpu.memory_space<vmem>> -> memref<1x80x128xf32, #tpu.memory_space<vmem>>
    %dma_start3A_979 = tpu.memref_squeeze %dma_start3A_978 : memref<1x80x128xf32, #tpu.memory_space<vmem>> -> memref<80x128xf32, #tpu.memory_space<vmem>>
    %dma_start3A_980 = arith.constant 0 : i32
    %dma_start3A_981 = tpu.memref_slice %arg5[%arg0, %add3A_958, %dma_start3A_980] : memref<2x10240x128xf32, #tpu.memory_space<hbm>> -> memref<1x80x128xf32, #tpu.memory_space<hbm>>
    %dma_start3A_982 = tpu.memref_squeeze %dma_start3A_981 : memref<1x80x128xf32, #tpu.memory_space<hbm>> -> memref<80x128xf32, #tpu.memory_space<hbm>>
    %dma_start3A_983 = arith.constant 0 : i32
    %dma_start3A_984 = tpu.memref_slice %arg5[%arg0, %add3A_958, %dma_start3A_983] : memref<2x10240x128xf32, #tpu.memory_space<hbm>> -> memref<1x80x128xf32, #tpu.memory_space<hbm>>
    %dma_start3A_985 = tpu.memref_squeeze %dma_start3A_984 : memref<1x80x128xf32, #tpu.memory_space<hbm>> -> memref<80x128xf32, #tpu.memory_space<hbm>>
    %dma_start3A_986 = arith.constant 0 : i32
    %dma_start3A_987 = arith.constant 0 : i32
    %dma_start3A_988 = tpu.memref_slice %arg9[%dma_start3A_975, %dma_start3A_986, %dma_start3A_987] : memref<3x80x128xf32, #tpu.memory_space<vmem>> -> memref<1x80x128xf32, #tpu.memory_space<vmem>>
    %dma_start3A_989 = tpu.memref_squeeze %dma_start3A_988 : memref<1x80x128xf32, #tpu.memory_space<vmem>> -> memref<80x128xf32, #tpu.memory_space<vmem>>
    tpu.enqueue_dma source(%dma_start3A_989 : memref<80x128xf32, #tpu.memory_space<vmem>>) target(%dma_start3A_985 : memref<80x128xf32, #tpu.memory_space<hbm>>) target_semaphore(%arg14 : memref<!tpu.dma_semaphore, #tpu.memory_space<semaphore_mem>>)
    %add3A_990 = arith.constant 480 : i32
    %add3A_991 = arith.addi %mul3A_2, %add3A_990 : i32
    %dma_wait3A_992 = arith.constant 0 : i32
    %dma_wait3A_993 = arith.constant 0 : i32
    %dma_wait3A_994 = arith.constant 0 : i32
    %dma_wait3A_995 = tpu.memref_slice %arg9[%dma_wait3A_992, %dma_wait3A_993, %dma_wait3A_994] : memref<3x80x128xf32, #tpu.memory_space<vmem>> -> memref<1x80x128xf32, #tpu.memory_space<vmem>>
    %dma_wait3A_996 = tpu.memref_squeeze %dma_wait3A_995 : memref<1x80x128xf32, #tpu.memory_space<vmem>> -> memref<80x128xf32, #tpu.memory_space<vmem>>
    %dma_wait3A_997 = arith.constant 0 : i32
    %dma_wait3A_998 = tpu.memref_slice %arg5[%arg0, %add3A_991, %dma_wait3A_997] : memref<2x10240x128xf32, #tpu.memory_space<hbm>> -> memref<1x80x128xf32, #tpu.memory_space<hbm>>
    %dma_wait3A_999 = tpu.memref_squeeze %dma_wait3A_998 : memref<1x80x128xf32, #tpu.memory_space<hbm>> -> memref<80x128xf32, #tpu.memory_space<hbm>>
    %dma_wait3A_1000 = arith.constant 0 : i32
    %dma_wait3A_1001 = tpu.memref_slice %arg5[%arg0, %add3A_991, %dma_wait3A_1000] : memref<2x10240x128xf32, #tpu.memory_space<hbm>> -> memref<1x80x128xf32, #tpu.memory_space<hbm>>
    %dma_wait3A_1002 = tpu.memref_squeeze %dma_wait3A_1001 : memref<1x80x128xf32, #tpu.memory_space<hbm>> -> memref<80x128xf32, #tpu.memory_space<hbm>>
    %dma_wait3A_1003 = arith.constant 0 : i32
    %dma_wait3A_1004 = arith.constant 0 : i32
    %dma_wait3A_1005 = tpu.memref_slice %arg9[%dma_wait3A_992, %dma_wait3A_1003, %dma_wait3A_1004] : memref<3x80x128xf32, #tpu.memory_space<vmem>> -> memref<1x80x128xf32, #tpu.memory_space<vmem>>
    %dma_wait3A_1006 = tpu.memref_squeeze %dma_wait3A_1005 : memref<1x80x128xf32, #tpu.memory_space<vmem>> -> memref<80x128xf32, #tpu.memory_space<vmem>>
    tpu.wait_dma2 semaphore(%arg12 : memref<!tpu.dma_semaphore, #tpu.memory_space<semaphore_mem>>) src(%dma_wait3A_1006 : memref<80x128xf32, #tpu.memory_space<vmem>>) dst(%dma_wait3A_1002 : memref<80x128xf32, #tpu.memory_space<hbm>>)
    %run_scoped3A_1007 = arith.constant 0 : i32
    "tpu.region"() ({
      %run_scoped3A_1107 = tpu.sem_alloc : memref<!tpu.dma_semaphore, #tpu.memory_space<semaphore_mem>>
      %dma_start3A_1108 = arith.constant 0 : i32
      %dma_start3A_1109 = arith.constant 0 : i32
      %dma_start3A_1110 = tpu.memref_slice %arg9[%run_scoped3A_1007, %dma_start3A_1108, %dma_start3A_1109] : memref<3x80x128xf32, #tpu.memory_space<vmem>> -> memref<1x80x128xf32, #tpu.memory_space<vmem>>
      %dma_start3A_1111 = tpu.memref_squeeze %dma_start3A_1110 : memref<1x80x128xf32, #tpu.memory_space<vmem>> -> memref<80x128xf32, #tpu.memory_space<vmem>>
      %dma_start3A_1112 = arith.constant 0 : i32
      %dma_start3A_1113 = tpu.memref_slice %arg7[%add3A_991, %dma_start3A_1112] : memref<10240x128xf32, #tpu.memory_space<vmem_shared>> -> memref<80x128xf32, #tpu.memory_space<vmem_shared>>
      %dma_start3A_1114 = arith.constant 0 : i32
      %dma_start3A_1115 = arith.constant 0 : i32
      %dma_start3A_1116 = tpu.memref_slice %arg9[%run_scoped3A_1007, %dma_start3A_1114, %dma_start3A_1115] : memref<3x80x128xf32, #tpu.memory_space<vmem>> -> memref<1x80x128xf32, #tpu.memory_space<vmem>>
      %dma_start3A_1117 = tpu.memref_squeeze %dma_start3A_1116 : memref<1x80x128xf32, #tpu.memory_space<vmem>> -> memref<80x128xf32, #tpu.memory_space<vmem>>
      %dma_start3A_1118 = arith.constant 0 : i32
      %dma_start3A_1119 = tpu.memref_slice %arg7[%add3A_991, %dma_start3A_1118] : memref<10240x128xf32, #tpu.memory_space<vmem_shared>> -> memref<80x128xf32, #tpu.memory_space<vmem_shared>>
      tpu.enqueue_dma source(%dma_start3A_1119 : memref<80x128xf32, #tpu.memory_space<vmem_shared>>) target(%dma_start3A_1117 : memref<80x128xf32, #tpu.memory_space<vmem>>) target_semaphore(%run_scoped3A_1107 : memref<!tpu.dma_semaphore, #tpu.memory_space<semaphore_mem>>)
      %dma_wait3A_1120 = arith.constant 0 : i32
      %dma_wait3A_1121 = arith.constant 0 : i32
      %dma_wait3A_1122 = tpu.memref_slice %arg9[%run_scoped3A_1007, %dma_wait3A_1120, %dma_wait3A_1121] : memref<3x80x128xf32, #tpu.memory_space<vmem>> -> memref<1x80x128xf32, #tpu.memory_space<vmem>>
      %dma_wait3A_1123 = tpu.memref_squeeze %dma_wait3A_1122 : memref<1x80x128xf32, #tpu.memory_space<vmem>> -> memref<80x128xf32, #tpu.memory_space<vmem>>
      %dma_wait3A_1124 = arith.constant 0 : i32
      %dma_wait3A_1125 = tpu.memref_slice %arg7[%add3A_991, %dma_wait3A_1124] : memref<10240x128xf32, #tpu.memory_space<vmem_shared>> -> memref<80x128xf32, #tpu.memory_space<vmem_shared>>
      %dma_wait3A_1126 = arith.constant 0 : i32
      %dma_wait3A_1127 = arith.constant 0 : i32
      %dma_wait3A_1128 = tpu.memref_slice %arg9[%run_scoped3A_1007, %dma_wait3A_1126, %dma_wait3A_1127] : memref<3x80x128xf32, #tpu.memory_space<vmem>> -> memref<1x80x128xf32, #tpu.memory_space<vmem>>
      %dma_wait3A_1129 = tpu.memref_squeeze %dma_wait3A_1128 : memref<1x80x128xf32, #tpu.memory_space<vmem>> -> memref<80x128xf32, #tpu.memory_space<vmem>>
      %dma_wait3A_1130 = arith.constant 0 : i32
      %dma_wait3A_1131 = tpu.memref_slice %arg7[%add3A_991, %dma_wait3A_1130] : memref<10240x128xf32, #tpu.memory_space<vmem_shared>> -> memref<80x128xf32, #tpu.memory_space<vmem_shared>>
      tpu.wait_dma2 semaphore(%run_scoped3A_1107 : memref<!tpu.dma_semaphore, #tpu.memory_space<semaphore_mem>>) src(%dma_wait3A_1131 : memref<80x128xf32, #tpu.memory_space<vmem_shared>>) dst(%dma_wait3A_1129 : memref<80x128xf32, #tpu.memory_space<vmem>>)
      tpu.yield
    }) : () -> ()
    %dma_start3A_1008 = arith.constant 0 : i32
    %dma_start3A_1009 = arith.constant 0 : i32
    %dma_start3A_1010 = arith.constant 0 : i32
    %dma_start3A_1011 = tpu.memref_slice %arg9[%dma_start3A_1008, %dma_start3A_1009, %dma_start3A_1010] : memref<3x80x128xf32, #tpu.memory_space<vmem>> -> memref<1x80x128xf32, #tpu.memory_space<vmem>>
    %dma_start3A_1012 = tpu.memref_squeeze %dma_start3A_1011 : memref<1x80x128xf32, #tpu.memory_space<vmem>> -> memref<80x128xf32, #tpu.memory_space<vmem>>
    %dma_start3A_1013 = arith.constant 0 : i32
    %dma_start3A_1014 = tpu.memref_slice %arg5[%arg0, %add3A_991, %dma_start3A_1013] : memref<2x10240x128xf32, #tpu.memory_space<hbm>> -> memref<1x80x128xf32, #tpu.memory_space<hbm>>
    %dma_start3A_1015 = tpu.memref_squeeze %dma_start3A_1014 : memref<1x80x128xf32, #tpu.memory_space<hbm>> -> memref<80x128xf32, #tpu.memory_space<hbm>>
    %dma_start3A_1016 = arith.constant 0 : i32
    %dma_start3A_1017 = tpu.memref_slice %arg5[%arg0, %add3A_991, %dma_start3A_1016] : memref<2x10240x128xf32, #tpu.memory_space<hbm>> -> memref<1x80x128xf32, #tpu.memory_space<hbm>>
    %dma_start3A_1018 = tpu.memref_squeeze %dma_start3A_1017 : memref<1x80x128xf32, #tpu.memory_space<hbm>> -> memref<80x128xf32, #tpu.memory_space<hbm>>
    %dma_start3A_1019 = arith.constant 0 : i32
    %dma_start3A_1020 = arith.constant 0 : i32
    %dma_start3A_1021 = tpu.memref_slice %arg9[%dma_start3A_1008, %dma_start3A_1019, %dma_start3A_1020] : memref<3x80x128xf32, #tpu.memory_space<vmem>> -> memref<1x80x128xf32, #tpu.memory_space<vmem>>
    %dma_start3A_1022 = tpu.memref_squeeze %dma_start3A_1021 : memref<1x80x128xf32, #tpu.memory_space<vmem>> -> memref<80x128xf32, #tpu.memory_space<vmem>>
    tpu.enqueue_dma source(%dma_start3A_1022 : memref<80x128xf32, #tpu.memory_space<vmem>>) target(%dma_start3A_1018 : memref<80x128xf32, #tpu.memory_space<hbm>>) target_semaphore(%arg12 : memref<!tpu.dma_semaphore, #tpu.memory_space<semaphore_mem>>)
    %add3A_1023 = arith.constant 560 : i32
    %add3A_1024 = arith.addi %mul3A_2, %add3A_1023 : i32
    %dma_wait3A_1025 = arith.constant 1 : i32
    %dma_wait3A_1026 = arith.constant 0 : i32
    %dma_wait3A_1027 = arith.constant 0 : i32
    %dma_wait3A_1028 = tpu.memref_slice %arg9[%dma_wait3A_1025, %dma_wait3A_1026, %dma_wait3A_1027] : memref<3x80x128xf32, #tpu.memory_space<vmem>> -> memref<1x80x128xf32, #tpu.memory_space<vmem>>
    %dma_wait3A_1029 = tpu.memref_squeeze %dma_wait3A_1028 : memref<1x80x128xf32, #tpu.memory_space<vmem>> -> memref<80x128xf32, #tpu.memory_space<vmem>>
    %dma_wait3A_1030 = arith.constant 0 : i32
    %dma_wait3A_1031 = tpu.memref_slice %arg5[%arg0, %add3A_1024, %dma_wait3A_1030] : memref<2x10240x128xf32, #tpu.memory_space<hbm>> -> memref<1x80x128xf32, #tpu.memory_space<hbm>>
    %dma_wait3A_1032 = tpu.memref_squeeze %dma_wait3A_1031 : memref<1x80x128xf32, #tpu.memory_space<hbm>> -> memref<80x128xf32, #tpu.memory_space<hbm>>
    %dma_wait3A_1033 = arith.constant 0 : i32
    %dma_wait3A_1034 = tpu.memref_slice %arg5[%arg0, %add3A_1024, %dma_wait3A_1033] : memref<2x10240x128xf32, #tpu.memory_space<hbm>> -> memref<1x80x128xf32, #tpu.memory_space<hbm>>
    %dma_wait3A_1035 = tpu.memref_squeeze %dma_wait3A_1034 : memref<1x80x128xf32, #tpu.memory_space<hbm>> -> memref<80x128xf32, #tpu.memory_space<hbm>>
    %dma_wait3A_1036 = arith.constant 0 : i32
    %dma_wait3A_1037 = arith.constant 0 : i32
    %dma_wait3A_1038 = tpu.memref_slice %arg9[%dma_wait3A_1025, %dma_wait3A_1036, %dma_wait3A_1037] : memref<3x80x128xf32, #tpu.memory_space<vmem>> -> memref<1x80x128xf32, #tpu.memory_space<vmem>>
    %dma_wait3A_1039 = tpu.memref_squeeze %dma_wait3A_1038 : memref<1x80x128xf32, #tpu.memory_space<vmem>> -> memref<80x128xf32, #tpu.memory_space<vmem>>
    tpu.wait_dma2 semaphore(%arg13 : memref<!tpu.dma_semaphore, #tpu.memory_space<semaphore_mem>>) src(%dma_wait3A_1039 : memref<80x128xf32, #tpu.memory_space<vmem>>) dst(%dma_wait3A_1035 : memref<80x128xf32, #tpu.memory_space<hbm>>)
    %run_scoped3A_1040 = arith.constant 1 : i32
    "tpu.region"() ({
      %run_scoped3A_1107 = tpu.sem_alloc : memref<!tpu.dma_semaphore, #tpu.memory_space<semaphore_mem>>
      %dma_start3A_1108 = arith.constant 0 : i32
      %dma_start3A_1109 = arith.constant 0 : i32
      %dma_start3A_1110 = tpu.memref_slice %arg9[%run_scoped3A_1040, %dma_start3A_1108, %dma_start3A_1109] : memref<3x80x128xf32, #tpu.memory_space<vmem>> -> memref<1x80x128xf32, #tpu.memory_space<vmem>>
      %dma_start3A_1111 = tpu.memref_squeeze %dma_start3A_1110 : memref<1x80x128xf32, #tpu.memory_space<vmem>> -> memref<80x128xf32, #tpu.memory_space<vmem>>
      %dma_start3A_1112 = arith.constant 0 : i32
      %dma_start3A_1113 = tpu.memref_slice %arg7[%add3A_1024, %dma_start3A_1112] : memref<10240x128xf32, #tpu.memory_space<vmem_shared>> -> memref<80x128xf32, #tpu.memory_space<vmem_shared>>
      %dma_start3A_1114 = arith.constant 0 : i32
      %dma_start3A_1115 = arith.constant 0 : i32
      %dma_start3A_1116 = tpu.memref_slice %arg9[%run_scoped3A_1040, %dma_start3A_1114, %dma_start3A_1115] : memref<3x80x128xf32, #tpu.memory_space<vmem>> -> memref<1x80x128xf32, #tpu.memory_space<vmem>>
      %dma_start3A_1117 = tpu.memref_squeeze %dma_start3A_1116 : memref<1x80x128xf32, #tpu.memory_space<vmem>> -> memref<80x128xf32, #tpu.memory_space<vmem>>
      %dma_start3A_1118 = arith.constant 0 : i32
      %dma_start3A_1119 = tpu.memref_slice %arg7[%add3A_1024, %dma_start3A_1118] : memref<10240x128xf32, #tpu.memory_space<vmem_shared>> -> memref<80x128xf32, #tpu.memory_space<vmem_shared>>
      tpu.enqueue_dma source(%dma_start3A_1119 : memref<80x128xf32, #tpu.memory_space<vmem_shared>>) target(%dma_start3A_1117 : memref<80x128xf32, #tpu.memory_space<vmem>>) target_semaphore(%run_scoped3A_1107 : memref<!tpu.dma_semaphore, #tpu.memory_space<semaphore_mem>>)
      %dma_wait3A_1120 = arith.constant 0 : i32
      %dma_wait3A_1121 = arith.constant 0 : i32
      %dma_wait3A_1122 = tpu.memref_slice %arg9[%run_scoped3A_1040, %dma_wait3A_1120, %dma_wait3A_1121] : memref<3x80x128xf32, #tpu.memory_space<vmem>> -> memref<1x80x128xf32, #tpu.memory_space<vmem>>
      %dma_wait3A_1123 = tpu.memref_squeeze %dma_wait3A_1122 : memref<1x80x128xf32, #tpu.memory_space<vmem>> -> memref<80x128xf32, #tpu.memory_space<vmem>>
      %dma_wait3A_1124 = arith.constant 0 : i32
      %dma_wait3A_1125 = tpu.memref_slice %arg7[%add3A_1024, %dma_wait3A_1124] : memref<10240x128xf32, #tpu.memory_space<vmem_shared>> -> memref<80x128xf32, #tpu.memory_space<vmem_shared>>
      %dma_wait3A_1126 = arith.constant 0 : i32
      %dma_wait3A_1127 = arith.constant 0 : i32
      %dma_wait3A_1128 = tpu.memref_slice %arg9[%run_scoped3A_1040, %dma_wait3A_1126, %dma_wait3A_1127] : memref<3x80x128xf32, #tpu.memory_space<vmem>> -> memref<1x80x128xf32, #tpu.memory_space<vmem>>
      %dma_wait3A_1129 = tpu.memref_squeeze %dma_wait3A_1128 : memref<1x80x128xf32, #tpu.memory_space<vmem>> -> memref<80x128xf32, #tpu.memory_space<vmem>>
      %dma_wait3A_1130 = arith.constant 0 : i32
      %dma_wait3A_1131 = tpu.memref_slice %arg7[%add3A_1024, %dma_wait3A_1130] : memref<10240x128xf32, #tpu.memory_space<vmem_shared>> -> memref<80x128xf32, #tpu.memory_space<vmem_shared>>
      tpu.wait_dma2 semaphore(%run_scoped3A_1107 : memref<!tpu.dma_semaphore, #tpu.memory_space<semaphore_mem>>) src(%dma_wait3A_1131 : memref<80x128xf32, #tpu.memory_space<vmem_shared>>) dst(%dma_wait3A_1129 : memref<80x128xf32, #tpu.memory_space<vmem>>)
      tpu.yield
    }) : () -> ()
    %dma_start3A_1041 = arith.constant 1 : i32
    %dma_start3A_1042 = arith.constant 0 : i32
    %dma_start3A_1043 = arith.constant 0 : i32
    %dma_start3A_1044 = tpu.memref_slice %arg9[%dma_start3A_1041, %dma_start3A_1042, %dma_start3A_1043] : memref<3x80x128xf32, #tpu.memory_space<vmem>> -> memref<1x80x128xf32, #tpu.memory_space<vmem>>
    %dma_start3A_1045 = tpu.memref_squeeze %dma_start3A_1044 : memref<1x80x128xf32, #tpu.memory_space<vmem>> -> memref<80x128xf32, #tpu.memory_space<vmem>>
    %dma_start3A_1046 = arith.constant 0 : i32
    %dma_start3A_1047 = tpu.memref_slice %arg5[%arg0, %add3A_1024, %dma_start3A_1046] : memref<2x10240x128xf32, #tpu.memory_space<hbm>> -> memref<1x80x128xf32, #tpu.memory_space<hbm>>
    %dma_start3A_1048 = tpu.memref_squeeze %dma_start3A_1047 : memref<1x80x128xf32, #tpu.memory_space<hbm>> -> memref<80x128xf32, #tpu.memory_space<hbm>>
    %dma_start3A_1049 = arith.constant 0 : i32
    %dma_start3A_1050 = tpu.memref_slice %arg5[%arg0, %add3A_1024, %dma_start3A_1049] : memref<2x10240x128xf32, #tpu.memory_space<hbm>> -> memref<1x80x128xf32, #tpu.memory_space<hbm>>
    %dma_start3A_1051 = tpu.memref_squeeze %dma_start3A_1050 : memref<1x80x128xf32, #tpu.memory_space<hbm>> -> memref<80x128xf32, #tpu.memory_space<hbm>>
    %dma_start3A_1052 = arith.constant 0 : i32
    %dma_start3A_1053 = arith.constant 0 : i32
    %dma_start3A_1054 = tpu.memref_slice %arg9[%dma_start3A_1041, %dma_start3A_1052, %dma_start3A_1053] : memref<3x80x128xf32, #tpu.memory_space<vmem>> -> memref<1x80x128xf32, #tpu.memory_space<vmem>>
    %dma_start3A_1055 = tpu.memref_squeeze %dma_start3A_1054 : memref<1x80x128xf32, #tpu.memory_space<vmem>> -> memref<80x128xf32, #tpu.memory_space<vmem>>
    tpu.enqueue_dma source(%dma_start3A_1055 : memref<80x128xf32, #tpu.memory_space<vmem>>) target(%dma_start3A_1051 : memref<80x128xf32, #tpu.memory_space<hbm>>) target_semaphore(%arg13 : memref<!tpu.dma_semaphore, #tpu.memory_space<semaphore_mem>>)
    %dma_wait3A_1056 = arith.constant 0 : i32
    %dma_wait3A_1057 = arith.constant 0 : i32
    %dma_wait3A_1058 = arith.constant 0 : i32
    %dma_wait3A_1059 = tpu.memref_slice %arg9[%dma_wait3A_1056, %dma_wait3A_1057, %dma_wait3A_1058] : memref<3x80x128xf32, #tpu.memory_space<vmem>> -> memref<1x80x128xf32, #tpu.memory_space<vmem>>
    %dma_wait3A_1060 = tpu.memref_squeeze %dma_wait3A_1059 : memref<1x80x128xf32, #tpu.memory_space<vmem>> -> memref<80x128xf32, #tpu.memory_space<vmem>>
    %dma_wait3A_1061 = arith.constant 0 : i32
    %dma_wait3A_1062 = tpu.memref_slice %arg5[%arg0, %mul3A_2, %dma_wait3A_1061] : memref<2x10240x128xf32, #tpu.memory_space<hbm>> -> memref<1x80x128xf32, #tpu.memory_space<hbm>>
    %dma_wait3A_1063 = tpu.memref_squeeze %dma_wait3A_1062 : memref<1x80x128xf32, #tpu.memory_space<hbm>> -> memref<80x128xf32, #tpu.memory_space<hbm>>
    %dma_wait3A_1064 = arith.constant 0 : i32
    %dma_wait3A_1065 = tpu.memref_slice %arg5[%arg0, %mul3A_2, %dma_wait3A_1064] : memref<2x10240x128xf32, #tpu.memory_space<hbm>> -> memref<1x80x128xf32, #tpu.memory_space<hbm>>
    %dma_wait3A_1066 = tpu.memref_squeeze %dma_wait3A_1065 : memref<1x80x128xf32, #tpu.memory_space<hbm>> -> memref<80x128xf32, #tpu.memory_space<hbm>>
    %dma_wait3A_1067 = arith.constant 0 : i32
    %dma_wait3A_1068 = arith.constant 0 : i32
    %dma_wait3A_1069 = tpu.memref_slice %arg9[%dma_wait3A_1056, %dma_wait3A_1067, %dma_wait3A_1068] : memref<3x80x128xf32, #tpu.memory_space<vmem>> -> memref<1x80x128xf32, #tpu.memory_space<vmem>>
    %dma_wait3A_1070 = tpu.memref_squeeze %dma_wait3A_1069 : memref<1x80x128xf32, #tpu.memory_space<vmem>> -> memref<80x128xf32, #tpu.memory_space<vmem>>
    tpu.wait_dma2 semaphore(%arg12 : memref<!tpu.dma_semaphore, #tpu.memory_space<semaphore_mem>>) src(%dma_wait3A_1070 : memref<80x128xf32, #tpu.memory_space<vmem>>) dst(%dma_wait3A_1066 : memref<80x128xf32, #tpu.memory_space<hbm>>)
    %dma_wait3A_1071 = arith.constant 1 : i32
    %dma_wait3A_1072 = arith.constant 0 : i32
    %dma_wait3A_1073 = arith.constant 0 : i32
    %dma_wait3A_1074 = tpu.memref_slice %arg9[%dma_wait3A_1071, %dma_wait3A_1072, %dma_wait3A_1073] : memref<3x80x128xf32, #tpu.memory_space<vmem>> -> memref<1x80x128xf32, #tpu.memory_space<vmem>>
    %dma_wait3A_1075 = tpu.memref_squeeze %dma_wait3A_1074 : memref<1x80x128xf32, #tpu.memory_space<vmem>> -> memref<80x128xf32, #tpu.memory_space<vmem>>
    %dma_wait3A_1076 = arith.constant 0 : i32
    %dma_wait3A_1077 = tpu.memref_slice %arg5[%arg0, %mul3A_2, %dma_wait3A_1076] : memref<2x10240x128xf32, #tpu.memory_space<hbm>> -> memref<1x80x128xf32, #tpu.memory_space<hbm>>
    %dma_wait3A_1078 = tpu.memref_squeeze %dma_wait3A_1077 : memref<1x80x128xf32, #tpu.memory_space<hbm>> -> memref<80x128xf32, #tpu.memory_space<hbm>>
    %dma_wait3A_1079 = arith.constant 0 : i32
    %dma_wait3A_1080 = tpu.memref_slice %arg5[%arg0, %mul3A_2, %dma_wait3A_1079] : memref<2x10240x128xf32, #tpu.memory_space<hbm>> -> memref<1x80x128xf32, #tpu.memory_space<hbm>>
    %dma_wait3A_1081 = tpu.memref_squeeze %dma_wait3A_1080 : memref<1x80x128xf32, #tpu.memory_space<hbm>> -> memref<80x128xf32, #tpu.memory_space<hbm>>
    %dma_wait3A_1082 = arith.constant 0 : i32
    %dma_wait3A_1083 = arith.constant 0 : i32
    %dma_wait3A_1084 = tpu.memref_slice %arg9[%dma_wait3A_1071, %dma_wait3A_1082, %dma_wait3A_1083] : memref<3x80x128xf32, #tpu.memory_space<vmem>> -> memref<1x80x128xf32, #tpu.memory_space<vmem>>
    %dma_wait3A_1085 = tpu.memref_squeeze %dma_wait3A_1084 : memref<1x80x128xf32, #tpu.memory_space<vmem>> -> memref<80x128xf32, #tpu.memory_space<vmem>>
    tpu.wait_dma2 semaphore(%arg13 : memref<!tpu.dma_semaphore, #tpu.memory_space<semaphore_mem>>) src(%dma_wait3A_1085 : memref<80x128xf32, #tpu.memory_space<vmem>>) dst(%dma_wait3A_1081 : memref<80x128xf32, #tpu.memory_space<hbm>>)
    %dma_wait3A_1086 = arith.constant 2 : i32
    %dma_wait3A_1087 = arith.constant 0 : i32
    %dma_wait3A_1088 = arith.constant 0 : i32
    %dma_wait3A_1089 = tpu.memref_slice %arg9[%dma_wait3A_1086, %dma_wait3A_1087, %dma_wait3A_1088] : memref<3x80x128xf32, #tpu.memory_space<vmem>> -> memref<1x80x128xf32, #tpu.memory_space<vmem>>
    %dma_wait3A_1090 = tpu.memref_squeeze %dma_wait3A_1089 : memref<1x80x128xf32, #tpu.memory_space<vmem>> -> memref<80x128xf32, #tpu.memory_space<vmem>>
    %dma_wait3A_1091 = arith.constant 0 : i32
    %dma_wait3A_1092 = tpu.memref_slice %arg5[%arg0, %mul3A_2, %dma_wait3A_1091] : memref<2x10240x128xf32, #tpu.memory_space<hbm>> -> memref<1x80x128xf32, #tpu.memory_space<hbm>>
    %dma_wait3A_1093 = tpu.memref_squeeze %dma_wait3A_1092 : memref<1x80x128xf32, #tpu.memory_space<hbm>> -> memref<80x128xf32, #tpu.memory_space<hbm>>
    %dma_wait3A_1094 = arith.constant 0 : i32
    %dma_wait3A_1095 = tpu.memref_slice %arg5[%arg0, %mul3A_2, %dma_wait3A_1094] : memref<2x10240x128xf32, #tpu.memory_space<hbm>> -> memref<1x80x128xf32, #tpu.memory_space<hbm>>
    %dma_wait3A_1096 = tpu.memref_squeeze %dma_wait3A_1095 : memref<1x80x128xf32, #tpu.memory_space<hbm>> -> memref<80x128xf32, #tpu.memory_space<hbm>>
    %dma_wait3A_1097 = arith.constant 0 : i32
    %dma_wait3A_1098 = arith.constant 0 : i32
    %dma_wait3A_1099 = tpu.memref_slice %arg9[%dma_wait3A_1086, %dma_wait3A_1097, %dma_wait3A_1098] : memref<3x80x128xf32, #tpu.memory_space<vmem>> -> memref<1x80x128xf32, #tpu.memory_space<vmem>>
    %dma_wait3A_1100 = tpu.memref_squeeze %dma_wait3A_1099 : memref<1x80x128xf32, #tpu.memory_space<vmem>> -> memref<80x128xf32, #tpu.memory_space<vmem>>
    tpu.wait_dma2 semaphore(%arg14 : memref<!tpu.dma_semaphore, #tpu.memory_space<semaphore_mem>>) src(%dma_wait3A_1100 : memref<80x128xf32, #tpu.memory_space<vmem>>) dst(%dma_wait3A_1096 : memref<80x128xf32, #tpu.memory_space<hbm>>)
    %dma_wait3A_1101 = arith.constant 0 : i32
    %dma_wait3A_1102 = tpu.memref_slice %arg6[%arg0, %arg1, %dma_wait3A_1101] : memref<2x16x10240xf32, #tpu.memory_space<hbm>> -> memref<1x1x10240xf32, #tpu.memory_space<hbm>>
    %dma_wait3A_1103 = tpu.memref_squeeze %dma_wait3A_1102 : memref<1x1x10240xf32, #tpu.memory_space<hbm>> -> memref<10240xf32, #tpu.memory_space<hbm>>
    %dma_wait3A_1104 = arith.constant 0 : i32
    %dma_wait3A_1105 = tpu.memref_slice %arg6[%arg0, %arg1, %dma_wait3A_1104] : memref<2x16x10240xf32, #tpu.memory_space<hbm>> -> memref<1x1x10240xf32, #tpu.memory_space<hbm>>
    %dma_wait3A_1106 = tpu.memref_squeeze %dma_wait3A_1105 : memref<1x1x10240xf32, #tpu.memory_space<hbm>> -> memref<10240xf32, #tpu.memory_space<hbm>>
    tpu.wait_dma2 semaphore(%arg16 : memref<!tpu.dma_semaphore, #tpu.memory_space<semaphore_mem>>) src(%arg10 : memref<10240xf32, #tpu.memory_space<vmem>>) dst(%dma_wait3A_1106 : memref<10240xf32, #tpu.memory_space<hbm>>)
    return
  }
}

module attributes {stable_mosaic.version = 14 : i64} {
  func.func @_tc_mlp_body(%arg0: i32, %arg1: memref<1000x128xf32, #tpu.memory_space<vmem>>, %arg2: memref<2x1000x128xf32, #tpu.memory_space<vmem>>, %arg3: memref<1000x32xf32, #tpu.memory_space<vmem>>, %arg4: memref<128x128xf32, #tpu.memory_space<vmem>>, %arg5: memref<128x128xf32, #tpu.memory_space<vmem>>, %arg6: memref<128x128xf32, #tpu.memory_space<vmem>>, %arg7: memref<128x128xf32, #tpu.memory_space<vmem>>, %arg8: memref<128x128xf32, #tpu.memory_space<vmem>>, %arg9: memref<1x128xf32, #tpu.memory_space<vmem>>, %arg10: memref<1x128xf32, #tpu.memory_space<vmem>>, %arg11: memref<1x128xf32, #tpu.memory_space<vmem>>, %arg12: memref<1x128xf32, #tpu.memory_space<vmem>>, %arg13: memref<1000x128xf32, #tpu.memory_space<vmem>>) attributes {dimension_semantics = [#tpu.dimension_semantics<arbitrary>], iteration_bounds = array<i64: 10>, scalar_prefetch = 0 : i64, scratch_operands = 0 : i64, tpu.core_type = #tpu.core_type<tc>, window_params = [{transform_indices = @transform_0, window_bounds = array<i64: 1000, 128>}, {transform_indices = @transform_1, window_bounds = array<i64: 2, 1000, 128>}, {transform_indices = @transform_2, window_bounds = array<i64: 1000, 32>}, {pipeline_mode = #tpu.pipeline_mode<synchronous>, transform_indices = @transform_3, window_bounds = array<i64: 128, 128>}, {pipeline_mode = #tpu.pipeline_mode<synchronous>, transform_indices = @transform_4, window_bounds = array<i64: 128, 128>}, {pipeline_mode = #tpu.pipeline_mode<synchronous>, transform_indices = @transform_5, window_bounds = array<i64: 128, 128>}, {pipeline_mode = #tpu.pipeline_mode<synchronous>, transform_indices = @transform_6, window_bounds = array<i64: 128, 128>}, {pipeline_mode = #tpu.pipeline_mode<synchronous>, transform_indices = @transform_7, window_bounds = array<i64: 128, 128>}, {pipeline_mode = #tpu.pipeline_mode<synchronous>, transform_indices = @transform_8, window_bounds = array<i64: 1, 128>}, {pipeline_mode = #tpu.pipeline_mode<synchronous>, transform_indices = @transform_9, window_bounds = array<i64: 1, 128>}, {pipeline_mode = #tpu.pipeline_mode<synchronous>, transform_indices = @transform_10, window_bounds = array<i64: 1, 128>}, {pipeline_mode = #tpu.pipeline_mode<synchronous>, transform_indices = @transform_11, window_bounds = array<i64: 1, 128>}, {transform_indices = @transform_12, window_bounds = array<i64: 1000, 128>}]} {
    %get3A = arith.constant 0 : index
    %get3A_0 = arith.constant 0 : index
    %get3A_1 = vector.load %arg3[%get3A, %get3A_0] : memref<1000x32xf32, #tpu.memory_space<vmem>>, vector<1000x32xf32>
    %reduce_sum3A = arith.constant dense<0.000000e+00> : vector<1000xf32>
    %reduce_sum3A_2 = vector.multi_reduction <add>, %get3A_1, %reduce_sum3A [1] : vector<1000x32xf32> to vector<1000xf32>
    %broadcast_in_dim3A = vector.shape_cast %reduce_sum3A_2 : vector<1000xf32> to vector<1000x1xf32>
    %get3A_3 = arith.constant 0 : index
    %get3A_4 = arith.constant 0 : index
    %get3A_5 = arith.constant 0 : index
    %get3A_6 = vector.load %arg2[%get3A_3, %get3A_4, %get3A_5] : memref<2x1000x128xf32, #tpu.memory_space<vmem>>, vector<1x1000x128xf32>
    %get3A_7 = vector.shape_cast %get3A_6 : vector<1x1000x128xf32> to vector<1000x128xf32>
    %get3A_8 = arith.constant 1 : index
    %get3A_9 = arith.constant 0 : index
    %get3A_10 = arith.constant 0 : index
    %get3A_11 = vector.load %arg2[%get3A_8, %get3A_9, %get3A_10] : memref<2x1000x128xf32, #tpu.memory_space<vmem>>, vector<1x1000x128xf32>
    %get3A_12 = vector.shape_cast %get3A_11 : vector<1x1000x128xf32> to vector<1000x128xf32>
    %add3A = arith.addf %get3A_7, %get3A_12 : vector<1000x128xf32>
    %max3A = arith.constant 1.000000e+00 : f32
    %max3A_13 = vector.broadcast %max3A : f32 to vector<1000x1xf32>
    %max3A_14 = arith.maximumf %broadcast_in_dim3A, %max3A_13 : vector<1000x1xf32>
    %div3A = arith.constant 1.000000e+00 : f32
    %div3A_15 = vector.broadcast %div3A : f32 to vector<1000x1xf32>
    %div3A_16 = arith.divf %div3A_15, %max3A_14 : vector<1000x1xf32>
    %mul3A = vector.broadcast %div3A_16 : vector<1000x1xf32> to vector<1000x128xf32>
    %mul3A_17 = arith.mulf %add3A, %mul3A : vector<1000x128xf32>
    %get3A_18 = arith.constant 0 : index
    %get3A_19 = arith.constant 0 : index
    %get3A_20 = vector.load %arg1[%get3A_18, %get3A_19] : memref<1000x128xf32, #tpu.memory_space<vmem>>, vector<1000x128xf32>
    %get3A_21 = arith.constant 0 : index
    %get3A_22 = arith.constant 0 : index
    %get3A_23 = vector.load %arg4[%get3A_21, %get3A_22] : memref<128x128xf32, #tpu.memory_space<vmem>>, vector<128x128xf32>
    %dot_general3A = arith.constant dense<0.000000e+00> : vector<1000x128xf32>
    %dot_general3A_24 = tpu.matmul %get3A_20, %get3A_23, %dot_general3A {dimension_numbers = #tpu.dot_dimension_numbers<[1], [0], [0], [1], [0, 0, 1, 1], [], []>, transpose_lhs_hint = false} : vector<1000x128xf32>, vector<128x128xf32>, vector<1000x128xf32> -> vector<1000x128xf32>
    %get3A_25 = arith.constant 0 : index
    %get3A_26 = arith.constant 0 : index
    %get3A_27 = vector.load %arg5[%get3A_25, %get3A_26] : memref<128x128xf32, #tpu.memory_space<vmem>>, vector<128x128xf32>
    %dot_general3A_28 = arith.constant dense<0.000000e+00> : vector<1000x128xf32>
    %dot_general3A_29 = tpu.matmul %mul3A_17, %get3A_27, %dot_general3A_28 {dimension_numbers = #tpu.dot_dimension_numbers<[1], [0], [0], [1], [0, 0, 1, 1], [], []>, transpose_lhs_hint = false} : vector<1000x128xf32>, vector<128x128xf32>, vector<1000x128xf32> -> vector<1000x128xf32>
    %add3A_30 = arith.addf %dot_general3A_24, %dot_general3A_29 : vector<1000x128xf32>
    %get3A_31 = arith.constant 0 : index
    %get3A_32 = arith.constant 0 : index
    %get3A_33 = vector.load %arg9[%get3A_31, %get3A_32] : memref<1x128xf32, #tpu.memory_space<vmem>>, vector<1x128xf32>
    %add3A_34 = vector.broadcast %get3A_33 : vector<1x128xf32> to vector<1000x128xf32>
    %add3A_35 = arith.addf %add3A_30, %add3A_34 : vector<1000x128xf32>
    %max3A_36 = arith.constant 0.000000e+00 : f32
    %max3A_37 = vector.broadcast %max3A_36 : f32 to vector<1000x128xf32>
    %max3A_38 = arith.maximumf %add3A_35, %max3A_37 : vector<1000x128xf32>
    %get3A_39 = arith.constant 0 : index
    %get3A_40 = arith.constant 0 : index
    %get3A_41 = vector.load %arg6[%get3A_39, %get3A_40] : memref<128x128xf32, #tpu.memory_space<vmem>>, vector<128x128xf32>
    %dot_general3A_42 = arith.constant dense<0.000000e+00> : vector<1000x128xf32>
    %dot_general3A_43 = tpu.matmul %max3A_38, %get3A_41, %dot_general3A_42 {dimension_numbers = #tpu.dot_dimension_numbers<[1], [0], [0], [1], [0, 0, 1, 1], [], []>, transpose_lhs_hint = false} : vector<1000x128xf32>, vector<128x128xf32>, vector<1000x128xf32> -> vector<1000x128xf32>
    %get3A_44 = arith.constant 0 : index
    %get3A_45 = arith.constant 0 : index
    %get3A_46 = vector.load %arg10[%get3A_44, %get3A_45] : memref<1x128xf32, #tpu.memory_space<vmem>>, vector<1x128xf32>
    %add3A_47 = vector.broadcast %get3A_46 : vector<1x128xf32> to vector<1000x128xf32>
    %add3A_48 = arith.addf %dot_general3A_43, %add3A_47 : vector<1000x128xf32>
    %max3A_49 = arith.constant 0.000000e+00 : f32
    %max3A_50 = vector.broadcast %max3A_49 : f32 to vector<1000x128xf32>
    %max3A_51 = arith.maximumf %add3A_48, %max3A_50 : vector<1000x128xf32>
    %get3A_52 = arith.constant 0 : index
    %get3A_53 = arith.constant 0 : index
    %get3A_54 = vector.load %arg7[%get3A_52, %get3A_53] : memref<128x128xf32, #tpu.memory_space<vmem>>, vector<128x128xf32>
    %dot_general3A_55 = arith.constant dense<0.000000e+00> : vector<1000x128xf32>
    %dot_general3A_56 = tpu.matmul %max3A_51, %get3A_54, %dot_general3A_55 {dimension_numbers = #tpu.dot_dimension_numbers<[1], [0], [0], [1], [0, 0, 1, 1], [], []>, transpose_lhs_hint = false} : vector<1000x128xf32>, vector<128x128xf32>, vector<1000x128xf32> -> vector<1000x128xf32>
    %get3A_57 = arith.constant 0 : index
    %get3A_58 = arith.constant 0 : index
    %get3A_59 = vector.load %arg11[%get3A_57, %get3A_58] : memref<1x128xf32, #tpu.memory_space<vmem>>, vector<1x128xf32>
    %add3A_60 = vector.broadcast %get3A_59 : vector<1x128xf32> to vector<1000x128xf32>
    %add3A_61 = arith.addf %dot_general3A_56, %add3A_60 : vector<1000x128xf32>
    %max3A_62 = arith.constant 0.000000e+00 : f32
    %max3A_63 = vector.broadcast %max3A_62 : f32 to vector<1000x128xf32>
    %max3A_64 = arith.maximumf %add3A_61, %max3A_63 : vector<1000x128xf32>
    %get3A_65 = arith.constant 0 : index
    %get3A_66 = arith.constant 0 : index
    %get3A_67 = vector.load %arg8[%get3A_65, %get3A_66] : memref<128x128xf32, #tpu.memory_space<vmem>>, vector<128x128xf32>
    %dot_general3A_68 = arith.constant dense<0.000000e+00> : vector<1000x128xf32>
    %dot_general3A_69 = tpu.matmul %max3A_64, %get3A_67, %dot_general3A_68 {dimension_numbers = #tpu.dot_dimension_numbers<[1], [0], [0], [1], [0, 0, 1, 1], [], []>, transpose_lhs_hint = false} : vector<1000x128xf32>, vector<128x128xf32>, vector<1000x128xf32> -> vector<1000x128xf32>
    %get3A_70 = arith.constant 0 : index
    %get3A_71 = arith.constant 0 : index
    %get3A_72 = vector.load %arg12[%get3A_70, %get3A_71] : memref<1x128xf32, #tpu.memory_space<vmem>>, vector<1x128xf32>
    %add3A_73 = vector.broadcast %get3A_72 : vector<1x128xf32> to vector<1000x128xf32>
    %add3A_74 = arith.addf %dot_general3A_69, %add3A_73 : vector<1000x128xf32>
    %swap3A = arith.constant 0 : index
    %swap3A_75 = arith.constant 0 : index
    %swap3A_76 = vector.load %arg13[%swap3A, %swap3A_75] : memref<1000x128xf32, #tpu.memory_space<vmem>>, vector<1000x128xf32>
    tpu.vector_store %arg13[%swap3A, %swap3A_75], %add3A_74 {strides = array<i32>} : memref<1000x128xf32, #tpu.memory_space<vmem>>, vector<1000x128xf32>,
    return
  }
  func.func @transform_0(%arg0: i32) -> (i32, i32) {
    %c0_i32 = arith.constant 0 : i32
    %c0_i32_0 = arith.constant 0 : i32
    return %arg0, %c0_i32 : i32, i32
  }
  func.func @transform_1(%arg0: i32) -> (i32, i32, i32) {
    %c0_i32 = arith.constant 0 : i32
    %c0_i32_0 = arith.constant 0 : i32
    %c0_i32_1 = arith.constant 0 : i32
    return %c0_i32, %arg0, %c0_i32_0 : i32, i32, i32
  }
  func.func @transform_2(%arg0: i32) -> (i32, i32) {
    %c0_i32 = arith.constant 0 : i32
    %c0_i32_0 = arith.constant 0 : i32
    return %arg0, %c0_i32 : i32, i32
  }
  func.func @transform_3(%arg0: i32) -> (i32, i32) {
    %c0_i32 = arith.constant 0 : i32
    %c0_i32_0 = arith.constant 0 : i32
    %c0_i32_1 = arith.constant 0 : i32
    return %c0_i32, %c0_i32_0 : i32, i32
  }
  func.func @transform_4(%arg0: i32) -> (i32, i32) {
    %c0_i32 = arith.constant 0 : i32
    %c0_i32_0 = arith.constant 0 : i32
    %c0_i32_1 = arith.constant 0 : i32
    return %c0_i32, %c0_i32_0 : i32, i32
  }
  func.func @transform_5(%arg0: i32) -> (i32, i32) {
    %c0_i32 = arith.constant 0 : i32
    %c0_i32_0 = arith.constant 0 : i32
    %c0_i32_1 = arith.constant 0 : i32
    return %c0_i32, %c0_i32_0 : i32, i32
  }
  func.func @transform_6(%arg0: i32) -> (i32, i32) {
    %c0_i32 = arith.constant 0 : i32
    %c0_i32_0 = arith.constant 0 : i32
    %c0_i32_1 = arith.constant 0 : i32
    return %c0_i32, %c0_i32_0 : i32, i32
  }
  func.func @transform_7(%arg0: i32) -> (i32, i32) {
    %c0_i32 = arith.constant 0 : i32
    %c0_i32_0 = arith.constant 0 : i32
    %c0_i32_1 = arith.constant 0 : i32
    return %c0_i32, %c0_i32_0 : i32, i32
  }
  func.func @transform_8(%arg0: i32) -> (i32, i32) {
    %c0_i32 = arith.constant 0 : i32
    %c0_i32_0 = arith.constant 0 : i32
    %c0_i32_1 = arith.constant 0 : i32
    return %c0_i32, %c0_i32_0 : i32, i32
  }
  func.func @transform_9(%arg0: i32) -> (i32, i32) {
    %c0_i32 = arith.constant 0 : i32
    %c0_i32_0 = arith.constant 0 : i32
    %c0_i32_1 = arith.constant 0 : i32
    return %c0_i32, %c0_i32_0 : i32, i32
  }
  func.func @transform_10(%arg0: i32) -> (i32, i32) {
    %c0_i32 = arith.constant 0 : i32
    %c0_i32_0 = arith.constant 0 : i32
    %c0_i32_1 = arith.constant 0 : i32
    return %c0_i32, %c0_i32_0 : i32, i32
  }
  func.func @transform_11(%arg0: i32) -> (i32, i32) {
    %c0_i32 = arith.constant 0 : i32
    %c0_i32_0 = arith.constant 0 : i32
    %c0_i32_1 = arith.constant 0 : i32
    return %c0_i32, %c0_i32_0 : i32, i32
  }
  func.func @transform_12(%arg0: i32) -> (i32, i32) {
    %c0_i32 = arith.constant 0 : i32
    %c0_i32_0 = arith.constant 0 : i32
    return %arg0, %c0_i32 : i32, i32
  }
}

</mosaic_0001>

<sc_bundles>
// kernel: kernel.4.cloned.1.call-start
scs
__scs_entry_jumppad:
0x0: {  	(pc) =	sbr.rel $0x88, $3  }
0x1: {  	(tag) =	ssettag $0x0;
	lr =	simm.s32 $0x1  }
0x2: {  	[smem:$0x3F97] =	sst lr;
	_ =	strace $0xD0000000  }
0x3: {  	_ = 	snop  }
0x4: {  	_ = 	snop  }
0x5: {  	_ = 	snop  }
0x6: {  	_ = 	snop  }
0x7: {  	_ = 	snop  }
__scs_overlays_trampoline_lowered:
0x8: {  	[smem:$0x3FA6] =	sst s0  }
0x9: {  	[smem:$0x3FA7] =	sst s1  }
0xa: {  	[smem:$0x3FA8] =	sst s2  }
0xb: {  	[smem:$0x3FA9] =	sst s3  }
0xc: {  	[smem:$0x3FAA] =	sst s4  }
0xd: {  	[smem:$0x3FAB] =	sst s5  }
0xe: {  	[smem:$0x3FAC] =	sst s6  }
0xf: {  	[smem:$0x3FAD] =	sst s7  }
0x10: {  	[smem:$0x3FAE] =	sst s8  }
0x11: {  	[smem:$0x3FAF] =	sst s9;
	s0 =	simm.s32 @!p0 $0x0  }
0x12: {  	s1 =	sld [smem:$0x3F95];
	s0 =	simm.s32 @p0 $0x1  }
0x13: {  	[smem:$0x3FB0] =	sst s0;
	s0 =	simm.s32 @!p1 $0x0  }
0x14: {  	s2 =	sld [smem:$0x3F94];
	s0 =	simm.s32 @p1 $0x1  }
0x15: {  	[smem:$0x3FB1] =	sst s0;
	s0 =	simm.s32 @!p2 $0x0  }
0x16: {  	s3 =	sld [smem:$0x3FDB];
	s0 =	simm.s32 @p2 $0x1  }
0x17: {  	s4 =	simm.s32 $0x1BF5;
	[smem:$0x3FB3] =	sst s0  }
0x18: {  	s0 =	sld [smem:$0x3F96];
	_ =	swait.ge [sflag:s4], $0x0  }
0x19: {  	s7 =	sld [smem:$0x3F97]  }
0x1a: {  	s8 =	sadd.s32 $0xFFFFE003, lr  }
0x1b: {  	s9 =	sadd.s32 $0xFFFFFEF7, lr;
	s5 =	simm.s32 $0xFFFFFFFF;
	p2 =	slt.u32 s8, $0xFFFFF086  }
0x1c: {  	p1 =	slt.u32 s9, $0xF7A;
	s5 =	simm.s32 @!p2 $0x0  }
0x1d: {  	s5 =	simm.s32 @p1 $0x1;
	p0 =	seq.s32 s7, s2  }
0x1e: {  	s7 =	smul.u32 @!p0 $0xF7A, s2;
	p2 =	seq.s32 @!p0 s5, $0x0  }
0x1f: {  	s9 =	smul.u32 $0xF7A, s1;
	s8 =	simm.s32 @!p0 $0x1BF5;
	p2 =	por !p2, p0  }
0x20: {  	[sflag:s8] =	ssyncset.s32 @!p0 $0xFFFFF086;
	s6 =	sadd.s32 @!p0 s3, s7;
	s7 =	simm.s32 @!p0 $0x108  }
0x21: {  	s3 =	sadd.s32 s3, s9;
	s6 =	sadd.s32 @!p0 $0x88, s6;
	s7 =	simm.s32 @p2 $0x1082  }
0x22: {  	[simem:s7], [sflag:s8] =	dma.local @!p0 [hbm:s6], $0xF7A  }
0x23: {  	s9 =	sor.u32 $0xD0000000, s2;
	s6 =	simm.s32 $0x108;
	_ =	swait.ge @!p0 [sflag:s8], $0x0  }
0x24: {  	s3 =	sadd.s32 $0x88, s3;
	s6 =	simm.s32 @!p1 $0x1082;
	[sflag:s4] =	ssyncset.s32 $0xFFFFF086  }
0x25: {  	[simem:s6], [sflag:s4] =	dma.local [hbm:s3], $0xF7A  }
0x26: {  	[smem:$0x3F97] =	sst s1;
	(tag) =	ssettag s2;
	_ =	strace s9  }
0x27: {  	s1 =	sld [smem:$0x3FA7]  }
0x28: {  	s2 =	sld [smem:$0x3FA8]  }
0x29: {  	s4 =	sld [smem:$0x3FAA]  }
0x2a: {  	p0 =	seq.s32 s5, $0x0;
	s5 =	sld [smem:$0x3FAB]  }
0x2b: {  	s6 =	sld [smem:$0x3FAC]  }
0x2c: {  	s7 =	sld [smem:$0x3FAD]  }
0x2d: {  	s3 =	simm.s32 $0x108;
	s8 =	sld [smem:$0x3FAE]  }
0x2e: {  	s3 =	simm.s32 @!p0 $0x1082;
	s9 =	sld [smem:$0x3FAF]  }
0x2f: {  	lr =	sadd.s32 s0, s3;
	s0 =	sld [smem:$0x3FA6]  }
0x30: {  	s3 =	sld [smem:$0x3FA9]  }
0x31: {  	[smem:$0x3FB2] =	sst s10  }
0x32: {  	s10 =	sld [smem:$0x3FB0];
	_ =	sdelay $0x3  }
0x33: {  	p0 =	seq.s32 s10, $0x1;
	s10 =	sld [smem:$0x3FB2];
	_ =	sdelay $0x3  }
0x34: {  	[smem:$0x3FB2] =	sst s10  }
0x35: {  	s10 =	sld [smem:$0x3FB1];
	_ =	sdelay $0x3  }
0x36: {  	p1 =	seq.s32 s10, $0x1;
	s10 =	sld [smem:$0x3FB2];
	_ =	sdelay $0x3  }
0x37: {  	[smem:$0x3FB2] =	sst s10  }
0x38: {  	s10 =	sld [smem:$0x3FB3]  }
0x39: {  	_ = 	snop;
	(pc) =	sbr.ind lr, $3  }
0x3a: {  	_ = 	snop  }
0x3b: {  	_ = 	snop  }
0x3c: {  	p2 =	seq.s32 s10, $0x1;
	s10 =	sld [smem:$0x3FB2]  }
0x3d: {  	_ =	shalt  }
0x3e: {  	_ =	shalt  }
0x3f: {  	_ =	shalt  }
0x40: {  	_ =	shalt  }
0x41: {  	_ =	shalt  }
0x42: {  	_ =	shalt  }
0x43: {  	_ =	shalt  }
0x44: {  	_ =	shalt  }
0x45: {  	_ =	shalt  }
0x46: {  	_ =	shalt  }
0x47: {  	_ =	shalt  }
0x48: {  	_ =	shalt  }
0x49: {  	_ =	shalt  }
0x4a: {  	_ =	shalt  }
0x4b: {  	_ =	shalt  }
0x4c: {  	_ =	shalt  }
0x4d: {  	_ =	shalt  }
0x4e: {  	_ =	shalt  }
0x4f: {  	_ =	shalt  }
0x50: {  	_ =	shalt  }
0x51: {  	_ =	shalt  }
0x52: {  	_ =	shalt  }
0x53: {  	_ =	shalt  }
0x54: {  	_ =	shalt  }
0x55: {  	_ =	shalt  }
0x56: {  	_ =	shalt  }
0x57: {  	_ =	shalt  }
0x58: {  	_ =	shalt  }
0x59: {  	_ =	shalt  }
0x5a: {  	_ =	shalt  }
0x5b: {  	_ =	shalt  }
0x5c: {  	_ =	shalt  }
0x5d: {  	_ =	shalt  }
0x5e: {  	_ =	shalt  }
0x5f: {  	_ =	shalt  }
0x60: {  	_ =	shalt  }
0x61: {  	_ =	shalt  }
0x62: {  	_ =	shalt  }
0x63: {  	_ =	shalt  }
0x64: {  	_ =	shalt  }
0x65: {  	_ =	shalt  }
0x66: {  	_ =	shalt  }
0x67: {  	_ =	shalt  }
0x68: {  	_ =	shalt  }
0x69: {  	_ =	shalt  }
0x6a: {  	_ =	shalt  }
0x6b: {  	_ =	shalt  }
0x6c: {  	_ =	shalt  }
0x6d: {  	_ =	shalt  }
0x6e: {  	_ =	shalt  }
0x6f: {  	_ =	shalt  }
0x70: {  	_ =	shalt  }
0x71: {  	_ =	shalt  }
0x72: {  	_ =	shalt  }
0x73: {  	_ =	shalt  }
0x74: {  	_ =	shalt  }
0x75: {  	_ =	shalt  }
0x76: {  	_ =	shalt  }
0x77: {  	_ =	shalt  }
0x78: {  	_ =	shalt  }
0x79: {  	_ =	shalt  }
0x7a: {  	_ =	shalt  }
0x7b: {  	_ =	shalt  }
0x7c: {  	_ =	shalt  }
0x7d: {  	_ =	shalt  }
0x7e: {  	_ =	shalt  }
0x7f: {  	_ =	shalt  }
0x80: {  	_ =	shalt  }
0x81: {  	_ =	shalt  }
0x82: {  	_ =	shalt  }
0x83: {  	_ =	shalt  }
0x84: {  	_ =	shalt  }
0x85: {  	_ =	shalt  }
0x86: {  	_ =	shalt  }
0x87: {  	_ =	shalt  }
.Lfunc_end0:
.L_simem_size_0:
called_computation_lowered:
.L_overlay_start_0:
0x88: {  	s2 =	sld [smem:$0x3FD9]  }
0x89: {  	s3 =	sld [smem:$0x3FFE];
	_ =	sdelay $0x1  }
0x8a: {  	s1 =	srdreg.scid  }
0x8b: {  	s0 =	sand.u32 $0x1, s1  }
0x8c: {  	s17 =	sshll.u32 s0, $0xA;
	s2 =	sadd.s32 s3, s2  }
0x8d: {  	s2 =	sadd.s32 s2, s17  }
0x8e: {  	[smem:$0x3FBE] =	sst s2  }
0x8f: {  	_ = 	snop  }
0x90: {  	s2 =	sld [smem:$0x3FC9]  }
0x91: {  	s18 =	sld [smem:$0x3FD0];
	(tm) =	ssettm $0x1  }
0x92: {  	s4 =	sld [smem:$0x3FFB];
	_ =	sdelay $0x3  }
0x93: {  	_ =	strace s4  }
0x94: {  	s4 =	sld [smem:$0x3FFC];
	_ =	sdelay $0x3  }
0x95: {  	_ =	strace s4  }
0x96: {  	s4 =	sld [smem:$0x3FFD];
	_ =	sdelay $0x3  }
0x97: {  	_ =	strace s4  }
0x98: {  	_ =	strace $0x8FFFFFFF  }
0x99: {  	s19 =	sld [smem:$0x3FDB];
	_ =	sdelay $0x1  }
0x9a: {  	s5 =	simm.s32 $_scs_section_size  }
0x9b: {  	s6 =	simm.s32 $_size__tile_overlayer_lowered;
	s7 =	simm.s32 $_tile_overlayer_lowered  }
0x9c: {  	s22 =	simm.s32 $0x1BFF;
	s21 =	sshll.u32 s7, $0x1;
	s4 =	sadd.s32 s5, s19  }
0x9d: {  	s8 =	simm.s32 $0x0;
	s20 =	sshll.u32 s6, $0x1;
	s6 =	sadd.s32 s21, s4  }
0x9e: {  	[timem:s8], [sflag:s22] =	dma.local [hbm:s6], s20  }
0x9f: {  	_ =	swait.ge [sflag:s22], s20  }
0xa0: {  	s5 =	ssub.s32 $0x0, s20;
	[sflag:s22] =	ssyncset.done $0x0  }
0xa1: {  	[sflag:s22] =	ssyncadd.s32 s5;
	_ =	sdelay $0x1  }
0xa2: {  	s23 =	simm.s32 $0x1B8B  }
0xa3: {  	_ =	swait.ge [sflag:s23], $0x1  }
0xa4: {  	[sflag:s23] =	ssyncset.done $0x0  }
0xa5: {  	s25 =	simm.s32 $0x1B8E;
	s24 =	sld [smem:$0x3FFE];
	[sflag:s23] =	ssyncadd.s32 $0xFFFFFFFF  }
0xa6: {  	s26 =	simm.s32 $execute0_lowered;
	[smem:$0x3FD2] =	sst s25  }
0xa7: {  	s6 =	sshll.u32 s26, $0x1;
	_ =	strace $0x80000046;
	[dreg:$0x1] =	wrdreg $0xFFFFFFFF  }
0xa8: {  	s28 =	simm.s32 $_size_execute0_lowered;
	s4 =	sadd.s32 s4, s6;
	[dreg:$0x0] =	wrdreg $0x0  }
0xa9: {  	s6 =	sshll.u32 s28, $0x1;
	[dreg:$0x2] =	wrdreg s4  }
0xaa: {  	[dreg:$0x3] =	wrdreg s6  }
0xab: {  	[dreg:$0x4] =	wrdreg $0xC0  }
0xac: {  	_ =	task [dreg:s8], $0x5FFFF  }
0xad: {  	[dreg:$0x1] =	wrdreg $0xFFFFFFFF  }
0xae: {  	[dreg:$0x0] =	wrdreg $0x60  }
0xaf: {  	[dreg:$0x2] =	wrdreg s2  }
0xb0: {  	[dreg:$0x3] =	wrdreg s18  }
0xb1: {  	[dreg:$0x4] =	wrdreg s24  }
0xb2: {  	[dreg:$0x5] =	wrdreg $0x0  }
0xb3: {  	[dreg:$0x6] =	wrdreg $0x9  }
0xb4: {  	_ =	task.clear_ibuf [dreg:s8], $0x7FFFF;
	_ =	strace $0x90000046  }
0xb5: {  	s29 =	simm.s32 $0x9;
	_ =	strace $0x80000048  }
0xb6: {  	_ =	swait.ge [sflag:s29], $0x1  }
0xb7: {  	[sflag:s29] =	ssyncadd.s32 $0xFFFFFFFF  }
0xb8: {  	_ =	strace $0x90000048  }
0xb9: {  	_ =	sfence  }
0xba: {  	s30 =	sld [smem:$0x0];
	_ =	sdelay $0x2  }
0xbb: {  	s31 =	sshll.u32 s1, $0xD;
	s1 =	sshrl.u32 s1, $0x2  }
0xbc: {  	s3 =	sand.u32 $0x4000, s31;
	s1 =	sadd.s32 s1, s30  }
0xbd: {  	s0 =	sor.u32 s3, s0;
	s1 =	sshll.u32 s1, $0x11  }
0xbe: {  	s0 =	sor.u32 s1, s0  }
0xbf: {  	s0 =	sadd.s32 $0x8F2B, s0  }
0xc0: {  	[sflag:s0] =	ssyncadd.remote.s32 $0x1  }
0xc1: {  	_ =	sfence.sel $0xFFFF  }
0xc2: {  	[dreg:$0x0] =	wrdreg $0xFFFFFFFF;
	(pc) =	sbr.abs _section_cstart, $3  }
0xc3: {  	[dreg:$0x1] =	wrdreg $0xFFFFFFFF  }
0xc4: {  	_ =	task.clear_ibuf [dreg:s8], $0x2FFFF;
	_ =	strace $0x9FFFFFFF  }
0xc5: {  	(tm) =	ssettm $0x7FFFFFFF  }
tec
execute0_lowered:
.L_overlay_start_1:
0x0: {  	(tag) =	ssettag $0x1  }
0x1: {  	s1 =	rddreg [dreg:$0x0];
	s21 =	stileid.u32  }
0x2: {  	s2 =	srdreg.scid;
	s14 =	smul.u32 $0x14000, s21  }
0x3: {  	s15 =	rddreg [dreg:$0x1];
	s13 =	sand.u32 $0x1, s2;
	s18 =	smul.u32 $0xFA, s21  }
0x4: {  	s0 =	rddreg [dreg:$0x2];
	s5 =	sshrl.u32 s21, $0x3;
	s2 =	smul.u32 $0x28000, s13  }
0x5: {  	s3 =	rddreg [dreg:$0x3];
	s4 =	simm.s32 $0x0;
	s6 =	smul.u32 $0x14000, s5  }
0x6: {  	[smem:$0x7FF] =	sst s4;
	s7 =	sshll.u32 s21, $0x1;
	s19 =	smul.u32 $0x7D, s13  }
0x7: {  	s23 =	sshll.u32 s21, $0x7;
	s7 =	sor.u32 s13, s7;
	s20 =	smul.u32 $0x140000, s13  }
0x8: {  	_ =	strace $0x80000047;
	s8 =	ssub.s32 $0x2, s13;
	s16 =	smul.u32 $0xFA0, s7  }
0x9: {  	s5 =	sadd.s32 $0xCA00, s0;
	s9 =	sshrl.u32 s8, $0x1;
	s17 =	smul.u32 $0x7D00, s7  }
0xa: {  	s7 =	sadd.s32 $0x5000, s14;
	s11 =	sadd.s32 $0xC800, s14;
	s12 =	sadd.s32 $0xF000, s14  }
0xb: {  	s13 =	sadd.s32 $0x11800, s14;
	s2 =	sadd.s32 s2, s6;
	s6 =	sand.u32 $0x380, s23  }
0xc: {  	s24 =	sadd.s32 s19, s18;
	s25 =	sadd.s32 s14, s20;
	s31 =	sadd.s32 s11, s3  }
0xd: {  	s10 =	sor.u32 s6, s2;
	s2 =	ssub.s32 s8, s9;
	s6 =	sor.u32 $0x2800, s14  }
0xe: {  	s8 =	sadd.s32 $0x7800, s14;
	s9 =	sadd.s32 $0xA000, s14;
	s16 =	sadd.s32 s15, s16  }
0xf: {  	s17 =	sshrl.u32 s17, $0x3;
	s26 =	sshrl.u32 s25, $0x3;
	[dreg:$0x1f] =	wrdreg s31  }
0x10: {  	[dreg:$0x11] =	wrdreg s16;
	s16 =	sshll.u32 s24, $0x5;
	s14 =	sadd.s32 s15, s17  }
0x11: {  	s17 =	sadd.s32 s5, s26;
	s18 =	sadd.s32 s20, s6;
	s15 =	sadd.s32 s16, s15  }
0x12: {  	[dreg:$0x12] =	wrdreg s17;
	s16 =	sshrl.u32 s18, $0x3;
	s19 =	sadd.s32 $0x1E0, s15  }
0x13: {  	s16 =	sadd.s32 s5, s16;
	[dreg:$0x5] =	wrdreg s19  }
0x14: {  	s22 =	sadd.s32 $0x1C0, s15;
	[dreg:$0x13] =	wrdreg s16  }
0x15: {  	s24 =	sadd.s32 s20, s7;
	s23 =	sadd.s32 $0x1A0, s15;
	[dreg:$0x6] =	wrdreg s22  }
0x16: {  	s17 =	sshrl.u32 s24, $0x3;
	s25 =	sadd.s32 $0x180, s15;
	[dreg:$0x7] =	wrdreg s23  }
0x17: {  	s17 =	sadd.s32 s5, s17;
	[dreg:$0x8] =	wrdreg s25  }
0x18: {  	s30 =	simm.s32 $0x14400;
	s26 =	sadd.s32 $0x160, s15;
	[dreg:$0x14] =	wrdreg s17  }
0x19: {  	s28 =	simm.s32 $0x2;
	[dreg:$0x9] =	wrdreg s26;
	s17 =	sadd.s32 $0x140, s15  }
0x1a: {  	s29 =	simm.s32 $0x14380;
	s19 =	sadd.s32 $0x120, s15;
	[dreg:$0xa] =	wrdreg s17  }
0x1b: {  	s18 =	sadd.s32 s20, s8;
	s22 =	sadd.s32 $0x100, s15;
	[dreg:$0xb] =	wrdreg s19  }
0x1c: {  	s24 =	sadd.s32 s20, s9;
	s23 =	sadd.s32 $0xE0, s15;
	[dreg:$0xc] =	wrdreg s22  }
0x1d: {  	s25 =	sadd.s32 $0xC0, s15;
	s26 =	sadd.s32 $0xA0, s15;
	[dreg:$0xd] =	wrdreg s23  }
0x1e: {  	s15 =	sadd.s32 $0x80, s15;
	s17 =	sshrl.u32 s18, $0x3;
	[dreg:$0xe] =	wrdreg s25  }
0x1f: {  	[dreg:$0xf] =	wrdreg s26;
	s18 =	sadd.s32 s20, s11;
	s19 =	sadd.s32 s20, s12  }
0x20: {  	s25 =	smul.u32 $0x50000, s21;
	[dreg:$0x10] =	wrdreg s15;
	s26 =	sshrl.u32 s10, $0x3  }
0x21: {  	s15 =	sadd.s32 s7, s3;
	s21 =	sadd.s32 s12, s3;
	s7 =	simm.s32 $0x14080  }
0x22: {  	s11 =	simm.s32 $0x16C00;
	s12 =	simm.s32 $0x14200;
	s17 =	sadd.s32 s5, s17  }
0x23: {  	s16 =	sshrl.u32 s18, $0x3;
	s22 =	sshrl.u32 s19, $0x3;
	[dreg:$0x1b] =	wrdreg s15  }
0x24: {  	s18 =	sadd.s32 $0x20, s14;
	s15 =	simm.s32 $0x3;
	[smem:$0x7FB] =	sst s21  }
0x25: {  	[dreg:$0x15] =	wrdreg s17;
	s17 =	sshrl.u32 s24, $0x3;
	s16 =	sadd.s32 s5, s16  }
0x26: {  	s23 =	sadd.s32 s5, s22;
	s24 =	sadd.s32 s20, s13;
	[smem:$0x7F4] =	sst s18  }
0x27: {  	s10 =	sshrl.u32 s25, $0x2;
	s20 =	sadd.s32 s6, s3;
	[dreg:$0x17] =	wrdreg s16  }
0x28: {  	s22 =	sadd.s32 $0x40, s14;
	s6 =	simm.s32 $0x50;
	[dreg:$0x18] =	wrdreg s23  }
0x29: {  	s18 =	simm.s32 $0x0;
	s17 =	sadd.s32 s5, s17;
	[smem:$0x7F5] =	sst s22  }
0x2a: {  	s16 =	sshrl.u32 s24, $0x3;
	s19 =	sadd.s32 s10, s3;
	[smem:$0x7FA] =	sst s18  }
0x2b: {  	s23 =	sadd.s32 $0x60, s14;
	s24 =	sadd.s32 $0xF80, s14;
	[dreg:$0x1d] =	wrdreg s20  }
0x2c: {  	s22 =	simm.s32 $0x9;
	s10 =	simm.s32 $0x14180;
	[dreg:$0x16] =	wrdreg s17  }
0x2d: {  	s14 =	simm.s32 $0x7;
	s5 =	sadd.s32 s5, s16;
	[smem:$0x7F6] =	sst s23  }
0x2e: {  	s16 =	sadd.s32 s8, s3;
	s17 =	sadd.s32 s9, s3;
	[smem:$0x7F7] =	sst s24  }
0x2f: {  	s8 =	simm.s32 $0x1;
	s9 =	simm.s32 $0x6;
	[smem:$0x7FC] =	sst s19  }
0x30: {  	s23 =	simm.s32 $0x14280;
	s24 =	simm.s32 $0x19400;
	[dreg:$0x19] =	wrdreg s5  }
0x31: {  	s5 =	sadd.s32 s26, s0;
	s0 =	sadd.s32 $0x2400, s0;
	[dreg:$0x1c] =	wrdreg s16  }
0x32: {  	[dreg:$0x1e] =	wrdreg s17;
	s17 =	sadd.s32 s13, s3;
	s26 =	smax.u32 s2, $0x1  }
0x33: {  	s2 =	simm.s32 $0x14000;
	s13 =	simm.s32 $0x1BC00;
	[dreg:$0x1a] =	wrdreg s0  }
0x34: {  	s16 =	simm.s32 $0x4;
	s25 =	sadd.s32 $0x2A00, s5;
	[smem:$0x7F9] =	sst s26  }
0x35: {  	s0 =	simm.s32 $0x5;
	s5 =	simm.s32 $0x14100;
	[smem:$0x7FD] =	sst s17  }
0x36: {  	v0 =	vimm.f32 $0.0e+00;
	v1 =	vimm.f32 $1.000000000e+00;
	s26 =	simm.s32 $0x8;
	[smem:$0x7F8] =	sst s25;
	s25 =	simm.s32 $0x14300  }
.LBB2_1:
0x37: {  	s18 =	rddreg [dreg:$0x1a]  }
0x38: {  	[tilespmem:s30], [sflag:$0x9] =	stream.linear.gather [hbm4b:s18+s4], $0x2800, $0x38;
	[tilespmem:$0x1E400] =	vst v63  }
0x39: {  	_ =	swait.ge [sflag:s22], $0x2800  }
0x3a: {  	[sflag:s22] =	ssyncset.done $0x0  }
0x3b: {  	[sflag:s22] =	ssyncadd.s32 $0xFFFFD800  }
0x3c: {  	[spmem:s19] =	stream.linear.scatter [tilespmem:s30], [sflag:$0x5], $0x2800, $0x38;
	[tilespmem:$0x1E400] =	vst v63  }
0x3d: {  	s18 =	smov.u32 s20  }
0x3e: {  	[spmem:s18] =	stream.linear.scatter [tilespmem:s30], [sflag:$0x5], $0x2800, $0x38;
	[tilespmem:$0x1E400] =	vst v63  }
0x3f: {  	s22 =	rddreg [dreg:$0x1b]  }
0x40: {  	[spmem:s22] =	stream.linear.scatter [tilespmem:s30], [sflag:$0x5], $0x2800, $0x38;
	[tilespmem:$0x1E400] =	vst v63  }
0x41: {  	s20 =	rddreg [dreg:$0x1c]  }
0x42: {  	[spmem:s20] =	stream.linear.scatter [tilespmem:s30], [sflag:$0x5], $0x2800, $0x38;
	[tilespmem:$0x1E400] =	vst v63  }
0x43: {  	s22 =	rddreg [dreg:$0x1e]  }
0x44: {  	[spmem:s22] =	stream.linear.scatter [tilespmem:s30], [sflag:$0x5], $0x2800, $0x38;
	[tilespmem:$0x1E400] =	vst v63  }
0x45: {  	_ = 	snop  }
0x46: {  	[spmem:s31] =	stream.linear.scatter [tilespmem:s30], [sflag:$0x5], $0x2800, $0x38;
	[tilespmem:$0x1E400] =	vst v63  }
0x47: {  	_ = 	snop  }
0x48: {  	[spmem:s21] =	stream.linear.scatter [tilespmem:s30], [sflag:$0x5], $0x2800, $0x38;
	[tilespmem:$0x1E400] =	vst v63  }
0x49: {  	s19 =	simm.s32 $0x0;
	s18 =	simm.s32 $0x40  }
0x4a: {  	[spmem:s17] =	stream.linear.scatter [tilespmem:s30], [sflag:$0x5], $0x2800, $0x38;
	[tilespmem:$0x1E400] =	vst v63  }
.LBB2_2:
0x4b: {  	p0 =	sne.s32 s18, $0x9FC0;
	[tilespmem:s19+$0x1BC00] =	vst v0;
	s19 =	smov.u32 s18;
	s18 =	sadd.s32 $0x40, s18  }
.Ltmp0:
0x4c: {  	(pc) =	sbr.rel @p0 .LBB2_2-.Ltmp0, $2  }
0x4d: {  	_ =	sdelay $0x2  }
0x4e: {  	s19 =	sshra.s32 s19, $0x2  }
0x4f: {  	[tilespmem:s19+$0x1BC00] =	vst v0  }
0x50: {  	_ =	swait.ge [sflag:s0], $0x2800  }
0x51: {  	[sflag:s0] =	ssyncset.done $0x0  }
0x52: {  	[sflag:s0] =	ssyncadd.s32 $0xFFFFD800  }
0x53: {  	_ =	swait.ge [sflag:s0], $0x2800  }
0x54: {  	[sflag:s0] =	ssyncset.done $0x0  }
0x55: {  	[sflag:s0] =	ssyncadd.s32 $0xFFFFD800  }
0x56: {  	_ =	swait.ge [sflag:s0], $0x2800  }
0x57: {  	[sflag:s0] =	ssyncset.done $0x0  }
0x58: {  	[sflag:s0] =	ssyncadd.s32 $0xFFFFD800  }
0x59: {  	_ =	swait.ge [sflag:s0], $0x2800  }
0x5a: {  	[sflag:s0] =	ssyncset.done $0x0  }
0x5b: {  	[sflag:s0] =	ssyncadd.s32 $0xFFFFD800  }
0x5c: {  	_ =	swait.ge [sflag:s0], $0x2800  }
0x5d: {  	[sflag:s0] =	ssyncset.done $0x0  }
0x5e: {  	[sflag:s0] =	ssyncadd.s32 $0xFFFFD800  }
0x5f: {  	_ =	swait.ge [sflag:s0], $0x2800  }
0x60: {  	[sflag:s0] =	ssyncset.done $0x0  }
0x61: {  	[sflag:s0] =	ssyncadd.s32 $0xFFFFD800  }
0x62: {  	_ =	swait.ge [sflag:s0], $0x2800  }
0x63: {  	[sflag:s0] =	ssyncset.done $0x0  }
0x64: {  	[sflag:s0] =	ssyncadd.s32 $0xFFFFD800  }
0x65: {  	_ =	swait.ge [sflag:s0], $0x2800  }
0x66: {  	[sflag:s0] =	ssyncset.done $0x0;
	s21 =	rddreg [dreg:$0x11]  }
0x67: {  	s18 =	simm.s32 $0x0;
	s17 =	sld [smem:$0x7F4];
	[sflag:s0] =	ssyncadd.s32 $0xFFFFD800  }
0x68: {  	[tilespmem:s2], [sflag:$0x5] =	stream.linear.gather [hbm4b:s21+s18], $0x100, $0x38;
	[tilespmem:$0x1E400] =	vst v63  }
0x69: {  	_ = 	snop  }
0x6a: {  	[tilespmem:s5], [sflag:$0x6] =	stream.linear.gather [hbm4b:s17+s18], $0x100, $0x38;
	[tilespmem:$0x1E400] =	vst v63  }
0x6b: {  	_ =	swait.ge [sflag:s0], $0x100  }
0x6c: {  	[sflag:s0] =	ssyncset.done $0x0  }
0x6d: {  	[sflag:s0] =	ssyncadd.s32 $0xFFFFFF00  }
0x6e: {  	[tilespmem:s30], [sflag:$0x1] =	stream.indirect.gather [hbm4b:s1+s6], $0x80, s7, s6, $0xb8;
	[tilespmem:$0x1E400] =	vst v63  }
0x6f: {  	[bflag:$0x0] =	sbarrier.arrive $0xFFFF  }
0x70: {  	_ =	swait.ge [sflag:s8], $0x2800  }
0x71: {  	[sflag:s8] =	ssyncset.done $0x0  }
0x72: {  	[sflag:s8] =	ssyncadd.s32 $0xFFFFD800  }
0x73: {  	[spmem:s3] =	stream.indirect.scatter.add.f32 [tilespmem:s30], [sflag:$0x2], $0x80, s2, s6, $0xb8;
	[tilespmem:$0x1E400] =	vst v63  }
0x74: {  	_ =	swait.ge [sflag:s9], $0x100  }
0x75: {  	[sflag:s9] =	ssyncset.done $0x0  }
0x76: {  	s22 =	sld [smem:$0x7F5];
	[sflag:s9] =	ssyncadd.s32 $0xFFFFFF00  }
0x77: {  	[tilespmem:s11], [sflag:$0x1] =	stream.indirect.gather [hbm4b:s1+s6], $0x80, s10, s6, $0xb8;
	[tilespmem:$0x1E400] =	vst v63  }
0x78: {  	_ = 	snop  }
0x79: {  	[tilespmem:s12], [sflag:$0x7] =	stream.linear.gather [hbm4b:s22+s18], $0x100, $0x38;
	[tilespmem:$0x1E400] =	vst v63  }
0x7a: {  	v2 =	vld [tilespmem:$0x14000];
	_ =	sdelay $0x7  }
0x7b: {  	[tilespmem:v2+s13+$0x0] =	vst.idx.add.f32.msk $0xffff, v1  }
0x7c: {  	v2 =	vld [tilespmem:$0x14010];
	_ =	sdelay $0x7  }
0x7d: {  	[tilespmem:v2+s13+$0x0] =	vst.idx.add.f32.msk $0xffff, v1  }
0x7e: {  	v2 =	vld [tilespmem:$0x14020];
	_ =	sdelay $0x7  }
0x7f: {  	[tilespmem:v2+s13+$0x0] =	vst.idx.add.f32.msk $0xffff, v1  }
0x80: {  	v2 =	vld [tilespmem:$0x14030];
	_ =	sdelay $0x7  }
0x81: {  	[tilespmem:v2+s13+$0x0] =	vst.idx.add.f32.msk $0xffff, v1  }
0x82: {  	v2 =	vld [tilespmem:$0x14040];
	_ =	sdelay $0x7  }
0x83: {  	[tilespmem:v2+s13+$0x0] =	vst.idx.add.f32.msk $0xffff, v1  }
0x84: {  	_ =	swait.ge [sflag:s8], $0x2800  }
0x85: {  	[sflag:s8] =	ssyncset.done $0x0  }
0x86: {  	[sflag:s8] =	ssyncadd.s32 $0xFFFFD800  }
0x87: {  	[spmem:s3] =	stream.indirect.scatter.add.f32 [tilespmem:s11], [sflag:$0x3], $0x80, s5, s6, $0xb8;
	[tilespmem:$0x1E400] =	vst v63  }
0x88: {  	_ =	swait.ge [sflag:s14], $0x100  }
0x89: {  	[sflag:s14] =	ssyncset.done $0x0  }
0x8a: {  	s31 =	sld [smem:$0x7F6];
	[sflag:s14] =	ssyncadd.s32 $0xFFFFFF00  }
0x8b: {  	[tilespmem:s24], [sflag:$0x1] =	stream.indirect.gather [hbm4b:s1+s6], $0x80, s23, s6, $0xb8;
	[tilespmem:$0x1E400] =	vst v63  }
0x8c: {  	_ = 	snop  }
0x8d: {  	[tilespmem:s25], [sflag:$0x8] =	stream.linear.gather [hbm4b:s31+s18], $0x100, $0x38;
	[tilespmem:$0x1E400] =	vst v63  }
0x8e: {  	v2 =	vld [tilespmem:$0x14100];
	_ =	sdelay $0x7  }
0x8f: {  	[tilespmem:v2+s13+$0x0] =	vst.idx.add.f32.msk $0xffff, v1  }
0x90: {  	v2 =	vld [tilespmem:$0x14110];
	_ =	sdelay $0x7  }
0x91: {  	[tilespmem:v2+s13+$0x0] =	vst.idx.add.f32.msk $0xffff, v1  }
0x92: {  	v2 =	vld [tilespmem:$0x14120];
	_ =	sdelay $0x7  }
0x93: {  	[tilespmem:v2+s13+$0x0] =	vst.idx.add.f32.msk $0xffff, v1  }
0x94: {  	v2 =	vld [tilespmem:$0x14130];
	_ =	sdelay $0x7  }
0x95: {  	[tilespmem:v2+s13+$0x0] =	vst.idx.add.f32.msk $0xffff, v1  }
0x96: {  	v2 =	vld [tilespmem:$0x14140];
	_ =	sdelay $0x7  }
0x97: {  	[tilespmem:v2+s13+$0x0] =	vst.idx.add.f32.msk $0xffff, v1  }
.LBB2_4:
0x98: {  	_ =	swait.ge [sflag:s8], $0x2800  }
0x99: {  	[sflag:s8] =	ssyncset.done $0x0  }
0x9a: {  	[sflag:s8] =	ssyncadd.s32 $0xFFFFD800  }
0x9b: {  	[spmem:s3] =	stream.indirect.scatter.add.f32 [tilespmem:s24], [sflag:$0x4], $0x80, s12, s6, $0xb8;
	[tilespmem:$0x1E400] =	vst v63  }
0x9c: {  	_ =	swait.ge [sflag:s26], $0x100  }
0x9d: {  	[sflag:s26] =	ssyncset.done $0x0  }
0x9e: {  	[sflag:s26] =	ssyncadd.s32 $0xFFFFFF00  }
0x9f: {  	_ =	swait.ge [sflag:s28], $0x2800  }
0xa0: {  	[sflag:s28] =	ssyncset.done $0x0  }
0xa1: {  	s19 =	rddreg [dreg:$0x10];
	[sflag:s28] =	ssyncadd.s32 $0xFFFFD800  }
0xa2: {  	[tilespmem:s30], [sflag:$0x1] =	stream.indirect.gather [hbm4b:s1+s6], $0x80, s29, s6, $0xb8;
	[tilespmem:$0x1E400] =	vst v63  }
0xa3: {  	s19 =	sadd.s32 s18, s19  }
0xa4: {  	[tilespmem:s2], [sflag:$0x5] =	stream.linear.gather [hbm4b:s19+s4], $0x100, $0x38;
	[tilespmem:$0x1E400] =	vst v63  }
0xa5: {  	v2 =	vld [tilespmem:$0x14200];
	_ =	sdelay $0x7  }
0xa6: {  	[tilespmem:v2+s13+$0x0] =	vst.idx.add.f32.msk $0xffff, v1  }
0xa7: {  	v2 =	vld [tilespmem:$0x14210];
	_ =	sdelay $0x7  }
0xa8: {  	[tilespmem:v2+s13+$0x0] =	vst.idx.add.f32.msk $0xffff, v1  }
0xa9: {  	v2 =	vld [tilespmem:$0x14220];
	_ =	sdelay $0x7  }
0xaa: {  	[tilespmem:v2+s13+$0x0] =	vst.idx.add.f32.msk $0xffff, v1  }
0xab: {  	v2 =	vld [tilespmem:$0x14230];
	_ =	sdelay $0x7  }
0xac: {  	[tilespmem:v2+s13+$0x0] =	vst.idx.add.f32.msk $0xffff, v1  }
0xad: {  	v2 =	vld [tilespmem:$0x14240];
	_ =	sdelay $0x7  }
0xae: {  	[tilespmem:v2+s13+$0x0] =	vst.idx.add.f32.msk $0xffff, v1  }
0xaf: {  	_ =	swait.ge [sflag:s8], $0x2800  }
0xb0: {  	[sflag:s8] =	ssyncset.done $0x0  }
0xb1: {  	[sflag:s8] =	ssyncadd.s32 $0xFFFFD800  }
0xb2: {  	[spmem:s3] =	stream.indirect.scatter.add.f32 [tilespmem:s30], [sflag:$0x2], $0x80, s25, s6, $0xb8;
	[tilespmem:$0x1E400] =	vst v63  }
0xb3: {  	_ =	swait.ge [sflag:s0], $0x100  }
0xb4: {  	[sflag:s0] =	ssyncset.done $0x0  }
0xb5: {  	[sflag:s0] =	ssyncadd.s32 $0xFFFFFF00  }
0xb6: {  	_ =	swait.ge [sflag:s15], $0x2800  }
0xb7: {  	[sflag:s15] =	ssyncset.done $0x0  }
0xb8: {  	s31 =	rddreg [dreg:$0xf];
	[sflag:s15] =	ssyncadd.s32 $0xFFFFD800  }
0xb9: {  	[tilespmem:s11], [sflag:$0x1] =	stream.indirect.gather [hbm4b:s1+s6], $0x80, s7, s6, $0xb8;
	[tilespmem:$0x1E400] =	vst v63  }
0xba: {  	s19 =	sadd.s32 s18, s31  }
0xbb: {  	[tilespmem:s5], [sflag:$0x6] =	stream.linear.gather [hbm4b:s19+s4], $0x100, $0x38;
	[tilespmem:$0x1E400] =	vst v63  }
0xbc: {  	v2 =	vld [tilespmem:$0x14300];
	_ =	sdelay $0x7  }
0xbd: {  	[tilespmem:v2+s13+$0x0] =	vst.idx.add.f32.msk $0xffff, v1  }
0xbe: {  	v2 =	vld [tilespmem:$0x14310];
	_ =	sdelay $0x7  }
0xbf: {  	[tilespmem:v2+s13+$0x0] =	vst.idx.add.f32.msk $0xffff, v1  }
0xc0: {  	v2 =	vld [tilespmem:$0x14320];
	_ =	sdelay $0x7  }
0xc1: {  	[tilespmem:v2+s13+$0x0] =	vst.idx.add.f32.msk $0xffff, v1  }
0xc2: {  	v2 =	vld [tilespmem:$0x14330];
	_ =	sdelay $0x7  }
0xc3: {  	[tilespmem:v2+s13+$0x0] =	vst.idx.add.f32.msk $0xffff, v1  }
0xc4: {  	v2 =	vld [tilespmem:$0x14340];
	_ =	sdelay $0x7  }
0xc5: {  	[tilespmem:v2+s13+$0x0] =	vst.idx.add.f32.msk $0xffff, v1  }
0xc6: {  	_ =	swait.ge [sflag:s8], $0x2800  }
0xc7: {  	[sflag:s8] =	ssyncset.done $0x0  }
0xc8: {  	[sflag:s8] =	ssyncadd.s32 $0xFFFFD800  }
0xc9: {  	[spmem:s3] =	stream.indirect.scatter.add.f32 [tilespmem:s11], [sflag:$0x3], $0x80, s2, s6, $0xb8;
	[tilespmem:$0x1E400] =	vst v63  }
0xca: {  	_ =	swait.ge [sflag:s9], $0x100  }
0xcb: {  	[sflag:s9] =	ssyncset.done $0x0  }
0xcc: {  	[sflag:s9] =	ssyncadd.s32 $0xFFFFFF00  }
0xcd: {  	_ =	swait.ge [sflag:s16], $0x2800  }
0xce: {  	[sflag:s16] =	ssyncset.done $0x0  }
0xcf: {  	s17 =	rddreg [dreg:$0xe];
	[sflag:s16] =	ssyncadd.s32 $0xFFFFD800  }
0xd0: {  	[tilespmem:s24], [sflag:$0x1] =	stream.indirect.gather [hbm4b:s1+s6], $0x80, s10, s6, $0xb8;
	[tilespmem:$0x1E400] =	vst v63  }
0xd1: {  	s19 =	sadd.s32 s18, s17  }
0xd2: {  	[tilespmem:s12], [sflag:$0x7] =	stream.linear.gather [hbm4b:s19+s4], $0x100, $0x38;
	[tilespmem:$0x1E400] =	vst v63  }
0xd3: {  	v2 =	vld [tilespmem:$0x14000];
	_ =	sdelay $0x7  }
0xd4: {  	[tilespmem:v2+s13+$0x0] =	vst.idx.add.f32.msk $0xffff, v1  }
0xd5: {  	v2 =	vld [tilespmem:$0x14010];
	_ =	sdelay $0x7  }
0xd6: {  	[tilespmem:v2+s13+$0x0] =	vst.idx.add.f32.msk $0xffff, v1  }
0xd7: {  	v2 =	vld [tilespmem:$0x14020];
	_ =	sdelay $0x7  }
0xd8: {  	[tilespmem:v2+s13+$0x0] =	vst.idx.add.f32.msk $0xffff, v1  }
0xd9: {  	v2 =	vld [tilespmem:$0x14030];
	_ =	sdelay $0x7  }
0xda: {  	[tilespmem:v2+s13+$0x0] =	vst.idx.add.f32.msk $0xffff, v1  }
0xdb: {  	v2 =	vld [tilespmem:$0x14040];
	_ =	sdelay $0x7  }
0xdc: {  	[tilespmem:v2+s13+$0x0] =	vst.idx.add.f32.msk $0xffff, v1  }
0xdd: {  	_ =	swait.ge [sflag:s8], $0x2800  }
0xde: {  	[sflag:s8] =	ssyncset.done $0x0  }
0xdf: {  	[sflag:s8] =	ssyncadd.s32 $0xFFFFD800  }
0xe0: {  	[spmem:s3] =	stream.indirect.scatter.add.f32 [tilespmem:s24], [sflag:$0x4], $0x80, s5, s6, $0xb8;
	[tilespmem:$0x1E400] =	vst v63  }
0xe1: {  	_ =	swait.ge [sflag:s14], $0x100  }
0xe2: {  	[sflag:s14] =	ssyncset.done $0x0  }
0xe3: {  	[sflag:s14] =	ssyncadd.s32 $0xFFFFFF00  }
0xe4: {  	_ =	swait.ge [sflag:s28], $0x2800  }
0xe5: {  	[sflag:s28] =	ssyncset.done $0x0  }
0xe6: {  	s20 =	rddreg [dreg:$0xd];
	[sflag:s28] =	ssyncadd.s32 $0xFFFFD800  }
0xe7: {  	[tilespmem:s30], [sflag:$0x1] =	stream.indirect.gather [hbm4b:s1+s6], $0x80, s23, s6, $0xb8;
	[tilespmem:$0x1E400] =	vst v63  }
0xe8: {  	s19 =	sadd.s32 s18, s20  }
0xe9: {  	[tilespmem:s25], [sflag:$0x8] =	stream.linear.gather [hbm4b:s19+s4], $0x100, $0x38;
	[tilespmem:$0x1E400] =	vst v63  }
0xea: {  	v2 =	vld [tilespmem:$0x14100];
	_ =	sdelay $0x7  }
0xeb: {  	[tilespmem:v2+s13+$0x0] =	vst.idx.add.f32.msk $0xffff, v1  }
0xec: {  	v2 =	vld [tilespmem:$0x14110];
	_ =	sdelay $0x7  }
0xed: {  	[tilespmem:v2+s13+$0x0] =	vst.idx.add.f32.msk $0xffff, v1  }
0xee: {  	v2 =	vld [tilespmem:$0x14120];
	_ =	sdelay $0x7  }
0xef: {  	[tilespmem:v2+s13+$0x0] =	vst.idx.add.f32.msk $0xffff, v1  }
0xf0: {  	v2 =	vld [tilespmem:$0x14130];
	_ =	sdelay $0x7  }
0xf1: {  	[tilespmem:v2+s13+$0x0] =	vst.idx.add.f32.msk $0xffff, v1  }
0xf2: {  	v2 =	vld [tilespmem:$0x14140];
	_ =	sdelay $0x7  }
0xf3: {  	[tilespmem:v2+s13+$0x0] =	vst.idx.add.f32.msk $0xffff, v1  }
0xf4: {  	_ =	swait.ge [sflag:s8], $0x2800  }
0xf5: {  	[sflag:s8] =	ssyncset.done $0x0  }
0xf6: {  	[sflag:s8] =	ssyncadd.s32 $0xFFFFD800  }
0xf7: {  	[spmem:s3] =	stream.indirect.scatter.add.f32 [tilespmem:s30], [sflag:$0x2], $0x80, s12, s6, $0xb8;
	[tilespmem:$0x1E400] =	vst v63  }
0xf8: {  	_ =	swait.ge [sflag:s26], $0x100  }
0xf9: {  	[sflag:s26] =	ssyncset.done $0x0  }
0xfa: {  	[sflag:s26] =	ssyncadd.s32 $0xFFFFFF00  }
0xfb: {  	_ =	swait.ge [sflag:s15], $0x2800  }
0xfc: {  	[sflag:s15] =	ssyncset.done $0x0  }
0xfd: {  	s21 =	rddreg [dreg:$0xc];
	[sflag:s15] =	ssyncadd.s32 $0xFFFFD800  }
0xfe: {  	[tilespmem:s11], [sflag:$0x1] =	stream.indirect.gather [hbm4b:s1+s6], $0x80, s29, s6, $0xb8;
	[tilespmem:$0x1E400] =	vst v63  }
0xff: {  	s19 =	sadd.s32 s18, s21  }
0x100: {  	[tilespmem:s2], [sflag:$0x5] =	stream.linear.gather [hbm4b:s19+s4], $0x100, $0x38;
	[tilespmem:$0x1E400] =	vst v63  }
0x101: {  	v2 =	vld [tilespmem:$0x14200];
	_ =	sdelay $0x7  }
0x102: {  	[tilespmem:v2+s13+$0x0] =	vst.idx.add.f32.msk $0xffff, v1  }
0x103: {  	v2 =	vld [tilespmem:$0x14210];
	_ =	sdelay $0x7  }
0x104: {  	[tilespmem:v2+s13+$0x0] =	vst.idx.add.f32.msk $0xffff, v1  }
0x105: {  	v2 =	vld [tilespmem:$0x14220];
	_ =	sdelay $0x7  }
0x106: {  	[tilespmem:v2+s13+$0x0] =	vst.idx.add.f32.msk $0xffff, v1  }
0x107: {  	v2 =	vld [tilespmem:$0x14230];
	_ =	sdelay $0x7  }
0x108: {  	[tilespmem:v2+s13+$0x0] =	vst.idx.add.f32.msk $0xffff, v1  }
0x109: {  	v2 =	vld [tilespmem:$0x14240];
	_ =	sdelay $0x7  }
0x10a: {  	[tilespmem:v2+s13+$0x0] =	vst.idx.add.f32.msk $0xffff, v1  }
0x10b: {  	_ =	swait.ge [sflag:s8], $0x2800  }
0x10c: {  	[sflag:s8] =	ssyncset.done $0x0  }
0x10d: {  	[sflag:s8] =	ssyncadd.s32 $0xFFFFD800  }
0x10e: {  	[spmem:s3] =	stream.indirect.scatter.add.f32 [tilespmem:s11], [sflag:$0x3], $0x80, s25, s6, $0xb8;
	[tilespmem:$0x1E400] =	vst v63  }
0x10f: {  	_ =	swait.ge [sflag:s0], $0x100  }
0x110: {  	[sflag:s0] =	ssyncset.done $0x0  }
0x111: {  	[sflag:s0] =	ssyncadd.s32 $0xFFFFFF00  }
0x112: {  	_ =	swait.ge [sflag:s16], $0x2800  }
0x113: {  	[sflag:s16] =	ssyncset.done $0x0  }
0x114: {  	s22 =	rddreg [dreg:$0xb];
	[sflag:s16] =	ssyncadd.s32 $0xFFFFD800  }
0x115: {  	[tilespmem:s24], [sflag:$0x1] =	stream.indirect.gather [hbm4b:s1+s6], $0x80, s7, s6, $0xb8;
	[tilespmem:$0x1E400] =	vst v63  }
0x116: {  	s19 =	sadd.s32 s18, s22  }
0x117: {  	[tilespmem:s5], [sflag:$0x6] =	stream.linear.gather [hbm4b:s19+s4], $0x100, $0x38;
	[tilespmem:$0x1E400] =	vst v63  }
0x118: {  	v2 =	vld [tilespmem:$0x14300];
	_ =	sdelay $0x7  }
0x119: {  	[tilespmem:v2+s13+$0x0] =	vst.idx.add.f32.msk $0xffff, v1  }
0x11a: {  	v2 =	vld [tilespmem:$0x14310];
	_ =	sdelay $0x7  }
0x11b: {  	[tilespmem:v2+s13+$0x0] =	vst.idx.add.f32.msk $0xffff, v1  }
0x11c: {  	v2 =	vld [tilespmem:$0x14320];
	_ =	sdelay $0x7  }
0x11d: {  	[tilespmem:v2+s13+$0x0] =	vst.idx.add.f32.msk $0xffff, v1  }
0x11e: {  	v2 =	vld [tilespmem:$0x14330];
	_ =	sdelay $0x7  }
0x11f: {  	[tilespmem:v2+s13+$0x0] =	vst.idx.add.f32.msk $0xffff, v1  }
0x120: {  	v2 =	vld [tilespmem:$0x14340];
	_ =	sdelay $0x7  }
0x121: {  	[tilespmem:v2+s13+$0x0] =	vst.idx.add.f32.msk $0xffff, v1  }
0x122: {  	_ =	swait.ge [sflag:s8], $0x2800  }
0x123: {  	[sflag:s8] =	ssyncset.done $0x0  }
0x124: {  	[sflag:s8] =	ssyncadd.s32 $0xFFFFD800  }
0x125: {  	[spmem:s3] =	stream.indirect.scatter.add.f32 [tilespmem:s24], [sflag:$0x4], $0x80, s2, s6, $0xb8;
	[tilespmem:$0x1E400] =	vst v63  }
0x126: {  	_ =	swait.ge [sflag:s9], $0x100  }
0x127: {  	[sflag:s9] =	ssyncset.done $0x0  }
0x128: {  	[sflag:s9] =	ssyncadd.s32 $0xFFFFFF00  }
0x129: {  	_ =	swait.ge [sflag:s28], $0x2800  }
0x12a: {  	[sflag:s28] =	ssyncset.done $0x0  }
0x12b: {  	s31 =	rddreg [dreg:$0xa];
	[sflag:s28] =	ssyncadd.s32 $0xFFFFD800  }
0x12c: {  	[tilespmem:s30], [sflag:$0x1] =	stream.indirect.gather [hbm4b:s1+s6], $0x80, s10, s6, $0xb8;
	[tilespmem:$0x1E400] =	vst v63  }
0x12d: {  	s19 =	sadd.s32 s18, s31  }
0x12e: {  	[tilespmem:s12], [sflag:$0x7] =	stream.linear.gather [hbm4b:s19+s4], $0x100, $0x38;
	[tilespmem:$0x1E400] =	vst v63  }
0x12f: {  	v2 =	vld [tilespmem:$0x14000];
	_ =	sdelay $0x7  }
0x130: {  	[tilespmem:v2+s13+$0x0] =	vst.idx.add.f32.msk $0xffff, v1  }
0x131: {  	v2 =	vld [tilespmem:$0x14010];
	_ =	sdelay $0x7  }
0x132: {  	[tilespmem:v2+s13+$0x0] =	vst.idx.add.f32.msk $0xffff, v1  }
0x133: {  	v2 =	vld [tilespmem:$0x14020];
	_ =	sdelay $0x7  }
0x134: {  	[tilespmem:v2+s13+$0x0] =	vst.idx.add.f32.msk $0xffff, v1  }
0x135: {  	v2 =	vld [tilespmem:$0x14030];
	_ =	sdelay $0x7  }
0x136: {  	[tilespmem:v2+s13+$0x0] =	vst.idx.add.f32.msk $0xffff, v1  }
0x137: {  	v2 =	vld [tilespmem:$0x14040];
	_ =	sdelay $0x7  }
0x138: {  	[tilespmem:v2+s13+$0x0] =	vst.idx.add.f32.msk $0xffff, v1  }
0x139: {  	_ =	swait.ge [sflag:s8], $0x2800  }
0x13a: {  	[sflag:s8] =	ssyncset.done $0x0  }
0x13b: {  	[sflag:s8] =	ssyncadd.s32 $0xFFFFD800  }
0x13c: {  	[spmem:s3] =	stream.indirect.scatter.add.f32 [tilespmem:s30], [sflag:$0x2], $0x80, s5, s6, $0xb8;
	[tilespmem:$0x1E400] =	vst v63  }
0x13d: {  	_ =	swait.ge [sflag:s14], $0x100  }
0x13e: {  	[sflag:s14] =	ssyncset.done $0x0  }
0x13f: {  	[sflag:s14] =	ssyncadd.s32 $0xFFFFFF00  }
0x140: {  	_ =	swait.ge [sflag:s15], $0x2800  }
0x141: {  	[sflag:s15] =	ssyncset.done $0x0  }
0x142: {  	s17 =	rddreg [dreg:$0x9];
	[sflag:s15] =	ssyncadd.s32 $0xFFFFD800  }
0x143: {  	[tilespmem:s11], [sflag:$0x1] =	stream.indirect.gather [hbm4b:s1+s6], $0x80, s23, s6, $0xb8;
	[tilespmem:$0x1E400] =	vst v63  }
0x144: {  	s19 =	sadd.s32 s18, s17  }
0x145: {  	[tilespmem:s25], [sflag:$0x8] =	stream.linear.gather [hbm4b:s19+s4], $0x100, $0x38;
	[tilespmem:$0x1E400] =	vst v63  }
0x146: {  	v2 =	vld [tilespmem:$0x14100];
	_ =	sdelay $0x7  }
0x147: {  	[tilespmem:v2+s13+$0x0] =	vst.idx.add.f32.msk $0xffff, v1  }
0x148: {  	v2 =	vld [tilespmem:$0x14110];
	_ =	sdelay $0x7  }
0x149: {  	[tilespmem:v2+s13+$0x0] =	vst.idx.add.f32.msk $0xffff, v1  }
0x14a: {  	v2 =	vld [tilespmem:$0x14120];
	_ =	sdelay $0x7  }
0x14b: {  	[tilespmem:v2+s13+$0x0] =	vst.idx.add.f32.msk $0xffff, v1  }
0x14c: {  	v2 =	vld [tilespmem:$0x14130];
	_ =	sdelay $0x7  }
0x14d: {  	[tilespmem:v2+s13+$0x0] =	vst.idx.add.f32.msk $0xffff, v1  }
0x14e: {  	v2 =	vld [tilespmem:$0x14140];
	_ =	sdelay $0x7  }
0x14f: {  	[tilespmem:v2+s13+$0x0] =	vst.idx.add.f32.msk $0xffff, v1  }
0x150: {  	_ =	swait.ge [sflag:s8], $0x2800  }
0x151: {  	[sflag:s8] =	ssyncset.done $0x0  }
0x152: {  	[sflag:s8] =	ssyncadd.s32 $0xFFFFD800  }
0x153: {  	[spmem:s3] =	stream.indirect.scatter.add.f32 [tilespmem:s11], [sflag:$0x3], $0x80, s12, s6, $0xb8;
	[tilespmem:$0x1E400] =	vst v63  }
0x154: {  	_ =	swait.ge [sflag:s26], $0x100  }
0x155: {  	[sflag:s26] =	ssyncset.done $0x0  }
0x156: {  	[sflag:s26] =	ssyncadd.s32 $0xFFFFFF00  }
0x157: {  	_ =	swait.ge [sflag:s16], $0x2800  }
0x158: {  	[sflag:s16] =	ssyncset.done $0x0  }
0x159: {  	s20 =	rddreg [dreg:$0x8];
	[sflag:s16] =	ssyncadd.s32 $0xFFFFD800  }
0x15a: {  	[tilespmem:s24], [sflag:$0x1] =	stream.indirect.gather [hbm4b:s1+s6], $0x80, s29, s6, $0xb8;
	[tilespmem:$0x1E400] =	vst v63  }
0x15b: {  	s19 =	sadd.s32 s18, s20  }
0x15c: {  	[tilespmem:s2], [sflag:$0x5] =	stream.linear.gather [hbm4b:s19+s4], $0x100, $0x38;
	[tilespmem:$0x1E400] =	vst v63  }
0x15d: {  	v2 =	vld [tilespmem:$0x14200];
	_ =	sdelay $0x7  }
0x15e: {  	[tilespmem:v2+s13+$0x0] =	vst.idx.add.f32.msk $0xffff, v1  }
0x15f: {  	v2 =	vld [tilespmem:$0x14210];
	_ =	sdelay $0x7  }
0x160: {  	[tilespmem:v2+s13+$0x0] =	vst.idx.add.f32.msk $0xffff, v1  }
0x161: {  	v2 =	vld [tilespmem:$0x14220];
	_ =	sdelay $0x7  }
0x162: {  	[tilespmem:v2+s13+$0x0] =	vst.idx.add.f32.msk $0xffff, v1  }
0x163: {  	v2 =	vld [tilespmem:$0x14230];
	_ =	sdelay $0x7  }
0x164: {  	[tilespmem:v2+s13+$0x0] =	vst.idx.add.f32.msk $0xffff, v1  }
0x165: {  	v2 =	vld [tilespmem:$0x14240];
	_ =	sdelay $0x7  }
0x166: {  	[tilespmem:v2+s13+$0x0] =	vst.idx.add.f32.msk $0xffff, v1  }
0x167: {  	_ =	swait.ge [sflag:s8], $0x2800  }
0x168: {  	[sflag:s8] =	ssyncset.done $0x0  }
0x169: {  	[sflag:s8] =	ssyncadd.s32 $0xFFFFD800  }
0x16a: {  	[spmem:s3] =	stream.indirect.scatter.add.f32 [tilespmem:s24], [sflag:$0x4], $0x80, s25, s6, $0xb8;
	[tilespmem:$0x1E400] =	vst v63  }
0x16b: {  	_ =	swait.ge [sflag:s0], $0x100  }
0x16c: {  	[sflag:s0] =	ssyncset.done $0x0  }
0x16d: {  	[sflag:s0] =	ssyncadd.s32 $0xFFFFFF00  }
0x16e: {  	_ =	swait.ge [sflag:s28], $0x2800  }
0x16f: {  	[sflag:s28] =	ssyncset.done $0x0  }
0x170: {  	s21 =	rddreg [dreg:$0x7];
	[sflag:s28] =	ssyncadd.s32 $0xFFFFD800  }
0x171: {  	[tilespmem:s30], [sflag:$0x1] =	stream.indirect.gather [hbm4b:s1+s6], $0x80, s7, s6, $0xb8;
	[tilespmem:$0x1E400] =	vst v63  }
0x172: {  	s19 =	sadd.s32 s18, s21  }
0x173: {  	[tilespmem:s5], [sflag:$0x6] =	stream.linear.gather [hbm4b:s19+s4], $0x100, $0x38;
	[tilespmem:$0x1E400] =	vst v63  }
0x174: {  	v2 =	vld [tilespmem:$0x14300];
	_ =	sdelay $0x7  }
0x175: {  	[tilespmem:v2+s13+$0x0] =	vst.idx.add.f32.msk $0xffff, v1  }
0x176: {  	v2 =	vld [tilespmem:$0x14310];
	_ =	sdelay $0x7  }
0x177: {  	[tilespmem:v2+s13+$0x0] =	vst.idx.add.f32.msk $0xffff, v1  }
0x178: {  	v2 =	vld [tilespmem:$0x14320];
	_ =	sdelay $0x7  }
0x179: {  	[tilespmem:v2+s13+$0x0] =	vst.idx.add.f32.msk $0xffff, v1  }
0x17a: {  	v2 =	vld [tilespmem:$0x14330];
	_ =	sdelay $0x7  }
0x17b: {  	[tilespmem:v2+s13+$0x0] =	vst.idx.add.f32.msk $0xffff, v1  }
0x17c: {  	v2 =	vld [tilespmem:$0x14340];
	_ =	sdelay $0x7  }
0x17d: {  	[tilespmem:v2+s13+$0x0] =	vst.idx.add.f32.msk $0xffff, v1  }
0x17e: {  	_ =	swait.ge [sflag:s8], $0x2800  }
0x17f: {  	[sflag:s8] =	ssyncset.done $0x0  }
0x180: {  	[sflag:s8] =	ssyncadd.s32 $0xFFFFD800  }
0x181: {  	[spmem:s3] =	stream.indirect.scatter.add.f32 [tilespmem:s30], [sflag:$0x2], $0x80, s2, s6, $0xb8;
	[tilespmem:$0x1E400] =	vst v63  }
0x182: {  	_ =	swait.ge [sflag:s9], $0x100  }
0x183: {  	[sflag:s9] =	ssyncset.done $0x0  }
0x184: {  	[sflag:s9] =	ssyncadd.s32 $0xFFFFFF00  }
0x185: {  	_ =	swait.ge [sflag:s15], $0x2800  }
0x186: {  	[sflag:s15] =	ssyncset.done $0x0  }
0x187: {  	s22 =	rddreg [dreg:$0x6];
	[sflag:s15] =	ssyncadd.s32 $0xFFFFD800  }
0x188: {  	[tilespmem:s11], [sflag:$0x1] =	stream.indirect.gather [hbm4b:s1+s6], $0x80, s10, s6, $0xb8;
	[tilespmem:$0x1E400] =	vst v63  }
0x189: {  	s19 =	sadd.s32 s18, s22  }
0x18a: {  	[tilespmem:s12], [sflag:$0x7] =	stream.linear.gather [hbm4b:s19+s4], $0x100, $0x38;
	[tilespmem:$0x1E400] =	vst v63  }
0x18b: {  	v2 =	vld [tilespmem:$0x14000];
	_ =	sdelay $0x7  }
0x18c: {  	[tilespmem:v2+s13+$0x0] =	vst.idx.add.f32.msk $0xffff, v1  }
0x18d: {  	v2 =	vld [tilespmem:$0x14010];
	_ =	sdelay $0x7  }
0x18e: {  	[tilespmem:v2+s13+$0x0] =	vst.idx.add.f32.msk $0xffff, v1  }
0x18f: {  	v2 =	vld [tilespmem:$0x14020];
	_ =	sdelay $0x7  }
0x190: {  	[tilespmem:v2+s13+$0x0] =	vst.idx.add.f32.msk $0xffff, v1  }
0x191: {  	v2 =	vld [tilespmem:$0x14030];
	_ =	sdelay $0x7  }
0x192: {  	[tilespmem:v2+s13+$0x0] =	vst.idx.add.f32.msk $0xffff, v1  }
0x193: {  	v2 =	vld [tilespmem:$0x14040];
	_ =	sdelay $0x7  }
0x194: {  	[tilespmem:v2+s13+$0x0] =	vst.idx.add.f32.msk $0xffff, v1  }
0x195: {  	_ =	swait.ge [sflag:s8], $0x2800  }
0x196: {  	[sflag:s8] =	ssyncset.done $0x0  }
0x197: {  	[sflag:s8] =	ssyncadd.s32 $0xFFFFD800  }
0x198: {  	[spmem:s3] =	stream.indirect.scatter.add.f32 [tilespmem:s11], [sflag:$0x3], $0x80, s5, s6, $0xb8;
	[tilespmem:$0x1E400] =	vst v63  }
0x199: {  	_ =	swait.ge [sflag:s14], $0x100  }
0x19a: {  	[sflag:s14] =	ssyncset.done $0x0  }
0x19b: {  	[sflag:s14] =	ssyncadd.s32 $0xFFFFFF00  }
0x19c: {  	_ =	swait.ge [sflag:s16], $0x2800  }
0x19d: {  	[sflag:s16] =	ssyncset.done $0x0  }
0x19e: {  	s31 =	rddreg [dreg:$0x5];
	[sflag:s16] =	ssyncadd.s32 $0xFFFFD800  }
0x19f: {  	[tilespmem:s24], [sflag:$0x1] =	stream.indirect.gather [hbm4b:s1+s6], $0x80, s23, s6, $0xb8;
	[tilespmem:$0x1E400] =	vst v63  }
0x1a0: {  	s19 =	sadd.s32 s18, s31  }
0x1a1: {  	[tilespmem:s25], [sflag:$0x8] =	stream.linear.gather [hbm4b:s19+s4], $0x100, $0x38;
	[tilespmem:$0x1E400] =	vst v63  }
0x1a2: {  	v2 =	vld [tilespmem:$0x14100];
	_ =	sdelay $0x7  }
0x1a3: {  	[tilespmem:v2+s13+$0x0] =	vst.idx.add.f32.msk $0xffff, v1  }
0x1a4: {  	v2 =	vld [tilespmem:$0x14110];
	_ =	sdelay $0x7  }
0x1a5: {  	[tilespmem:v2+s13+$0x0] =	vst.idx.add.f32.msk $0xffff, v1  }
0x1a6: {  	v2 =	vld [tilespmem:$0x14120];
	_ =	sdelay $0x7  }
0x1a7: {  	[tilespmem:v2+s13+$0x0] =	vst.idx.add.f32.msk $0xffff, v1  }
0x1a8: {  	v2 =	vld [tilespmem:$0x14130];
	_ =	sdelay $0x7  }
0x1a9: {  	[tilespmem:v2+s13+$0x0] =	vst.idx.add.f32.msk $0xffff, v1  }
0x1aa: {  	v2 =	vld [tilespmem:$0x14140];
	_ =	sdelay $0x2  }
0x1ab: {  	p0 =	sne.s32 s18, $0xD80  }
.Ltmp1:
0x1ac: {  	_ = 	snop;
	(pc) =	sbr.rel @p0 .LBB2_4-.Ltmp1, $2  }
0x1ad: {  	_ =	sdelay $0x2  }
0x1ae: {  	s18 =	sadd.s32 $0x180, s18;
	[tilespmem:v2+s13+$0x0] =	vst.idx.add.f32.msk $0xffff, v1  }
0x1af: {  	_ =	swait.ge [sflag:s8], $0x2800  }
0x1b0: {  	[sflag:s8] =	ssyncset.done $0x0  }
0x1b1: {  	[sflag:s8] =	ssyncadd.s32 $0xFFFFD800  }
0x1b2: {  	[spmem:s3] =	stream.indirect.scatter.add.f32 [tilespmem:s24], [sflag:$0x4], $0x80, s12, s6, $0xb8;
	[tilespmem:$0x1E400] =	vst v63  }
0x1b3: {  	_ =	swait.ge [sflag:s26], $0x100  }
0x1b4: {  	[sflag:s26] =	ssyncset.done $0x0  }
0x1b5: {  	[sflag:s26] =	ssyncadd.s32 $0xFFFFFF00  }
0x1b6: {  	_ =	swait.ge [sflag:s28], $0x2800  }
0x1b7: {  	[sflag:s28] =	ssyncset.done $0x0  }
0x1b8: {  	s17 =	sld [smem:$0x7F7];
	[sflag:s28] =	ssyncadd.s32 $0xFFFFD800  }
0x1b9: {  	[tilespmem:s30], [sflag:$0x1] =	stream.indirect.gather [hbm4b:s1+s6], $0x80, s29, s6, $0xb8;
	[tilespmem:$0x1E400] =	vst v63  }
0x1ba: {  	_ = 	snop  }
0x1bb: {  	[tilespmem:s2], [sflag:$0x5] =	stream.linear.gather [hbm4b:s17+s4], $0x100, $0x38;
	[tilespmem:$0x1E400] =	vst v63  }
0x1bc: {  	v2 =	vld [tilespmem:$0x14200];
	_ =	sdelay $0x7  }
0x1bd: {  	[tilespmem:v2+s13+$0x0] =	vst.idx.add.f32.msk $0xffff, v1  }
0x1be: {  	v2 =	vld [tilespmem:$0x14210];
	_ =	sdelay $0x7  }
0x1bf: {  	[tilespmem:v2+s13+$0x0] =	vst.idx.add.f32.msk $0xffff, v1  }
0x1c0: {  	v2 =	vld [tilespmem:$0x14220];
	_ =	sdelay $0x7  }
0x1c1: {  	[tilespmem:v2+s13+$0x0] =	vst.idx.add.f32.msk $0xffff, v1  }
0x1c2: {  	v2 =	vld [tilespmem:$0x14230];
	_ =	sdelay $0x7  }
0x1c3: {  	[tilespmem:v2+s13+$0x0] =	vst.idx.add.f32.msk $0xffff, v1  }
0x1c4: {  	v2 =	vld [tilespmem:$0x14240];
	_ =	sdelay $0x7  }
0x1c5: {  	[tilespmem:v2+s13+$0x0] =	vst.idx.add.f32.msk $0xffff, v1  }
0x1c6: {  	_ =	swait.ge [sflag:s8], $0x2800  }
0x1c7: {  	[sflag:s8] =	ssyncset.done $0x0  }
0x1c8: {  	[sflag:s8] =	ssyncadd.s32 $0xFFFFD800  }
0x1c9: {  	[spmem:s3] =	stream.indirect.scatter.add.f32 [tilespmem:s30], [sflag:$0x2], $0x80, s25, s6, $0xb8;
	[tilespmem:$0x1E400] =	vst v63  }
0x1ca: {  	_ =	swait.ge [sflag:s0], $0x100  }
0x1cb: {  	[sflag:s0] =	ssyncset.done $0x0  }
0x1cc: {  	[sflag:s0] =	ssyncadd.s32 $0xFFFFFF00  }
0x1cd: {  	_ =	swait.ge [sflag:s15], $0x2800  }
0x1ce: {  	[sflag:s15] =	ssyncset.done $0x0  }
0x1cf: {  	[sflag:s15] =	ssyncadd.s32 $0xFFFFD800  }
0x1d0: {  	[tilespmem:s11], [sflag:$0x1] =	stream.indirect.gather [hbm4b:s1+s6], $0x80, s7, s6, $0xb8;
	[tilespmem:$0x1E400] =	vst v63  }
0x1d1: {  	v2 =	vld [tilespmem:$0x14300];
	_ =	sdelay $0x7  }
0x1d2: {  	[tilespmem:v2+s13+$0x0] =	vst.idx.add.f32.msk $0xffff, v1  }
0x1d3: {  	v2 =	vld [tilespmem:$0x14310];
	_ =	sdelay $0x7  }
0x1d4: {  	[tilespmem:v2+s13+$0x0] =	vst.idx.add.f32.msk $0xffff, v1  }
0x1d5: {  	v2 =	vld [tilespmem:$0x14320];
	_ =	sdelay $0x7  }
0x1d6: {  	[tilespmem:v2+s13+$0x0] =	vst.idx.add.f32.msk $0xffff, v1  }
0x1d7: {  	v2 =	vld [tilespmem:$0x14330];
	_ =	sdelay $0x7  }
0x1d8: {  	[tilespmem:v2+s13+$0x0] =	vst.idx.add.f32.msk $0xffff, v1  }
0x1d9: {  	v2 =	vld [tilespmem:$0x14340];
	_ =	sdelay $0x7  }
0x1da: {  	[tilespmem:v2+s13+$0x0] =	vst.idx.add.f32.msk $0xffff, v1  }
0x1db: {  	_ =	swait.ge [sflag:s8], $0x2800  }
0x1dc: {  	[sflag:s8] =	ssyncset.done $0x0  }
0x1dd: {  	[sflag:s8] =	ssyncadd.s32 $0xFFFFD800  }
0x1de: {  	[spmem:s3] =	stream.indirect.scatter.add.f32 [tilespmem:s11], [sflag:$0x3], $0x80, s2, s6, $0xb8;
	[tilespmem:$0x1E400] =	vst v63  }
0x1df: {  	_ =	swait.ge [sflag:s16], $0x2800  }
0x1e0: {  	[sflag:s16] =	ssyncset.done $0x0  }
0x1e1: {  	[sflag:s16] =	ssyncadd.s32 $0xFFFFD800  }
0x1e2: {  	v2 =	vld [tilespmem:$0x14000];
	_ =	sdelay $0x7  }
0x1e3: {  	[tilespmem:v2+s13+$0x0] =	vst.idx.add.f32.msk $0xffff, v1  }
0x1e4: {  	v2 =	vld [tilespmem:$0x14010];
	_ =	sdelay $0x7  }
0x1e5: {  	[tilespmem:v2+s13+$0x0] =	vst.idx.add.f32.msk $0xffff, v1  }
0x1e6: {  	v2 =	vld [tilespmem:$0x14020];
	_ =	sdelay $0x7  }
0x1e7: {  	[tilespmem:v2+s13+$0x0] =	vst.idx.add.f32.msk $0xffff, v1  }
0x1e8: {  	v2 =	vld [tilespmem:$0x14030];
	_ =	sdelay $0x7  }
0x1e9: {  	[tilespmem:v2+s13+$0x0] =	vst.idx.add.f32.msk $0xffff, v1  }
0x1ea: {  	v2 =	vld [tilespmem:$0x14040];
	_ =	sdelay $0x7  }
0x1eb: {  	[tilespmem:v2+s13+$0x0] =	vst.idx.add.f32.msk $0xffff, v1  }
0x1ec: {  	_ =	swait.ge [sflag:s28], $0x2800  }
0x1ed: {  	[sflag:s28] =	ssyncset.done $0x0  }
0x1ee: {  	[sflag:s28] =	ssyncadd.s32 $0xFFFFD800  }
0x1ef: {  	_ =	swait.ge [sflag:s15], $0x2800  }
0x1f0: {  	[sflag:s15] =	ssyncset.done $0x0  }
0x1f1: {  	[sflag:s15] =	ssyncadd.s32 $0xFFFFD800  }
0x1f2: {  	[bflag:$0x0] =	sbarrier.arrive $0xFFFF  }
0x1f3: {  	s22 =	sld [smem:$0x7F8];
	_ =	sdelay $0x1  }
0x1f4: {  	s18 =	simm.s32 $0x80;
	s19 =	simm.s32 $0x400  }
0x1f5: {  	[hbm4b:s22+s18] =	stream.strided.scatter [tilespmem:s13], [sflag:$0x6], $0x2800, s19, s18, $0x38;
	[tilespmem:$0x1E400] =	vst v63  }
0x1f6: {  	s19 =	sld [smem:$0x7FC];
	_ =	sdelay $0x1  }
0x1f7: {  	s22 =	simm.s32 $0x9  }
0x1f8: {  	[tilespmem:s30], [sflag:$0x9] =	stream.linear.gather [spmem:s19], $0x2800, $0x38;
	[tilespmem:$0x1E400] =	vst v63  }
0x1f9: {  	_ =	swait.ge [sflag:s22], $0x2800  }
0x1fa: {  	[sflag:s22] =	ssyncset.done $0x0  }
0x1fb: {  	s20 =	rddreg [dreg:$0x12];
	[sflag:s22] =	ssyncadd.s32 $0xFFFFD800  }
0x1fc: {  	[hbm4b:s20+s4] =	stream.linear.scatter [tilespmem:s30], [sflag:$0x2], $0x2800, $0x38;
	[tilespmem:$0x1E400] =	vst v63  }
0x1fd: {  	s21 =	rddreg [dreg:$0x1d]  }
0x1fe: {  	[tilespmem:s11], [sflag:$0x9] =	stream.linear.gather [spmem:s21], $0x2800, $0x38;
	[tilespmem:$0x1E400] =	vst v63  }
0x1ff: {  	_ =	swait.ge [sflag:s22], $0x2800  }
0x200: {  	[sflag:s22] =	ssyncset.done $0x0  }
0x201: {  	s17 =	rddreg [dreg:$0x13];
	[sflag:s22] =	ssyncadd.s32 $0xFFFFD800  }
0x202: {  	[hbm4b:s17+s4] =	stream.linear.scatter [tilespmem:s11], [sflag:$0x3], $0x2800, $0x38;
	[tilespmem:$0x1E400] =	vst v63  }
0x203: {  	s18 =	rddreg [dreg:$0x1b]  }
0x204: {  	[tilespmem:s24], [sflag:$0x9] =	stream.linear.gather [spmem:s18], $0x2800, $0x38;
	[tilespmem:$0x1E400] =	vst v63  }
0x205: {  	_ =	swait.ge [sflag:s22], $0x2800  }
0x206: {  	[sflag:s22] =	ssyncset.done $0x0  }
0x207: {  	s20 =	rddreg [dreg:$0x14];
	[sflag:s22] =	ssyncadd.s32 $0xFFFFD800  }
0x208: {  	[hbm4b:s20+s4] =	stream.linear.scatter [tilespmem:s24], [sflag:$0x4], $0x2800, $0x38;
	[tilespmem:$0x1E400] =	vst v63  }
0x209: {  	_ =	swait.ge [sflag:s28], $0x2800  }
0x20a: {  	[sflag:s28] =	ssyncset.done $0x0  }
0x20b: {  	s21 =	rddreg [dreg:$0x1c];
	[sflag:s28] =	ssyncadd.s32 $0xFFFFD800  }
0x20c: {  	[tilespmem:s30], [sflag:$0x9] =	stream.linear.gather [spmem:s21], $0x2800, $0x38;
	[tilespmem:$0x1E400] =	vst v63  }
0x20d: {  	_ =	swait.ge [sflag:s22], $0x2800  }
0x20e: {  	[sflag:s22] =	ssyncset.done $0x0  }
0x20f: {  	s17 =	rddreg [dreg:$0x15];
	[sflag:s22] =	ssyncadd.s32 $0xFFFFD800  }
0x210: {  	[hbm4b:s17+s4] =	stream.linear.scatter [tilespmem:s30], [sflag:$0x2], $0x2800, $0x38;
	[tilespmem:$0x1E400] =	vst v63  }
0x211: {  	_ =	swait.ge [sflag:s15], $0x2800  }
0x212: {  	[sflag:s15] =	ssyncset.done $0x0  }
0x213: {  	s18 =	rddreg [dreg:$0x1e];
	[sflag:s15] =	ssyncadd.s32 $0xFFFFD800  }
0x214: {  	[tilespmem:s11], [sflag:$0x9] =	stream.linear.gather [spmem:s18], $0x2800, $0x38;
	[tilespmem:$0x1E400] =	vst v63  }
0x215: {  	_ =	swait.ge [sflag:s22], $0x2800  }
0x216: {  	[sflag:s22] =	ssyncset.done $0x0  }
0x217: {  	s20 =	rddreg [dreg:$0x16];
	[sflag:s22] =	ssyncadd.s32 $0xFFFFD800  }
0x218: {  	[hbm4b:s20+s4] =	stream.linear.scatter [tilespmem:s11], [sflag:$0x3], $0x2800, $0x38;
	[tilespmem:$0x1E400] =	vst v63  }
0x219: {  	_ =	swait.ge [sflag:s16], $0x2800  }
0x21a: {  	[sflag:s16] =	ssyncset.done $0x0  }
0x21b: {  	s31 =	rddreg [dreg:$0x1f];
	[sflag:s16] =	ssyncadd.s32 $0xFFFFD800  }
0x21c: {  	[tilespmem:s24], [sflag:$0x9] =	stream.linear.gather [spmem:s31], $0x2800, $0x38;
	[tilespmem:$0x1E400] =	vst v63  }
0x21d: {  	_ =	swait.ge [sflag:s22], $0x2800  }
0x21e: {  	[sflag:s22] =	ssyncset.done $0x0  }
0x21f: {  	s21 =	rddreg [dreg:$0x17];
	[sflag:s22] =	ssyncadd.s32 $0xFFFFD800  }
0x220: {  	[hbm4b:s21+s4] =	stream.linear.scatter [tilespmem:s24], [sflag:$0x4], $0x2800, $0x38;
	[tilespmem:$0x1E400] =	vst v63  }
0x221: {  	_ =	swait.ge [sflag:s28], $0x2800  }
0x222: {  	s21 =	sld [smem:$0x7FB]  }
0x223: {  	[sflag:s28] =	ssyncset.done $0x0  }
0x224: {  	[sflag:s28] =	ssyncadd.s32 $0xFFFFD800  }
0x225: {  	[tilespmem:s30], [sflag:$0x9] =	stream.linear.gather [spmem:s21], $0x2800, $0x38;
	[tilespmem:$0x1E400] =	vst v63  }
0x226: {  	_ =	swait.ge [sflag:s22], $0x2800  }
0x227: {  	[sflag:s22] =	ssyncset.done $0x0  }
0x228: {  	s17 =	rddreg [dreg:$0x18];
	[sflag:s22] =	ssyncadd.s32 $0xFFFFD800  }
0x229: {  	[hbm4b:s17+s4] =	stream.linear.scatter [tilespmem:s30], [sflag:$0x2], $0x2800, $0x38;
	[tilespmem:$0x1E400] =	vst v63  }
0x22a: {  	_ =	swait.ge [sflag:s15], $0x2800  }
0x22b: {  	s17 =	sld [smem:$0x7FD]  }
0x22c: {  	[sflag:s15] =	ssyncset.done $0x0  }
0x22d: {  	[sflag:s15] =	ssyncadd.s32 $0xFFFFD800  }
0x22e: {  	[tilespmem:s11], [sflag:$0x9] =	stream.linear.gather [spmem:s17], $0x2800, $0x38;
	[tilespmem:$0x1E400] =	vst v63  }
0x22f: {  	_ =	swait.ge [sflag:s22], $0x2800  }
0x230: {  	[sflag:s22] =	ssyncset.done $0x0  }
0x231: {  	s20 =	rddreg [dreg:$0x19];
	[sflag:s22] =	ssyncadd.s32 $0xFFFFD800  }
0x232: {  	[hbm4b:s20+s4] =	stream.linear.scatter [tilespmem:s11], [sflag:$0x3], $0x2800, $0x38;
	[tilespmem:$0x1E400] =	vst v63  }
0x233: {  	_ =	swait.ge [sflag:s28], $0x2800  }
0x234: {  	[sflag:s28] =	ssyncset.done $0x0  }
0x235: {  	[sflag:s28] =	ssyncadd.s32 $0xFFFFD800  }
0x236: {  	_ =	swait.ge [sflag:s15], $0x2800  }
0x237: {  	[sflag:s15] =	ssyncset.done $0x0  }
0x238: {  	[sflag:s15] =	ssyncadd.s32 $0xFFFFD800  }
0x239: {  	_ =	swait.ge [sflag:s16], $0x2800  }
0x23a: {  	[sflag:s16] =	ssyncset.done $0x0  }
0x23b: {  	[sflag:s16] =	ssyncadd.s32 $0xFFFFD800  }
0x23c: {  	_ =	swait.ge [sflag:s9], $0x2800  }
0x23d: {  	s20 =	sld [smem:$0x7FA]  }
0x23e: {  	s18 =	sld [smem:$0x7F9];
	_ =	sdelay $0x1  }
0x23f: {  	s20 =	sadd.s32 $0x1, s20  }
0x240: {  	p0 =	sne.s32 s20, s18  }
.Ltmp2:
0x241: {  	_ = 	snop;
	(pc) =	sbr.rel @p0 .LBB2_1-.Ltmp2, $3  }
0x242: {  	_ =	sdelay $0x1  }
0x243: {  	[sflag:s9] =	ssyncset.done $0x0;
	[smem:$0x7FA] =	sst s20  }
0x244: {  	[sflag:s9] =	ssyncadd.s32 $0xFFFFD800;
	s20 =	rddreg [dreg:$0x1d]  }
0x245: {  	_ =	sfence.sel $0x180000  }
0x246: {  	[bflag:$0x0] =	sbarrier.arrive $0xFFFF  }
0x247: {  	_ =	strace $0x90000047  }
0x248: {  	s0 =	stileid.u32;
	[bflag:$0x2] =	sbarrier.arrive $0xFFFF  }
0x249: {  	p0 =	sne.s32 s0, $0x0;
	s0 =	rddreg [dreg:$0x4]  }
0x24a: {  	s0 =	sadd.s32 @!p0 $0x100000, s0  }
0x24b: {  	[sflag:s0] =	ssyncadd.tile.s32 @!p0 $0x1;
	_ =	shalt  }
.Lfunc_end2:
_tile_overlayer_lowered:
.L_overlay_start_2:
0x24c: {  	(tag) =	ssettag $0x2  }
0x24d: {  	s0 =	rddreg [dreg:$0x0];
	s2 =	stileid.u32  }
0x24e: {  	s1 =	rddreg [dreg:$0x1];
	p0 =	sne.s32 s2, $0x0  }
0x24f: {  	s3 =	rddreg [dreg:$0x2];
	[bflag:$0x3] =	sbarrier.arrive $0xFFFF;
	s2 =	simm.s32 @!p0 $0x1C09  }
0x250: {  	[timem:s3], [sflag:s2] =	dma.local @!p0 [hbm:s0], s1  }
0x251: {  	s0 =	simm.s32 @!p0 $0x9  }
0x252: {  	_ =	swait.ge @!p0 [sflag:s0], s1  }
0x253: {  	s1 =	ssub.s32 @!p0 $0x0, s1;
	[sflag:s0] =	ssyncset.done @!p0 $0x0  }
0x254: {  	[sflag:s0] =	ssyncadd.s32 @!p0 s1  }
0x255: {  	[bflag:$0x3] =	sbarrier.arrive $0xFFFF  }
0x256: {  	_ =	shalt  }

</sc_bundles>
